<compile_context>
chip_gen: v7x
topology: tpu7x:2x2x1
jax: 0.10.2.dev20260603
libtpu: 0.0.44.dev20260713+nightly
codegen_flags: <defaults>
</compile_context>

<pallas_src>
import functools

import jax
import jax.numpy as jnp
from jax import lax
from jax.experimental import pallas as pl
from jax.experimental.pallas import tpu as pltpu
from jax.experimental.pallas import tpu_sc as plsc

N = 10000
K = 32
D = 128
ROW = 16

NW = 32
NPAD = 12288
APW = NPAD // NW
CH = 64
NCH = APW // CH
GCH = NW * NCH
NBUF = 2

B = 200


def _tc_body(x_ref, w1_ref, b1_ref, w2_ref, b2_ref, w3_ref,
             pred_ref, grads_ref, first_ref):
    i = pl.program_id(0)
    xe = x_ref[...].reshape(B * K, 3)
    w1 = w1_ref[...]
    h = jnp.maximum(
        jnp.dot(xe, w1, preferred_element_type=jnp.float32) + b1_ref[...], 0.0)
    pooled = h.reshape(B, K, D).sum(axis=1)
    a = jnp.maximum(
        jnp.dot(pooled, w2_ref[...], preferred_element_type=jnp.float32)
        + b2_ref[...], 0.0)
    w3r = w3_ref[...]
    e_part = jnp.sum(a * w3r)

    ag = jnp.where(a > 0.0, w3r, 0.0)
    dpooled = lax.dot_general(ag, w2_ref[...],
                              (((1,), (1,)), ((), ())),
                              preferred_element_type=jnp.float32)
    dp_e = jnp.broadcast_to(dpooled[:, None, :], (B, K, D)).reshape(B * K, D)
    mh = jnp.where(h > 0.0, dp_e, 0.0)

    G = B * K // 8
    mh3 = mh.reshape(G, 8, D)
    zpad = jnp.zeros((G, ROW - 3), jnp.float32)
    parts = []
    fsum = jnp.zeros((B, ROW), jnp.float32)
    for s in range(8):
        ge_s = lax.dot_general(mh3[:, s, :], w1, (((1,), (1,)), ((), ())),
                               preferred_element_type=jnp.float32)
        ge_s16 = jnp.concatenate([ge_s, zpad], axis=1)
        parts.append(ge_s16)
        fsum = fsum + ge_s16.reshape(B, 4, ROW).sum(axis=1)
    grads_ref[...] = jnp.concatenate(parts, axis=1)
    first_ref[...] = fsum

    @pl.when(i == 0)
    def _():
        pred_ref[...] = jnp.zeros((1, 1), jnp.float32)
    pred_ref[...] = pred_ref[...] + e_part


_tc_call = pl.pallas_call(
    _tc_body,
    grid=(N // B,),
    in_specs=[
        pl.BlockSpec((B, K, 3), lambda i: (i, 0, 0)),
        pl.BlockSpec((3, D), lambda i: (0, 0)),
        pl.BlockSpec((1, D), lambda i: (0, 0)),
        pl.BlockSpec((D, D), lambda i: (0, 0)),
        pl.BlockSpec((1, D), lambda i: (0, 0)),
        pl.BlockSpec((1, D), lambda i: (0, 0)),
    ],
    out_specs=[
        pl.BlockSpec((1, 1), lambda i: (0, 0)),
        pl.BlockSpec((B * K * ROW // 128, 128), lambda i: (i, 0)),
        pl.BlockSpec((B, ROW), lambda i: (i, 0)),
    ],
    out_shape=[
        jax.ShapeDtypeStruct((1, 1), jnp.float32),
        jax.ShapeDtypeStruct((N * K * ROW // 128, 128), jnp.float32),
        jax.ShapeDtypeStruct((N, ROW), jnp.float32),
    ],
    compiler_params=pltpu.CompilerParams(
        dimension_semantics=("arbitrary",)),
)


@functools.cache
def _get_sc_gather():
    mesh = plsc.VectorSubcoreMesh(core_axis_name="c", subcore_axis_name="s")

    @functools.partial(
        pl.kernel,
        mesh=mesh,
        out_type=jax.ShapeDtypeStruct((NPAD, ROW), jnp.float32),
        scratch_types=[
            pltpu.VMEM((NBUF, K, CH), jnp.int32),
            pltpu.VMEM((NBUF, K, CH), jnp.int32),
            pltpu.VMEM((NBUF, K * CH), jnp.int32),
            pltpu.VMEM((NBUF, K * CH, ROW), jnp.float32),
            pltpu.VMEM((CH, ROW), jnp.float32),
            pltpu.SemaphoreType.DMA,
            pltpu.SemaphoreType.DMA,
        ],
        compiler_params=pltpu.CompilerParams(use_tc_tiling_on_sc=False),
    )
    def _sc_gather(grads_hbm, nit3_hbm, post3_hbm, first_hbm, out_hbm,
                   ni_v, pos_v, idx_v, rows_v, f_v, sem0, sem1):
        _sc_gather_body(grads_hbm, nit3_hbm, post3_hbm, first_hbm, out_hbm,
                        ni_v, pos_v, idx_v, rows_v, f_v, (sem0, sem1))

    return _sc_gather


def _sc_gather_body(grads_hbm, nit3_hbm, post3_hbm, first_hbm, out_hbm,
                    ni_v, pos_v, idx_v, rows_v, f_v, sems):
    wid = lax.axis_index("s") * 2 + lax.axis_index("c")

    def stage(ci, b):
        g = wid * NCH + ci
        pltpu.sync_copy(nit3_hbm.at[g], ni_v.at[b])
        pltpu.sync_copy(post3_hbm.at[g], pos_v.at[b])

        def idx_body(k, c):
            for j in range(CH // 16):
                sl = pl.ds(j * 16, 16)
                idx_v[b, pl.ds(k * CH + j * 16, 16)] = \
                    ni_v[b, k, sl] * K + pos_v[b, k, sl]
            return c
        lax.fori_loop(0, K, idx_body, 0)
        return pltpu.async_copy(grads_hbm.at[idx_v.at[b]], rows_v.at[b],
                                sems[b])

    def finish(ci, b, handle):
        g = wid * NCH + ci
        n0 = g * CH
        pltpu.sync_copy(first_hbm.at[pl.ds(n0, CH)], f_v)
        handle.wait()

        def acc_body(j, c):
            s = []
            for u in range(4):
                su = rows_v[b, u * CH + j, :]
                for k in range(u + 4, K, 4):
                    su = su + rows_v[b, k * CH + j, :]
                s.append(su)
            f_v[j, :] = f_v[j, :] - ((s[0] + s[1]) + (s[2] + s[3]))
            return c
        lax.fori_loop(0, CH, acc_body, 0)

        pltpu.sync_copy(f_v, out_hbm.at[pl.ds(n0, CH)])

    handles = [stage(0, 0)]
    for ci in range(1, NCH):
        handles.append(stage(ci, ci % NBUF))
        finish(ci - 1, (ci - 1) % NBUF, handles[ci - 1])
    finish(NCH - 1, (NCH - 1) % NBUF, handles[NCH - 1])


def kernel(x, neighbors_index, neighbors_pos, mask, W1, b1, W2, b2, W3):
    del mask
    pred, tab, first = _tc_call(
        x, W1, b1.reshape(1, D), W2, b2.reshape(1, D), W3.reshape(1, D))
    tab16 = tab.reshape(N * K, ROW)
    nit = jnp.pad(neighbors_index, ((0, 0), (0, NPAD - N)))
    post = jnp.pad(neighbors_pos.T, ((0, 0), (0, NPAD - N)))
    nit3 = nit.reshape(K, GCH, CH).transpose(1, 0, 2)
    post3 = post.reshape(K, GCH, CH).transpose(1, 0, 2)
    first_pad = jnp.pad(first, ((0, NPAD - N), (0, 0)))
    forces_pad = _get_sc_gather()(tab16, nit3, post3, first_pad)
    return (pred.reshape(1), forces_pad[:N, :3])

# --- scband reference (transcript-rebuilt; emitter-appended) ---
"""Pipeline reference for scband-petmlipwrapper-84310208021026 (READ-ONLY COPY).

The authoritative reference and input builder live on the scoring server;
editing this copy changes nothing except your own understanding.
"""

import jax, jax.numpy as jnp
import numpy as np

N = 10000  # n_atoms
K = 32     # max_neighbors
D = 128    # hidden dim of stand-in PET energy model


def setup_inputs(seed: int = 0) -> dict:
    key = jax.random.key(seed)
    ks = jax.random.split(key, 8)
    x = jax.random.normal(ks[0], (N, K, 3), dtype=jnp.float32)
    neighbors_index = jax.random.randint(ks[1], (K, N), 0, N, dtype=jnp.int32)
    neighbors_pos = jax.random.randint(ks[2], (N, K), 0, K, dtype=jnp.int32)
    mask = jnp.zeros((N, K), dtype=bool)
    W1 = jax.random.normal(ks[3], (3, D), dtype=jnp.float32) * 0.1
    b1 = jnp.zeros((D,), dtype=jnp.float32)
    W2 = jax.random.normal(ks[4], (D, D), dtype=jnp.float32) * 0.05
    b2 = jnp.zeros((D,), dtype=jnp.float32)
    W3 = jax.random.normal(ks[5], (D, 1), dtype=jnp.float32) * 0.05
    return {"x": x, "neighbors_index": neighbors_index, "neighbors_pos": neighbors_pos,
            "mask": mask, "W1": W1, "b1": b1, "W2": W2, "b2": b2, "W3": W3}


def _energy(x, W1, b1, W2, b2, W3, mask):
    # stand-in PET model: per-edge MLP -> masked neighbor sum -> per-atom MLP -> structural sum
    h = jax.nn.relu(x @ W1 + b1)                      # [N, K, D]
    h = jnp.where(mask[..., None], 0.0, h)
    pooled = h.sum(axis=1)                            # [N, D]
    a = jax.nn.relu(pooled @ W2 + b2)                 # [N, D]
    e_atom = a @ W3                                   # [N, 1]  (D_OUTPUT == 1)
    # TARGET_TYPE structural, TARGET_AGGREGATION sum -> single-structure energy [n_struct=1]
    return jnp.sum(e_atom, axis=0)                    # [1]


def reference(x, neighbors_index, neighbors_pos, mask, W1, b1, W2, b2, W3):
    # get_predictions: predictions[..., 0]
    predictions = _energy(x, W1, b1, W2, b2, W3, mask)  # [1]

    # use_forces path: grads = d(sum(predictions))/dx  (grad_outputs = ones)
    def e_scalar(xx):
        return _energy(xx, W1, b1, W2, b2, W3, mask)[0]

    grads = jax.grad(e_scalar)(x)                      # [N, K, 3]

    ni = neighbors_index.T                             # [N, K]
    grads_messaged = grads[ni, neighbors_pos]          # gather: [N, K, 3]

    grads_m0 = jnp.where(mask[..., None], 0.0, grads)
    first = grads_m0.sum(axis=1)                       # [N, 3]
    gm_m0 = jnp.where(mask[..., None], 0.0, grads_messaged)
    second = gm_m0.sum(axis=1)                         # [N, 3]

    forces = first - second
    return (predictions, forces)

if __name__ == "__main__":
    import jax
    _d = setup_inputs()
    print(jax.jit(kernel)(*tuple(_d.values())))

</pallas_src>

<mosaic_0001>
#map = affine_map<(d0, d1) -> (0, 0)>
#map1 = affine_map<(d0, d1) -> (0, 0, 0)>
module attributes {stable_mosaic.version = 14 : i64} {
  func.func @_sc_gather(%arg0: i32, %arg1: i32, %arg2: memref<320000x16xf32, #tpu.memory_space<hbm>>, %arg3: memref<192x32x64xi32, #tpu.memory_space<hbm>>, %arg4: memref<192x32x64xi32, #tpu.memory_space<hbm>>, %arg5: memref<12288x16xf32, #tpu.memory_space<hbm>>, %arg6: memref<12288x16xf32, #tpu.memory_space<hbm>>, %arg7: memref<2x32x64xi32, #tpu.memory_space<vmem>>, %arg8: memref<2x32x64xi32, #tpu.memory_space<vmem>>, %arg9: memref<2x2048xi32, #tpu.memory_space<vmem>>, %arg10: memref<2x2048x16xf32, #tpu.memory_space<vmem>>, %arg11: memref<64x16xf32, #tpu.memory_space<vmem>>, %arg12: memref<!tpu.dma_semaphore, #tpu.memory_space<semaphore_mem>>, %arg13: memref<!tpu.dma_semaphore, #tpu.memory_space<semaphore_mem>>) attributes {dimension_semantics = [#tpu.dimension_semantics<core_parallel>, #tpu.dimension_semantics<subcore_parallel>], iteration_bounds = array<i64: 2, 16>, scalar_prefetch = 0 : i64, scratch_operands = 7 : i64, tpu.core_type = #tpu.core_type<sc_vector_subcore>, window_params = [{transform_indices = #map}, {transform_indices = #map1}, {transform_indices = #map1}, {transform_indices = #map}, {transform_indices = #map}]} {
    %mul3A = arith.constant 2 : i32
    %mul3A_0 = arith.muli %arg1, %mul3A : i32
    %add3A = arith.addi %mul3A_0, %arg0 : i32
    %mul3A_1 = arith.constant 6 : i32
    %mul3A_2 = arith.muli %add3A, %mul3A_1 : i32
    %add3A_3 = arith.constant 0 : i32
    %add3A_4 = arith.addi %mul3A_2, %add3A_3 : i32
    %run_scoped3A = arith.constant 0 : i32
    "tpu.region"() ({
      %run_scoped3A_285 = tpu.sem_alloc : memref<!tpu.dma_semaphore, #tpu.memory_space<semaphore_mem>>
      %dma_start3A_286 = arith.constant 0 : i32
      %dma_start3A_287 = arith.constant 0 : i32
      %dma_start3A_288 = tpu.memref_slice %arg7[%run_scoped3A, %dma_start3A_286, %dma_start3A_287] : memref<2x32x64xi32, #tpu.memory_space<vmem>> -> memref<1x32x64xi32, #tpu.memory_space<vmem>>
      %dma_start3A_289 = tpu.memref_squeeze %dma_start3A_288 : memref<1x32x64xi32, #tpu.memory_space<vmem>> -> memref<32x64xi32, #tpu.memory_space<vmem>>
      %dma_start3A_290 = arith.constant 0 : i32
      %dma_start3A_291 = arith.constant 0 : i32
      %dma_start3A_292 = tpu.memref_slice %arg3[%add3A_4, %dma_start3A_290, %dma_start3A_291] : memref<192x32x64xi32, #tpu.memory_space<hbm>> -> memref<1x32x64xi32, #tpu.memory_space<hbm>>
      %dma_start3A_293 = tpu.memref_squeeze %dma_start3A_292 : memref<1x32x64xi32, #tpu.memory_space<hbm>> -> memref<32x64xi32, #tpu.memory_space<hbm>>
      %dma_start3A_294 = arith.constant 0 : i32
      %dma_start3A_295 = arith.constant 0 : i32
      %dma_start3A_296 = tpu.memref_slice %arg7[%run_scoped3A, %dma_start3A_294, %dma_start3A_295] : memref<2x32x64xi32, #tpu.memory_space<vmem>> -> memref<1x32x64xi32, #tpu.memory_space<vmem>>
      %dma_start3A_297 = tpu.memref_squeeze %dma_start3A_296 : memref<1x32x64xi32, #tpu.memory_space<vmem>> -> memref<32x64xi32, #tpu.memory_space<vmem>>
      %dma_start3A_298 = arith.constant 0 : i32
      %dma_start3A_299 = arith.constant 0 : i32
      %dma_start3A_300 = tpu.memref_slice %arg3[%add3A_4, %dma_start3A_298, %dma_start3A_299] : memref<192x32x64xi32, #tpu.memory_space<hbm>> -> memref<1x32x64xi32, #tpu.memory_space<hbm>>
      %dma_start3A_301 = tpu.memref_squeeze %dma_start3A_300 : memref<1x32x64xi32, #tpu.memory_space<hbm>> -> memref<32x64xi32, #tpu.memory_space<hbm>>
      tpu.enqueue_dma source(%dma_start3A_301 : memref<32x64xi32, #tpu.memory_space<hbm>>) target(%dma_start3A_297 : memref<32x64xi32, #tpu.memory_space<vmem>>) target_semaphore(%run_scoped3A_285 : memref<!tpu.dma_semaphore, #tpu.memory_space<semaphore_mem>>)
      %dma_wait3A_302 = arith.constant 0 : i32
      %dma_wait3A_303 = arith.constant 0 : i32
      %dma_wait3A_304 = tpu.memref_slice %arg7[%run_scoped3A, %dma_wait3A_302, %dma_wait3A_303] : memref<2x32x64xi32, #tpu.memory_space<vmem>> -> memref<1x32x64xi32, #tpu.memory_space<vmem>>
      %dma_wait3A_305 = tpu.memref_squeeze %dma_wait3A_304 : memref<1x32x64xi32, #tpu.memory_space<vmem>> -> memref<32x64xi32, #tpu.memory_space<vmem>>
      %dma_wait3A_306 = arith.constant 0 : i32
      %dma_wait3A_307 = arith.constant 0 : i32
      %dma_wait3A_308 = tpu.memref_slice %arg3[%add3A_4, %dma_wait3A_306, %dma_wait3A_307] : memref<192x32x64xi32, #tpu.memory_space<hbm>> -> memref<1x32x64xi32, #tpu.memory_space<hbm>>
      %dma_wait3A_309 = tpu.memref_squeeze %dma_wait3A_308 : memref<1x32x64xi32, #tpu.memory_space<hbm>> -> memref<32x64xi32, #tpu.memory_space<hbm>>
      %dma_wait3A_310 = arith.constant 0 : i32
      %dma_wait3A_311 = arith.constant 0 : i32
      %dma_wait3A_312 = tpu.memref_slice %arg7[%run_scoped3A, %dma_wait3A_310, %dma_wait3A_311] : memref<2x32x64xi32, #tpu.memory_space<vmem>> -> memref<1x32x64xi32, #tpu.memory_space<vmem>>
      %dma_wait3A_313 = tpu.memref_squeeze %dma_wait3A_312 : memref<1x32x64xi32, #tpu.memory_space<vmem>> -> memref<32x64xi32, #tpu.memory_space<vmem>>
      %dma_wait3A_314 = arith.constant 0 : i32
      %dma_wait3A_315 = arith.constant 0 : i32
      %dma_wait3A_316 = tpu.memref_slice %arg3[%add3A_4, %dma_wait3A_314, %dma_wait3A_315] : memref<192x32x64xi32, #tpu.memory_space<hbm>> -> memref<1x32x64xi32, #tpu.memory_space<hbm>>
      %dma_wait3A_317 = tpu.memref_squeeze %dma_wait3A_316 : memref<1x32x64xi32, #tpu.memory_space<hbm>> -> memref<32x64xi32, #tpu.memory_space<hbm>>
      tpu.wait_dma2 semaphore(%run_scoped3A_285 : memref<!tpu.dma_semaphore, #tpu.memory_space<semaphore_mem>>) src(%dma_wait3A_317 : memref<32x64xi32, #tpu.memory_space<hbm>>) dst(%dma_wait3A_313 : memref<32x64xi32, #tpu.memory_space<vmem>>)
      tpu.yield
    }) : () -> ()
    %run_scoped3A_5 = arith.constant 0 : i32
    "tpu.region"() ({
      %run_scoped3A_285 = tpu.sem_alloc : memref<!tpu.dma_semaphore, #tpu.memory_space<semaphore_mem>>
      %dma_start3A_286 = arith.constant 0 : i32
      %dma_start3A_287 = arith.constant 0 : i32
      %dma_start3A_288 = tpu.memref_slice %arg8[%run_scoped3A_5, %dma_start3A_286, %dma_start3A_287] : memref<2x32x64xi32, #tpu.memory_space<vmem>> -> memref<1x32x64xi32, #tpu.memory_space<vmem>>
      %dma_start3A_289 = tpu.memref_squeeze %dma_start3A_288 : memref<1x32x64xi32, #tpu.memory_space<vmem>> -> memref<32x64xi32, #tpu.memory_space<vmem>>
      %dma_start3A_290 = arith.constant 0 : i32
      %dma_start3A_291 = arith.constant 0 : i32
      %dma_start3A_292 = tpu.memref_slice %arg4[%add3A_4, %dma_start3A_290, %dma_start3A_291] : memref<192x32x64xi32, #tpu.memory_space<hbm>> -> memref<1x32x64xi32, #tpu.memory_space<hbm>>
      %dma_start3A_293 = tpu.memref_squeeze %dma_start3A_292 : memref<1x32x64xi32, #tpu.memory_space<hbm>> -> memref<32x64xi32, #tpu.memory_space<hbm>>
      %dma_start3A_294 = arith.constant 0 : i32
      %dma_start3A_295 = arith.constant 0 : i32
      %dma_start3A_296 = tpu.memref_slice %arg8[%run_scoped3A_5, %dma_start3A_294, %dma_start3A_295] : memref<2x32x64xi32, #tpu.memory_space<vmem>> -> memref<1x32x64xi32, #tpu.memory_space<vmem>>
      %dma_start3A_297 = tpu.memref_squeeze %dma_start3A_296 : memref<1x32x64xi32, #tpu.memory_space<vmem>> -> memref<32x64xi32, #tpu.memory_space<vmem>>
      %dma_start3A_298 = arith.constant 0 : i32
      %dma_start3A_299 = arith.constant 0 : i32
      %dma_start3A_300 = tpu.memref_slice %arg4[%add3A_4, %dma_start3A_298, %dma_start3A_299] : memref<192x32x64xi32, #tpu.memory_space<hbm>> -> memref<1x32x64xi32, #tpu.memory_space<hbm>>
      %dma_start3A_301 = tpu.memref_squeeze %dma_start3A_300 : memref<1x32x64xi32, #tpu.memory_space<hbm>> -> memref<32x64xi32, #tpu.memory_space<hbm>>
      tpu.enqueue_dma source(%dma_start3A_301 : memref<32x64xi32, #tpu.memory_space<hbm>>) target(%dma_start3A_297 : memref<32x64xi32, #tpu.memory_space<vmem>>) target_semaphore(%run_scoped3A_285 : memref<!tpu.dma_semaphore, #tpu.memory_space<semaphore_mem>>)
      %dma_wait3A_302 = arith.constant 0 : i32
      %dma_wait3A_303 = arith.constant 0 : i32
      %dma_wait3A_304 = tpu.memref_slice %arg8[%run_scoped3A_5, %dma_wait3A_302, %dma_wait3A_303] : memref<2x32x64xi32, #tpu.memory_space<vmem>> -> memref<1x32x64xi32, #tpu.memory_space<vmem>>
      %dma_wait3A_305 = tpu.memref_squeeze %dma_wait3A_304 : memref<1x32x64xi32, #tpu.memory_space<vmem>> -> memref<32x64xi32, #tpu.memory_space<vmem>>
      %dma_wait3A_306 = arith.constant 0 : i32
      %dma_wait3A_307 = arith.constant 0 : i32
      %dma_wait3A_308 = tpu.memref_slice %arg4[%add3A_4, %dma_wait3A_306, %dma_wait3A_307] : memref<192x32x64xi32, #tpu.memory_space<hbm>> -> memref<1x32x64xi32, #tpu.memory_space<hbm>>
      %dma_wait3A_309 = tpu.memref_squeeze %dma_wait3A_308 : memref<1x32x64xi32, #tpu.memory_space<hbm>> -> memref<32x64xi32, #tpu.memory_space<hbm>>
      %dma_wait3A_310 = arith.constant 0 : i32
      %dma_wait3A_311 = arith.constant 0 : i32
      %dma_wait3A_312 = tpu.memref_slice %arg8[%run_scoped3A_5, %dma_wait3A_310, %dma_wait3A_311] : memref<2x32x64xi32, #tpu.memory_space<vmem>> -> memref<1x32x64xi32, #tpu.memory_space<vmem>>
      %dma_wait3A_313 = tpu.memref_squeeze %dma_wait3A_312 : memref<1x32x64xi32, #tpu.memory_space<vmem>> -> memref<32x64xi32, #tpu.memory_space<vmem>>
      %dma_wait3A_314 = arith.constant 0 : i32
      %dma_wait3A_315 = arith.constant 0 : i32
      %dma_wait3A_316 = tpu.memref_slice %arg4[%add3A_4, %dma_wait3A_314, %dma_wait3A_315] : memref<192x32x64xi32, #tpu.memory_space<hbm>> -> memref<1x32x64xi32, #tpu.memory_space<hbm>>
      %dma_wait3A_317 = tpu.memref_squeeze %dma_wait3A_316 : memref<1x32x64xi32, #tpu.memory_space<hbm>> -> memref<32x64xi32, #tpu.memory_space<hbm>>
      tpu.wait_dma2 semaphore(%run_scoped3A_285 : memref<!tpu.dma_semaphore, #tpu.memory_space<semaphore_mem>>) src(%dma_wait3A_317 : memref<32x64xi32, #tpu.memory_space<hbm>>) dst(%dma_wait3A_313 : memref<32x64xi32, #tpu.memory_space<vmem>>)
      tpu.yield
    }) : () -> ()
    %scan3A = arith.constant 0 : i32
    %scan3A_6 = arith.constant 0 : i32
    %scan3A_7 = arith.constant 32 : i32
    %scan3A_8 = arith.addi %scan3A_6, %scan3A_7 : i32
    %scan3A_9 = arith.constant 1 : i32
    scf.for %scan3A_285 = %scan3A_6 to %scan3A_8 step %scan3A_9  : i32 {
      %get3A = arith.constant 0 : i32
      %get3A_286 = arith.index_cast %get3A : i32 to index
      %get3A_287 = arith.index_cast %scan3A_285 : i32 to index
      %get3A_288 = arith.constant 0 : index
      %get3A_289 = tpu.vector_load %arg7[%get3A_286, %get3A_287, %get3A_288] {strides = array<i32>} : memref<2x32x64xi32, #tpu.memory_space<vmem>>, vector<1x1x16xi32>,
      %get3A_290 = vector.shape_cast %get3A_289 : vector<1x1x16xi32> to vector<16xi32>
      %mul3A_291 = arith.constant 32 : i32
      %mul3A_292 = vector.broadcast %mul3A_291 : i32 to vector<16xi32>
      %mul3A_293 = arith.muli %get3A_290, %mul3A_292 : vector<16xi32>
      %get3A_294 = arith.constant 0 : i32
      %get3A_295 = arith.index_cast %get3A_294 : i32 to index
      %get3A_296 = arith.index_cast %scan3A_285 : i32 to index
      %get3A_297 = arith.constant 0 : index
      %get3A_298 = tpu.vector_load %arg8[%get3A_295, %get3A_296, %get3A_297] {strides = array<i32>} : memref<2x32x64xi32, #tpu.memory_space<vmem>>, vector<1x1x16xi32>,
      %get3A_299 = vector.shape_cast %get3A_298 : vector<1x1x16xi32> to vector<16xi32>
      %add3A_300 = arith.addi %mul3A_293, %get3A_299 : vector<16xi32>
      %mul3A_301 = arith.constant 64 : i32
      %mul3A_302 = arith.muli %scan3A_285, %mul3A_301 : i32
      %add3A_303 = arith.constant 0 : i32
      %add3A_304 = arith.addi %mul3A_302, %add3A_303 : i32
      %swap3A = arith.constant 0 : i32
      %swap3A_305 = arith.index_cast %swap3A : i32 to index
      %swap3A_306 = arith.index_cast %add3A_304 : i32 to index
      %swap3A_307 = tpu.vector_load %arg9[%swap3A_305, %swap3A_306] {strides = array<i32>} : memref<2x2048xi32, #tpu.memory_space<vmem>>, vector<1x16xi32>,
      %swap3A_308 = vector.shape_cast %swap3A_307 : vector<1x16xi32> to vector<16xi32>
      %swap3A_309 = vector.shape_cast %add3A_300 : vector<16xi32> to vector<1x16xi32>
      tpu.vector_store %arg9[%swap3A_305, %swap3A_306], %swap3A_309 {strides = array<i32>} : memref<2x2048xi32, #tpu.memory_space<vmem>>, vector<1x16xi32>,
      %get3A_310 = arith.constant 0 : i32
      %get3A_311 = arith.index_cast %get3A_310 : i32 to index
      %get3A_312 = arith.index_cast %scan3A_285 : i32 to index
      %get3A_313 = arith.constant 16 : index
      %get3A_314 = tpu.vector_load %arg7[%get3A_311, %get3A_312, %get3A_313] {strides = array<i32>} : memref<2x32x64xi32, #tpu.memory_space<vmem>>, vector<1x1x16xi32>,
      %get3A_315 = vector.shape_cast %get3A_314 : vector<1x1x16xi32> to vector<16xi32>
      %mul3A_316 = arith.constant 32 : i32
      %mul3A_317 = vector.broadcast %mul3A_316 : i32 to vector<16xi32>
      %mul3A_318 = arith.muli %get3A_315, %mul3A_317 : vector<16xi32>
      %get3A_319 = arith.constant 0 : i32
      %get3A_320 = arith.index_cast %get3A_319 : i32 to index
      %get3A_321 = arith.index_cast %scan3A_285 : i32 to index
      %get3A_322 = arith.constant 16 : index
      %get3A_323 = tpu.vector_load %arg8[%get3A_320, %get3A_321, %get3A_322] {strides = array<i32>} : memref<2x32x64xi32, #tpu.memory_space<vmem>>, vector<1x1x16xi32>,
      %get3A_324 = vector.shape_cast %get3A_323 : vector<1x1x16xi32> to vector<16xi32>
      %add3A_325 = arith.addi %mul3A_318, %get3A_324 : vector<16xi32>
      %mul3A_326 = arith.constant 64 : i32
      %mul3A_327 = arith.muli %scan3A_285, %mul3A_326 : i32
      %add3A_328 = arith.constant 16 : i32
      %add3A_329 = arith.addi %mul3A_327, %add3A_328 : i32
      %swap3A_330 = arith.constant 0 : i32
      %swap3A_331 = arith.index_cast %swap3A_330 : i32 to index
      %swap3A_332 = arith.index_cast %add3A_329 : i32 to index
      %swap3A_333 = tpu.vector_load %arg9[%swap3A_331, %swap3A_332] {strides = array<i32>} : memref<2x2048xi32, #tpu.memory_space<vmem>>, vector<1x16xi32>,
      %swap3A_334 = vector.shape_cast %swap3A_333 : vector<1x16xi32> to vector<16xi32>
      %swap3A_335 = vector.shape_cast %add3A_325 : vector<16xi32> to vector<1x16xi32>
      tpu.vector_store %arg9[%swap3A_331, %swap3A_332], %swap3A_335 {strides = array<i32>} : memref<2x2048xi32, #tpu.memory_space<vmem>>, vector<1x16xi32>,
      %get3A_336 = arith.constant 0 : i32
      %get3A_337 = arith.index_cast %get3A_336 : i32 to index
      %get3A_338 = arith.index_cast %scan3A_285 : i32 to index
      %get3A_339 = arith.constant 32 : index
      %get3A_340 = tpu.vector_load %arg7[%get3A_337, %get3A_338, %get3A_339] {strides = array<i32>} : memref<2x32x64xi32, #tpu.memory_space<vmem>>, vector<1x1x16xi32>,
      %get3A_341 = vector.shape_cast %get3A_340 : vector<1x1x16xi32> to vector<16xi32>
      %mul3A_342 = arith.constant 32 : i32
      %mul3A_343 = vector.broadcast %mul3A_342 : i32 to vector<16xi32>
      %mul3A_344 = arith.muli %get3A_341, %mul3A_343 : vector<16xi32>
      %get3A_345 = arith.constant 0 : i32
      %get3A_346 = arith.index_cast %get3A_345 : i32 to index
      %get3A_347 = arith.index_cast %scan3A_285 : i32 to index
      %get3A_348 = arith.constant 32 : index
      %get3A_349 = tpu.vector_load %arg8[%get3A_346, %get3A_347, %get3A_348] {strides = array<i32>} : memref<2x32x64xi32, #tpu.memory_space<vmem>>, vector<1x1x16xi32>,
      %get3A_350 = vector.shape_cast %get3A_349 : vector<1x1x16xi32> to vector<16xi32>
      %add3A_351 = arith.addi %mul3A_344, %get3A_350 : vector<16xi32>
      %mul3A_352 = arith.constant 64 : i32
      %mul3A_353 = arith.muli %scan3A_285, %mul3A_352 : i32
      %add3A_354 = arith.constant 32 : i32
      %add3A_355 = arith.addi %mul3A_353, %add3A_354 : i32
      %swap3A_356 = arith.constant 0 : i32
      %swap3A_357 = arith.index_cast %swap3A_356 : i32 to index
      %swap3A_358 = arith.index_cast %add3A_355 : i32 to index
      %swap3A_359 = tpu.vector_load %arg9[%swap3A_357, %swap3A_358] {strides = array<i32>} : memref<2x2048xi32, #tpu.memory_space<vmem>>, vector<1x16xi32>,
      %swap3A_360 = vector.shape_cast %swap3A_359 : vector<1x16xi32> to vector<16xi32>
      %swap3A_361 = vector.shape_cast %add3A_351 : vector<16xi32> to vector<1x16xi32>
      tpu.vector_store %arg9[%swap3A_357, %swap3A_358], %swap3A_361 {strides = array<i32>} : memref<2x2048xi32, #tpu.memory_space<vmem>>, vector<1x16xi32>,
      %get3A_362 = arith.constant 0 : i32
      %get3A_363 = arith.index_cast %get3A_362 : i32 to index
      %get3A_364 = arith.index_cast %scan3A_285 : i32 to index
      %get3A_365 = arith.constant 48 : index
      %get3A_366 = tpu.vector_load %arg7[%get3A_363, %get3A_364, %get3A_365] {strides = array<i32>} : memref<2x32x64xi32, #tpu.memory_space<vmem>>, vector<1x1x16xi32>,
      %get3A_367 = vector.shape_cast %get3A_366 : vector<1x1x16xi32> to vector<16xi32>
      %mul3A_368 = arith.constant 32 : i32
      %mul3A_369 = vector.broadcast %mul3A_368 : i32 to vector<16xi32>
      %mul3A_370 = arith.muli %get3A_367, %mul3A_369 : vector<16xi32>
      %get3A_371 = arith.constant 0 : i32
      %get3A_372 = arith.index_cast %get3A_371 : i32 to index
      %get3A_373 = arith.index_cast %scan3A_285 : i32 to index
      %get3A_374 = arith.constant 48 : index
      %get3A_375 = tpu.vector_load %arg8[%get3A_372, %get3A_373, %get3A_374] {strides = array<i32>} : memref<2x32x64xi32, #tpu.memory_space<vmem>>, vector<1x1x16xi32>,
      %get3A_376 = vector.shape_cast %get3A_375 : vector<1x1x16xi32> to vector<16xi32>
      %add3A_377 = arith.addi %mul3A_370, %get3A_376 : vector<16xi32>
      %mul3A_378 = arith.constant 64 : i32
      %mul3A_379 = arith.muli %scan3A_285, %mul3A_378 : i32
      %add3A_380 = arith.constant 48 : i32
      %add3A_381 = arith.addi %mul3A_379, %add3A_380 : i32
      %swap3A_382 = arith.constant 0 : i32
      %swap3A_383 = arith.index_cast %swap3A_382 : i32 to index
      %swap3A_384 = arith.index_cast %add3A_381 : i32 to index
      %swap3A_385 = tpu.vector_load %arg9[%swap3A_383, %swap3A_384] {strides = array<i32>} : memref<2x2048xi32, #tpu.memory_space<vmem>>, vector<1x16xi32>,
      %swap3A_386 = vector.shape_cast %swap3A_385 : vector<1x16xi32> to vector<16xi32>
      %swap3A_387 = vector.shape_cast %add3A_377 : vector<16xi32> to vector<1x16xi32>
      tpu.vector_store %arg9[%swap3A_383, %swap3A_384], %swap3A_387 {strides = array<i32>} : memref<2x2048xi32, #tpu.memory_space<vmem>>, vector<1x16xi32>,
    }
    %scan3A_10 = arith.constant 32 : i32
    %dma_start3A = arith.constant 0 : i32
    %dma_start3A_11 = arith.constant 0 : i32
    %dma_start3A_12 = arith.constant 0 : i32
    %dma_start3A_13 = arith.constant 0 : i32
    %dma_start3A_14 = tpu.memref_slice %arg10[%dma_start3A_11, %dma_start3A_12, %dma_start3A_13] : memref<2x2048x16xf32, #tpu.memory_space<vmem>> -> memref<1x2048x16xf32, #tpu.memory_space<vmem>>
    %dma_start3A_15 = tpu.memref_squeeze %dma_start3A_14 : memref<1x2048x16xf32, #tpu.memory_space<vmem>> -> memref<2048x16xf32, #tpu.memory_space<vmem>>
    %dma_start3A_16 = arith.constant 0 : i32
    %dma_start3A_17 = tpu.memref_slice %arg9[%dma_start3A, %dma_start3A_16] : memref<2x2048xi32, #tpu.memory_space<vmem>> -> memref<1x2048xi32, #tpu.memory_space<vmem>>
    %dma_start3A_18 = tpu.memref_squeeze %dma_start3A_17 : memref<1x2048xi32, #tpu.memory_space<vmem>> -> memref<2048xi32, #tpu.memory_space<vmem>>
    %dma_start3A_19 = arith.constant 0 : i32
    %dma_start3A_20 = arith.constant 0 : i32
    %dma_start3A_21 = tpu.memref_slice %arg2[%dma_start3A_19, %dma_start3A_20] : memref<320000x16xf32, #tpu.memory_space<hbm>> -> memref<320000x16xf32, #tpu.memory_space<hbm>>
    tpu.enqueue_indirect_dma source(%dma_start3A_21 : memref<320000x16xf32, #tpu.memory_space<hbm>>) target(%dma_start3A_15 : memref<2048x16xf32, #tpu.memory_space<vmem>>) offsets(%dma_start3A_18 : memref<2048xi32, #tpu.memory_space<vmem>>) semaphore(%arg12 : memref<!tpu.dma_semaphore, #tpu.memory_space<semaphore_mem>>)
    %mul3A_22 = arith.constant 6 : i32
    %mul3A_23 = arith.muli %add3A, %mul3A_22 : i32
    %add3A_24 = arith.constant 1 : i32
    %add3A_25 = arith.addi %mul3A_23, %add3A_24 : i32
    %run_scoped3A_26 = arith.constant 1 : i32
    "tpu.region"() ({
      %run_scoped3A_285 = tpu.sem_alloc : memref<!tpu.dma_semaphore, #tpu.memory_space<semaphore_mem>>
      %dma_start3A_286 = arith.constant 0 : i32
      %dma_start3A_287 = arith.constant 0 : i32
      %dma_start3A_288 = tpu.memref_slice %arg7[%run_scoped3A_26, %dma_start3A_286, %dma_start3A_287] : memref<2x32x64xi32, #tpu.memory_space<vmem>> -> memref<1x32x64xi32, #tpu.memory_space<vmem>>
      %dma_start3A_289 = tpu.memref_squeeze %dma_start3A_288 : memref<1x32x64xi32, #tpu.memory_space<vmem>> -> memref<32x64xi32, #tpu.memory_space<vmem>>
      %dma_start3A_290 = arith.constant 0 : i32
      %dma_start3A_291 = arith.constant 0 : i32
      %dma_start3A_292 = tpu.memref_slice %arg3[%add3A_25, %dma_start3A_290, %dma_start3A_291] : memref<192x32x64xi32, #tpu.memory_space<hbm>> -> memref<1x32x64xi32, #tpu.memory_space<hbm>>
      %dma_start3A_293 = tpu.memref_squeeze %dma_start3A_292 : memref<1x32x64xi32, #tpu.memory_space<hbm>> -> memref<32x64xi32, #tpu.memory_space<hbm>>
      %dma_start3A_294 = arith.constant 0 : i32
      %dma_start3A_295 = arith.constant 0 : i32
      %dma_start3A_296 = tpu.memref_slice %arg7[%run_scoped3A_26, %dma_start3A_294, %dma_start3A_295] : memref<2x32x64xi32, #tpu.memory_space<vmem>> -> memref<1x32x64xi32, #tpu.memory_space<vmem>>
      %dma_start3A_297 = tpu.memref_squeeze %dma_start3A_296 : memref<1x32x64xi32, #tpu.memory_space<vmem>> -> memref<32x64xi32, #tpu.memory_space<vmem>>
      %dma_start3A_298 = arith.constant 0 : i32
      %dma_start3A_299 = arith.constant 0 : i32
      %dma_start3A_300 = tpu.memref_slice %arg3[%add3A_25, %dma_start3A_298, %dma_start3A_299] : memref<192x32x64xi32, #tpu.memory_space<hbm>> -> memref<1x32x64xi32, #tpu.memory_space<hbm>>
      %dma_start3A_301 = tpu.memref_squeeze %dma_start3A_300 : memref<1x32x64xi32, #tpu.memory_space<hbm>> -> memref<32x64xi32, #tpu.memory_space<hbm>>
      tpu.enqueue_dma source(%dma_start3A_301 : memref<32x64xi32, #tpu.memory_space<hbm>>) target(%dma_start3A_297 : memref<32x64xi32, #tpu.memory_space<vmem>>) target_semaphore(%run_scoped3A_285 : memref<!tpu.dma_semaphore, #tpu.memory_space<semaphore_mem>>)
      %dma_wait3A_302 = arith.constant 0 : i32
      %dma_wait3A_303 = arith.constant 0 : i32
      %dma_wait3A_304 = tpu.memref_slice %arg7[%run_scoped3A_26, %dma_wait3A_302, %dma_wait3A_303] : memref<2x32x64xi32, #tpu.memory_space<vmem>> -> memref<1x32x64xi32, #tpu.memory_space<vmem>>
      %dma_wait3A_305 = tpu.memref_squeeze %dma_wait3A_304 : memref<1x32x64xi32, #tpu.memory_space<vmem>> -> memref<32x64xi32, #tpu.memory_space<vmem>>
      %dma_wait3A_306 = arith.constant 0 : i32
      %dma_wait3A_307 = arith.constant 0 : i32
      %dma_wait3A_308 = tpu.memref_slice %arg3[%add3A_25, %dma_wait3A_306, %dma_wait3A_307] : memref<192x32x64xi32, #tpu.memory_space<hbm>> -> memref<1x32x64xi32, #tpu.memory_space<hbm>>
      %dma_wait3A_309 = tpu.memref_squeeze %dma_wait3A_308 : memref<1x32x64xi32, #tpu.memory_space<hbm>> -> memref<32x64xi32, #tpu.memory_space<hbm>>
      %dma_wait3A_310 = arith.constant 0 : i32
      %dma_wait3A_311 = arith.constant 0 : i32
      %dma_wait3A_312 = tpu.memref_slice %arg7[%run_scoped3A_26, %dma_wait3A_310, %dma_wait3A_311] : memref<2x32x64xi32, #tpu.memory_space<vmem>> -> memref<1x32x64xi32, #tpu.memory_space<vmem>>
      %dma_wait3A_313 = tpu.memref_squeeze %dma_wait3A_312 : memref<1x32x64xi32, #tpu.memory_space<vmem>> -> memref<32x64xi32, #tpu.memory_space<vmem>>
      %dma_wait3A_314 = arith.constant 0 : i32
      %dma_wait3A_315 = arith.constant 0 : i32
      %dma_wait3A_316 = tpu.memref_slice %arg3[%add3A_25, %dma_wait3A_314, %dma_wait3A_315] : memref<192x32x64xi32, #tpu.memory_space<hbm>> -> memref<1x32x64xi32, #tpu.memory_space<hbm>>
      %dma_wait3A_317 = tpu.memref_squeeze %dma_wait3A_316 : memref<1x32x64xi32, #tpu.memory_space<hbm>> -> memref<32x64xi32, #tpu.memory_space<hbm>>
      tpu.wait_dma2 semaphore(%run_scoped3A_285 : memref<!tpu.dma_semaphore, #tpu.memory_space<semaphore_mem>>) src(%dma_wait3A_317 : memref<32x64xi32, #tpu.memory_space<hbm>>) dst(%dma_wait3A_313 : memref<32x64xi32, #tpu.memory_space<vmem>>)
      tpu.yield
    }) : () -> ()
    %run_scoped3A_27 = arith.constant 1 : i32
    "tpu.region"() ({
      %run_scoped3A_285 = tpu.sem_alloc : memref<!tpu.dma_semaphore, #tpu.memory_space<semaphore_mem>>
      %dma_start3A_286 = arith.constant 0 : i32
      %dma_start3A_287 = arith.constant 0 : i32
      %dma_start3A_288 = tpu.memref_slice %arg8[%run_scoped3A_27, %dma_start3A_286, %dma_start3A_287] : memref<2x32x64xi32, #tpu.memory_space<vmem>> -> memref<1x32x64xi32, #tpu.memory_space<vmem>>
      %dma_start3A_289 = tpu.memref_squeeze %dma_start3A_288 : memref<1x32x64xi32, #tpu.memory_space<vmem>> -> memref<32x64xi32, #tpu.memory_space<vmem>>
      %dma_start3A_290 = arith.constant 0 : i32
      %dma_start3A_291 = arith.constant 0 : i32
      %dma_start3A_292 = tpu.memref_slice %arg4[%add3A_25, %dma_start3A_290, %dma_start3A_291] : memref<192x32x64xi32, #tpu.memory_space<hbm>> -> memref<1x32x64xi32, #tpu.memory_space<hbm>>
      %dma_start3A_293 = tpu.memref_squeeze %dma_start3A_292 : memref<1x32x64xi32, #tpu.memory_space<hbm>> -> memref<32x64xi32, #tpu.memory_space<hbm>>
      %dma_start3A_294 = arith.constant 0 : i32
      %dma_start3A_295 = arith.constant 0 : i32
      %dma_start3A_296 = tpu.memref_slice %arg8[%run_scoped3A_27, %dma_start3A_294, %dma_start3A_295] : memref<2x32x64xi32, #tpu.memory_space<vmem>> -> memref<1x32x64xi32, #tpu.memory_space<vmem>>
      %dma_start3A_297 = tpu.memref_squeeze %dma_start3A_296 : memref<1x32x64xi32, #tpu.memory_space<vmem>> -> memref<32x64xi32, #tpu.memory_space<vmem>>
      %dma_start3A_298 = arith.constant 0 : i32
      %dma_start3A_299 = arith.constant 0 : i32
      %dma_start3A_300 = tpu.memref_slice %arg4[%add3A_25, %dma_start3A_298, %dma_start3A_299] : memref<192x32x64xi32, #tpu.memory_space<hbm>> -> memref<1x32x64xi32, #tpu.memory_space<hbm>>
      %dma_start3A_301 = tpu.memref_squeeze %dma_start3A_300 : memref<1x32x64xi32, #tpu.memory_space<hbm>> -> memref<32x64xi32, #tpu.memory_space<hbm>>
      tpu.enqueue_dma source(%dma_start3A_301 : memref<32x64xi32, #tpu.memory_space<hbm>>) target(%dma_start3A_297 : memref<32x64xi32, #tpu.memory_space<vmem>>) target_semaphore(%run_scoped3A_285 : memref<!tpu.dma_semaphore, #tpu.memory_space<semaphore_mem>>)
      %dma_wait3A_302 = arith.constant 0 : i32
      %dma_wait3A_303 = arith.constant 0 : i32
      %dma_wait3A_304 = tpu.memref_slice %arg8[%run_scoped3A_27, %dma_wait3A_302, %dma_wait3A_303] : memref<2x32x64xi32, #tpu.memory_space<vmem>> -> memref<1x32x64xi32, #tpu.memory_space<vmem>>
      %dma_wait3A_305 = tpu.memref_squeeze %dma_wait3A_304 : memref<1x32x64xi32, #tpu.memory_space<vmem>> -> memref<32x64xi32, #tpu.memory_space<vmem>>
      %dma_wait3A_306 = arith.constant 0 : i32
      %dma_wait3A_307 = arith.constant 0 : i32
      %dma_wait3A_308 = tpu.memref_slice %arg4[%add3A_25, %dma_wait3A_306, %dma_wait3A_307] : memref<192x32x64xi32, #tpu.memory_space<hbm>> -> memref<1x32x64xi32, #tpu.memory_space<hbm>>
      %dma_wait3A_309 = tpu.memref_squeeze %dma_wait3A_308 : memref<1x32x64xi32, #tpu.memory_space<hbm>> -> memref<32x64xi32, #tpu.memory_space<hbm>>
      %dma_wait3A_310 = arith.constant 0 : i32
      %dma_wait3A_311 = arith.constant 0 : i32
      %dma_wait3A_312 = tpu.memref_slice %arg8[%run_scoped3A_27, %dma_wait3A_310, %dma_wait3A_311] : memref<2x32x64xi32, #tpu.memory_space<vmem>> -> memref<1x32x64xi32, #tpu.memory_space<vmem>>
      %dma_wait3A_313 = tpu.memref_squeeze %dma_wait3A_312 : memref<1x32x64xi32, #tpu.memory_space<vmem>> -> memref<32x64xi32, #tpu.memory_space<vmem>>
      %dma_wait3A_314 = arith.constant 0 : i32
      %dma_wait3A_315 = arith.constant 0 : i32
      %dma_wait3A_316 = tpu.memref_slice %arg4[%add3A_25, %dma_wait3A_314, %dma_wait3A_315] : memref<192x32x64xi32, #tpu.memory_space<hbm>> -> memref<1x32x64xi32, #tpu.memory_space<hbm>>
      %dma_wait3A_317 = tpu.memref_squeeze %dma_wait3A_316 : memref<1x32x64xi32, #tpu.memory_space<hbm>> -> memref<32x64xi32, #tpu.memory_space<hbm>>
      tpu.wait_dma2 semaphore(%run_scoped3A_285 : memref<!tpu.dma_semaphore, #tpu.memory_space<semaphore_mem>>) src(%dma_wait3A_317 : memref<32x64xi32, #tpu.memory_space<hbm>>) dst(%dma_wait3A_313 : memref<32x64xi32, #tpu.memory_space<vmem>>)
      tpu.yield
    }) : () -> ()
    %scan3A_28 = arith.constant 0 : i32
    %scan3A_29 = arith.constant 0 : i32
    %scan3A_30 = arith.constant 32 : i32
    %scan3A_31 = arith.addi %scan3A_29, %scan3A_30 : i32
    %scan3A_32 = arith.constant 1 : i32
    scf.for %scan3A_285 = %scan3A_29 to %scan3A_31 step %scan3A_32  : i32 {
      %get3A = arith.constant 1 : i32
      %get3A_286 = arith.index_cast %get3A : i32 to index
      %get3A_287 = arith.index_cast %scan3A_285 : i32 to index
      %get3A_288 = arith.constant 0 : index
      %get3A_289 = tpu.vector_load %arg7[%get3A_286, %get3A_287, %get3A_288] {strides = array<i32>} : memref<2x32x64xi32, #tpu.memory_space<vmem>>, vector<1x1x16xi32>,
      %get3A_290 = vector.shape_cast %get3A_289 : vector<1x1x16xi32> to vector<16xi32>
      %mul3A_291 = arith.constant 32 : i32
      %mul3A_292 = vector.broadcast %mul3A_291 : i32 to vector<16xi32>
      %mul3A_293 = arith.muli %get3A_290, %mul3A_292 : vector<16xi32>
      %get3A_294 = arith.constant 1 : i32
      %get3A_295 = arith.index_cast %get3A_294 : i32 to index
      %get3A_296 = arith.index_cast %scan3A_285 : i32 to index
      %get3A_297 = arith.constant 0 : index
      %get3A_298 = tpu.vector_load %arg8[%get3A_295, %get3A_296, %get3A_297] {strides = array<i32>} : memref<2x32x64xi32, #tpu.memory_space<vmem>>, vector<1x1x16xi32>,
      %get3A_299 = vector.shape_cast %get3A_298 : vector<1x1x16xi32> to vector<16xi32>
      %add3A_300 = arith.addi %mul3A_293, %get3A_299 : vector<16xi32>
      %mul3A_301 = arith.constant 64 : i32
      %mul3A_302 = arith.muli %scan3A_285, %mul3A_301 : i32
      %add3A_303 = arith.constant 0 : i32
      %add3A_304 = arith.addi %mul3A_302, %add3A_303 : i32
      %swap3A = arith.constant 1 : i32
      %swap3A_305 = arith.index_cast %swap3A : i32 to index
      %swap3A_306 = arith.index_cast %add3A_304 : i32 to index
      %swap3A_307 = tpu.vector_load %arg9[%swap3A_305, %swap3A_306] {strides = array<i32>} : memref<2x2048xi32, #tpu.memory_space<vmem>>, vector<1x16xi32>,
      %swap3A_308 = vector.shape_cast %swap3A_307 : vector<1x16xi32> to vector<16xi32>
      %swap3A_309 = vector.shape_cast %add3A_300 : vector<16xi32> to vector<1x16xi32>
      tpu.vector_store %arg9[%swap3A_305, %swap3A_306], %swap3A_309 {strides = array<i32>} : memref<2x2048xi32, #tpu.memory_space<vmem>>, vector<1x16xi32>,
      %get3A_310 = arith.constant 1 : i32
      %get3A_311 = arith.index_cast %get3A_310 : i32 to index
      %get3A_312 = arith.index_cast %scan3A_285 : i32 to index
      %get3A_313 = arith.constant 16 : index
      %get3A_314 = tpu.vector_load %arg7[%get3A_311, %get3A_312, %get3A_313] {strides = array<i32>} : memref<2x32x64xi32, #tpu.memory_space<vmem>>, vector<1x1x16xi32>,
      %get3A_315 = vector.shape_cast %get3A_314 : vector<1x1x16xi32> to vector<16xi32>
      %mul3A_316 = arith.constant 32 : i32
      %mul3A_317 = vector.broadcast %mul3A_316 : i32 to vector<16xi32>
      %mul3A_318 = arith.muli %get3A_315, %mul3A_317 : vector<16xi32>
      %get3A_319 = arith.constant 1 : i32
      %get3A_320 = arith.index_cast %get3A_319 : i32 to index
      %get3A_321 = arith.index_cast %scan3A_285 : i32 to index
      %get3A_322 = arith.constant 16 : index
      %get3A_323 = tpu.vector_load %arg8[%get3A_320, %get3A_321, %get3A_322] {strides = array<i32>} : memref<2x32x64xi32, #tpu.memory_space<vmem>>, vector<1x1x16xi32>,
      %get3A_324 = vector.shape_cast %get3A_323 : vector<1x1x16xi32> to vector<16xi32>
      %add3A_325 = arith.addi %mul3A_318, %get3A_324 : vector<16xi32>
      %mul3A_326 = arith.constant 64 : i32
      %mul3A_327 = arith.muli %scan3A_285, %mul3A_326 : i32
      %add3A_328 = arith.constant 16 : i32
      %add3A_329 = arith.addi %mul3A_327, %add3A_328 : i32
      %swap3A_330 = arith.constant 1 : i32
      %swap3A_331 = arith.index_cast %swap3A_330 : i32 to index
      %swap3A_332 = arith.index_cast %add3A_329 : i32 to index
      %swap3A_333 = tpu.vector_load %arg9[%swap3A_331, %swap3A_332] {strides = array<i32>} : memref<2x2048xi32, #tpu.memory_space<vmem>>, vector<1x16xi32>,
      %swap3A_334 = vector.shape_cast %swap3A_333 : vector<1x16xi32> to vector<16xi32>
      %swap3A_335 = vector.shape_cast %add3A_325 : vector<16xi32> to vector<1x16xi32>
      tpu.vector_store %arg9[%swap3A_331, %swap3A_332], %swap3A_335 {strides = array<i32>} : memref<2x2048xi32, #tpu.memory_space<vmem>>, vector<1x16xi32>,
      %get3A_336 = arith.constant 1 : i32
      %get3A_337 = arith.index_cast %get3A_336 : i32 to index
      %get3A_338 = arith.index_cast %scan3A_285 : i32 to index
      %get3A_339 = arith.constant 32 : index
      %get3A_340 = tpu.vector_load %arg7[%get3A_337, %get3A_338, %get3A_339] {strides = array<i32>} : memref<2x32x64xi32, #tpu.memory_space<vmem>>, vector<1x1x16xi32>,
      %get3A_341 = vector.shape_cast %get3A_340 : vector<1x1x16xi32> to vector<16xi32>
      %mul3A_342 = arith.constant 32 : i32
      %mul3A_343 = vector.broadcast %mul3A_342 : i32 to vector<16xi32>
      %mul3A_344 = arith.muli %get3A_341, %mul3A_343 : vector<16xi32>
      %get3A_345 = arith.constant 1 : i32
      %get3A_346 = arith.index_cast %get3A_345 : i32 to index
      %get3A_347 = arith.index_cast %scan3A_285 : i32 to index
      %get3A_348 = arith.constant 32 : index
      %get3A_349 = tpu.vector_load %arg8[%get3A_346, %get3A_347, %get3A_348] {strides = array<i32>} : memref<2x32x64xi32, #tpu.memory_space<vmem>>, vector<1x1x16xi32>,
      %get3A_350 = vector.shape_cast %get3A_349 : vector<1x1x16xi32> to vector<16xi32>
      %add3A_351 = arith.addi %mul3A_344, %get3A_350 : vector<16xi32>
      %mul3A_352 = arith.constant 64 : i32
      %mul3A_353 = arith.muli %scan3A_285, %mul3A_352 : i32
      %add3A_354 = arith.constant 32 : i32
      %add3A_355 = arith.addi %mul3A_353, %add3A_354 : i32
      %swap3A_356 = arith.constant 1 : i32
      %swap3A_357 = arith.index_cast %swap3A_356 : i32 to index
      %swap3A_358 = arith.index_cast %add3A_355 : i32 to index
      %swap3A_359 = tpu.vector_load %arg9[%swap3A_357, %swap3A_358] {strides = array<i32>} : memref<2x2048xi32, #tpu.memory_space<vmem>>, vector<1x16xi32>,
      %swap3A_360 = vector.shape_cast %swap3A_359 : vector<1x16xi32> to vector<16xi32>
      %swap3A_361 = vector.shape_cast %add3A_351 : vector<16xi32> to vector<1x16xi32>
      tpu.vector_store %arg9[%swap3A_357, %swap3A_358], %swap3A_361 {strides = array<i32>} : memref<2x2048xi32, #tpu.memory_space<vmem>>, vector<1x16xi32>,
      %get3A_362 = arith.constant 1 : i32
      %get3A_363 = arith.index_cast %get3A_362 : i32 to index
      %get3A_364 = arith.index_cast %scan3A_285 : i32 to index
      %get3A_365 = arith.constant 48 : index
      %get3A_366 = tpu.vector_load %arg7[%get3A_363, %get3A_364, %get3A_365] {strides = array<i32>} : memref<2x32x64xi32, #tpu.memory_space<vmem>>, vector<1x1x16xi32>,
      %get3A_367 = vector.shape_cast %get3A_366 : vector<1x1x16xi32> to vector<16xi32>
      %mul3A_368 = arith.constant 32 : i32
      %mul3A_369 = vector.broadcast %mul3A_368 : i32 to vector<16xi32>
      %mul3A_370 = arith.muli %get3A_367, %mul3A_369 : vector<16xi32>
      %get3A_371 = arith.constant 1 : i32
      %get3A_372 = arith.index_cast %get3A_371 : i32 to index
      %get3A_373 = arith.index_cast %scan3A_285 : i32 to index
      %get3A_374 = arith.constant 48 : index
      %get3A_375 = tpu.vector_load %arg8[%get3A_372, %get3A_373, %get3A_374] {strides = array<i32>} : memref<2x32x64xi32, #tpu.memory_space<vmem>>, vector<1x1x16xi32>,
      %get3A_376 = vector.shape_cast %get3A_375 : vector<1x1x16xi32> to vector<16xi32>
      %add3A_377 = arith.addi %mul3A_370, %get3A_376 : vector<16xi32>
      %mul3A_378 = arith.constant 64 : i32
      %mul3A_379 = arith.muli %scan3A_285, %mul3A_378 : i32
      %add3A_380 = arith.constant 48 : i32
      %add3A_381 = arith.addi %mul3A_379, %add3A_380 : i32
      %swap3A_382 = arith.constant 1 : i32
      %swap3A_383 = arith.index_cast %swap3A_382 : i32 to index
      %swap3A_384 = arith.index_cast %add3A_381 : i32 to index
      %swap3A_385 = tpu.vector_load %arg9[%swap3A_383, %swap3A_384] {strides = array<i32>} : memref<2x2048xi32, #tpu.memory_space<vmem>>, vector<1x16xi32>,
      %swap3A_386 = vector.shape_cast %swap3A_385 : vector<1x16xi32> to vector<16xi32>
      %swap3A_387 = vector.shape_cast %add3A_377 : vector<16xi32> to vector<1x16xi32>
      tpu.vector_store %arg9[%swap3A_383, %swap3A_384], %swap3A_387 {strides = array<i32>} : memref<2x2048xi32, #tpu.memory_space<vmem>>, vector<1x16xi32>,
    }
    %scan3A_33 = arith.constant 32 : i32
    %dma_start3A_34 = arith.constant 1 : i32
    %dma_start3A_35 = arith.constant 1 : i32
    %dma_start3A_36 = arith.constant 0 : i32
    %dma_start3A_37 = arith.constant 0 : i32
    %dma_start3A_38 = tpu.memref_slice %arg10[%dma_start3A_35, %dma_start3A_36, %dma_start3A_37] : memref<2x2048x16xf32, #tpu.memory_space<vmem>> -> memref<1x2048x16xf32, #tpu.memory_space<vmem>>
    %dma_start3A_39 = tpu.memref_squeeze %dma_start3A_38 : memref<1x2048x16xf32, #tpu.memory_space<vmem>> -> memref<2048x16xf32, #tpu.memory_space<vmem>>
    %dma_start3A_40 = arith.constant 0 : i32
    %dma_start3A_41 = tpu.memref_slice %arg9[%dma_start3A_34, %dma_start3A_40] : memref<2x2048xi32, #tpu.memory_space<vmem>> -> memref<1x2048xi32, #tpu.memory_space<vmem>>
    %dma_start3A_42 = tpu.memref_squeeze %dma_start3A_41 : memref<1x2048xi32, #tpu.memory_space<vmem>> -> memref<2048xi32, #tpu.memory_space<vmem>>
    %dma_start3A_43 = arith.constant 0 : i32
    %dma_start3A_44 = arith.constant 0 : i32
    %dma_start3A_45 = tpu.memref_slice %arg2[%dma_start3A_43, %dma_start3A_44] : memref<320000x16xf32, #tpu.memory_space<hbm>> -> memref<320000x16xf32, #tpu.memory_space<hbm>>
    tpu.enqueue_indirect_dma source(%dma_start3A_45 : memref<320000x16xf32, #tpu.memory_space<hbm>>) target(%dma_start3A_39 : memref<2048x16xf32, #tpu.memory_space<vmem>>) offsets(%dma_start3A_42 : memref<2048xi32, #tpu.memory_space<vmem>>) semaphore(%arg13 : memref<!tpu.dma_semaphore, #tpu.memory_space<semaphore_mem>>)
    %mul3A_46 = arith.constant 6 : i32
    %mul3A_47 = arith.muli %add3A, %mul3A_46 : i32
    %add3A_48 = arith.constant 0 : i32
    %add3A_49 = arith.addi %mul3A_47, %add3A_48 : i32
    %mul3A_50 = arith.constant 64 : i32
    %mul3A_51 = arith.muli %add3A_49, %mul3A_50 : i32
    "tpu.region"() ({
      %run_scoped3A_285 = tpu.sem_alloc : memref<!tpu.dma_semaphore, #tpu.memory_space<semaphore_mem>>
      %dma_start3A_286 = arith.constant 0 : i32
      %dma_start3A_287 = tpu.memref_slice %arg5[%mul3A_51, %dma_start3A_286] : memref<12288x16xf32, #tpu.memory_space<hbm>> -> memref<64x16xf32, #tpu.memory_space<hbm>>
      %dma_start3A_288 = arith.constant 0 : i32
      %dma_start3A_289 = tpu.memref_slice %arg5[%mul3A_51, %dma_start3A_288] : memref<12288x16xf32, #tpu.memory_space<hbm>> -> memref<64x16xf32, #tpu.memory_space<hbm>>
      tpu.enqueue_dma source(%dma_start3A_289 : memref<64x16xf32, #tpu.memory_space<hbm>>) target(%arg11 : memref<64x16xf32, #tpu.memory_space<vmem>>) target_semaphore(%run_scoped3A_285 : memref<!tpu.dma_semaphore, #tpu.memory_space<semaphore_mem>>)
      %dma_wait3A_290 = arith.constant 0 : i32
      %dma_wait3A_291 = tpu.memref_slice %arg5[%mul3A_51, %dma_wait3A_290] : memref<12288x16xf32, #tpu.memory_space<hbm>> -> memref<64x16xf32, #tpu.memory_space<hbm>>
      %dma_wait3A_292 = arith.constant 0 : i32
      %dma_wait3A_293 = tpu.memref_slice %arg5[%mul3A_51, %dma_wait3A_292] : memref<12288x16xf32, #tpu.memory_space<hbm>> -> memref<64x16xf32, #tpu.memory_space<hbm>>
      tpu.wait_dma2 semaphore(%run_scoped3A_285 : memref<!tpu.dma_semaphore, #tpu.memory_space<semaphore_mem>>) src(%dma_wait3A_293 : memref<64x16xf32, #tpu.memory_space<hbm>>) dst(%arg11 : memref<64x16xf32, #tpu.memory_space<vmem>>)
      tpu.yield
    }) : () -> ()
    %dma_wait3A = arith.constant 0 : i32
    %dma_wait3A_52 = arith.constant 0 : i32
    %dma_wait3A_53 = arith.constant 0 : i32
    %dma_wait3A_54 = arith.constant 0 : i32
    %dma_wait3A_55 = tpu.memref_slice %arg10[%dma_wait3A_52, %dma_wait3A_53, %dma_wait3A_54] : memref<2x2048x16xf32, #tpu.memory_space<vmem>> -> memref<1x2048x16xf32, #tpu.memory_space<vmem>>
    %dma_wait3A_56 = tpu.memref_squeeze %dma_wait3A_55 : memref<1x2048x16xf32, #tpu.memory_space<vmem>> -> memref<2048x16xf32, #tpu.memory_space<vmem>>
    %dma_wait3A_57 = arith.constant 0 : i32
    %dma_wait3A_58 = tpu.memref_slice %arg9[%dma_wait3A, %dma_wait3A_57] : memref<2x2048xi32, #tpu.memory_space<vmem>> -> memref<1x2048xi32, #tpu.memory_space<vmem>>
    %dma_wait3A_59 = tpu.memref_squeeze %dma_wait3A_58 : memref<1x2048xi32, #tpu.memory_space<vmem>> -> memref<2048xi32, #tpu.memory_space<vmem>>
    %dma_wait3A_60 = arith.constant 0 : i32
    %dma_wait3A_61 = arith.constant 0 : i32
    %dma_wait3A_62 = tpu.memref_slice %arg2[%dma_wait3A_60, %dma_wait3A_61] : memref<320000x16xf32, #tpu.memory_space<hbm>> -> memref<320000x16xf32, #tpu.memory_space<hbm>>
    tpu.wait_indirect_dma semaphore(%arg12 : memref<!tpu.dma_semaphore, #tpu.memory_space<semaphore_mem>>) src(%dma_wait3A_62 : memref<320000x16xf32, #tpu.memory_space<hbm>>) dst(%dma_wait3A_56 : memref<2048x16xf32, #tpu.memory_space<vmem>>)
    %scan3A_63 = arith.constant 0 : i32
    %scan3A_64 = arith.constant 0 : i32
    %scan3A_65 = arith.constant 64 : i32
    %scan3A_66 = arith.addi %scan3A_64, %scan3A_65 : i32
    %scan3A_67 = arith.constant 1 : i32
    scf.for %scan3A_285 = %scan3A_64 to %scan3A_66 step %scan3A_67  : i32 {
      %add3A_286 = arith.constant 0 : i32
      %add3A_287 = arith.addi %add3A_286, %scan3A_285 : i32
      %get3A = arith.constant 0 : i32
      %get3A_288 = arith.index_cast %get3A : i32 to index
      %get3A_289 = arith.index_cast %add3A_287 : i32 to index
      %get3A_290 = arith.constant 0 : index
      %get3A_291 = tpu.vector_load %arg10[%get3A_288, %get3A_289, %get3A_290] {strides = array<i32>} : memref<2x2048x16xf32, #tpu.memory_space<vmem>>, vector<1x1x16xf32>,
      %get3A_292 = vector.shape_cast %get3A_291 : vector<1x1x16xf32> to vector<16xf32>
      %add3A_293 = arith.constant 256 : i32
      %add3A_294 = arith.addi %add3A_293, %scan3A_285 : i32
      %get3A_295 = arith.constant 0 : i32
      %get3A_296 = arith.index_cast %get3A_295 : i32 to index
      %get3A_297 = arith.index_cast %add3A_294 : i32 to index
      %get3A_298 = arith.constant 0 : index
      %get3A_299 = tpu.vector_load %arg10[%get3A_296, %get3A_297, %get3A_298] {strides = array<i32>} : memref<2x2048x16xf32, #tpu.memory_space<vmem>>, vector<1x1x16xf32>,
      %get3A_300 = vector.shape_cast %get3A_299 : vector<1x1x16xf32> to vector<16xf32>
      %add3A_301 = arith.addf %get3A_292, %get3A_300 : vector<16xf32>
      %add3A_302 = arith.constant 512 : i32
      %add3A_303 = arith.addi %add3A_302, %scan3A_285 : i32
      %get3A_304 = arith.constant 0 : i32
      %get3A_305 = arith.index_cast %get3A_304 : i32 to index
      %get3A_306 = arith.index_cast %add3A_303 : i32 to index
      %get3A_307 = arith.constant 0 : index
      %get3A_308 = tpu.vector_load %arg10[%get3A_305, %get3A_306, %get3A_307] {strides = array<i32>} : memref<2x2048x16xf32, #tpu.memory_space<vmem>>, vector<1x1x16xf32>,
      %get3A_309 = vector.shape_cast %get3A_308 : vector<1x1x16xf32> to vector<16xf32>
      %add3A_310 = arith.addf %add3A_301, %get3A_309 : vector<16xf32>
      %add3A_311 = arith.constant 768 : i32
      %add3A_312 = arith.addi %add3A_311, %scan3A_285 : i32
      %get3A_313 = arith.constant 0 : i32
      %get3A_314 = arith.index_cast %get3A_313 : i32 to index
      %get3A_315 = arith.index_cast %add3A_312 : i32 to index
      %get3A_316 = arith.constant 0 : index
      %get3A_317 = tpu.vector_load %arg10[%get3A_314, %get3A_315, %get3A_316] {strides = array<i32>} : memref<2x2048x16xf32, #tpu.memory_space<vmem>>, vector<1x1x16xf32>,
      %get3A_318 = vector.shape_cast %get3A_317 : vector<1x1x16xf32> to vector<16xf32>
      %add3A_319 = arith.addf %add3A_310, %get3A_318 : vector<16xf32>
      %add3A_320 = arith.constant 1024 : i32
      %add3A_321 = arith.addi %add3A_320, %scan3A_285 : i32
      %get3A_322 = arith.constant 0 : i32
      %get3A_323 = arith.index_cast %get3A_322 : i32 to index
      %get3A_324 = arith.index_cast %add3A_321 : i32 to index
      %get3A_325 = arith.constant 0 : index
      %get3A_326 = tpu.vector_load %arg10[%get3A_323, %get3A_324, %get3A_325] {strides = array<i32>} : memref<2x2048x16xf32, #tpu.memory_space<vmem>>, vector<1x1x16xf32>,
      %get3A_327 = vector.shape_cast %get3A_326 : vector<1x1x16xf32> to vector<16xf32>
      %add3A_328 = arith.addf %add3A_319, %get3A_327 : vector<16xf32>
      %add3A_329 = arith.constant 1280 : i32
      %add3A_330 = arith.addi %add3A_329, %scan3A_285 : i32
      %get3A_331 = arith.constant 0 : i32
      %get3A_332 = arith.index_cast %get3A_331 : i32 to index
      %get3A_333 = arith.index_cast %add3A_330 : i32 to index
      %get3A_334 = arith.constant 0 : index
      %get3A_335 = tpu.vector_load %arg10[%get3A_332, %get3A_333, %get3A_334] {strides = array<i32>} : memref<2x2048x16xf32, #tpu.memory_space<vmem>>, vector<1x1x16xf32>,
      %get3A_336 = vector.shape_cast %get3A_335 : vector<1x1x16xf32> to vector<16xf32>
      %add3A_337 = arith.addf %add3A_328, %get3A_336 : vector<16xf32>
      %add3A_338 = arith.constant 1536 : i32
      %add3A_339 = arith.addi %add3A_338, %scan3A_285 : i32
      %get3A_340 = arith.constant 0 : i32
      %get3A_341 = arith.index_cast %get3A_340 : i32 to index
      %get3A_342 = arith.index_cast %add3A_339 : i32 to index
      %get3A_343 = arith.constant 0 : index
      %get3A_344 = tpu.vector_load %arg10[%get3A_341, %get3A_342, %get3A_343] {strides = array<i32>} : memref<2x2048x16xf32, #tpu.memory_space<vmem>>, vector<1x1x16xf32>,
      %get3A_345 = vector.shape_cast %get3A_344 : vector<1x1x16xf32> to vector<16xf32>
      %add3A_346 = arith.addf %add3A_337, %get3A_345 : vector<16xf32>
      %add3A_347 = arith.constant 1792 : i32
      %add3A_348 = arith.addi %add3A_347, %scan3A_285 : i32
      %get3A_349 = arith.constant 0 : i32
      %get3A_350 = arith.index_cast %get3A_349 : i32 to index
      %get3A_351 = arith.index_cast %add3A_348 : i32 to index
      %get3A_352 = arith.constant 0 : index
      %get3A_353 = tpu.vector_load %arg10[%get3A_350, %get3A_351, %get3A_352] {strides = array<i32>} : memref<2x2048x16xf32, #tpu.memory_space<vmem>>, vector<1x1x16xf32>,
      %get3A_354 = vector.shape_cast %get3A_353 : vector<1x1x16xf32> to vector<16xf32>
      %add3A_355 = arith.addf %add3A_346, %get3A_354 : vector<16xf32>
      %add3A_356 = arith.constant 64 : i32
      %add3A_357 = arith.addi %add3A_356, %scan3A_285 : i32
      %get3A_358 = arith.constant 0 : i32
      %get3A_359 = arith.index_cast %get3A_358 : i32 to index
      %get3A_360 = arith.index_cast %add3A_357 : i32 to index
      %get3A_361 = arith.constant 0 : index
      %get3A_362 = tpu.vector_load %arg10[%get3A_359, %get3A_360, %get3A_361] {strides = array<i32>} : memref<2x2048x16xf32, #tpu.memory_space<vmem>>, vector<1x1x16xf32>,
      %get3A_363 = vector.shape_cast %get3A_362 : vector<1x1x16xf32> to vector<16xf32>
      %add3A_364 = arith.constant 320 : i32
      %add3A_365 = arith.addi %add3A_364, %scan3A_285 : i32
      %get3A_366 = arith.constant 0 : i32
      %get3A_367 = arith.index_cast %get3A_366 : i32 to index
      %get3A_368 = arith.index_cast %add3A_365 : i32 to index
      %get3A_369 = arith.constant 0 : index
      %get3A_370 = tpu.vector_load %arg10[%get3A_367, %get3A_368, %get3A_369] {strides = array<i32>} : memref<2x2048x16xf32, #tpu.memory_space<vmem>>, vector<1x1x16xf32>,
      %get3A_371 = vector.shape_cast %get3A_370 : vector<1x1x16xf32> to vector<16xf32>
      %add3A_372 = arith.addf %get3A_363, %get3A_371 : vector<16xf32>
      %add3A_373 = arith.constant 576 : i32
      %add3A_374 = arith.addi %add3A_373, %scan3A_285 : i32
      %get3A_375 = arith.constant 0 : i32
      %get3A_376 = arith.index_cast %get3A_375 : i32 to index
      %get3A_377 = arith.index_cast %add3A_374 : i32 to index
      %get3A_378 = arith.constant 0 : index
      %get3A_379 = tpu.vector_load %arg10[%get3A_376, %get3A_377, %get3A_378] {strides = array<i32>} : memref<2x2048x16xf32, #tpu.memory_space<vmem>>, vector<1x1x16xf32>,
      %get3A_380 = vector.shape_cast %get3A_379 : vector<1x1x16xf32> to vector<16xf32>
      %add3A_381 = arith.addf %add3A_372, %get3A_380 : vector<16xf32>
      %add3A_382 = arith.constant 832 : i32
      %add3A_383 = arith.addi %add3A_382, %scan3A_285 : i32
      %get3A_384 = arith.constant 0 : i32
      %get3A_385 = arith.index_cast %get3A_384 : i32 to index
      %get3A_386 = arith.index_cast %add3A_383 : i32 to index
      %get3A_387 = arith.constant 0 : index
      %get3A_388 = tpu.vector_load %arg10[%get3A_385, %get3A_386, %get3A_387] {strides = array<i32>} : memref<2x2048x16xf32, #tpu.memory_space<vmem>>, vector<1x1x16xf32>,
      %get3A_389 = vector.shape_cast %get3A_388 : vector<1x1x16xf32> to vector<16xf32>
      %add3A_390 = arith.addf %add3A_381, %get3A_389 : vector<16xf32>
      %add3A_391 = arith.constant 1088 : i32
      %add3A_392 = arith.addi %add3A_391, %scan3A_285 : i32
      %get3A_393 = arith.constant 0 : i32
      %get3A_394 = arith.index_cast %get3A_393 : i32 to index
      %get3A_395 = arith.index_cast %add3A_392 : i32 to index
      %get3A_396 = arith.constant 0 : index
      %get3A_397 = tpu.vector_load %arg10[%get3A_394, %get3A_395, %get3A_396] {strides = array<i32>} : memref<2x2048x16xf32, #tpu.memory_space<vmem>>, vector<1x1x16xf32>,
      %get3A_398 = vector.shape_cast %get3A_397 : vector<1x1x16xf32> to vector<16xf32>
      %add3A_399 = arith.addf %add3A_390, %get3A_398 : vector<16xf32>
      %add3A_400 = arith.constant 1344 : i32
      %add3A_401 = arith.addi %add3A_400, %scan3A_285 : i32
      %get3A_402 = arith.constant 0 : i32
      %get3A_403 = arith.index_cast %get3A_402 : i32 to index
      %get3A_404 = arith.index_cast %add3A_401 : i32 to index
      %get3A_405 = arith.constant 0 : index
      %get3A_406 = tpu.vector_load %arg10[%get3A_403, %get3A_404, %get3A_405] {strides = array<i32>} : memref<2x2048x16xf32, #tpu.memory_space<vmem>>, vector<1x1x16xf32>,
      %get3A_407 = vector.shape_cast %get3A_406 : vector<1x1x16xf32> to vector<16xf32>
      %add3A_408 = arith.addf %add3A_399, %get3A_407 : vector<16xf32>
      %add3A_409 = arith.constant 1600 : i32
      %add3A_410 = arith.addi %add3A_409, %scan3A_285 : i32
      %get3A_411 = arith.constant 0 : i32
      %get3A_412 = arith.index_cast %get3A_411 : i32 to index
      %get3A_413 = arith.index_cast %add3A_410 : i32 to index
      %get3A_414 = arith.constant 0 : index
      %get3A_415 = tpu.vector_load %arg10[%get3A_412, %get3A_413, %get3A_414] {strides = array<i32>} : memref<2x2048x16xf32, #tpu.memory_space<vmem>>, vector<1x1x16xf32>,
      %get3A_416 = vector.shape_cast %get3A_415 : vector<1x1x16xf32> to vector<16xf32>
      %add3A_417 = arith.addf %add3A_408, %get3A_416 : vector<16xf32>
      %add3A_418 = arith.constant 1856 : i32
      %add3A_419 = arith.addi %add3A_418, %scan3A_285 : i32
      %get3A_420 = arith.constant 0 : i32
      %get3A_421 = arith.index_cast %get3A_420 : i32 to index
      %get3A_422 = arith.index_cast %add3A_419 : i32 to index
      %get3A_423 = arith.constant 0 : index
      %get3A_424 = tpu.vector_load %arg10[%get3A_421, %get3A_422, %get3A_423] {strides = array<i32>} : memref<2x2048x16xf32, #tpu.memory_space<vmem>>, vector<1x1x16xf32>,
      %get3A_425 = vector.shape_cast %get3A_424 : vector<1x1x16xf32> to vector<16xf32>
      %add3A_426 = arith.addf %add3A_417, %get3A_425 : vector<16xf32>
      %add3A_427 = arith.constant 128 : i32
      %add3A_428 = arith.addi %add3A_427, %scan3A_285 : i32
      %get3A_429 = arith.constant 0 : i32
      %get3A_430 = arith.index_cast %get3A_429 : i32 to index
      %get3A_431 = arith.index_cast %add3A_428 : i32 to index
      %get3A_432 = arith.constant 0 : index
      %get3A_433 = tpu.vector_load %arg10[%get3A_430, %get3A_431, %get3A_432] {strides = array<i32>} : memref<2x2048x16xf32, #tpu.memory_space<vmem>>, vector<1x1x16xf32>,
      %get3A_434 = vector.shape_cast %get3A_433 : vector<1x1x16xf32> to vector<16xf32>
      %add3A_435 = arith.constant 384 : i32
      %add3A_436 = arith.addi %add3A_435, %scan3A_285 : i32
      %get3A_437 = arith.constant 0 : i32
      %get3A_438 = arith.index_cast %get3A_437 : i32 to index
      %get3A_439 = arith.index_cast %add3A_436 : i32 to index
      %get3A_440 = arith.constant 0 : index
      %get3A_441 = tpu.vector_load %arg10[%get3A_438, %get3A_439, %get3A_440] {strides = array<i32>} : memref<2x2048x16xf32, #tpu.memory_space<vmem>>, vector<1x1x16xf32>,
      %get3A_442 = vector.shape_cast %get3A_441 : vector<1x1x16xf32> to vector<16xf32>
      %add3A_443 = arith.addf %get3A_434, %get3A_442 : vector<16xf32>
      %add3A_444 = arith.constant 640 : i32
      %add3A_445 = arith.addi %add3A_444, %scan3A_285 : i32
      %get3A_446 = arith.constant 0 : i32
      %get3A_447 = arith.index_cast %get3A_446 : i32 to index
      %get3A_448 = arith.index_cast %add3A_445 : i32 to index
      %get3A_449 = arith.constant 0 : index
      %get3A_450 = tpu.vector_load %arg10[%get3A_447, %get3A_448, %get3A_449] {strides = array<i32>} : memref<2x2048x16xf32, #tpu.memory_space<vmem>>, vector<1x1x16xf32>,
      %get3A_451 = vector.shape_cast %get3A_450 : vector<1x1x16xf32> to vector<16xf32>
      %add3A_452 = arith.addf %add3A_443, %get3A_451 : vector<16xf32>
      %add3A_453 = arith.constant 896 : i32
      %add3A_454 = arith.addi %add3A_453, %scan3A_285 : i32
      %get3A_455 = arith.constant 0 : i32
      %get3A_456 = arith.index_cast %get3A_455 : i32 to index
      %get3A_457 = arith.index_cast %add3A_454 : i32 to index
      %get3A_458 = arith.constant 0 : index
      %get3A_459 = tpu.vector_load %arg10[%get3A_456, %get3A_457, %get3A_458] {strides = array<i32>} : memref<2x2048x16xf32, #tpu.memory_space<vmem>>, vector<1x1x16xf32>,
      %get3A_460 = vector.shape_cast %get3A_459 : vector<1x1x16xf32> to vector<16xf32>
      %add3A_461 = arith.addf %add3A_452, %get3A_460 : vector<16xf32>
      %add3A_462 = arith.constant 1152 : i32
      %add3A_463 = arith.addi %add3A_462, %scan3A_285 : i32
      %get3A_464 = arith.constant 0 : i32
      %get3A_465 = arith.index_cast %get3A_464 : i32 to index
      %get3A_466 = arith.index_cast %add3A_463 : i32 to index
      %get3A_467 = arith.constant 0 : index
      %get3A_468 = tpu.vector_load %arg10[%get3A_465, %get3A_466, %get3A_467] {strides = array<i32>} : memref<2x2048x16xf32, #tpu.memory_space<vmem>>, vector<1x1x16xf32>,
      %get3A_469 = vector.shape_cast %get3A_468 : vector<1x1x16xf32> to vector<16xf32>
      %add3A_470 = arith.addf %add3A_461, %get3A_469 : vector<16xf32>
      %add3A_471 = arith.constant 1408 : i32
      %add3A_472 = arith.addi %add3A_471, %scan3A_285 : i32
      %get3A_473 = arith.constant 0 : i32
      %get3A_474 = arith.index_cast %get3A_473 : i32 to index
      %get3A_475 = arith.index_cast %add3A_472 : i32 to index
      %get3A_476 = arith.constant 0 : index
      %get3A_477 = tpu.vector_load %arg10[%get3A_474, %get3A_475, %get3A_476] {strides = array<i32>} : memref<2x2048x16xf32, #tpu.memory_space<vmem>>, vector<1x1x16xf32>,
      %get3A_478 = vector.shape_cast %get3A_477 : vector<1x1x16xf32> to vector<16xf32>
      %add3A_479 = arith.addf %add3A_470, %get3A_478 : vector<16xf32>
      %add3A_480 = arith.constant 1664 : i32
      %add3A_481 = arith.addi %add3A_480, %scan3A_285 : i32
      %get3A_482 = arith.constant 0 : i32
      %get3A_483 = arith.index_cast %get3A_482 : i32 to index
      %get3A_484 = arith.index_cast %add3A_481 : i32 to index
      %get3A_485 = arith.constant 0 : index
      %get3A_486 = tpu.vector_load %arg10[%get3A_483, %get3A_484, %get3A_485] {strides = array<i32>} : memref<2x2048x16xf32, #tpu.memory_space<vmem>>, vector<1x1x16xf32>,
      %get3A_487 = vector.shape_cast %get3A_486 : vector<1x1x16xf32> to vector<16xf32>
      %add3A_488 = arith.addf %add3A_479, %get3A_487 : vector<16xf32>
      %add3A_489 = arith.constant 1920 : i32
      %add3A_490 = arith.addi %add3A_489, %scan3A_285 : i32
      %get3A_491 = arith.constant 0 : i32
      %get3A_492 = arith.index_cast %get3A_491 : i32 to index
      %get3A_493 = arith.index_cast %add3A_490 : i32 to index
      %get3A_494 = arith.constant 0 : index
      %get3A_495 = tpu.vector_load %arg10[%get3A_492, %get3A_493, %get3A_494] {strides = array<i32>} : memref<2x2048x16xf32, #tpu.memory_space<vmem>>, vector<1x1x16xf32>,
      %get3A_496 = vector.shape_cast %get3A_495 : vector<1x1x16xf32> to vector<16xf32>
      %add3A_497 = arith.addf %add3A_488, %get3A_496 : vector<16xf32>
      %add3A_498 = arith.constant 192 : i32
      %add3A_499 = arith.addi %add3A_498, %scan3A_285 : i32
      %get3A_500 = arith.constant 0 : i32
      %get3A_501 = arith.index_cast %get3A_500 : i32 to index
      %get3A_502 = arith.index_cast %add3A_499 : i32 to index
      %get3A_503 = arith.constant 0 : index
      %get3A_504 = tpu.vector_load %arg10[%get3A_501, %get3A_502, %get3A_503] {strides = array<i32>} : memref<2x2048x16xf32, #tpu.memory_space<vmem>>, vector<1x1x16xf32>,
      %get3A_505 = vector.shape_cast %get3A_504 : vector<1x1x16xf32> to vector<16xf32>
      %add3A_506 = arith.constant 448 : i32
      %add3A_507 = arith.addi %add3A_506, %scan3A_285 : i32
      %get3A_508 = arith.constant 0 : i32
      %get3A_509 = arith.index_cast %get3A_508 : i32 to index
      %get3A_510 = arith.index_cast %add3A_507 : i32 to index
      %get3A_511 = arith.constant 0 : index
      %get3A_512 = tpu.vector_load %arg10[%get3A_509, %get3A_510, %get3A_511] {strides = array<i32>} : memref<2x2048x16xf32, #tpu.memory_space<vmem>>, vector<1x1x16xf32>,
      %get3A_513 = vector.shape_cast %get3A_512 : vector<1x1x16xf32> to vector<16xf32>
      %add3A_514 = arith.addf %get3A_505, %get3A_513 : vector<16xf32>
      %add3A_515 = arith.constant 704 : i32
      %add3A_516 = arith.addi %add3A_515, %scan3A_285 : i32
      %get3A_517 = arith.constant 0 : i32
      %get3A_518 = arith.index_cast %get3A_517 : i32 to index
      %get3A_519 = arith.index_cast %add3A_516 : i32 to index
      %get3A_520 = arith.constant 0 : index
      %get3A_521 = tpu.vector_load %arg10[%get3A_518, %get3A_519, %get3A_520] {strides = array<i32>} : memref<2x2048x16xf32, #tpu.memory_space<vmem>>, vector<1x1x16xf32>,
      %get3A_522 = vector.shape_cast %get3A_521 : vector<1x1x16xf32> to vector<16xf32>
      %add3A_523 = arith.addf %add3A_514, %get3A_522 : vector<16xf32>
      %add3A_524 = arith.constant 960 : i32
      %add3A_525 = arith.addi %add3A_524, %scan3A_285 : i32
      %get3A_526 = arith.constant 0 : i32
      %get3A_527 = arith.index_cast %get3A_526 : i32 to index
      %get3A_528 = arith.index_cast %add3A_525 : i32 to index
      %get3A_529 = arith.constant 0 : index
      %get3A_530 = tpu.vector_load %arg10[%get3A_527, %get3A_528, %get3A_529] {strides = array<i32>} : memref<2x2048x16xf32, #tpu.memory_space<vmem>>, vector<1x1x16xf32>,
      %get3A_531 = vector.shape_cast %get3A_530 : vector<1x1x16xf32> to vector<16xf32>
      %add3A_532 = arith.addf %add3A_523, %get3A_531 : vector<16xf32>
      %add3A_533 = arith.constant 1216 : i32
      %add3A_534 = arith.addi %add3A_533, %scan3A_285 : i32
      %get3A_535 = arith.constant 0 : i32
      %get3A_536 = arith.index_cast %get3A_535 : i32 to index
      %get3A_537 = arith.index_cast %add3A_534 : i32 to index
      %get3A_538 = arith.constant 0 : index
      %get3A_539 = tpu.vector_load %arg10[%get3A_536, %get3A_537, %get3A_538] {strides = array<i32>} : memref<2x2048x16xf32, #tpu.memory_space<vmem>>, vector<1x1x16xf32>,
      %get3A_540 = vector.shape_cast %get3A_539 : vector<1x1x16xf32> to vector<16xf32>
      %add3A_541 = arith.addf %add3A_532, %get3A_540 : vector<16xf32>
      %add3A_542 = arith.constant 1472 : i32
      %add3A_543 = arith.addi %add3A_542, %scan3A_285 : i32
      %get3A_544 = arith.constant 0 : i32
      %get3A_545 = arith.index_cast %get3A_544 : i32 to index
      %get3A_546 = arith.index_cast %add3A_543 : i32 to index
      %get3A_547 = arith.constant 0 : index
      %get3A_548 = tpu.vector_load %arg10[%get3A_545, %get3A_546, %get3A_547] {strides = array<i32>} : memref<2x2048x16xf32, #tpu.memory_space<vmem>>, vector<1x1x16xf32>,
      %get3A_549 = vector.shape_cast %get3A_548 : vector<1x1x16xf32> to vector<16xf32>
      %add3A_550 = arith.addf %add3A_541, %get3A_549 : vector<16xf32>
      %add3A_551 = arith.constant 1728 : i32
      %add3A_552 = arith.addi %add3A_551, %scan3A_285 : i32
      %get3A_553 = arith.constant 0 : i32
      %get3A_554 = arith.index_cast %get3A_553 : i32 to index
      %get3A_555 = arith.index_cast %add3A_552 : i32 to index
      %get3A_556 = arith.constant 0 : index
      %get3A_557 = tpu.vector_load %arg10[%get3A_554, %get3A_555, %get3A_556] {strides = array<i32>} : memref<2x2048x16xf32, #tpu.memory_space<vmem>>, vector<1x1x16xf32>,
      %get3A_558 = vector.shape_cast %get3A_557 : vector<1x1x16xf32> to vector<16xf32>
      %add3A_559 = arith.addf %add3A_550, %get3A_558 : vector<16xf32>
      %add3A_560 = arith.constant 1984 : i32
      %add3A_561 = arith.addi %add3A_560, %scan3A_285 : i32
      %get3A_562 = arith.constant 0 : i32
      %get3A_563 = arith.index_cast %get3A_562 : i32 to index
      %get3A_564 = arith.index_cast %add3A_561 : i32 to index
      %get3A_565 = arith.constant 0 : index
      %get3A_566 = tpu.vector_load %arg10[%get3A_563, %get3A_564, %get3A_565] {strides = array<i32>} : memref<2x2048x16xf32, #tpu.memory_space<vmem>>, vector<1x1x16xf32>,
      %get3A_567 = vector.shape_cast %get3A_566 : vector<1x1x16xf32> to vector<16xf32>
      %add3A_568 = arith.addf %add3A_559, %get3A_567 : vector<16xf32>
      %get3A_569 = arith.index_cast %scan3A_285 : i32 to index
      %get3A_570 = arith.constant 0 : index
      %get3A_571 = tpu.vector_load %arg11[%get3A_569, %get3A_570] {strides = array<i32>} : memref<64x16xf32, #tpu.memory_space<vmem>>, vector<1x16xf32>,
      %get3A_572 = vector.shape_cast %get3A_571 : vector<1x16xf32> to vector<16xf32>
      %add3A_573 = arith.addf %add3A_355, %add3A_426 : vector<16xf32>
      %add3A_574 = arith.addf %add3A_497, %add3A_568 : vector<16xf32>
      %add3A_575 = arith.addf %add3A_573, %add3A_574 : vector<16xf32>
      %sub3A = arith.subf %get3A_572, %add3A_575 : vector<16xf32>
      %swap3A = arith.index_cast %scan3A_285 : i32 to index
      %swap3A_576 = arith.constant 0 : index
      %swap3A_577 = tpu.vector_load %arg11[%swap3A, %swap3A_576] {strides = array<i32>} : memref<64x16xf32, #tpu.memory_space<vmem>>, vector<1x16xf32>,
      %swap3A_578 = vector.shape_cast %swap3A_577 : vector<1x16xf32> to vector<16xf32>
      %swap3A_579 = vector.shape_cast %sub3A : vector<16xf32> to vector<1x16xf32>
      tpu.vector_store %arg11[%swap3A, %swap3A_576], %swap3A_579 {strides = array<i32>} : memref<64x16xf32, #tpu.memory_space<vmem>>, vector<1x16xf32>,
    }
    %scan3A_68 = arith.constant 64 : i32
    "tpu.region"() ({
      %run_scoped3A_285 = tpu.sem_alloc : memref<!tpu.dma_semaphore, #tpu.memory_space<semaphore_mem>>
      %dma_start3A_286 = arith.constant 0 : i32
      %dma_start3A_287 = tpu.memref_slice %arg6[%mul3A_51, %dma_start3A_286] : memref<12288x16xf32, #tpu.memory_space<hbm>> -> memref<64x16xf32, #tpu.memory_space<hbm>>
      %dma_start3A_288 = arith.constant 0 : i32
      %dma_start3A_289 = tpu.memref_slice %arg6[%mul3A_51, %dma_start3A_288] : memref<12288x16xf32, #tpu.memory_space<hbm>> -> memref<64x16xf32, #tpu.memory_space<hbm>>
      tpu.enqueue_dma source(%arg11 : memref<64x16xf32, #tpu.memory_space<vmem>>) target(%dma_start3A_289 : memref<64x16xf32, #tpu.memory_space<hbm>>) target_semaphore(%run_scoped3A_285 : memref<!tpu.dma_semaphore, #tpu.memory_space<semaphore_mem>>)
      %dma_wait3A_290 = arith.constant 0 : i32
      %dma_wait3A_291 = tpu.memref_slice %arg6[%mul3A_51, %dma_wait3A_290] : memref<12288x16xf32, #tpu.memory_space<hbm>> -> memref<64x16xf32, #tpu.memory_space<hbm>>
      %dma_wait3A_292 = arith.constant 0 : i32
      %dma_wait3A_293 = tpu.memref_slice %arg6[%mul3A_51, %dma_wait3A_292] : memref<12288x16xf32, #tpu.memory_space<hbm>> -> memref<64x16xf32, #tpu.memory_space<hbm>>
      tpu.wait_dma2 semaphore(%run_scoped3A_285 : memref<!tpu.dma_semaphore, #tpu.memory_space<semaphore_mem>>) src(%arg11 : memref<64x16xf32, #tpu.memory_space<vmem>>) dst(%dma_wait3A_293 : memref<64x16xf32, #tpu.memory_space<hbm>>)
      tpu.yield
    }) : () -> ()
    %mul3A_69 = arith.constant 6 : i32
    %mul3A_70 = arith.muli %add3A, %mul3A_69 : i32
    %add3A_71 = arith.constant 2 : i32
    %add3A_72 = arith.addi %mul3A_70, %add3A_71 : i32
    %run_scoped3A_73 = arith.constant 0 : i32
    "tpu.region"() ({
      %run_scoped3A_285 = tpu.sem_alloc : memref<!tpu.dma_semaphore, #tpu.memory_space<semaphore_mem>>
      %dma_start3A_286 = arith.constant 0 : i32
      %dma_start3A_287 = arith.constant 0 : i32
      %dma_start3A_288 = tpu.memref_slice %arg7[%run_scoped3A_73, %dma_start3A_286, %dma_start3A_287] : memref<2x32x64xi32, #tpu.memory_space<vmem>> -> memref<1x32x64xi32, #tpu.memory_space<vmem>>
      %dma_start3A_289 = tpu.memref_squeeze %dma_start3A_288 : memref<1x32x64xi32, #tpu.memory_space<vmem>> -> memref<32x64xi32, #tpu.memory_space<vmem>>
      %dma_start3A_290 = arith.constant 0 : i32
      %dma_start3A_291 = arith.constant 0 : i32
      %dma_start3A_292 = tpu.memref_slice %arg3[%add3A_72, %dma_start3A_290, %dma_start3A_291] : memref<192x32x64xi32, #tpu.memory_space<hbm>> -> memref<1x32x64xi32, #tpu.memory_space<hbm>>
      %dma_start3A_293 = tpu.memref_squeeze %dma_start3A_292 : memref<1x32x64xi32, #tpu.memory_space<hbm>> -> memref<32x64xi32, #tpu.memory_space<hbm>>
      %dma_start3A_294 = arith.constant 0 : i32
      %dma_start3A_295 = arith.constant 0 : i32
      %dma_start3A_296 = tpu.memref_slice %arg7[%run_scoped3A_73, %dma_start3A_294, %dma_start3A_295] : memref<2x32x64xi32, #tpu.memory_space<vmem>> -> memref<1x32x64xi32, #tpu.memory_space<vmem>>
      %dma_start3A_297 = tpu.memref_squeeze %dma_start3A_296 : memref<1x32x64xi32, #tpu.memory_space<vmem>> -> memref<32x64xi32, #tpu.memory_space<vmem>>
      %dma_start3A_298 = arith.constant 0 : i32
      %dma_start3A_299 = arith.constant 0 : i32
      %dma_start3A_300 = tpu.memref_slice %arg3[%add3A_72, %dma_start3A_298, %dma_start3A_299] : memref<192x32x64xi32, #tpu.memory_space<hbm>> -> memref<1x32x64xi32, #tpu.memory_space<hbm>>
      %dma_start3A_301 = tpu.memref_squeeze %dma_start3A_300 : memref<1x32x64xi32, #tpu.memory_space<hbm>> -> memref<32x64xi32, #tpu.memory_space<hbm>>
      tpu.enqueue_dma source(%dma_start3A_301 : memref<32x64xi32, #tpu.memory_space<hbm>>) target(%dma_start3A_297 : memref<32x64xi32, #tpu.memory_space<vmem>>) target_semaphore(%run_scoped3A_285 : memref<!tpu.dma_semaphore, #tpu.memory_space<semaphore_mem>>)
      %dma_wait3A_302 = arith.constant 0 : i32
      %dma_wait3A_303 = arith.constant 0 : i32
      %dma_wait3A_304 = tpu.memref_slice %arg7[%run_scoped3A_73, %dma_wait3A_302, %dma_wait3A_303] : memref<2x32x64xi32, #tpu.memory_space<vmem>> -> memref<1x32x64xi32, #tpu.memory_space<vmem>>
      %dma_wait3A_305 = tpu.memref_squeeze %dma_wait3A_304 : memref<1x32x64xi32, #tpu.memory_space<vmem>> -> memref<32x64xi32, #tpu.memory_space<vmem>>
      %dma_wait3A_306 = arith.constant 0 : i32
      %dma_wait3A_307 = arith.constant 0 : i32
      %dma_wait3A_308 = tpu.memref_slice %arg3[%add3A_72, %dma_wait3A_306, %dma_wait3A_307] : memref<192x32x64xi32, #tpu.memory_space<hbm>> -> memref<1x32x64xi32, #tpu.memory_space<hbm>>
      %dma_wait3A_309 = tpu.memref_squeeze %dma_wait3A_308 : memref<1x32x64xi32, #tpu.memory_space<hbm>> -> memref<32x64xi32, #tpu.memory_space<hbm>>
      %dma_wait3A_310 = arith.constant 0 : i32
      %dma_wait3A_311 = arith.constant 0 : i32
      %dma_wait3A_312 = tpu.memref_slice %arg7[%run_scoped3A_73, %dma_wait3A_310, %dma_wait3A_311] : memref<2x32x64xi32, #tpu.memory_space<vmem>> -> memref<1x32x64xi32, #tpu.memory_space<vmem>>
      %dma_wait3A_313 = tpu.memref_squeeze %dma_wait3A_312 : memref<1x32x64xi32, #tpu.memory_space<vmem>> -> memref<32x64xi32, #tpu.memory_space<vmem>>
      %dma_wait3A_314 = arith.constant 0 : i32
      %dma_wait3A_315 = arith.constant 0 : i32
      %dma_wait3A_316 = tpu.memref_slice %arg3[%add3A_72, %dma_wait3A_314, %dma_wait3A_315] : memref<192x32x64xi32, #tpu.memory_space<hbm>> -> memref<1x32x64xi32, #tpu.memory_space<hbm>>
      %dma_wait3A_317 = tpu.memref_squeeze %dma_wait3A_316 : memref<1x32x64xi32, #tpu.memory_space<hbm>> -> memref<32x64xi32, #tpu.memory_space<hbm>>
      tpu.wait_dma2 semaphore(%run_scoped3A_285 : memref<!tpu.dma_semaphore, #tpu.memory_space<semaphore_mem>>) src(%dma_wait3A_317 : memref<32x64xi32, #tpu.memory_space<hbm>>) dst(%dma_wait3A_313 : memref<32x64xi32, #tpu.memory_space<vmem>>)
      tpu.yield
    }) : () -> ()
    %run_scoped3A_74 = arith.constant 0 : i32
    "tpu.region"() ({
      %run_scoped3A_285 = tpu.sem_alloc : memref<!tpu.dma_semaphore, #tpu.memory_space<semaphore_mem>>
      %dma_start3A_286 = arith.constant 0 : i32
      %dma_start3A_287 = arith.constant 0 : i32
      %dma_start3A_288 = tpu.memref_slice %arg8[%run_scoped3A_74, %dma_start3A_286, %dma_start3A_287] : memref<2x32x64xi32, #tpu.memory_space<vmem>> -> memref<1x32x64xi32, #tpu.memory_space<vmem>>
      %dma_start3A_289 = tpu.memref_squeeze %dma_start3A_288 : memref<1x32x64xi32, #tpu.memory_space<vmem>> -> memref<32x64xi32, #tpu.memory_space<vmem>>
      %dma_start3A_290 = arith.constant 0 : i32
      %dma_start3A_291 = arith.constant 0 : i32
      %dma_start3A_292 = tpu.memref_slice %arg4[%add3A_72, %dma_start3A_290, %dma_start3A_291] : memref<192x32x64xi32, #tpu.memory_space<hbm>> -> memref<1x32x64xi32, #tpu.memory_space<hbm>>
      %dma_start3A_293 = tpu.memref_squeeze %dma_start3A_292 : memref<1x32x64xi32, #tpu.memory_space<hbm>> -> memref<32x64xi32, #tpu.memory_space<hbm>>
      %dma_start3A_294 = arith.constant 0 : i32
      %dma_start3A_295 = arith.constant 0 : i32
      %dma_start3A_296 = tpu.memref_slice %arg8[%run_scoped3A_74, %dma_start3A_294, %dma_start3A_295] : memref<2x32x64xi32, #tpu.memory_space<vmem>> -> memref<1x32x64xi32, #tpu.memory_space<vmem>>
      %dma_start3A_297 = tpu.memref_squeeze %dma_start3A_296 : memref<1x32x64xi32, #tpu.memory_space<vmem>> -> memref<32x64xi32, #tpu.memory_space<vmem>>
      %dma_start3A_298 = arith.constant 0 : i32
      %dma_start3A_299 = arith.constant 0 : i32
      %dma_start3A_300 = tpu.memref_slice %arg4[%add3A_72, %dma_start3A_298, %dma_start3A_299] : memref<192x32x64xi32, #tpu.memory_space<hbm>> -> memref<1x32x64xi32, #tpu.memory_space<hbm>>
      %dma_start3A_301 = tpu.memref_squeeze %dma_start3A_300 : memref<1x32x64xi32, #tpu.memory_space<hbm>> -> memref<32x64xi32, #tpu.memory_space<hbm>>
      tpu.enqueue_dma source(%dma_start3A_301 : memref<32x64xi32, #tpu.memory_space<hbm>>) target(%dma_start3A_297 : memref<32x64xi32, #tpu.memory_space<vmem>>) target_semaphore(%run_scoped3A_285 : memref<!tpu.dma_semaphore, #tpu.memory_space<semaphore_mem>>)
      %dma_wait3A_302 = arith.constant 0 : i32
      %dma_wait3A_303 = arith.constant 0 : i32
      %dma_wait3A_304 = tpu.memref_slice %arg8[%run_scoped3A_74, %dma_wait3A_302, %dma_wait3A_303] : memref<2x32x64xi32, #tpu.memory_space<vmem>> -> memref<1x32x64xi32, #tpu.memory_space<vmem>>
      %dma_wait3A_305 = tpu.memref_squeeze %dma_wait3A_304 : memref<1x32x64xi32, #tpu.memory_space<vmem>> -> memref<32x64xi32, #tpu.memory_space<vmem>>
      %dma_wait3A_306 = arith.constant 0 : i32
      %dma_wait3A_307 = arith.constant 0 : i32
      %dma_wait3A_308 = tpu.memref_slice %arg4[%add3A_72, %dma_wait3A_306, %dma_wait3A_307] : memref<192x32x64xi32, #tpu.memory_space<hbm>> -> memref<1x32x64xi32, #tpu.memory_space<hbm>>
      %dma_wait3A_309 = tpu.memref_squeeze %dma_wait3A_308 : memref<1x32x64xi32, #tpu.memory_space<hbm>> -> memref<32x64xi32, #tpu.memory_space<hbm>>
      %dma_wait3A_310 = arith.constant 0 : i32
      %dma_wait3A_311 = arith.constant 0 : i32
      %dma_wait3A_312 = tpu.memref_slice %arg8[%run_scoped3A_74, %dma_wait3A_310, %dma_wait3A_311] : memref<2x32x64xi32, #tpu.memory_space<vmem>> -> memref<1x32x64xi32, #tpu.memory_space<vmem>>
      %dma_wait3A_313 = tpu.memref_squeeze %dma_wait3A_312 : memref<1x32x64xi32, #tpu.memory_space<vmem>> -> memref<32x64xi32, #tpu.memory_space<vmem>>
      %dma_wait3A_314 = arith.constant 0 : i32
      %dma_wait3A_315 = arith.constant 0 : i32
      %dma_wait3A_316 = tpu.memref_slice %arg4[%add3A_72, %dma_wait3A_314, %dma_wait3A_315] : memref<192x32x64xi32, #tpu.memory_space<hbm>> -> memref<1x32x64xi32, #tpu.memory_space<hbm>>
      %dma_wait3A_317 = tpu.memref_squeeze %dma_wait3A_316 : memref<1x32x64xi32, #tpu.memory_space<hbm>> -> memref<32x64xi32, #tpu.memory_space<hbm>>
      tpu.wait_dma2 semaphore(%run_scoped3A_285 : memref<!tpu.dma_semaphore, #tpu.memory_space<semaphore_mem>>) src(%dma_wait3A_317 : memref<32x64xi32, #tpu.memory_space<hbm>>) dst(%dma_wait3A_313 : memref<32x64xi32, #tpu.memory_space<vmem>>)
      tpu.yield
    }) : () -> ()
    %scan3A_75 = arith.constant 0 : i32
    %scan3A_76 = arith.constant 0 : i32
    %scan3A_77 = arith.constant 32 : i32
    %scan3A_78 = arith.addi %scan3A_76, %scan3A_77 : i32
    %scan3A_79 = arith.constant 1 : i32
    scf.for %scan3A_285 = %scan3A_76 to %scan3A_78 step %scan3A_79  : i32 {
      %get3A = arith.constant 0 : i32
      %get3A_286 = arith.index_cast %get3A : i32 to index
      %get3A_287 = arith.index_cast %scan3A_285 : i32 to index
      %get3A_288 = arith.constant 0 : index
      %get3A_289 = tpu.vector_load %arg7[%get3A_286, %get3A_287, %get3A_288] {strides = array<i32>} : memref<2x32x64xi32, #tpu.memory_space<vmem>>, vector<1x1x16xi32>,
      %get3A_290 = vector.shape_cast %get3A_289 : vector<1x1x16xi32> to vector<16xi32>
      %mul3A_291 = arith.constant 32 : i32
      %mul3A_292 = vector.broadcast %mul3A_291 : i32 to vector<16xi32>
      %mul3A_293 = arith.muli %get3A_290, %mul3A_292 : vector<16xi32>
      %get3A_294 = arith.constant 0 : i32
      %get3A_295 = arith.index_cast %get3A_294 : i32 to index
      %get3A_296 = arith.index_cast %scan3A_285 : i32 to index
      %get3A_297 = arith.constant 0 : index
      %get3A_298 = tpu.vector_load %arg8[%get3A_295, %get3A_296, %get3A_297] {strides = array<i32>} : memref<2x32x64xi32, #tpu.memory_space<vmem>>, vector<1x1x16xi32>,
      %get3A_299 = vector.shape_cast %get3A_298 : vector<1x1x16xi32> to vector<16xi32>
      %add3A_300 = arith.addi %mul3A_293, %get3A_299 : vector<16xi32>
      %mul3A_301 = arith.constant 64 : i32
      %mul3A_302 = arith.muli %scan3A_285, %mul3A_301 : i32
      %add3A_303 = arith.constant 0 : i32
      %add3A_304 = arith.addi %mul3A_302, %add3A_303 : i32
      %swap3A = arith.constant 0 : i32
      %swap3A_305 = arith.index_cast %swap3A : i32 to index
      %swap3A_306 = arith.index_cast %add3A_304 : i32 to index
      %swap3A_307 = tpu.vector_load %arg9[%swap3A_305, %swap3A_306] {strides = array<i32>} : memref<2x2048xi32, #tpu.memory_space<vmem>>, vector<1x16xi32>,
      %swap3A_308 = vector.shape_cast %swap3A_307 : vector<1x16xi32> to vector<16xi32>
      %swap3A_309 = vector.shape_cast %add3A_300 : vector<16xi32> to vector<1x16xi32>
      tpu.vector_store %arg9[%swap3A_305, %swap3A_306], %swap3A_309 {strides = array<i32>} : memref<2x2048xi32, #tpu.memory_space<vmem>>, vector<1x16xi32>,
      %get3A_310 = arith.constant 0 : i32
      %get3A_311 = arith.index_cast %get3A_310 : i32 to index
      %get3A_312 = arith.index_cast %scan3A_285 : i32 to index
      %get3A_313 = arith.constant 16 : index
      %get3A_314 = tpu.vector_load %arg7[%get3A_311, %get3A_312, %get3A_313] {strides = array<i32>} : memref<2x32x64xi32, #tpu.memory_space<vmem>>, vector<1x1x16xi32>,
      %get3A_315 = vector.shape_cast %get3A_314 : vector<1x1x16xi32> to vector<16xi32>
      %mul3A_316 = arith.constant 32 : i32
      %mul3A_317 = vector.broadcast %mul3A_316 : i32 to vector<16xi32>
      %mul3A_318 = arith.muli %get3A_315, %mul3A_317 : vector<16xi32>
      %get3A_319 = arith.constant 0 : i32
      %get3A_320 = arith.index_cast %get3A_319 : i32 to index
      %get3A_321 = arith.index_cast %scan3A_285 : i32 to index
      %get3A_322 = arith.constant 16 : index
      %get3A_323 = tpu.vector_load %arg8[%get3A_320, %get3A_321, %get3A_322] {strides = array<i32>} : memref<2x32x64xi32, #tpu.memory_space<vmem>>, vector<1x1x16xi32>,
      %get3A_324 = vector.shape_cast %get3A_323 : vector<1x1x16xi32> to vector<16xi32>
      %add3A_325 = arith.addi %mul3A_318, %get3A_324 : vector<16xi32>
      %mul3A_326 = arith.constant 64 : i32
      %mul3A_327 = arith.muli %scan3A_285, %mul3A_326 : i32
      %add3A_328 = arith.constant 16 : i32
      %add3A_329 = arith.addi %mul3A_327, %add3A_328 : i32
      %swap3A_330 = arith.constant 0 : i32
      %swap3A_331 = arith.index_cast %swap3A_330 : i32 to index
      %swap3A_332 = arith.index_cast %add3A_329 : i32 to index
      %swap3A_333 = tpu.vector_load %arg9[%swap3A_331, %swap3A_332] {strides = array<i32>} : memref<2x2048xi32, #tpu.memory_space<vmem>>, vector<1x16xi32>,
      %swap3A_334 = vector.shape_cast %swap3A_333 : vector<1x16xi32> to vector<16xi32>
      %swap3A_335 = vector.shape_cast %add3A_325 : vector<16xi32> to vector<1x16xi32>
      tpu.vector_store %arg9[%swap3A_331, %swap3A_332], %swap3A_335 {strides = array<i32>} : memref<2x2048xi32, #tpu.memory_space<vmem>>, vector<1x16xi32>,
      %get3A_336 = arith.constant 0 : i32
      %get3A_337 = arith.index_cast %get3A_336 : i32 to index
      %get3A_338 = arith.index_cast %scan3A_285 : i32 to index
      %get3A_339 = arith.constant 32 : index
      %get3A_340 = tpu.vector_load %arg7[%get3A_337, %get3A_338, %get3A_339] {strides = array<i32>} : memref<2x32x64xi32, #tpu.memory_space<vmem>>, vector<1x1x16xi32>,
      %get3A_341 = vector.shape_cast %get3A_340 : vector<1x1x16xi32> to vector<16xi32>
      %mul3A_342 = arith.constant 32 : i32
      %mul3A_343 = vector.broadcast %mul3A_342 : i32 to vector<16xi32>
      %mul3A_344 = arith.muli %get3A_341, %mul3A_343 : vector<16xi32>
      %get3A_345 = arith.constant 0 : i32
      %get3A_346 = arith.index_cast %get3A_345 : i32 to index
      %get3A_347 = arith.index_cast %scan3A_285 : i32 to index
      %get3A_348 = arith.constant 32 : index
      %get3A_349 = tpu.vector_load %arg8[%get3A_346, %get3A_347, %get3A_348] {strides = array<i32>} : memref<2x32x64xi32, #tpu.memory_space<vmem>>, vector<1x1x16xi32>,
      %get3A_350 = vector.shape_cast %get3A_349 : vector<1x1x16xi32> to vector<16xi32>
      %add3A_351 = arith.addi %mul3A_344, %get3A_350 : vector<16xi32>
      %mul3A_352 = arith.constant 64 : i32
      %mul3A_353 = arith.muli %scan3A_285, %mul3A_352 : i32
      %add3A_354 = arith.constant 32 : i32
      %add3A_355 = arith.addi %mul3A_353, %add3A_354 : i32
      %swap3A_356 = arith.constant 0 : i32
      %swap3A_357 = arith.index_cast %swap3A_356 : i32 to index
      %swap3A_358 = arith.index_cast %add3A_355 : i32 to index
      %swap3A_359 = tpu.vector_load %arg9[%swap3A_357, %swap3A_358] {strides = array<i32>} : memref<2x2048xi32, #tpu.memory_space<vmem>>, vector<1x16xi32>,
      %swap3A_360 = vector.shape_cast %swap3A_359 : vector<1x16xi32> to vector<16xi32>
      %swap3A_361 = vector.shape_cast %add3A_351 : vector<16xi32> to vector<1x16xi32>
      tpu.vector_store %arg9[%swap3A_357, %swap3A_358], %swap3A_361 {strides = array<i32>} : memref<2x2048xi32, #tpu.memory_space<vmem>>, vector<1x16xi32>,
      %get3A_362 = arith.constant 0 : i32
      %get3A_363 = arith.index_cast %get3A_362 : i32 to index
      %get3A_364 = arith.index_cast %scan3A_285 : i32 to index
      %get3A_365 = arith.constant 48 : index
      %get3A_366 = tpu.vector_load %arg7[%get3A_363, %get3A_364, %get3A_365] {strides = array<i32>} : memref<2x32x64xi32, #tpu.memory_space<vmem>>, vector<1x1x16xi32>,
      %get3A_367 = vector.shape_cast %get3A_366 : vector<1x1x16xi32> to vector<16xi32>
      %mul3A_368 = arith.constant 32 : i32
      %mul3A_369 = vector.broadcast %mul3A_368 : i32 to vector<16xi32>
      %mul3A_370 = arith.muli %get3A_367, %mul3A_369 : vector<16xi32>
      %get3A_371 = arith.constant 0 : i32
      %get3A_372 = arith.index_cast %get3A_371 : i32 to index
      %get3A_373 = arith.index_cast %scan3A_285 : i32 to index
      %get3A_374 = arith.constant 48 : index
      %get3A_375 = tpu.vector_load %arg8[%get3A_372, %get3A_373, %get3A_374] {strides = array<i32>} : memref<2x32x64xi32, #tpu.memory_space<vmem>>, vector<1x1x16xi32>,
      %get3A_376 = vector.shape_cast %get3A_375 : vector<1x1x16xi32> to vector<16xi32>
      %add3A_377 = arith.addi %mul3A_370, %get3A_376 : vector<16xi32>
      %mul3A_378 = arith.constant 64 : i32
      %mul3A_379 = arith.muli %scan3A_285, %mul3A_378 : i32
      %add3A_380 = arith.constant 48 : i32
      %add3A_381 = arith.addi %mul3A_379, %add3A_380 : i32
      %swap3A_382 = arith.constant 0 : i32
      %swap3A_383 = arith.index_cast %swap3A_382 : i32 to index
      %swap3A_384 = arith.index_cast %add3A_381 : i32 to index
      %swap3A_385 = tpu.vector_load %arg9[%swap3A_383, %swap3A_384] {strides = array<i32>} : memref<2x2048xi32, #tpu.memory_space<vmem>>, vector<1x16xi32>,
      %swap3A_386 = vector.shape_cast %swap3A_385 : vector<1x16xi32> to vector<16xi32>
      %swap3A_387 = vector.shape_cast %add3A_377 : vector<16xi32> to vector<1x16xi32>
      tpu.vector_store %arg9[%swap3A_383, %swap3A_384], %swap3A_387 {strides = array<i32>} : memref<2x2048xi32, #tpu.memory_space<vmem>>, vector<1x16xi32>,
    }
    %scan3A_80 = arith.constant 32 : i32
    %dma_start3A_81 = arith.constant 0 : i32
    %dma_start3A_82 = arith.constant 0 : i32
    %dma_start3A_83 = arith.constant 0 : i32
    %dma_start3A_84 = arith.constant 0 : i32
    %dma_start3A_85 = tpu.memref_slice %arg10[%dma_start3A_82, %dma_start3A_83, %dma_start3A_84] : memref<2x2048x16xf32, #tpu.memory_space<vmem>> -> memref<1x2048x16xf32, #tpu.memory_space<vmem>>
    %dma_start3A_86 = tpu.memref_squeeze %dma_start3A_85 : memref<1x2048x16xf32, #tpu.memory_space<vmem>> -> memref<2048x16xf32, #tpu.memory_space<vmem>>
    %dma_start3A_87 = arith.constant 0 : i32
    %dma_start3A_88 = tpu.memref_slice %arg9[%dma_start3A_81, %dma_start3A_87] : memref<2x2048xi32, #tpu.memory_space<vmem>> -> memref<1x2048xi32, #tpu.memory_space<vmem>>
    %dma_start3A_89 = tpu.memref_squeeze %dma_start3A_88 : memref<1x2048xi32, #tpu.memory_space<vmem>> -> memref<2048xi32, #tpu.memory_space<vmem>>
    %dma_start3A_90 = arith.constant 0 : i32
    %dma_start3A_91 = arith.constant 0 : i32
    %dma_start3A_92 = tpu.memref_slice %arg2[%dma_start3A_90, %dma_start3A_91] : memref<320000x16xf32, #tpu.memory_space<hbm>> -> memref<320000x16xf32, #tpu.memory_space<hbm>>
    tpu.enqueue_indirect_dma source(%dma_start3A_92 : memref<320000x16xf32, #tpu.memory_space<hbm>>) target(%dma_start3A_86 : memref<2048x16xf32, #tpu.memory_space<vmem>>) offsets(%dma_start3A_89 : memref<2048xi32, #tpu.memory_space<vmem>>) semaphore(%arg12 : memref<!tpu.dma_semaphore, #tpu.memory_space<semaphore_mem>>)
    %mul3A_93 = arith.constant 6 : i32
    %mul3A_94 = arith.muli %add3A, %mul3A_93 : i32
    %add3A_95 = arith.constant 1 : i32
    %add3A_96 = arith.addi %mul3A_94, %add3A_95 : i32
    %mul3A_97 = arith.constant 64 : i32
    %mul3A_98 = arith.muli %add3A_96, %mul3A_97 : i32
    "tpu.region"() ({
      %run_scoped3A_285 = tpu.sem_alloc : memref<!tpu.dma_semaphore, #tpu.memory_space<semaphore_mem>>
      %dma_start3A_286 = arith.constant 0 : i32
      %dma_start3A_287 = tpu.memref_slice %arg5[%mul3A_98, %dma_start3A_286] : memref<12288x16xf32, #tpu.memory_space<hbm>> -> memref<64x16xf32, #tpu.memory_space<hbm>>
      %dma_start3A_288 = arith.constant 0 : i32
      %dma_start3A_289 = tpu.memref_slice %arg5[%mul3A_98, %dma_start3A_288] : memref<12288x16xf32, #tpu.memory_space<hbm>> -> memref<64x16xf32, #tpu.memory_space<hbm>>
      tpu.enqueue_dma source(%dma_start3A_289 : memref<64x16xf32, #tpu.memory_space<hbm>>) target(%arg11 : memref<64x16xf32, #tpu.memory_space<vmem>>) target_semaphore(%run_scoped3A_285 : memref<!tpu.dma_semaphore, #tpu.memory_space<semaphore_mem>>)
      %dma_wait3A_290 = arith.constant 0 : i32
      %dma_wait3A_291 = tpu.memref_slice %arg5[%mul3A_98, %dma_wait3A_290] : memref<12288x16xf32, #tpu.memory_space<hbm>> -> memref<64x16xf32, #tpu.memory_space<hbm>>
      %dma_wait3A_292 = arith.constant 0 : i32
      %dma_wait3A_293 = tpu.memref_slice %arg5[%mul3A_98, %dma_wait3A_292] : memref<12288x16xf32, #tpu.memory_space<hbm>> -> memref<64x16xf32, #tpu.memory_space<hbm>>
      tpu.wait_dma2 semaphore(%run_scoped3A_285 : memref<!tpu.dma_semaphore, #tpu.memory_space<semaphore_mem>>) src(%dma_wait3A_293 : memref<64x16xf32, #tpu.memory_space<hbm>>) dst(%arg11 : memref<64x16xf32, #tpu.memory_space<vmem>>)
      tpu.yield
    }) : () -> ()
    %dma_wait3A_99 = arith.constant 1 : i32
    %dma_wait3A_100 = arith.constant 1 : i32
    %dma_wait3A_101 = arith.constant 0 : i32
    %dma_wait3A_102 = arith.constant 0 : i32
    %dma_wait3A_103 = tpu.memref_slice %arg10[%dma_wait3A_100, %dma_wait3A_101, %dma_wait3A_102] : memref<2x2048x16xf32, #tpu.memory_space<vmem>> -> memref<1x2048x16xf32, #tpu.memory_space<vmem>>
    %dma_wait3A_104 = tpu.memref_squeeze %dma_wait3A_103 : memref<1x2048x16xf32, #tpu.memory_space<vmem>> -> memref<2048x16xf32, #tpu.memory_space<vmem>>
    %dma_wait3A_105 = arith.constant 0 : i32
    %dma_wait3A_106 = tpu.memref_slice %arg9[%dma_wait3A_99, %dma_wait3A_105] : memref<2x2048xi32, #tpu.memory_space<vmem>> -> memref<1x2048xi32, #tpu.memory_space<vmem>>
    %dma_wait3A_107 = tpu.memref_squeeze %dma_wait3A_106 : memref<1x2048xi32, #tpu.memory_space<vmem>> -> memref<2048xi32, #tpu.memory_space<vmem>>
    %dma_wait3A_108 = arith.constant 0 : i32
    %dma_wait3A_109 = arith.constant 0 : i32
    %dma_wait3A_110 = tpu.memref_slice %arg2[%dma_wait3A_108, %dma_wait3A_109] : memref<320000x16xf32, #tpu.memory_space<hbm>> -> memref<320000x16xf32, #tpu.memory_space<hbm>>
    tpu.wait_indirect_dma semaphore(%arg13 : memref<!tpu.dma_semaphore, #tpu.memory_space<semaphore_mem>>) src(%dma_wait3A_110 : memref<320000x16xf32, #tpu.memory_space<hbm>>) dst(%dma_wait3A_104 : memref<2048x16xf32, #tpu.memory_space<vmem>>)
    %scan3A_111 = arith.constant 0 : i32
    %scan3A_112 = arith.constant 0 : i32
    %scan3A_113 = arith.constant 64 : i32
    %scan3A_114 = arith.addi %scan3A_112, %scan3A_113 : i32
    %scan3A_115 = arith.constant 1 : i32
    scf.for %scan3A_285 = %scan3A_112 to %scan3A_114 step %scan3A_115  : i32 {
      %add3A_286 = arith.constant 0 : i32
      %add3A_287 = arith.addi %add3A_286, %scan3A_285 : i32
      %get3A = arith.constant 1 : i32
      %get3A_288 = arith.index_cast %get3A : i32 to index
      %get3A_289 = arith.index_cast %add3A_287 : i32 to index
      %get3A_290 = arith.constant 0 : index
      %get3A_291 = tpu.vector_load %arg10[%get3A_288, %get3A_289, %get3A_290] {strides = array<i32>} : memref<2x2048x16xf32, #tpu.memory_space<vmem>>, vector<1x1x16xf32>,
      %get3A_292 = vector.shape_cast %get3A_291 : vector<1x1x16xf32> to vector<16xf32>
      %add3A_293 = arith.constant 256 : i32
      %add3A_294 = arith.addi %add3A_293, %scan3A_285 : i32
      %get3A_295 = arith.constant 1 : i32
      %get3A_296 = arith.index_cast %get3A_295 : i32 to index
      %get3A_297 = arith.index_cast %add3A_294 : i32 to index
      %get3A_298 = arith.constant 0 : index
      %get3A_299 = tpu.vector_load %arg10[%get3A_296, %get3A_297, %get3A_298] {strides = array<i32>} : memref<2x2048x16xf32, #tpu.memory_space<vmem>>, vector<1x1x16xf32>,
      %get3A_300 = vector.shape_cast %get3A_299 : vector<1x1x16xf32> to vector<16xf32>
      %add3A_301 = arith.addf %get3A_292, %get3A_300 : vector<16xf32>
      %add3A_302 = arith.constant 512 : i32
      %add3A_303 = arith.addi %add3A_302, %scan3A_285 : i32
      %get3A_304 = arith.constant 1 : i32
      %get3A_305 = arith.index_cast %get3A_304 : i32 to index
      %get3A_306 = arith.index_cast %add3A_303 : i32 to index
      %get3A_307 = arith.constant 0 : index
      %get3A_308 = tpu.vector_load %arg10[%get3A_305, %get3A_306, %get3A_307] {strides = array<i32>} : memref<2x2048x16xf32, #tpu.memory_space<vmem>>, vector<1x1x16xf32>,
      %get3A_309 = vector.shape_cast %get3A_308 : vector<1x1x16xf32> to vector<16xf32>
      %add3A_310 = arith.addf %add3A_301, %get3A_309 : vector<16xf32>
      %add3A_311 = arith.constant 768 : i32
      %add3A_312 = arith.addi %add3A_311, %scan3A_285 : i32
      %get3A_313 = arith.constant 1 : i32
      %get3A_314 = arith.index_cast %get3A_313 : i32 to index
      %get3A_315 = arith.index_cast %add3A_312 : i32 to index
      %get3A_316 = arith.constant 0 : index
      %get3A_317 = tpu.vector_load %arg10[%get3A_314, %get3A_315, %get3A_316] {strides = array<i32>} : memref<2x2048x16xf32, #tpu.memory_space<vmem>>, vector<1x1x16xf32>,
      %get3A_318 = vector.shape_cast %get3A_317 : vector<1x1x16xf32> to vector<16xf32>
      %add3A_319 = arith.addf %add3A_310, %get3A_318 : vector<16xf32>
      %add3A_320 = arith.constant 1024 : i32
      %add3A_321 = arith.addi %add3A_320, %scan3A_285 : i32
      %get3A_322 = arith.constant 1 : i32
      %get3A_323 = arith.index_cast %get3A_322 : i32 to index
      %get3A_324 = arith.index_cast %add3A_321 : i32 to index
      %get3A_325 = arith.constant 0 : index
      %get3A_326 = tpu.vector_load %arg10[%get3A_323, %get3A_324, %get3A_325] {strides = array<i32>} : memref<2x2048x16xf32, #tpu.memory_space<vmem>>, vector<1x1x16xf32>,
      %get3A_327 = vector.shape_cast %get3A_326 : vector<1x1x16xf32> to vector<16xf32>
      %add3A_328 = arith.addf %add3A_319, %get3A_327 : vector<16xf32>
      %add3A_329 = arith.constant 1280 : i32
      %add3A_330 = arith.addi %add3A_329, %scan3A_285 : i32
      %get3A_331 = arith.constant 1 : i32
      %get3A_332 = arith.index_cast %get3A_331 : i32 to index
      %get3A_333 = arith.index_cast %add3A_330 : i32 to index
      %get3A_334 = arith.constant 0 : index
      %get3A_335 = tpu.vector_load %arg10[%get3A_332, %get3A_333, %get3A_334] {strides = array<i32>} : memref<2x2048x16xf32, #tpu.memory_space<vmem>>, vector<1x1x16xf32>,
      %get3A_336 = vector.shape_cast %get3A_335 : vector<1x1x16xf32> to vector<16xf32>
      %add3A_337 = arith.addf %add3A_328, %get3A_336 : vector<16xf32>
      %add3A_338 = arith.constant 1536 : i32
      %add3A_339 = arith.addi %add3A_338, %scan3A_285 : i32
      %get3A_340 = arith.constant 1 : i32
      %get3A_341 = arith.index_cast %get3A_340 : i32 to index
      %get3A_342 = arith.index_cast %add3A_339 : i32 to index
      %get3A_343 = arith.constant 0 : index
      %get3A_344 = tpu.vector_load %arg10[%get3A_341, %get3A_342, %get3A_343] {strides = array<i32>} : memref<2x2048x16xf32, #tpu.memory_space<vmem>>, vector<1x1x16xf32>,
      %get3A_345 = vector.shape_cast %get3A_344 : vector<1x1x16xf32> to vector<16xf32>
      %add3A_346 = arith.addf %add3A_337, %get3A_345 : vector<16xf32>
      %add3A_347 = arith.constant 1792 : i32
      %add3A_348 = arith.addi %add3A_347, %scan3A_285 : i32
      %get3A_349 = arith.constant 1 : i32
      %get3A_350 = arith.index_cast %get3A_349 : i32 to index
      %get3A_351 = arith.index_cast %add3A_348 : i32 to index
      %get3A_352 = arith.constant 0 : index
      %get3A_353 = tpu.vector_load %arg10[%get3A_350, %get3A_351, %get3A_352] {strides = array<i32>} : memref<2x2048x16xf32, #tpu.memory_space<vmem>>, vector<1x1x16xf32>,
      %get3A_354 = vector.shape_cast %get3A_353 : vector<1x1x16xf32> to vector<16xf32>
      %add3A_355 = arith.addf %add3A_346, %get3A_354 : vector<16xf32>
      %add3A_356 = arith.constant 64 : i32
      %add3A_357 = arith.addi %add3A_356, %scan3A_285 : i32
      %get3A_358 = arith.constant 1 : i32
      %get3A_359 = arith.index_cast %get3A_358 : i32 to index
      %get3A_360 = arith.index_cast %add3A_357 : i32 to index
      %get3A_361 = arith.constant 0 : index
      %get3A_362 = tpu.vector_load %arg10[%get3A_359, %get3A_360, %get3A_361] {strides = array<i32>} : memref<2x2048x16xf32, #tpu.memory_space<vmem>>, vector<1x1x16xf32>,
      %get3A_363 = vector.shape_cast %get3A_362 : vector<1x1x16xf32> to vector<16xf32>
      %add3A_364 = arith.constant 320 : i32
      %add3A_365 = arith.addi %add3A_364, %scan3A_285 : i32
      %get3A_366 = arith.constant 1 : i32
      %get3A_367 = arith.index_cast %get3A_366 : i32 to index
      %get3A_368 = arith.index_cast %add3A_365 : i32 to index
      %get3A_369 = arith.constant 0 : index
      %get3A_370 = tpu.vector_load %arg10[%get3A_367, %get3A_368, %get3A_369] {strides = array<i32>} : memref<2x2048x16xf32, #tpu.memory_space<vmem>>, vector<1x1x16xf32>,
      %get3A_371 = vector.shape_cast %get3A_370 : vector<1x1x16xf32> to vector<16xf32>
      %add3A_372 = arith.addf %get3A_363, %get3A_371 : vector<16xf32>
      %add3A_373 = arith.constant 576 : i32
      %add3A_374 = arith.addi %add3A_373, %scan3A_285 : i32
      %get3A_375 = arith.constant 1 : i32
      %get3A_376 = arith.index_cast %get3A_375 : i32 to index
      %get3A_377 = arith.index_cast %add3A_374 : i32 to index
      %get3A_378 = arith.constant 0 : index
      %get3A_379 = tpu.vector_load %arg10[%get3A_376, %get3A_377, %get3A_378] {strides = array<i32>} : memref<2x2048x16xf32, #tpu.memory_space<vmem>>, vector<1x1x16xf32>,
      %get3A_380 = vector.shape_cast %get3A_379 : vector<1x1x16xf32> to vector<16xf32>
      %add3A_381 = arith.addf %add3A_372, %get3A_380 : vector<16xf32>
      %add3A_382 = arith.constant 832 : i32
      %add3A_383 = arith.addi %add3A_382, %scan3A_285 : i32
      %get3A_384 = arith.constant 1 : i32
      %get3A_385 = arith.index_cast %get3A_384 : i32 to index
      %get3A_386 = arith.index_cast %add3A_383 : i32 to index
      %get3A_387 = arith.constant 0 : index
      %get3A_388 = tpu.vector_load %arg10[%get3A_385, %get3A_386, %get3A_387] {strides = array<i32>} : memref<2x2048x16xf32, #tpu.memory_space<vmem>>, vector<1x1x16xf32>,
      %get3A_389 = vector.shape_cast %get3A_388 : vector<1x1x16xf32> to vector<16xf32>
      %add3A_390 = arith.addf %add3A_381, %get3A_389 : vector<16xf32>
      %add3A_391 = arith.constant 1088 : i32
      %add3A_392 = arith.addi %add3A_391, %scan3A_285 : i32
      %get3A_393 = arith.constant 1 : i32
      %get3A_394 = arith.index_cast %get3A_393 : i32 to index
      %get3A_395 = arith.index_cast %add3A_392 : i32 to index
      %get3A_396 = arith.constant 0 : index
      %get3A_397 = tpu.vector_load %arg10[%get3A_394, %get3A_395, %get3A_396] {strides = array<i32>} : memref<2x2048x16xf32, #tpu.memory_space<vmem>>, vector<1x1x16xf32>,
      %get3A_398 = vector.shape_cast %get3A_397 : vector<1x1x16xf32> to vector<16xf32>
      %add3A_399 = arith.addf %add3A_390, %get3A_398 : vector<16xf32>
      %add3A_400 = arith.constant 1344 : i32
      %add3A_401 = arith.addi %add3A_400, %scan3A_285 : i32
      %get3A_402 = arith.constant 1 : i32
      %get3A_403 = arith.index_cast %get3A_402 : i32 to index
      %get3A_404 = arith.index_cast %add3A_401 : i32 to index
      %get3A_405 = arith.constant 0 : index
      %get3A_406 = tpu.vector_load %arg10[%get3A_403, %get3A_404, %get3A_405] {strides = array<i32>} : memref<2x2048x16xf32, #tpu.memory_space<vmem>>, vector<1x1x16xf32>,
      %get3A_407 = vector.shape_cast %get3A_406 : vector<1x1x16xf32> to vector<16xf32>
      %add3A_408 = arith.addf %add3A_399, %get3A_407 : vector<16xf32>
      %add3A_409 = arith.constant 1600 : i32
      %add3A_410 = arith.addi %add3A_409, %scan3A_285 : i32
      %get3A_411 = arith.constant 1 : i32
      %get3A_412 = arith.index_cast %get3A_411 : i32 to index
      %get3A_413 = arith.index_cast %add3A_410 : i32 to index
      %get3A_414 = arith.constant 0 : index
      %get3A_415 = tpu.vector_load %arg10[%get3A_412, %get3A_413, %get3A_414] {strides = array<i32>} : memref<2x2048x16xf32, #tpu.memory_space<vmem>>, vector<1x1x16xf32>,
      %get3A_416 = vector.shape_cast %get3A_415 : vector<1x1x16xf32> to vector<16xf32>
      %add3A_417 = arith.addf %add3A_408, %get3A_416 : vector<16xf32>
      %add3A_418 = arith.constant 1856 : i32
      %add3A_419 = arith.addi %add3A_418, %scan3A_285 : i32
      %get3A_420 = arith.constant 1 : i32
      %get3A_421 = arith.index_cast %get3A_420 : i32 to index
      %get3A_422 = arith.index_cast %add3A_419 : i32 to index
      %get3A_423 = arith.constant 0 : index
      %get3A_424 = tpu.vector_load %arg10[%get3A_421, %get3A_422, %get3A_423] {strides = array<i32>} : memref<2x2048x16xf32, #tpu.memory_space<vmem>>, vector<1x1x16xf32>,
      %get3A_425 = vector.shape_cast %get3A_424 : vector<1x1x16xf32> to vector<16xf32>
      %add3A_426 = arith.addf %add3A_417, %get3A_425 : vector<16xf32>
      %add3A_427 = arith.constant 128 : i32
      %add3A_428 = arith.addi %add3A_427, %scan3A_285 : i32
      %get3A_429 = arith.constant 1 : i32
      %get3A_430 = arith.index_cast %get3A_429 : i32 to index
      %get3A_431 = arith.index_cast %add3A_428 : i32 to index
      %get3A_432 = arith.constant 0 : index
      %get3A_433 = tpu.vector_load %arg10[%get3A_430, %get3A_431, %get3A_432] {strides = array<i32>} : memref<2x2048x16xf32, #tpu.memory_space<vmem>>, vector<1x1x16xf32>,
      %get3A_434 = vector.shape_cast %get3A_433 : vector<1x1x16xf32> to vector<16xf32>
      %add3A_435 = arith.constant 384 : i32
      %add3A_436 = arith.addi %add3A_435, %scan3A_285 : i32
      %get3A_437 = arith.constant 1 : i32
      %get3A_438 = arith.index_cast %get3A_437 : i32 to index
      %get3A_439 = arith.index_cast %add3A_436 : i32 to index
      %get3A_440 = arith.constant 0 : index
      %get3A_441 = tpu.vector_load %arg10[%get3A_438, %get3A_439, %get3A_440] {strides = array<i32>} : memref<2x2048x16xf32, #tpu.memory_space<vmem>>, vector<1x1x16xf32>,
      %get3A_442 = vector.shape_cast %get3A_441 : vector<1x1x16xf32> to vector<16xf32>
      %add3A_443 = arith.addf %get3A_434, %get3A_442 : vector<16xf32>
      %add3A_444 = arith.constant 640 : i32
      %add3A_445 = arith.addi %add3A_444, %scan3A_285 : i32
      %get3A_446 = arith.constant 1 : i32
      %get3A_447 = arith.index_cast %get3A_446 : i32 to index
      %get3A_448 = arith.index_cast %add3A_445 : i32 to index
      %get3A_449 = arith.constant 0 : index
      %get3A_450 = tpu.vector_load %arg10[%get3A_447, %get3A_448, %get3A_449] {strides = array<i32>} : memref<2x2048x16xf32, #tpu.memory_space<vmem>>, vector<1x1x16xf32>,
      %get3A_451 = vector.shape_cast %get3A_450 : vector<1x1x16xf32> to vector<16xf32>
      %add3A_452 = arith.addf %add3A_443, %get3A_451 : vector<16xf32>
      %add3A_453 = arith.constant 896 : i32
      %add3A_454 = arith.addi %add3A_453, %scan3A_285 : i32
      %get3A_455 = arith.constant 1 : i32
      %get3A_456 = arith.index_cast %get3A_455 : i32 to index
      %get3A_457 = arith.index_cast %add3A_454 : i32 to index
      %get3A_458 = arith.constant 0 : index
      %get3A_459 = tpu.vector_load %arg10[%get3A_456, %get3A_457, %get3A_458] {strides = array<i32>} : memref<2x2048x16xf32, #tpu.memory_space<vmem>>, vector<1x1x16xf32>,
      %get3A_460 = vector.shape_cast %get3A_459 : vector<1x1x16xf32> to vector<16xf32>
      %add3A_461 = arith.addf %add3A_452, %get3A_460 : vector<16xf32>
      %add3A_462 = arith.constant 1152 : i32
      %add3A_463 = arith.addi %add3A_462, %scan3A_285 : i32
      %get3A_464 = arith.constant 1 : i32
      %get3A_465 = arith.index_cast %get3A_464 : i32 to index
      %get3A_466 = arith.index_cast %add3A_463 : i32 to index
      %get3A_467 = arith.constant 0 : index
      %get3A_468 = tpu.vector_load %arg10[%get3A_465, %get3A_466, %get3A_467] {strides = array<i32>} : memref<2x2048x16xf32, #tpu.memory_space<vmem>>, vector<1x1x16xf32>,
      %get3A_469 = vector.shape_cast %get3A_468 : vector<1x1x16xf32> to vector<16xf32>
      %add3A_470 = arith.addf %add3A_461, %get3A_469 : vector<16xf32>
      %add3A_471 = arith.constant 1408 : i32
      %add3A_472 = arith.addi %add3A_471, %scan3A_285 : i32
      %get3A_473 = arith.constant 1 : i32
      %get3A_474 = arith.index_cast %get3A_473 : i32 to index
      %get3A_475 = arith.index_cast %add3A_472 : i32 to index
      %get3A_476 = arith.constant 0 : index
      %get3A_477 = tpu.vector_load %arg10[%get3A_474, %get3A_475, %get3A_476] {strides = array<i32>} : memref<2x2048x16xf32, #tpu.memory_space<vmem>>, vector<1x1x16xf32>,
      %get3A_478 = vector.shape_cast %get3A_477 : vector<1x1x16xf32> to vector<16xf32>
      %add3A_479 = arith.addf %add3A_470, %get3A_478 : vector<16xf32>
      %add3A_480 = arith.constant 1664 : i32
      %add3A_481 = arith.addi %add3A_480, %scan3A_285 : i32
      %get3A_482 = arith.constant 1 : i32
      %get3A_483 = arith.index_cast %get3A_482 : i32 to index
      %get3A_484 = arith.index_cast %add3A_481 : i32 to index
      %get3A_485 = arith.constant 0 : index
      %get3A_486 = tpu.vector_load %arg10[%get3A_483, %get3A_484, %get3A_485] {strides = array<i32>} : memref<2x2048x16xf32, #tpu.memory_space<vmem>>, vector<1x1x16xf32>,
      %get3A_487 = vector.shape_cast %get3A_486 : vector<1x1x16xf32> to vector<16xf32>
      %add3A_488 = arith.addf %add3A_479, %get3A_487 : vector<16xf32>
      %add3A_489 = arith.constant 1920 : i32
      %add3A_490 = arith.addi %add3A_489, %scan3A_285 : i32
      %get3A_491 = arith.constant 1 : i32
      %get3A_492 = arith.index_cast %get3A_491 : i32 to index
      %get3A_493 = arith.index_cast %add3A_490 : i32 to index
      %get3A_494 = arith.constant 0 : index
      %get3A_495 = tpu.vector_load %arg10[%get3A_492, %get3A_493, %get3A_494] {strides = array<i32>} : memref<2x2048x16xf32, #tpu.memory_space<vmem>>, vector<1x1x16xf32>,
      %get3A_496 = vector.shape_cast %get3A_495 : vector<1x1x16xf32> to vector<16xf32>
      %add3A_497 = arith.addf %add3A_488, %get3A_496 : vector<16xf32>
      %add3A_498 = arith.constant 192 : i32
      %add3A_499 = arith.addi %add3A_498, %scan3A_285 : i32
      %get3A_500 = arith.constant 1 : i32
      %get3A_501 = arith.index_cast %get3A_500 : i32 to index
      %get3A_502 = arith.index_cast %add3A_499 : i32 to index
      %get3A_503 = arith.constant 0 : index
      %get3A_504 = tpu.vector_load %arg10[%get3A_501, %get3A_502, %get3A_503] {strides = array<i32>} : memref<2x2048x16xf32, #tpu.memory_space<vmem>>, vector<1x1x16xf32>,
      %get3A_505 = vector.shape_cast %get3A_504 : vector<1x1x16xf32> to vector<16xf32>
      %add3A_506 = arith.constant 448 : i32
      %add3A_507 = arith.addi %add3A_506, %scan3A_285 : i32
      %get3A_508 = arith.constant 1 : i32
      %get3A_509 = arith.index_cast %get3A_508 : i32 to index
      %get3A_510 = arith.index_cast %add3A_507 : i32 to index
      %get3A_511 = arith.constant 0 : index
      %get3A_512 = tpu.vector_load %arg10[%get3A_509, %get3A_510, %get3A_511] {strides = array<i32>} : memref<2x2048x16xf32, #tpu.memory_space<vmem>>, vector<1x1x16xf32>,
      %get3A_513 = vector.shape_cast %get3A_512 : vector<1x1x16xf32> to vector<16xf32>
      %add3A_514 = arith.addf %get3A_505, %get3A_513 : vector<16xf32>
      %add3A_515 = arith.constant 704 : i32
      %add3A_516 = arith.addi %add3A_515, %scan3A_285 : i32
      %get3A_517 = arith.constant 1 : i32
      %get3A_518 = arith.index_cast %get3A_517 : i32 to index
      %get3A_519 = arith.index_cast %add3A_516 : i32 to index
      %get3A_520 = arith.constant 0 : index
      %get3A_521 = tpu.vector_load %arg10[%get3A_518, %get3A_519, %get3A_520] {strides = array<i32>} : memref<2x2048x16xf32, #tpu.memory_space<vmem>>, vector<1x1x16xf32>,
      %get3A_522 = vector.shape_cast %get3A_521 : vector<1x1x16xf32> to vector<16xf32>
      %add3A_523 = arith.addf %add3A_514, %get3A_522 : vector<16xf32>
      %add3A_524 = arith.constant 960 : i32
      %add3A_525 = arith.addi %add3A_524, %scan3A_285 : i32
      %get3A_526 = arith.constant 1 : i32
      %get3A_527 = arith.index_cast %get3A_526 : i32 to index
      %get3A_528 = arith.index_cast %add3A_525 : i32 to index
      %get3A_529 = arith.constant 0 : index
      %get3A_530 = tpu.vector_load %arg10[%get3A_527, %get3A_528, %get3A_529] {strides = array<i32>} : memref<2x2048x16xf32, #tpu.memory_space<vmem>>, vector<1x1x16xf32>,
      %get3A_531 = vector.shape_cast %get3A_530 : vector<1x1x16xf32> to vector<16xf32>
      %add3A_532 = arith.addf %add3A_523, %get3A_531 : vector<16xf32>
      %add3A_533 = arith.constant 1216 : i32
      %add3A_534 = arith.addi %add3A_533, %scan3A_285 : i32
      %get3A_535 = arith.constant 1 : i32
      %get3A_536 = arith.index_cast %get3A_535 : i32 to index
      %get3A_537 = arith.index_cast %add3A_534 : i32 to index
      %get3A_538 = arith.constant 0 : index
      %get3A_539 = tpu.vector_load %arg10[%get3A_536, %get3A_537, %get3A_538] {strides = array<i32>} : memref<2x2048x16xf32, #tpu.memory_space<vmem>>, vector<1x1x16xf32>,
      %get3A_540 = vector.shape_cast %get3A_539 : vector<1x1x16xf32> to vector<16xf32>
      %add3A_541 = arith.addf %add3A_532, %get3A_540 : vector<16xf32>
      %add3A_542 = arith.constant 1472 : i32
      %add3A_543 = arith.addi %add3A_542, %scan3A_285 : i32
      %get3A_544 = arith.constant 1 : i32
      %get3A_545 = arith.index_cast %get3A_544 : i32 to index
      %get3A_546 = arith.index_cast %add3A_543 : i32 to index
      %get3A_547 = arith.constant 0 : index
      %get3A_548 = tpu.vector_load %arg10[%get3A_545, %get3A_546, %get3A_547] {strides = array<i32>} : memref<2x2048x16xf32, #tpu.memory_space<vmem>>, vector<1x1x16xf32>,
      %get3A_549 = vector.shape_cast %get3A_548 : vector<1x1x16xf32> to vector<16xf32>
      %add3A_550 = arith.addf %add3A_541, %get3A_549 : vector<16xf32>
      %add3A_551 = arith.constant 1728 : i32
      %add3A_552 = arith.addi %add3A_551, %scan3A_285 : i32
      %get3A_553 = arith.constant 1 : i32
      %get3A_554 = arith.index_cast %get3A_553 : i32 to index
      %get3A_555 = arith.index_cast %add3A_552 : i32 to index
      %get3A_556 = arith.constant 0 : index
      %get3A_557 = tpu.vector_load %arg10[%get3A_554, %get3A_555, %get3A_556] {strides = array<i32>} : memref<2x2048x16xf32, #tpu.memory_space<vmem>>, vector<1x1x16xf32>,
      %get3A_558 = vector.shape_cast %get3A_557 : vector<1x1x16xf32> to vector<16xf32>
      %add3A_559 = arith.addf %add3A_550, %get3A_558 : vector<16xf32>
      %add3A_560 = arith.constant 1984 : i32
      %add3A_561 = arith.addi %add3A_560, %scan3A_285 : i32
      %get3A_562 = arith.constant 1 : i32
      %get3A_563 = arith.index_cast %get3A_562 : i32 to index
      %get3A_564 = arith.index_cast %add3A_561 : i32 to index
      %get3A_565 = arith.constant 0 : index
      %get3A_566 = tpu.vector_load %arg10[%get3A_563, %get3A_564, %get3A_565] {strides = array<i32>} : memref<2x2048x16xf32, #tpu.memory_space<vmem>>, vector<1x1x16xf32>,
      %get3A_567 = vector.shape_cast %get3A_566 : vector<1x1x16xf32> to vector<16xf32>
      %add3A_568 = arith.addf %add3A_559, %get3A_567 : vector<16xf32>
      %get3A_569 = arith.index_cast %scan3A_285 : i32 to index
      %get3A_570 = arith.constant 0 : index
      %get3A_571 = tpu.vector_load %arg11[%get3A_569, %get3A_570] {strides = array<i32>} : memref<64x16xf32, #tpu.memory_space<vmem>>, vector<1x16xf32>,
      %get3A_572 = vector.shape_cast %get3A_571 : vector<1x16xf32> to vector<16xf32>
      %add3A_573 = arith.addf %add3A_355, %add3A_426 : vector<16xf32>
      %add3A_574 = arith.addf %add3A_497, %add3A_568 : vector<16xf32>
      %add3A_575 = arith.addf %add3A_573, %add3A_574 : vector<16xf32>
      %sub3A = arith.subf %get3A_572, %add3A_575 : vector<16xf32>
      %swap3A = arith.index_cast %scan3A_285 : i32 to index
      %swap3A_576 = arith.constant 0 : index
      %swap3A_577 = tpu.vector_load %arg11[%swap3A, %swap3A_576] {strides = array<i32>} : memref<64x16xf32, #tpu.memory_space<vmem>>, vector<1x16xf32>,
      %swap3A_578 = vector.shape_cast %swap3A_577 : vector<1x16xf32> to vector<16xf32>
      %swap3A_579 = vector.shape_cast %sub3A : vector<16xf32> to vector<1x16xf32>
      tpu.vector_store %arg11[%swap3A, %swap3A_576], %swap3A_579 {strides = array<i32>} : memref<64x16xf32, #tpu.memory_space<vmem>>, vector<1x16xf32>,
    }
    %scan3A_116 = arith.constant 64 : i32
    "tpu.region"() ({
      %run_scoped3A_285 = tpu.sem_alloc : memref<!tpu.dma_semaphore, #tpu.memory_space<semaphore_mem>>
      %dma_start3A_286 = arith.constant 0 : i32
      %dma_start3A_287 = tpu.memref_slice %arg6[%mul3A_98, %dma_start3A_286] : memref<12288x16xf32, #tpu.memory_space<hbm>> -> memref<64x16xf32, #tpu.memory_space<hbm>>
      %dma_start3A_288 = arith.constant 0 : i32
      %dma_start3A_289 = tpu.memref_slice %arg6[%mul3A_98, %dma_start3A_288] : memref<12288x16xf32, #tpu.memory_space<hbm>> -> memref<64x16xf32, #tpu.memory_space<hbm>>
      tpu.enqueue_dma source(%arg11 : memref<64x16xf32, #tpu.memory_space<vmem>>) target(%dma_start3A_289 : memref<64x16xf32, #tpu.memory_space<hbm>>) target_semaphore(%run_scoped3A_285 : memref<!tpu.dma_semaphore, #tpu.memory_space<semaphore_mem>>)
      %dma_wait3A_290 = arith.constant 0 : i32
      %dma_wait3A_291 = tpu.memref_slice %arg6[%mul3A_98, %dma_wait3A_290] : memref<12288x16xf32, #tpu.memory_space<hbm>> -> memref<64x16xf32, #tpu.memory_space<hbm>>
      %dma_wait3A_292 = arith.constant 0 : i32
      %dma_wait3A_293 = tpu.memref_slice %arg6[%mul3A_98, %dma_wait3A_292] : memref<12288x16xf32, #tpu.memory_space<hbm>> -> memref<64x16xf32, #tpu.memory_space<hbm>>
      tpu.wait_dma2 semaphore(%run_scoped3A_285 : memref<!tpu.dma_semaphore, #tpu.memory_space<semaphore_mem>>) src(%arg11 : memref<64x16xf32, #tpu.memory_space<vmem>>) dst(%dma_wait3A_293 : memref<64x16xf32, #tpu.memory_space<hbm>>)
      tpu.yield
    }) : () -> ()
    %mul3A_117 = arith.constant 6 : i32
    %mul3A_118 = arith.muli %add3A, %mul3A_117 : i32
    %add3A_119 = arith.constant 3 : i32
    %add3A_120 = arith.addi %mul3A_118, %add3A_119 : i32
    %run_scoped3A_121 = arith.constant 1 : i32
    "tpu.region"() ({
      %run_scoped3A_285 = tpu.sem_alloc : memref<!tpu.dma_semaphore, #tpu.memory_space<semaphore_mem>>
      %dma_start3A_286 = arith.constant 0 : i32
      %dma_start3A_287 = arith.constant 0 : i32
      %dma_start3A_288 = tpu.memref_slice %arg7[%run_scoped3A_121, %dma_start3A_286, %dma_start3A_287] : memref<2x32x64xi32, #tpu.memory_space<vmem>> -> memref<1x32x64xi32, #tpu.memory_space<vmem>>
      %dma_start3A_289 = tpu.memref_squeeze %dma_start3A_288 : memref<1x32x64xi32, #tpu.memory_space<vmem>> -> memref<32x64xi32, #tpu.memory_space<vmem>>
      %dma_start3A_290 = arith.constant 0 : i32
      %dma_start3A_291 = arith.constant 0 : i32
      %dma_start3A_292 = tpu.memref_slice %arg3[%add3A_120, %dma_start3A_290, %dma_start3A_291] : memref<192x32x64xi32, #tpu.memory_space<hbm>> -> memref<1x32x64xi32, #tpu.memory_space<hbm>>
      %dma_start3A_293 = tpu.memref_squeeze %dma_start3A_292 : memref<1x32x64xi32, #tpu.memory_space<hbm>> -> memref<32x64xi32, #tpu.memory_space<hbm>>
      %dma_start3A_294 = arith.constant 0 : i32
      %dma_start3A_295 = arith.constant 0 : i32
      %dma_start3A_296 = tpu.memref_slice %arg7[%run_scoped3A_121, %dma_start3A_294, %dma_start3A_295] : memref<2x32x64xi32, #tpu.memory_space<vmem>> -> memref<1x32x64xi32, #tpu.memory_space<vmem>>
      %dma_start3A_297 = tpu.memref_squeeze %dma_start3A_296 : memref<1x32x64xi32, #tpu.memory_space<vmem>> -> memref<32x64xi32, #tpu.memory_space<vmem>>
      %dma_start3A_298 = arith.constant 0 : i32
      %dma_start3A_299 = arith.constant 0 : i32
      %dma_start3A_300 = tpu.memref_slice %arg3[%add3A_120, %dma_start3A_298, %dma_start3A_299] : memref<192x32x64xi32, #tpu.memory_space<hbm>> -> memref<1x32x64xi32, #tpu.memory_space<hbm>>
      %dma_start3A_301 = tpu.memref_squeeze %dma_start3A_300 : memref<1x32x64xi32, #tpu.memory_space<hbm>> -> memref<32x64xi32, #tpu.memory_space<hbm>>
      tpu.enqueue_dma source(%dma_start3A_301 : memref<32x64xi32, #tpu.memory_space<hbm>>) target(%dma_start3A_297 : memref<32x64xi32, #tpu.memory_space<vmem>>) target_semaphore(%run_scoped3A_285 : memref<!tpu.dma_semaphore, #tpu.memory_space<semaphore_mem>>)
      %dma_wait3A_302 = arith.constant 0 : i32
      %dma_wait3A_303 = arith.constant 0 : i32
      %dma_wait3A_304 = tpu.memref_slice %arg7[%run_scoped3A_121, %dma_wait3A_302, %dma_wait3A_303] : memref<2x32x64xi32, #tpu.memory_space<vmem>> -> memref<1x32x64xi32, #tpu.memory_space<vmem>>
      %dma_wait3A_305 = tpu.memref_squeeze %dma_wait3A_304 : memref<1x32x64xi32, #tpu.memory_space<vmem>> -> memref<32x64xi32, #tpu.memory_space<vmem>>
      %dma_wait3A_306 = arith.constant 0 : i32
      %dma_wait3A_307 = arith.constant 0 : i32
      %dma_wait3A_308 = tpu.memref_slice %arg3[%add3A_120, %dma_wait3A_306, %dma_wait3A_307] : memref<192x32x64xi32, #tpu.memory_space<hbm>> -> memref<1x32x64xi32, #tpu.memory_space<hbm>>
      %dma_wait3A_309 = tpu.memref_squeeze %dma_wait3A_308 : memref<1x32x64xi32, #tpu.memory_space<hbm>> -> memref<32x64xi32, #tpu.memory_space<hbm>>
      %dma_wait3A_310 = arith.constant 0 : i32
      %dma_wait3A_311 = arith.constant 0 : i32
      %dma_wait3A_312 = tpu.memref_slice %arg7[%run_scoped3A_121, %dma_wait3A_310, %dma_wait3A_311] : memref<2x32x64xi32, #tpu.memory_space<vmem>> -> memref<1x32x64xi32, #tpu.memory_space<vmem>>
      %dma_wait3A_313 = tpu.memref_squeeze %dma_wait3A_312 : memref<1x32x64xi32, #tpu.memory_space<vmem>> -> memref<32x64xi32, #tpu.memory_space<vmem>>
      %dma_wait3A_314 = arith.constant 0 : i32
      %dma_wait3A_315 = arith.constant 0 : i32
      %dma_wait3A_316 = tpu.memref_slice %arg3[%add3A_120, %dma_wait3A_314, %dma_wait3A_315] : memref<192x32x64xi32, #tpu.memory_space<hbm>> -> memref<1x32x64xi32, #tpu.memory_space<hbm>>
      %dma_wait3A_317 = tpu.memref_squeeze %dma_wait3A_316 : memref<1x32x64xi32, #tpu.memory_space<hbm>> -> memref<32x64xi32, #tpu.memory_space<hbm>>
      tpu.wait_dma2 semaphore(%run_scoped3A_285 : memref<!tpu.dma_semaphore, #tpu.memory_space<semaphore_mem>>) src(%dma_wait3A_317 : memref<32x64xi32, #tpu.memory_space<hbm>>) dst(%dma_wait3A_313 : memref<32x64xi32, #tpu.memory_space<vmem>>)
      tpu.yield
    }) : () -> ()
    %run_scoped3A_122 = arith.constant 1 : i32
    "tpu.region"() ({
      %run_scoped3A_285 = tpu.sem_alloc : memref<!tpu.dma_semaphore, #tpu.memory_space<semaphore_mem>>
      %dma_start3A_286 = arith.constant 0 : i32
      %dma_start3A_287 = arith.constant 0 : i32
      %dma_start3A_288 = tpu.memref_slice %arg8[%run_scoped3A_122, %dma_start3A_286, %dma_start3A_287] : memref<2x32x64xi32, #tpu.memory_space<vmem>> -> memref<1x32x64xi32, #tpu.memory_space<vmem>>
      %dma_start3A_289 = tpu.memref_squeeze %dma_start3A_288 : memref<1x32x64xi32, #tpu.memory_space<vmem>> -> memref<32x64xi32, #tpu.memory_space<vmem>>
      %dma_start3A_290 = arith.constant 0 : i32
      %dma_start3A_291 = arith.constant 0 : i32
      %dma_start3A_292 = tpu.memref_slice %arg4[%add3A_120, %dma_start3A_290, %dma_start3A_291] : memref<192x32x64xi32, #tpu.memory_space<hbm>> -> memref<1x32x64xi32, #tpu.memory_space<hbm>>
      %dma_start3A_293 = tpu.memref_squeeze %dma_start3A_292 : memref<1x32x64xi32, #tpu.memory_space<hbm>> -> memref<32x64xi32, #tpu.memory_space<hbm>>
      %dma_start3A_294 = arith.constant 0 : i32
      %dma_start3A_295 = arith.constant 0 : i32
      %dma_start3A_296 = tpu.memref_slice %arg8[%run_scoped3A_122, %dma_start3A_294, %dma_start3A_295] : memref<2x32x64xi32, #tpu.memory_space<vmem>> -> memref<1x32x64xi32, #tpu.memory_space<vmem>>
      %dma_start3A_297 = tpu.memref_squeeze %dma_start3A_296 : memref<1x32x64xi32, #tpu.memory_space<vmem>> -> memref<32x64xi32, #tpu.memory_space<vmem>>
      %dma_start3A_298 = arith.constant 0 : i32
      %dma_start3A_299 = arith.constant 0 : i32
      %dma_start3A_300 = tpu.memref_slice %arg4[%add3A_120, %dma_start3A_298, %dma_start3A_299] : memref<192x32x64xi32, #tpu.memory_space<hbm>> -> memref<1x32x64xi32, #tpu.memory_space<hbm>>
      %dma_start3A_301 = tpu.memref_squeeze %dma_start3A_300 : memref<1x32x64xi32, #tpu.memory_space<hbm>> -> memref<32x64xi32, #tpu.memory_space<hbm>>
      tpu.enqueue_dma source(%dma_start3A_301 : memref<32x64xi32, #tpu.memory_space<hbm>>) target(%dma_start3A_297 : memref<32x64xi32, #tpu.memory_space<vmem>>) target_semaphore(%run_scoped3A_285 : memref<!tpu.dma_semaphore, #tpu.memory_space<semaphore_mem>>)
      %dma_wait3A_302 = arith.constant 0 : i32
      %dma_wait3A_303 = arith.constant 0 : i32
      %dma_wait3A_304 = tpu.memref_slice %arg8[%run_scoped3A_122, %dma_wait3A_302, %dma_wait3A_303] : memref<2x32x64xi32, #tpu.memory_space<vmem>> -> memref<1x32x64xi32, #tpu.memory_space<vmem>>
      %dma_wait3A_305 = tpu.memref_squeeze %dma_wait3A_304 : memref<1x32x64xi32, #tpu.memory_space<vmem>> -> memref<32x64xi32, #tpu.memory_space<vmem>>
      %dma_wait3A_306 = arith.constant 0 : i32
      %dma_wait3A_307 = arith.constant 0 : i32
      %dma_wait3A_308 = tpu.memref_slice %arg4[%add3A_120, %dma_wait3A_306, %dma_wait3A_307] : memref<192x32x64xi32, #tpu.memory_space<hbm>> -> memref<1x32x64xi32, #tpu.memory_space<hbm>>
      %dma_wait3A_309 = tpu.memref_squeeze %dma_wait3A_308 : memref<1x32x64xi32, #tpu.memory_space<hbm>> -> memref<32x64xi32, #tpu.memory_space<hbm>>
      %dma_wait3A_310 = arith.constant 0 : i32
      %dma_wait3A_311 = arith.constant 0 : i32
      %dma_wait3A_312 = tpu.memref_slice %arg8[%run_scoped3A_122, %dma_wait3A_310, %dma_wait3A_311] : memref<2x32x64xi32, #tpu.memory_space<vmem>> -> memref<1x32x64xi32, #tpu.memory_space<vmem>>
      %dma_wait3A_313 = tpu.memref_squeeze %dma_wait3A_312 : memref<1x32x64xi32, #tpu.memory_space<vmem>> -> memref<32x64xi32, #tpu.memory_space<vmem>>
      %dma_wait3A_314 = arith.constant 0 : i32
      %dma_wait3A_315 = arith.constant 0 : i32
      %dma_wait3A_316 = tpu.memref_slice %arg4[%add3A_120, %dma_wait3A_314, %dma_wait3A_315] : memref<192x32x64xi32, #tpu.memory_space<hbm>> -> memref<1x32x64xi32, #tpu.memory_space<hbm>>
      %dma_wait3A_317 = tpu.memref_squeeze %dma_wait3A_316 : memref<1x32x64xi32, #tpu.memory_space<hbm>> -> memref<32x64xi32, #tpu.memory_space<hbm>>
      tpu.wait_dma2 semaphore(%run_scoped3A_285 : memref<!tpu.dma_semaphore, #tpu.memory_space<semaphore_mem>>) src(%dma_wait3A_317 : memref<32x64xi32, #tpu.memory_space<hbm>>) dst(%dma_wait3A_313 : memref<32x64xi32, #tpu.memory_space<vmem>>)
      tpu.yield
    }) : () -> ()
    %scan3A_123 = arith.constant 0 : i32
    %scan3A_124 = arith.constant 0 : i32
    %scan3A_125 = arith.constant 32 : i32
    %scan3A_126 = arith.addi %scan3A_124, %scan3A_125 : i32
    %scan3A_127 = arith.constant 1 : i32
    scf.for %scan3A_285 = %scan3A_124 to %scan3A_126 step %scan3A_127  : i32 {
      %get3A = arith.constant 1 : i32
      %get3A_286 = arith.index_cast %get3A : i32 to index
      %get3A_287 = arith.index_cast %scan3A_285 : i32 to index
      %get3A_288 = arith.constant 0 : index
      %get3A_289 = tpu.vector_load %arg7[%get3A_286, %get3A_287, %get3A_288] {strides = array<i32>} : memref<2x32x64xi32, #tpu.memory_space<vmem>>, vector<1x1x16xi32>,
      %get3A_290 = vector.shape_cast %get3A_289 : vector<1x1x16xi32> to vector<16xi32>
      %mul3A_291 = arith.constant 32 : i32
      %mul3A_292 = vector.broadcast %mul3A_291 : i32 to vector<16xi32>
      %mul3A_293 = arith.muli %get3A_290, %mul3A_292 : vector<16xi32>
      %get3A_294 = arith.constant 1 : i32
      %get3A_295 = arith.index_cast %get3A_294 : i32 to index
      %get3A_296 = arith.index_cast %scan3A_285 : i32 to index
      %get3A_297 = arith.constant 0 : index
      %get3A_298 = tpu.vector_load %arg8[%get3A_295, %get3A_296, %get3A_297] {strides = array<i32>} : memref<2x32x64xi32, #tpu.memory_space<vmem>>, vector<1x1x16xi32>,
      %get3A_299 = vector.shape_cast %get3A_298 : vector<1x1x16xi32> to vector<16xi32>
      %add3A_300 = arith.addi %mul3A_293, %get3A_299 : vector<16xi32>
      %mul3A_301 = arith.constant 64 : i32
      %mul3A_302 = arith.muli %scan3A_285, %mul3A_301 : i32
      %add3A_303 = arith.constant 0 : i32
      %add3A_304 = arith.addi %mul3A_302, %add3A_303 : i32
      %swap3A = arith.constant 1 : i32
      %swap3A_305 = arith.index_cast %swap3A : i32 to index
      %swap3A_306 = arith.index_cast %add3A_304 : i32 to index
      %swap3A_307 = tpu.vector_load %arg9[%swap3A_305, %swap3A_306] {strides = array<i32>} : memref<2x2048xi32, #tpu.memory_space<vmem>>, vector<1x16xi32>,
      %swap3A_308 = vector.shape_cast %swap3A_307 : vector<1x16xi32> to vector<16xi32>
      %swap3A_309 = vector.shape_cast %add3A_300 : vector<16xi32> to vector<1x16xi32>
      tpu.vector_store %arg9[%swap3A_305, %swap3A_306], %swap3A_309 {strides = array<i32>} : memref<2x2048xi32, #tpu.memory_space<vmem>>, vector<1x16xi32>,
      %get3A_310 = arith.constant 1 : i32
      %get3A_311 = arith.index_cast %get3A_310 : i32 to index
      %get3A_312 = arith.index_cast %scan3A_285 : i32 to index
      %get3A_313 = arith.constant 16 : index
      %get3A_314 = tpu.vector_load %arg7[%get3A_311, %get3A_312, %get3A_313] {strides = array<i32>} : memref<2x32x64xi32, #tpu.memory_space<vmem>>, vector<1x1x16xi32>,
      %get3A_315 = vector.shape_cast %get3A_314 : vector<1x1x16xi32> to vector<16xi32>
      %mul3A_316 = arith.constant 32 : i32
      %mul3A_317 = vector.broadcast %mul3A_316 : i32 to vector<16xi32>
      %mul3A_318 = arith.muli %get3A_315, %mul3A_317 : vector<16xi32>
      %get3A_319 = arith.constant 1 : i32
      %get3A_320 = arith.index_cast %get3A_319 : i32 to index
      %get3A_321 = arith.index_cast %scan3A_285 : i32 to index
      %get3A_322 = arith.constant 16 : index
      %get3A_323 = tpu.vector_load %arg8[%get3A_320, %get3A_321, %get3A_322] {strides = array<i32>} : memref<2x32x64xi32, #tpu.memory_space<vmem>>, vector<1x1x16xi32>,
      %get3A_324 = vector.shape_cast %get3A_323 : vector<1x1x16xi32> to vector<16xi32>
      %add3A_325 = arith.addi %mul3A_318, %get3A_324 : vector<16xi32>
      %mul3A_326 = arith.constant 64 : i32
      %mul3A_327 = arith.muli %scan3A_285, %mul3A_326 : i32
      %add3A_328 = arith.constant 16 : i32
      %add3A_329 = arith.addi %mul3A_327, %add3A_328 : i32
      %swap3A_330 = arith.constant 1 : i32
      %swap3A_331 = arith.index_cast %swap3A_330 : i32 to index
      %swap3A_332 = arith.index_cast %add3A_329 : i32 to index
      %swap3A_333 = tpu.vector_load %arg9[%swap3A_331, %swap3A_332] {strides = array<i32>} : memref<2x2048xi32, #tpu.memory_space<vmem>>, vector<1x16xi32>,
      %swap3A_334 = vector.shape_cast %swap3A_333 : vector<1x16xi32> to vector<16xi32>
      %swap3A_335 = vector.shape_cast %add3A_325 : vector<16xi32> to vector<1x16xi32>
      tpu.vector_store %arg9[%swap3A_331, %swap3A_332], %swap3A_335 {strides = array<i32>} : memref<2x2048xi32, #tpu.memory_space<vmem>>, vector<1x16xi32>,
      %get3A_336 = arith.constant 1 : i32
      %get3A_337 = arith.index_cast %get3A_336 : i32 to index
      %get3A_338 = arith.index_cast %scan3A_285 : i32 to index
      %get3A_339 = arith.constant 32 : index
      %get3A_340 = tpu.vector_load %arg7[%get3A_337, %get3A_338, %get3A_339] {strides = array<i32>} : memref<2x32x64xi32, #tpu.memory_space<vmem>>, vector<1x1x16xi32>,
      %get3A_341 = vector.shape_cast %get3A_340 : vector<1x1x16xi32> to vector<16xi32>
      %mul3A_342 = arith.constant 32 : i32
      %mul3A_343 = vector.broadcast %mul3A_342 : i32 to vector<16xi32>
      %mul3A_344 = arith.muli %get3A_341, %mul3A_343 : vector<16xi32>
      %get3A_345 = arith.constant 1 : i32
      %get3A_346 = arith.index_cast %get3A_345 : i32 to index
      %get3A_347 = arith.index_cast %scan3A_285 : i32 to index
      %get3A_348 = arith.constant 32 : index
      %get3A_349 = tpu.vector_load %arg8[%get3A_346, %get3A_347, %get3A_348] {strides = array<i32>} : memref<2x32x64xi32, #tpu.memory_space<vmem>>, vector<1x1x16xi32>,
      %get3A_350 = vector.shape_cast %get3A_349 : vector<1x1x16xi32> to vector<16xi32>
      %add3A_351 = arith.addi %mul3A_344, %get3A_350 : vector<16xi32>
      %mul3A_352 = arith.constant 64 : i32
      %mul3A_353 = arith.muli %scan3A_285, %mul3A_352 : i32
      %add3A_354 = arith.constant 32 : i32
      %add3A_355 = arith.addi %mul3A_353, %add3A_354 : i32
      %swap3A_356 = arith.constant 1 : i32
      %swap3A_357 = arith.index_cast %swap3A_356 : i32 to index
      %swap3A_358 = arith.index_cast %add3A_355 : i32 to index
      %swap3A_359 = tpu.vector_load %arg9[%swap3A_357, %swap3A_358] {strides = array<i32>} : memref<2x2048xi32, #tpu.memory_space<vmem>>, vector<1x16xi32>,
      %swap3A_360 = vector.shape_cast %swap3A_359 : vector<1x16xi32> to vector<16xi32>
      %swap3A_361 = vector.shape_cast %add3A_351 : vector<16xi32> to vector<1x16xi32>
      tpu.vector_store %arg9[%swap3A_357, %swap3A_358], %swap3A_361 {strides = array<i32>} : memref<2x2048xi32, #tpu.memory_space<vmem>>, vector<1x16xi32>,
      %get3A_362 = arith.constant 1 : i32
      %get3A_363 = arith.index_cast %get3A_362 : i32 to index
      %get3A_364 = arith.index_cast %scan3A_285 : i32 to index
      %get3A_365 = arith.constant 48 : index
      %get3A_366 = tpu.vector_load %arg7[%get3A_363, %get3A_364, %get3A_365] {strides = array<i32>} : memref<2x32x64xi32, #tpu.memory_space<vmem>>, vector<1x1x16xi32>,
      %get3A_367 = vector.shape_cast %get3A_366 : vector<1x1x16xi32> to vector<16xi32>
      %mul3A_368 = arith.constant 32 : i32
      %mul3A_369 = vector.broadcast %mul3A_368 : i32 to vector<16xi32>
      %mul3A_370 = arith.muli %get3A_367, %mul3A_369 : vector<16xi32>
      %get3A_371 = arith.constant 1 : i32
      %get3A_372 = arith.index_cast %get3A_371 : i32 to index
      %get3A_373 = arith.index_cast %scan3A_285 : i32 to index
      %get3A_374 = arith.constant 48 : index
      %get3A_375 = tpu.vector_load %arg8[%get3A_372, %get3A_373, %get3A_374] {strides = array<i32>} : memref<2x32x64xi32, #tpu.memory_space<vmem>>, vector<1x1x16xi32>,
      %get3A_376 = vector.shape_cast %get3A_375 : vector<1x1x16xi32> to vector<16xi32>
      %add3A_377 = arith.addi %mul3A_370, %get3A_376 : vector<16xi32>
      %mul3A_378 = arith.constant 64 : i32
      %mul3A_379 = arith.muli %scan3A_285, %mul3A_378 : i32
      %add3A_380 = arith.constant 48 : i32
      %add3A_381 = arith.addi %mul3A_379, %add3A_380 : i32
      %swap3A_382 = arith.constant 1 : i32
      %swap3A_383 = arith.index_cast %swap3A_382 : i32 to index
      %swap3A_384 = arith.index_cast %add3A_381 : i32 to index
      %swap3A_385 = tpu.vector_load %arg9[%swap3A_383, %swap3A_384] {strides = array<i32>} : memref<2x2048xi32, #tpu.memory_space<vmem>>, vector<1x16xi32>,
      %swap3A_386 = vector.shape_cast %swap3A_385 : vector<1x16xi32> to vector<16xi32>
      %swap3A_387 = vector.shape_cast %add3A_377 : vector<16xi32> to vector<1x16xi32>
      tpu.vector_store %arg9[%swap3A_383, %swap3A_384], %swap3A_387 {strides = array<i32>} : memref<2x2048xi32, #tpu.memory_space<vmem>>, vector<1x16xi32>,
    }
    %scan3A_128 = arith.constant 32 : i32
    %dma_start3A_129 = arith.constant 1 : i32
    %dma_start3A_130 = arith.constant 1 : i32
    %dma_start3A_131 = arith.constant 0 : i32
    %dma_start3A_132 = arith.constant 0 : i32
    %dma_start3A_133 = tpu.memref_slice %arg10[%dma_start3A_130, %dma_start3A_131, %dma_start3A_132] : memref<2x2048x16xf32, #tpu.memory_space<vmem>> -> memref<1x2048x16xf32, #tpu.memory_space<vmem>>
    %dma_start3A_134 = tpu.memref_squeeze %dma_start3A_133 : memref<1x2048x16xf32, #tpu.memory_space<vmem>> -> memref<2048x16xf32, #tpu.memory_space<vmem>>
    %dma_start3A_135 = arith.constant 0 : i32
    %dma_start3A_136 = tpu.memref_slice %arg9[%dma_start3A_129, %dma_start3A_135] : memref<2x2048xi32, #tpu.memory_space<vmem>> -> memref<1x2048xi32, #tpu.memory_space<vmem>>
    %dma_start3A_137 = tpu.memref_squeeze %dma_start3A_136 : memref<1x2048xi32, #tpu.memory_space<vmem>> -> memref<2048xi32, #tpu.memory_space<vmem>>
    %dma_start3A_138 = arith.constant 0 : i32
    %dma_start3A_139 = arith.constant 0 : i32
    %dma_start3A_140 = tpu.memref_slice %arg2[%dma_start3A_138, %dma_start3A_139] : memref<320000x16xf32, #tpu.memory_space<hbm>> -> memref<320000x16xf32, #tpu.memory_space<hbm>>
    tpu.enqueue_indirect_dma source(%dma_start3A_140 : memref<320000x16xf32, #tpu.memory_space<hbm>>) target(%dma_start3A_134 : memref<2048x16xf32, #tpu.memory_space<vmem>>) offsets(%dma_start3A_137 : memref<2048xi32, #tpu.memory_space<vmem>>) semaphore(%arg13 : memref<!tpu.dma_semaphore, #tpu.memory_space<semaphore_mem>>)
    %mul3A_141 = arith.constant 6 : i32
    %mul3A_142 = arith.muli %add3A, %mul3A_141 : i32
    %add3A_143 = arith.constant 2 : i32
    %add3A_144 = arith.addi %mul3A_142, %add3A_143 : i32
    %mul3A_145 = arith.constant 64 : i32
    %mul3A_146 = arith.muli %add3A_144, %mul3A_145 : i32
    "tpu.region"() ({
      %run_scoped3A_285 = tpu.sem_alloc : memref<!tpu.dma_semaphore, #tpu.memory_space<semaphore_mem>>
      %dma_start3A_286 = arith.constant 0 : i32
      %dma_start3A_287 = tpu.memref_slice %arg5[%mul3A_146, %dma_start3A_286] : memref<12288x16xf32, #tpu.memory_space<hbm>> -> memref<64x16xf32, #tpu.memory_space<hbm>>
      %dma_start3A_288 = arith.constant 0 : i32
      %dma_start3A_289 = tpu.memref_slice %arg5[%mul3A_146, %dma_start3A_288] : memref<12288x16xf32, #tpu.memory_space<hbm>> -> memref<64x16xf32, #tpu.memory_space<hbm>>
      tpu.enqueue_dma source(%dma_start3A_289 : memref<64x16xf32, #tpu.memory_space<hbm>>) target(%arg11 : memref<64x16xf32, #tpu.memory_space<vmem>>) target_semaphore(%run_scoped3A_285 : memref<!tpu.dma_semaphore, #tpu.memory_space<semaphore_mem>>)
      %dma_wait3A_290 = arith.constant 0 : i32
      %dma_wait3A_291 = tpu.memref_slice %arg5[%mul3A_146, %dma_wait3A_290] : memref<12288x16xf32, #tpu.memory_space<hbm>> -> memref<64x16xf32, #tpu.memory_space<hbm>>
      %dma_wait3A_292 = arith.constant 0 : i32
      %dma_wait3A_293 = tpu.memref_slice %arg5[%mul3A_146, %dma_wait3A_292] : memref<12288x16xf32, #tpu.memory_space<hbm>> -> memref<64x16xf32, #tpu.memory_space<hbm>>
      tpu.wait_dma2 semaphore(%run_scoped3A_285 : memref<!tpu.dma_semaphore, #tpu.memory_space<semaphore_mem>>) src(%dma_wait3A_293 : memref<64x16xf32, #tpu.memory_space<hbm>>) dst(%arg11 : memref<64x16xf32, #tpu.memory_space<vmem>>)
      tpu.yield
    }) : () -> ()
    %dma_wait3A_147 = arith.constant 0 : i32
    %dma_wait3A_148 = arith.constant 0 : i32
    %dma_wait3A_149 = arith.constant 0 : i32
    %dma_wait3A_150 = arith.constant 0 : i32
    %dma_wait3A_151 = tpu.memref_slice %arg10[%dma_wait3A_148, %dma_wait3A_149, %dma_wait3A_150] : memref<2x2048x16xf32, #tpu.memory_space<vmem>> -> memref<1x2048x16xf32, #tpu.memory_space<vmem>>
    %dma_wait3A_152 = tpu.memref_squeeze %dma_wait3A_151 : memref<1x2048x16xf32, #tpu.memory_space<vmem>> -> memref<2048x16xf32, #tpu.memory_space<vmem>>
    %dma_wait3A_153 = arith.constant 0 : i32
    %dma_wait3A_154 = tpu.memref_slice %arg9[%dma_wait3A_147, %dma_wait3A_153] : memref<2x2048xi32, #tpu.memory_space<vmem>> -> memref<1x2048xi32, #tpu.memory_space<vmem>>
    %dma_wait3A_155 = tpu.memref_squeeze %dma_wait3A_154 : memref<1x2048xi32, #tpu.memory_space<vmem>> -> memref<2048xi32, #tpu.memory_space<vmem>>
    %dma_wait3A_156 = arith.constant 0 : i32
    %dma_wait3A_157 = arith.constant 0 : i32
    %dma_wait3A_158 = tpu.memref_slice %arg2[%dma_wait3A_156, %dma_wait3A_157] : memref<320000x16xf32, #tpu.memory_space<hbm>> -> memref<320000x16xf32, #tpu.memory_space<hbm>>
    tpu.wait_indirect_dma semaphore(%arg12 : memref<!tpu.dma_semaphore, #tpu.memory_space<semaphore_mem>>) src(%dma_wait3A_158 : memref<320000x16xf32, #tpu.memory_space<hbm>>) dst(%dma_wait3A_152 : memref<2048x16xf32, #tpu.memory_space<vmem>>)
    %scan3A_159 = arith.constant 0 : i32
    %scan3A_160 = arith.constant 0 : i32
    %scan3A_161 = arith.constant 64 : i32
    %scan3A_162 = arith.addi %scan3A_160, %scan3A_161 : i32
    %scan3A_163 = arith.constant 1 : i32
    scf.for %scan3A_285 = %scan3A_160 to %scan3A_162 step %scan3A_163  : i32 {
      %add3A_286 = arith.constant 0 : i32
      %add3A_287 = arith.addi %add3A_286, %scan3A_285 : i32
      %get3A = arith.constant 0 : i32
      %get3A_288 = arith.index_cast %get3A : i32 to index
      %get3A_289 = arith.index_cast %add3A_287 : i32 to index
      %get3A_290 = arith.constant 0 : index
      %get3A_291 = tpu.vector_load %arg10[%get3A_288, %get3A_289, %get3A_290] {strides = array<i32>} : memref<2x2048x16xf32, #tpu.memory_space<vmem>>, vector<1x1x16xf32>,
      %get3A_292 = vector.shape_cast %get3A_291 : vector<1x1x16xf32> to vector<16xf32>
      %add3A_293 = arith.constant 256 : i32
      %add3A_294 = arith.addi %add3A_293, %scan3A_285 : i32
      %get3A_295 = arith.constant 0 : i32
      %get3A_296 = arith.index_cast %get3A_295 : i32 to index
      %get3A_297 = arith.index_cast %add3A_294 : i32 to index
      %get3A_298 = arith.constant 0 : index
      %get3A_299 = tpu.vector_load %arg10[%get3A_296, %get3A_297, %get3A_298] {strides = array<i32>} : memref<2x2048x16xf32, #tpu.memory_space<vmem>>, vector<1x1x16xf32>,
      %get3A_300 = vector.shape_cast %get3A_299 : vector<1x1x16xf32> to vector<16xf32>
      %add3A_301 = arith.addf %get3A_292, %get3A_300 : vector<16xf32>
      %add3A_302 = arith.constant 512 : i32
      %add3A_303 = arith.addi %add3A_302, %scan3A_285 : i32
      %get3A_304 = arith.constant 0 : i32
      %get3A_305 = arith.index_cast %get3A_304 : i32 to index
      %get3A_306 = arith.index_cast %add3A_303 : i32 to index
      %get3A_307 = arith.constant 0 : index
      %get3A_308 = tpu.vector_load %arg10[%get3A_305, %get3A_306, %get3A_307] {strides = array<i32>} : memref<2x2048x16xf32, #tpu.memory_space<vmem>>, vector<1x1x16xf32>,
      %get3A_309 = vector.shape_cast %get3A_308 : vector<1x1x16xf32> to vector<16xf32>
      %add3A_310 = arith.addf %add3A_301, %get3A_309 : vector<16xf32>
      %add3A_311 = arith.constant 768 : i32
      %add3A_312 = arith.addi %add3A_311, %scan3A_285 : i32
      %get3A_313 = arith.constant 0 : i32
      %get3A_314 = arith.index_cast %get3A_313 : i32 to index
      %get3A_315 = arith.index_cast %add3A_312 : i32 to index
      %get3A_316 = arith.constant 0 : index
      %get3A_317 = tpu.vector_load %arg10[%get3A_314, %get3A_315, %get3A_316] {strides = array<i32>} : memref<2x2048x16xf32, #tpu.memory_space<vmem>>, vector<1x1x16xf32>,
      %get3A_318 = vector.shape_cast %get3A_317 : vector<1x1x16xf32> to vector<16xf32>
      %add3A_319 = arith.addf %add3A_310, %get3A_318 : vector<16xf32>
      %add3A_320 = arith.constant 1024 : i32
      %add3A_321 = arith.addi %add3A_320, %scan3A_285 : i32
      %get3A_322 = arith.constant 0 : i32
      %get3A_323 = arith.index_cast %get3A_322 : i32 to index
      %get3A_324 = arith.index_cast %add3A_321 : i32 to index
      %get3A_325 = arith.constant 0 : index
      %get3A_326 = tpu.vector_load %arg10[%get3A_323, %get3A_324, %get3A_325] {strides = array<i32>} : memref<2x2048x16xf32, #tpu.memory_space<vmem>>, vector<1x1x16xf32>,
      %get3A_327 = vector.shape_cast %get3A_326 : vector<1x1x16xf32> to vector<16xf32>
      %add3A_328 = arith.addf %add3A_319, %get3A_327 : vector<16xf32>
      %add3A_329 = arith.constant 1280 : i32
      %add3A_330 = arith.addi %add3A_329, %scan3A_285 : i32
      %get3A_331 = arith.constant 0 : i32
      %get3A_332 = arith.index_cast %get3A_331 : i32 to index
      %get3A_333 = arith.index_cast %add3A_330 : i32 to index
      %get3A_334 = arith.constant 0 : index
      %get3A_335 = tpu.vector_load %arg10[%get3A_332, %get3A_333, %get3A_334] {strides = array<i32>} : memref<2x2048x16xf32, #tpu.memory_space<vmem>>, vector<1x1x16xf32>,
      %get3A_336 = vector.shape_cast %get3A_335 : vector<1x1x16xf32> to vector<16xf32>
      %add3A_337 = arith.addf %add3A_328, %get3A_336 : vector<16xf32>
      %add3A_338 = arith.constant 1536 : i32
      %add3A_339 = arith.addi %add3A_338, %scan3A_285 : i32
      %get3A_340 = arith.constant 0 : i32
      %get3A_341 = arith.index_cast %get3A_340 : i32 to index
      %get3A_342 = arith.index_cast %add3A_339 : i32 to index
      %get3A_343 = arith.constant 0 : index
      %get3A_344 = tpu.vector_load %arg10[%get3A_341, %get3A_342, %get3A_343] {strides = array<i32>} : memref<2x2048x16xf32, #tpu.memory_space<vmem>>, vector<1x1x16xf32>,
      %get3A_345 = vector.shape_cast %get3A_344 : vector<1x1x16xf32> to vector<16xf32>
      %add3A_346 = arith.addf %add3A_337, %get3A_345 : vector<16xf32>
      %add3A_347 = arith.constant 1792 : i32
      %add3A_348 = arith.addi %add3A_347, %scan3A_285 : i32
      %get3A_349 = arith.constant 0 : i32
      %get3A_350 = arith.index_cast %get3A_349 : i32 to index
      %get3A_351 = arith.index_cast %add3A_348 : i32 to index
      %get3A_352 = arith.constant 0 : index
      %get3A_353 = tpu.vector_load %arg10[%get3A_350, %get3A_351, %get3A_352] {strides = array<i32>} : memref<2x2048x16xf32, #tpu.memory_space<vmem>>, vector<1x1x16xf32>,
      %get3A_354 = vector.shape_cast %get3A_353 : vector<1x1x16xf32> to vector<16xf32>
      %add3A_355 = arith.addf %add3A_346, %get3A_354 : vector<16xf32>
      %add3A_356 = arith.constant 64 : i32
      %add3A_357 = arith.addi %add3A_356, %scan3A_285 : i32
      %get3A_358 = arith.constant 0 : i32
      %get3A_359 = arith.index_cast %get3A_358 : i32 to index
      %get3A_360 = arith.index_cast %add3A_357 : i32 to index
      %get3A_361 = arith.constant 0 : index
      %get3A_362 = tpu.vector_load %arg10[%get3A_359, %get3A_360, %get3A_361] {strides = array<i32>} : memref<2x2048x16xf32, #tpu.memory_space<vmem>>, vector<1x1x16xf32>,
      %get3A_363 = vector.shape_cast %get3A_362 : vector<1x1x16xf32> to vector<16xf32>
      %add3A_364 = arith.constant 320 : i32
      %add3A_365 = arith.addi %add3A_364, %scan3A_285 : i32
      %get3A_366 = arith.constant 0 : i32
      %get3A_367 = arith.index_cast %get3A_366 : i32 to index
      %get3A_368 = arith.index_cast %add3A_365 : i32 to index
      %get3A_369 = arith.constant 0 : index
      %get3A_370 = tpu.vector_load %arg10[%get3A_367, %get3A_368, %get3A_369] {strides = array<i32>} : memref<2x2048x16xf32, #tpu.memory_space<vmem>>, vector<1x1x16xf32>,
      %get3A_371 = vector.shape_cast %get3A_370 : vector<1x1x16xf32> to vector<16xf32>
      %add3A_372 = arith.addf %get3A_363, %get3A_371 : vector<16xf32>
      %add3A_373 = arith.constant 576 : i32
      %add3A_374 = arith.addi %add3A_373, %scan3A_285 : i32
      %get3A_375 = arith.constant 0 : i32
      %get3A_376 = arith.index_cast %get3A_375 : i32 to index
      %get3A_377 = arith.index_cast %add3A_374 : i32 to index
      %get3A_378 = arith.constant 0 : index
      %get3A_379 = tpu.vector_load %arg10[%get3A_376, %get3A_377, %get3A_378] {strides = array<i32>} : memref<2x2048x16xf32, #tpu.memory_space<vmem>>, vector<1x1x16xf32>,
      %get3A_380 = vector.shape_cast %get3A_379 : vector<1x1x16xf32> to vector<16xf32>
      %add3A_381 = arith.addf %add3A_372, %get3A_380 : vector<16xf32>
      %add3A_382 = arith.constant 832 : i32
      %add3A_383 = arith.addi %add3A_382, %scan3A_285 : i32
      %get3A_384 = arith.constant 0 : i32
      %get3A_385 = arith.index_cast %get3A_384 : i32 to index
      %get3A_386 = arith.index_cast %add3A_383 : i32 to index
      %get3A_387 = arith.constant 0 : index
      %get3A_388 = tpu.vector_load %arg10[%get3A_385, %get3A_386, %get3A_387] {strides = array<i32>} : memref<2x2048x16xf32, #tpu.memory_space<vmem>>, vector<1x1x16xf32>,
      %get3A_389 = vector.shape_cast %get3A_388 : vector<1x1x16xf32> to vector<16xf32>
      %add3A_390 = arith.addf %add3A_381, %get3A_389 : vector<16xf32>
      %add3A_391 = arith.constant 1088 : i32
      %add3A_392 = arith.addi %add3A_391, %scan3A_285 : i32
      %get3A_393 = arith.constant 0 : i32
      %get3A_394 = arith.index_cast %get3A_393 : i32 to index
      %get3A_395 = arith.index_cast %add3A_392 : i32 to index
      %get3A_396 = arith.constant 0 : index
      %get3A_397 = tpu.vector_load %arg10[%get3A_394, %get3A_395, %get3A_396] {strides = array<i32>} : memref<2x2048x16xf32, #tpu.memory_space<vmem>>, vector<1x1x16xf32>,
      %get3A_398 = vector.shape_cast %get3A_397 : vector<1x1x16xf32> to vector<16xf32>
      %add3A_399 = arith.addf %add3A_390, %get3A_398 : vector<16xf32>
      %add3A_400 = arith.constant 1344 : i32
      %add3A_401 = arith.addi %add3A_400, %scan3A_285 : i32
      %get3A_402 = arith.constant 0 : i32
      %get3A_403 = arith.index_cast %get3A_402 : i32 to index
      %get3A_404 = arith.index_cast %add3A_401 : i32 to index
      %get3A_405 = arith.constant 0 : index
      %get3A_406 = tpu.vector_load %arg10[%get3A_403, %get3A_404, %get3A_405] {strides = array<i32>} : memref<2x2048x16xf32, #tpu.memory_space<vmem>>, vector<1x1x16xf32>,
      %get3A_407 = vector.shape_cast %get3A_406 : vector<1x1x16xf32> to vector<16xf32>
      %add3A_408 = arith.addf %add3A_399, %get3A_407 : vector<16xf32>
      %add3A_409 = arith.constant 1600 : i32
      %add3A_410 = arith.addi %add3A_409, %scan3A_285 : i32
      %get3A_411 = arith.constant 0 : i32
      %get3A_412 = arith.index_cast %get3A_411 : i32 to index
      %get3A_413 = arith.index_cast %add3A_410 : i32 to index
      %get3A_414 = arith.constant 0 : index
      %get3A_415 = tpu.vector_load %arg10[%get3A_412, %get3A_413, %get3A_414] {strides = array<i32>} : memref<2x2048x16xf32, #tpu.memory_space<vmem>>, vector<1x1x16xf32>,
      %get3A_416 = vector.shape_cast %get3A_415 : vector<1x1x16xf32> to vector<16xf32>
      %add3A_417 = arith.addf %add3A_408, %get3A_416 : vector<16xf32>
      %add3A_418 = arith.constant 1856 : i32
      %add3A_419 = arith.addi %add3A_418, %scan3A_285 : i32
      %get3A_420 = arith.constant 0 : i32
      %get3A_421 = arith.index_cast %get3A_420 : i32 to index
      %get3A_422 = arith.index_cast %add3A_419 : i32 to index
      %get3A_423 = arith.constant 0 : index
      %get3A_424 = tpu.vector_load %arg10[%get3A_421, %get3A_422, %get3A_423] {strides = array<i32>} : memref<2x2048x16xf32, #tpu.memory_space<vmem>>, vector<1x1x16xf32>,
      %get3A_425 = vector.shape_cast %get3A_424 : vector<1x1x16xf32> to vector<16xf32>
      %add3A_426 = arith.addf %add3A_417, %get3A_425 : vector<16xf32>
      %add3A_427 = arith.constant 128 : i32
      %add3A_428 = arith.addi %add3A_427, %scan3A_285 : i32
      %get3A_429 = arith.constant 0 : i32
      %get3A_430 = arith.index_cast %get3A_429 : i32 to index
      %get3A_431 = arith.index_cast %add3A_428 : i32 to index
      %get3A_432 = arith.constant 0 : index
      %get3A_433 = tpu.vector_load %arg10[%get3A_430, %get3A_431, %get3A_432] {strides = array<i32>} : memref<2x2048x16xf32, #tpu.memory_space<vmem>>, vector<1x1x16xf32>,
      %get3A_434 = vector.shape_cast %get3A_433 : vector<1x1x16xf32> to vector<16xf32>
      %add3A_435 = arith.constant 384 : i32
      %add3A_436 = arith.addi %add3A_435, %scan3A_285 : i32
      %get3A_437 = arith.constant 0 : i32
      %get3A_438 = arith.index_cast %get3A_437 : i32 to index
      %get3A_439 = arith.index_cast %add3A_436 : i32 to index
      %get3A_440 = arith.constant 0 : index
      %get3A_441 = tpu.vector_load %arg10[%get3A_438, %get3A_439, %get3A_440] {strides = array<i32>} : memref<2x2048x16xf32, #tpu.memory_space<vmem>>, vector<1x1x16xf32>,
      %get3A_442 = vector.shape_cast %get3A_441 : vector<1x1x16xf32> to vector<16xf32>
      %add3A_443 = arith.addf %get3A_434, %get3A_442 : vector<16xf32>
      %add3A_444 = arith.constant 640 : i32
      %add3A_445 = arith.addi %add3A_444, %scan3A_285 : i32
      %get3A_446 = arith.constant 0 : i32
      %get3A_447 = arith.index_cast %get3A_446 : i32 to index
      %get3A_448 = arith.index_cast %add3A_445 : i32 to index
      %get3A_449 = arith.constant 0 : index
      %get3A_450 = tpu.vector_load %arg10[%get3A_447, %get3A_448, %get3A_449] {strides = array<i32>} : memref<2x2048x16xf32, #tpu.memory_space<vmem>>, vector<1x1x16xf32>,
      %get3A_451 = vector.shape_cast %get3A_450 : vector<1x1x16xf32> to vector<16xf32>
      %add3A_452 = arith.addf %add3A_443, %get3A_451 : vector<16xf32>
      %add3A_453 = arith.constant 896 : i32
      %add3A_454 = arith.addi %add3A_453, %scan3A_285 : i32
      %get3A_455 = arith.constant 0 : i32
      %get3A_456 = arith.index_cast %get3A_455 : i32 to index
      %get3A_457 = arith.index_cast %add3A_454 : i32 to index
      %get3A_458 = arith.constant 0 : index
      %get3A_459 = tpu.vector_load %arg10[%get3A_456, %get3A_457, %get3A_458] {strides = array<i32>} : memref<2x2048x16xf32, #tpu.memory_space<vmem>>, vector<1x1x16xf32>,
      %get3A_460 = vector.shape_cast %get3A_459 : vector<1x1x16xf32> to vector<16xf32>
      %add3A_461 = arith.addf %add3A_452, %get3A_460 : vector<16xf32>
      %add3A_462 = arith.constant 1152 : i32
      %add3A_463 = arith.addi %add3A_462, %scan3A_285 : i32
      %get3A_464 = arith.constant 0 : i32
      %get3A_465 = arith.index_cast %get3A_464 : i32 to index
      %get3A_466 = arith.index_cast %add3A_463 : i32 to index
      %get3A_467 = arith.constant 0 : index
      %get3A_468 = tpu.vector_load %arg10[%get3A_465, %get3A_466, %get3A_467] {strides = array<i32>} : memref<2x2048x16xf32, #tpu.memory_space<vmem>>, vector<1x1x16xf32>,
      %get3A_469 = vector.shape_cast %get3A_468 : vector<1x1x16xf32> to vector<16xf32>
      %add3A_470 = arith.addf %add3A_461, %get3A_469 : vector<16xf32>
      %add3A_471 = arith.constant 1408 : i32
      %add3A_472 = arith.addi %add3A_471, %scan3A_285 : i32
      %get3A_473 = arith.constant 0 : i32
      %get3A_474 = arith.index_cast %get3A_473 : i32 to index
      %get3A_475 = arith.index_cast %add3A_472 : i32 to index
      %get3A_476 = arith.constant 0 : index
      %get3A_477 = tpu.vector_load %arg10[%get3A_474, %get3A_475, %get3A_476] {strides = array<i32>} : memref<2x2048x16xf32, #tpu.memory_space<vmem>>, vector<1x1x16xf32>,
      %get3A_478 = vector.shape_cast %get3A_477 : vector<1x1x16xf32> to vector<16xf32>
      %add3A_479 = arith.addf %add3A_470, %get3A_478 : vector<16xf32>
      %add3A_480 = arith.constant 1664 : i32
      %add3A_481 = arith.addi %add3A_480, %scan3A_285 : i32
      %get3A_482 = arith.constant 0 : i32
      %get3A_483 = arith.index_cast %get3A_482 : i32 to index
      %get3A_484 = arith.index_cast %add3A_481 : i32 to index
      %get3A_485 = arith.constant 0 : index
      %get3A_486 = tpu.vector_load %arg10[%get3A_483, %get3A_484, %get3A_485] {strides = array<i32>} : memref<2x2048x16xf32, #tpu.memory_space<vmem>>, vector<1x1x16xf32>,
      %get3A_487 = vector.shape_cast %get3A_486 : vector<1x1x16xf32> to vector<16xf32>
      %add3A_488 = arith.addf %add3A_479, %get3A_487 : vector<16xf32>
      %add3A_489 = arith.constant 1920 : i32
      %add3A_490 = arith.addi %add3A_489, %scan3A_285 : i32
      %get3A_491 = arith.constant 0 : i32
      %get3A_492 = arith.index_cast %get3A_491 : i32 to index
      %get3A_493 = arith.index_cast %add3A_490 : i32 to index
      %get3A_494 = arith.constant 0 : index
      %get3A_495 = tpu.vector_load %arg10[%get3A_492, %get3A_493, %get3A_494] {strides = array<i32>} : memref<2x2048x16xf32, #tpu.memory_space<vmem>>, vector<1x1x16xf32>,
      %get3A_496 = vector.shape_cast %get3A_495 : vector<1x1x16xf32> to vector<16xf32>
      %add3A_497 = arith.addf %add3A_488, %get3A_496 : vector<16xf32>
      %add3A_498 = arith.constant 192 : i32
      %add3A_499 = arith.addi %add3A_498, %scan3A_285 : i32
      %get3A_500 = arith.constant 0 : i32
      %get3A_501 = arith.index_cast %get3A_500 : i32 to index
      %get3A_502 = arith.index_cast %add3A_499 : i32 to index
      %get3A_503 = arith.constant 0 : index
      %get3A_504 = tpu.vector_load %arg10[%get3A_501, %get3A_502, %get3A_503] {strides = array<i32>} : memref<2x2048x16xf32, #tpu.memory_space<vmem>>, vector<1x1x16xf32>,
      %get3A_505 = vector.shape_cast %get3A_504 : vector<1x1x16xf32> to vector<16xf32>
      %add3A_506 = arith.constant 448 : i32
      %add3A_507 = arith.addi %add3A_506, %scan3A_285 : i32
      %get3A_508 = arith.constant 0 : i32
      %get3A_509 = arith.index_cast %get3A_508 : i32 to index
      %get3A_510 = arith.index_cast %add3A_507 : i32 to index
      %get3A_511 = arith.constant 0 : index
      %get3A_512 = tpu.vector_load %arg10[%get3A_509, %get3A_510, %get3A_511] {strides = array<i32>} : memref<2x2048x16xf32, #tpu.memory_space<vmem>>, vector<1x1x16xf32>,
      %get3A_513 = vector.shape_cast %get3A_512 : vector<1x1x16xf32> to vector<16xf32>
      %add3A_514 = arith.addf %get3A_505, %get3A_513 : vector<16xf32>
      %add3A_515 = arith.constant 704 : i32
      %add3A_516 = arith.addi %add3A_515, %scan3A_285 : i32
      %get3A_517 = arith.constant 0 : i32
      %get3A_518 = arith.index_cast %get3A_517 : i32 to index
      %get3A_519 = arith.index_cast %add3A_516 : i32 to index
      %get3A_520 = arith.constant 0 : index
      %get3A_521 = tpu.vector_load %arg10[%get3A_518, %get3A_519, %get3A_520] {strides = array<i32>} : memref<2x2048x16xf32, #tpu.memory_space<vmem>>, vector<1x1x16xf32>,
      %get3A_522 = vector.shape_cast %get3A_521 : vector<1x1x16xf32> to vector<16xf32>
      %add3A_523 = arith.addf %add3A_514, %get3A_522 : vector<16xf32>
      %add3A_524 = arith.constant 960 : i32
      %add3A_525 = arith.addi %add3A_524, %scan3A_285 : i32
      %get3A_526 = arith.constant 0 : i32
      %get3A_527 = arith.index_cast %get3A_526 : i32 to index
      %get3A_528 = arith.index_cast %add3A_525 : i32 to index
      %get3A_529 = arith.constant 0 : index
      %get3A_530 = tpu.vector_load %arg10[%get3A_527, %get3A_528, %get3A_529] {strides = array<i32>} : memref<2x2048x16xf32, #tpu.memory_space<vmem>>, vector<1x1x16xf32>,
      %get3A_531 = vector.shape_cast %get3A_530 : vector<1x1x16xf32> to vector<16xf32>
      %add3A_532 = arith.addf %add3A_523, %get3A_531 : vector<16xf32>
      %add3A_533 = arith.constant 1216 : i32
      %add3A_534 = arith.addi %add3A_533, %scan3A_285 : i32
      %get3A_535 = arith.constant 0 : i32
      %get3A_536 = arith.index_cast %get3A_535 : i32 to index
      %get3A_537 = arith.index_cast %add3A_534 : i32 to index
      %get3A_538 = arith.constant 0 : index
      %get3A_539 = tpu.vector_load %arg10[%get3A_536, %get3A_537, %get3A_538] {strides = array<i32>} : memref<2x2048x16xf32, #tpu.memory_space<vmem>>, vector<1x1x16xf32>,
      %get3A_540 = vector.shape_cast %get3A_539 : vector<1x1x16xf32> to vector<16xf32>
      %add3A_541 = arith.addf %add3A_532, %get3A_540 : vector<16xf32>
      %add3A_542 = arith.constant 1472 : i32
      %add3A_543 = arith.addi %add3A_542, %scan3A_285 : i32
      %get3A_544 = arith.constant 0 : i32
      %get3A_545 = arith.index_cast %get3A_544 : i32 to index
      %get3A_546 = arith.index_cast %add3A_543 : i32 to index
      %get3A_547 = arith.constant 0 : index
      %get3A_548 = tpu.vector_load %arg10[%get3A_545, %get3A_546, %get3A_547] {strides = array<i32>} : memref<2x2048x16xf32, #tpu.memory_space<vmem>>, vector<1x1x16xf32>,
      %get3A_549 = vector.shape_cast %get3A_548 : vector<1x1x16xf32> to vector<16xf32>
      %add3A_550 = arith.addf %add3A_541, %get3A_549 : vector<16xf32>
      %add3A_551 = arith.constant 1728 : i32
      %add3A_552 = arith.addi %add3A_551, %scan3A_285 : i32
      %get3A_553 = arith.constant 0 : i32
      %get3A_554 = arith.index_cast %get3A_553 : i32 to index
      %get3A_555 = arith.index_cast %add3A_552 : i32 to index
      %get3A_556 = arith.constant 0 : index
      %get3A_557 = tpu.vector_load %arg10[%get3A_554, %get3A_555, %get3A_556] {strides = array<i32>} : memref<2x2048x16xf32, #tpu.memory_space<vmem>>, vector<1x1x16xf32>,
      %get3A_558 = vector.shape_cast %get3A_557 : vector<1x1x16xf32> to vector<16xf32>
      %add3A_559 = arith.addf %add3A_550, %get3A_558 : vector<16xf32>
      %add3A_560 = arith.constant 1984 : i32
      %add3A_561 = arith.addi %add3A_560, %scan3A_285 : i32
      %get3A_562 = arith.constant 0 : i32
      %get3A_563 = arith.index_cast %get3A_562 : i32 to index
      %get3A_564 = arith.index_cast %add3A_561 : i32 to index
      %get3A_565 = arith.constant 0 : index
      %get3A_566 = tpu.vector_load %arg10[%get3A_563, %get3A_564, %get3A_565] {strides = array<i32>} : memref<2x2048x16xf32, #tpu.memory_space<vmem>>, vector<1x1x16xf32>,
      %get3A_567 = vector.shape_cast %get3A_566 : vector<1x1x16xf32> to vector<16xf32>
      %add3A_568 = arith.addf %add3A_559, %get3A_567 : vector<16xf32>
      %get3A_569 = arith.index_cast %scan3A_285 : i32 to index
      %get3A_570 = arith.constant 0 : index
      %get3A_571 = tpu.vector_load %arg11[%get3A_569, %get3A_570] {strides = array<i32>} : memref<64x16xf32, #tpu.memory_space<vmem>>, vector<1x16xf32>,
      %get3A_572 = vector.shape_cast %get3A_571 : vector<1x16xf32> to vector<16xf32>
      %add3A_573 = arith.addf %add3A_355, %add3A_426 : vector<16xf32>
      %add3A_574 = arith.addf %add3A_497, %add3A_568 : vector<16xf32>
      %add3A_575 = arith.addf %add3A_573, %add3A_574 : vector<16xf32>
      %sub3A = arith.subf %get3A_572, %add3A_575 : vector<16xf32>
      %swap3A = arith.index_cast %scan3A_285 : i32 to index
      %swap3A_576 = arith.constant 0 : index
      %swap3A_577 = tpu.vector_load %arg11[%swap3A, %swap3A_576] {strides = array<i32>} : memref<64x16xf32, #tpu.memory_space<vmem>>, vector<1x16xf32>,
      %swap3A_578 = vector.shape_cast %swap3A_577 : vector<1x16xf32> to vector<16xf32>
      %swap3A_579 = vector.shape_cast %sub3A : vector<16xf32> to vector<1x16xf32>
      tpu.vector_store %arg11[%swap3A, %swap3A_576], %swap3A_579 {strides = array<i32>} : memref<64x16xf32, #tpu.memory_space<vmem>>, vector<1x16xf32>,
    }
    %scan3A_164 = arith.constant 64 : i32
    "tpu.region"() ({
      %run_scoped3A_285 = tpu.sem_alloc : memref<!tpu.dma_semaphore, #tpu.memory_space<semaphore_mem>>
      %dma_start3A_286 = arith.constant 0 : i32
      %dma_start3A_287 = tpu.memref_slice %arg6[%mul3A_146, %dma_start3A_286] : memref<12288x16xf32, #tpu.memory_space<hbm>> -> memref<64x16xf32, #tpu.memory_space<hbm>>
      %dma_start3A_288 = arith.constant 0 : i32
      %dma_start3A_289 = tpu.memref_slice %arg6[%mul3A_146, %dma_start3A_288] : memref<12288x16xf32, #tpu.memory_space<hbm>> -> memref<64x16xf32, #tpu.memory_space<hbm>>
      tpu.enqueue_dma source(%arg11 : memref<64x16xf32, #tpu.memory_space<vmem>>) target(%dma_start3A_289 : memref<64x16xf32, #tpu.memory_space<hbm>>) target_semaphore(%run_scoped3A_285 : memref<!tpu.dma_semaphore, #tpu.memory_space<semaphore_mem>>)
      %dma_wait3A_290 = arith.constant 0 : i32
      %dma_wait3A_291 = tpu.memref_slice %arg6[%mul3A_146, %dma_wait3A_290] : memref<12288x16xf32, #tpu.memory_space<hbm>> -> memref<64x16xf32, #tpu.memory_space<hbm>>
      %dma_wait3A_292 = arith.constant 0 : i32
      %dma_wait3A_293 = tpu.memref_slice %arg6[%mul3A_146, %dma_wait3A_292] : memref<12288x16xf32, #tpu.memory_space<hbm>> -> memref<64x16xf32, #tpu.memory_space<hbm>>
      tpu.wait_dma2 semaphore(%run_scoped3A_285 : memref<!tpu.dma_semaphore, #tpu.memory_space<semaphore_mem>>) src(%arg11 : memref<64x16xf32, #tpu.memory_space<vmem>>) dst(%dma_wait3A_293 : memref<64x16xf32, #tpu.memory_space<hbm>>)
      tpu.yield
    }) : () -> ()
    %mul3A_165 = arith.constant 6 : i32
    %mul3A_166 = arith.muli %add3A, %mul3A_165 : i32
    %add3A_167 = arith.constant 4 : i32
    %add3A_168 = arith.addi %mul3A_166, %add3A_167 : i32
    %run_scoped3A_169 = arith.constant 0 : i32
    "tpu.region"() ({
      %run_scoped3A_285 = tpu.sem_alloc : memref<!tpu.dma_semaphore, #tpu.memory_space<semaphore_mem>>
      %dma_start3A_286 = arith.constant 0 : i32
      %dma_start3A_287 = arith.constant 0 : i32
      %dma_start3A_288 = tpu.memref_slice %arg7[%run_scoped3A_169, %dma_start3A_286, %dma_start3A_287] : memref<2x32x64xi32, #tpu.memory_space<vmem>> -> memref<1x32x64xi32, #tpu.memory_space<vmem>>
      %dma_start3A_289 = tpu.memref_squeeze %dma_start3A_288 : memref<1x32x64xi32, #tpu.memory_space<vmem>> -> memref<32x64xi32, #tpu.memory_space<vmem>>
      %dma_start3A_290 = arith.constant 0 : i32
      %dma_start3A_291 = arith.constant 0 : i32
      %dma_start3A_292 = tpu.memref_slice %arg3[%add3A_168, %dma_start3A_290, %dma_start3A_291] : memref<192x32x64xi32, #tpu.memory_space<hbm>> -> memref<1x32x64xi32, #tpu.memory_space<hbm>>
      %dma_start3A_293 = tpu.memref_squeeze %dma_start3A_292 : memref<1x32x64xi32, #tpu.memory_space<hbm>> -> memref<32x64xi32, #tpu.memory_space<hbm>>
      %dma_start3A_294 = arith.constant 0 : i32
      %dma_start3A_295 = arith.constant 0 : i32
      %dma_start3A_296 = tpu.memref_slice %arg7[%run_scoped3A_169, %dma_start3A_294, %dma_start3A_295] : memref<2x32x64xi32, #tpu.memory_space<vmem>> -> memref<1x32x64xi32, #tpu.memory_space<vmem>>
      %dma_start3A_297 = tpu.memref_squeeze %dma_start3A_296 : memref<1x32x64xi32, #tpu.memory_space<vmem>> -> memref<32x64xi32, #tpu.memory_space<vmem>>
      %dma_start3A_298 = arith.constant 0 : i32
      %dma_start3A_299 = arith.constant 0 : i32
      %dma_start3A_300 = tpu.memref_slice %arg3[%add3A_168, %dma_start3A_298, %dma_start3A_299] : memref<192x32x64xi32, #tpu.memory_space<hbm>> -> memref<1x32x64xi32, #tpu.memory_space<hbm>>
      %dma_start3A_301 = tpu.memref_squeeze %dma_start3A_300 : memref<1x32x64xi32, #tpu.memory_space<hbm>> -> memref<32x64xi32, #tpu.memory_space<hbm>>
      tpu.enqueue_dma source(%dma_start3A_301 : memref<32x64xi32, #tpu.memory_space<hbm>>) target(%dma_start3A_297 : memref<32x64xi32, #tpu.memory_space<vmem>>) target_semaphore(%run_scoped3A_285 : memref<!tpu.dma_semaphore, #tpu.memory_space<semaphore_mem>>)
      %dma_wait3A_302 = arith.constant 0 : i32
      %dma_wait3A_303 = arith.constant 0 : i32
      %dma_wait3A_304 = tpu.memref_slice %arg7[%run_scoped3A_169, %dma_wait3A_302, %dma_wait3A_303] : memref<2x32x64xi32, #tpu.memory_space<vmem>> -> memref<1x32x64xi32, #tpu.memory_space<vmem>>
      %dma_wait3A_305 = tpu.memref_squeeze %dma_wait3A_304 : memref<1x32x64xi32, #tpu.memory_space<vmem>> -> memref<32x64xi32, #tpu.memory_space<vmem>>
      %dma_wait3A_306 = arith.constant 0 : i32
      %dma_wait3A_307 = arith.constant 0 : i32
      %dma_wait3A_308 = tpu.memref_slice %arg3[%add3A_168, %dma_wait3A_306, %dma_wait3A_307] : memref<192x32x64xi32, #tpu.memory_space<hbm>> -> memref<1x32x64xi32, #tpu.memory_space<hbm>>
      %dma_wait3A_309 = tpu.memref_squeeze %dma_wait3A_308 : memref<1x32x64xi32, #tpu.memory_space<hbm>> -> memref<32x64xi32, #tpu.memory_space<hbm>>
      %dma_wait3A_310 = arith.constant 0 : i32
      %dma_wait3A_311 = arith.constant 0 : i32
      %dma_wait3A_312 = tpu.memref_slice %arg7[%run_scoped3A_169, %dma_wait3A_310, %dma_wait3A_311] : memref<2x32x64xi32, #tpu.memory_space<vmem>> -> memref<1x32x64xi32, #tpu.memory_space<vmem>>
      %dma_wait3A_313 = tpu.memref_squeeze %dma_wait3A_312 : memref<1x32x64xi32, #tpu.memory_space<vmem>> -> memref<32x64xi32, #tpu.memory_space<vmem>>
      %dma_wait3A_314 = arith.constant 0 : i32
      %dma_wait3A_315 = arith.constant 0 : i32
      %dma_wait3A_316 = tpu.memref_slice %arg3[%add3A_168, %dma_wait3A_314, %dma_wait3A_315] : memref<192x32x64xi32, #tpu.memory_space<hbm>> -> memref<1x32x64xi32, #tpu.memory_space<hbm>>
      %dma_wait3A_317 = tpu.memref_squeeze %dma_wait3A_316 : memref<1x32x64xi32, #tpu.memory_space<hbm>> -> memref<32x64xi32, #tpu.memory_space<hbm>>
      tpu.wait_dma2 semaphore(%run_scoped3A_285 : memref<!tpu.dma_semaphore, #tpu.memory_space<semaphore_mem>>) src(%dma_wait3A_317 : memref<32x64xi32, #tpu.memory_space<hbm>>) dst(%dma_wait3A_313 : memref<32x64xi32, #tpu.memory_space<vmem>>)
      tpu.yield
    }) : () -> ()
    %run_scoped3A_170 = arith.constant 0 : i32
    "tpu.region"() ({
      %run_scoped3A_285 = tpu.sem_alloc : memref<!tpu.dma_semaphore, #tpu.memory_space<semaphore_mem>>
      %dma_start3A_286 = arith.constant 0 : i32
      %dma_start3A_287 = arith.constant 0 : i32
      %dma_start3A_288 = tpu.memref_slice %arg8[%run_scoped3A_170, %dma_start3A_286, %dma_start3A_287] : memref<2x32x64xi32, #tpu.memory_space<vmem>> -> memref<1x32x64xi32, #tpu.memory_space<vmem>>
      %dma_start3A_289 = tpu.memref_squeeze %dma_start3A_288 : memref<1x32x64xi32, #tpu.memory_space<vmem>> -> memref<32x64xi32, #tpu.memory_space<vmem>>
      %dma_start3A_290 = arith.constant 0 : i32
      %dma_start3A_291 = arith.constant 0 : i32
      %dma_start3A_292 = tpu.memref_slice %arg4[%add3A_168, %dma_start3A_290, %dma_start3A_291] : memref<192x32x64xi32, #tpu.memory_space<hbm>> -> memref<1x32x64xi32, #tpu.memory_space<hbm>>
      %dma_start3A_293 = tpu.memref_squeeze %dma_start3A_292 : memref<1x32x64xi32, #tpu.memory_space<hbm>> -> memref<32x64xi32, #tpu.memory_space<hbm>>
      %dma_start3A_294 = arith.constant 0 : i32
      %dma_start3A_295 = arith.constant 0 : i32
      %dma_start3A_296 = tpu.memref_slice %arg8[%run_scoped3A_170, %dma_start3A_294, %dma_start3A_295] : memref<2x32x64xi32, #tpu.memory_space<vmem>> -> memref<1x32x64xi32, #tpu.memory_space<vmem>>
      %dma_start3A_297 = tpu.memref_squeeze %dma_start3A_296 : memref<1x32x64xi32, #tpu.memory_space<vmem>> -> memref<32x64xi32, #tpu.memory_space<vmem>>
      %dma_start3A_298 = arith.constant 0 : i32
      %dma_start3A_299 = arith.constant 0 : i32
      %dma_start3A_300 = tpu.memref_slice %arg4[%add3A_168, %dma_start3A_298, %dma_start3A_299] : memref<192x32x64xi32, #tpu.memory_space<hbm>> -> memref<1x32x64xi32, #tpu.memory_space<hbm>>
      %dma_start3A_301 = tpu.memref_squeeze %dma_start3A_300 : memref<1x32x64xi32, #tpu.memory_space<hbm>> -> memref<32x64xi32, #tpu.memory_space<hbm>>
      tpu.enqueue_dma source(%dma_start3A_301 : memref<32x64xi32, #tpu.memory_space<hbm>>) target(%dma_start3A_297 : memref<32x64xi32, #tpu.memory_space<vmem>>) target_semaphore(%run_scoped3A_285 : memref<!tpu.dma_semaphore, #tpu.memory_space<semaphore_mem>>)
      %dma_wait3A_302 = arith.constant 0 : i32
      %dma_wait3A_303 = arith.constant 0 : i32
      %dma_wait3A_304 = tpu.memref_slice %arg8[%run_scoped3A_170, %dma_wait3A_302, %dma_wait3A_303] : memref<2x32x64xi32, #tpu.memory_space<vmem>> -> memref<1x32x64xi32, #tpu.memory_space<vmem>>
      %dma_wait3A_305 = tpu.memref_squeeze %dma_wait3A_304 : memref<1x32x64xi32, #tpu.memory_space<vmem>> -> memref<32x64xi32, #tpu.memory_space<vmem>>
      %dma_wait3A_306 = arith.constant 0 : i32
      %dma_wait3A_307 = arith.constant 0 : i32
      %dma_wait3A_308 = tpu.memref_slice %arg4[%add3A_168, %dma_wait3A_306, %dma_wait3A_307] : memref<192x32x64xi32, #tpu.memory_space<hbm>> -> memref<1x32x64xi32, #tpu.memory_space<hbm>>
      %dma_wait3A_309 = tpu.memref_squeeze %dma_wait3A_308 : memref<1x32x64xi32, #tpu.memory_space<hbm>> -> memref<32x64xi32, #tpu.memory_space<hbm>>
      %dma_wait3A_310 = arith.constant 0 : i32
      %dma_wait3A_311 = arith.constant 0 : i32
      %dma_wait3A_312 = tpu.memref_slice %arg8[%run_scoped3A_170, %dma_wait3A_310, %dma_wait3A_311] : memref<2x32x64xi32, #tpu.memory_space<vmem>> -> memref<1x32x64xi32, #tpu.memory_space<vmem>>
      %dma_wait3A_313 = tpu.memref_squeeze %dma_wait3A_312 : memref<1x32x64xi32, #tpu.memory_space<vmem>> -> memref<32x64xi32, #tpu.memory_space<vmem>>
      %dma_wait3A_314 = arith.constant 0 : i32
      %dma_wait3A_315 = arith.constant 0 : i32
      %dma_wait3A_316 = tpu.memref_slice %arg4[%add3A_168, %dma_wait3A_314, %dma_wait3A_315] : memref<192x32x64xi32, #tpu.memory_space<hbm>> -> memref<1x32x64xi32, #tpu.memory_space<hbm>>
      %dma_wait3A_317 = tpu.memref_squeeze %dma_wait3A_316 : memref<1x32x64xi32, #tpu.memory_space<hbm>> -> memref<32x64xi32, #tpu.memory_space<hbm>>
      tpu.wait_dma2 semaphore(%run_scoped3A_285 : memref<!tpu.dma_semaphore, #tpu.memory_space<semaphore_mem>>) src(%dma_wait3A_317 : memref<32x64xi32, #tpu.memory_space<hbm>>) dst(%dma_wait3A_313 : memref<32x64xi32, #tpu.memory_space<vmem>>)
      tpu.yield
    }) : () -> ()
    %scan3A_171 = arith.constant 0 : i32
    %scan3A_172 = arith.constant 0 : i32
    %scan3A_173 = arith.constant 32 : i32
    %scan3A_174 = arith.addi %scan3A_172, %scan3A_173 : i32
    %scan3A_175 = arith.constant 1 : i32
    scf.for %scan3A_285 = %scan3A_172 to %scan3A_174 step %scan3A_175  : i32 {
      %get3A = arith.constant 0 : i32
      %get3A_286 = arith.index_cast %get3A : i32 to index
      %get3A_287 = arith.index_cast %scan3A_285 : i32 to index
      %get3A_288 = arith.constant 0 : index
      %get3A_289 = tpu.vector_load %arg7[%get3A_286, %get3A_287, %get3A_288] {strides = array<i32>} : memref<2x32x64xi32, #tpu.memory_space<vmem>>, vector<1x1x16xi32>,
      %get3A_290 = vector.shape_cast %get3A_289 : vector<1x1x16xi32> to vector<16xi32>
      %mul3A_291 = arith.constant 32 : i32
      %mul3A_292 = vector.broadcast %mul3A_291 : i32 to vector<16xi32>
      %mul3A_293 = arith.muli %get3A_290, %mul3A_292 : vector<16xi32>
      %get3A_294 = arith.constant 0 : i32
      %get3A_295 = arith.index_cast %get3A_294 : i32 to index
      %get3A_296 = arith.index_cast %scan3A_285 : i32 to index
      %get3A_297 = arith.constant 0 : index
      %get3A_298 = tpu.vector_load %arg8[%get3A_295, %get3A_296, %get3A_297] {strides = array<i32>} : memref<2x32x64xi32, #tpu.memory_space<vmem>>, vector<1x1x16xi32>,
      %get3A_299 = vector.shape_cast %get3A_298 : vector<1x1x16xi32> to vector<16xi32>
      %add3A_300 = arith.addi %mul3A_293, %get3A_299 : vector<16xi32>
      %mul3A_301 = arith.constant 64 : i32
      %mul3A_302 = arith.muli %scan3A_285, %mul3A_301 : i32
      %add3A_303 = arith.constant 0 : i32
      %add3A_304 = arith.addi %mul3A_302, %add3A_303 : i32
      %swap3A = arith.constant 0 : i32
      %swap3A_305 = arith.index_cast %swap3A : i32 to index
      %swap3A_306 = arith.index_cast %add3A_304 : i32 to index
      %swap3A_307 = tpu.vector_load %arg9[%swap3A_305, %swap3A_306] {strides = array<i32>} : memref<2x2048xi32, #tpu.memory_space<vmem>>, vector<1x16xi32>,
      %swap3A_308 = vector.shape_cast %swap3A_307 : vector<1x16xi32> to vector<16xi32>
      %swap3A_309 = vector.shape_cast %add3A_300 : vector<16xi32> to vector<1x16xi32>
      tpu.vector_store %arg9[%swap3A_305, %swap3A_306], %swap3A_309 {strides = array<i32>} : memref<2x2048xi32, #tpu.memory_space<vmem>>, vector<1x16xi32>,
      %get3A_310 = arith.constant 0 : i32
      %get3A_311 = arith.index_cast %get3A_310 : i32 to index
      %get3A_312 = arith.index_cast %scan3A_285 : i32 to index
      %get3A_313 = arith.constant 16 : index
      %get3A_314 = tpu.vector_load %arg7[%get3A_311, %get3A_312, %get3A_313] {strides = array<i32>} : memref<2x32x64xi32, #tpu.memory_space<vmem>>, vector<1x1x16xi32>,
      %get3A_315 = vector.shape_cast %get3A_314 : vector<1x1x16xi32> to vector<16xi32>
      %mul3A_316 = arith.constant 32 : i32
      %mul3A_317 = vector.broadcast %mul3A_316 : i32 to vector<16xi32>
      %mul3A_318 = arith.muli %get3A_315, %mul3A_317 : vector<16xi32>
      %get3A_319 = arith.constant 0 : i32
      %get3A_320 = arith.index_cast %get3A_319 : i32 to index
      %get3A_321 = arith.index_cast %scan3A_285 : i32 to index
      %get3A_322 = arith.constant 16 : index
      %get3A_323 = tpu.vector_load %arg8[%get3A_320, %get3A_321, %get3A_322] {strides = array<i32>} : memref<2x32x64xi32, #tpu.memory_space<vmem>>, vector<1x1x16xi32>,
      %get3A_324 = vector.shape_cast %get3A_323 : vector<1x1x16xi32> to vector<16xi32>
      %add3A_325 = arith.addi %mul3A_318, %get3A_324 : vector<16xi32>
      %mul3A_326 = arith.constant 64 : i32
      %mul3A_327 = arith.muli %scan3A_285, %mul3A_326 : i32
      %add3A_328 = arith.constant 16 : i32
      %add3A_329 = arith.addi %mul3A_327, %add3A_328 : i32
      %swap3A_330 = arith.constant 0 : i32
      %swap3A_331 = arith.index_cast %swap3A_330 : i32 to index
      %swap3A_332 = arith.index_cast %add3A_329 : i32 to index
      %swap3A_333 = tpu.vector_load %arg9[%swap3A_331, %swap3A_332] {strides = array<i32>} : memref<2x2048xi32, #tpu.memory_space<vmem>>, vector<1x16xi32>,
      %swap3A_334 = vector.shape_cast %swap3A_333 : vector<1x16xi32> to vector<16xi32>
      %swap3A_335 = vector.shape_cast %add3A_325 : vector<16xi32> to vector<1x16xi32>
      tpu.vector_store %arg9[%swap3A_331, %swap3A_332], %swap3A_335 {strides = array<i32>} : memref<2x2048xi32, #tpu.memory_space<vmem>>, vector<1x16xi32>,
      %get3A_336 = arith.constant 0 : i32
      %get3A_337 = arith.index_cast %get3A_336 : i32 to index
      %get3A_338 = arith.index_cast %scan3A_285 : i32 to index
      %get3A_339 = arith.constant 32 : index
      %get3A_340 = tpu.vector_load %arg7[%get3A_337, %get3A_338, %get3A_339] {strides = array<i32>} : memref<2x32x64xi32, #tpu.memory_space<vmem>>, vector<1x1x16xi32>,
      %get3A_341 = vector.shape_cast %get3A_340 : vector<1x1x16xi32> to vector<16xi32>
      %mul3A_342 = arith.constant 32 : i32
      %mul3A_343 = vector.broadcast %mul3A_342 : i32 to vector<16xi32>
      %mul3A_344 = arith.muli %get3A_341, %mul3A_343 : vector<16xi32>
      %get3A_345 = arith.constant 0 : i32
      %get3A_346 = arith.index_cast %get3A_345 : i32 to index
      %get3A_347 = arith.index_cast %scan3A_285 : i32 to index
      %get3A_348 = arith.constant 32 : index
      %get3A_349 = tpu.vector_load %arg8[%get3A_346, %get3A_347, %get3A_348] {strides = array<i32>} : memref<2x32x64xi32, #tpu.memory_space<vmem>>, vector<1x1x16xi32>,
      %get3A_350 = vector.shape_cast %get3A_349 : vector<1x1x16xi32> to vector<16xi32>
      %add3A_351 = arith.addi %mul3A_344, %get3A_350 : vector<16xi32>
      %mul3A_352 = arith.constant 64 : i32
      %mul3A_353 = arith.muli %scan3A_285, %mul3A_352 : i32
      %add3A_354 = arith.constant 32 : i32
      %add3A_355 = arith.addi %mul3A_353, %add3A_354 : i32
      %swap3A_356 = arith.constant 0 : i32
      %swap3A_357 = arith.index_cast %swap3A_356 : i32 to index
      %swap3A_358 = arith.index_cast %add3A_355 : i32 to index
      %swap3A_359 = tpu.vector_load %arg9[%swap3A_357, %swap3A_358] {strides = array<i32>} : memref<2x2048xi32, #tpu.memory_space<vmem>>, vector<1x16xi32>,
      %swap3A_360 = vector.shape_cast %swap3A_359 : vector<1x16xi32> to vector<16xi32>
      %swap3A_361 = vector.shape_cast %add3A_351 : vector<16xi32> to vector<1x16xi32>
      tpu.vector_store %arg9[%swap3A_357, %swap3A_358], %swap3A_361 {strides = array<i32>} : memref<2x2048xi32, #tpu.memory_space<vmem>>, vector<1x16xi32>,
      %get3A_362 = arith.constant 0 : i32
      %get3A_363 = arith.index_cast %get3A_362 : i32 to index
      %get3A_364 = arith.index_cast %scan3A_285 : i32 to index
      %get3A_365 = arith.constant 48 : index
      %get3A_366 = tpu.vector_load %arg7[%get3A_363, %get3A_364, %get3A_365] {strides = array<i32>} : memref<2x32x64xi32, #tpu.memory_space<vmem>>, vector<1x1x16xi32>,
      %get3A_367 = vector.shape_cast %get3A_366 : vector<1x1x16xi32> to vector<16xi32>
      %mul3A_368 = arith.constant 32 : i32
      %mul3A_369 = vector.broadcast %mul3A_368 : i32 to vector<16xi32>
      %mul3A_370 = arith.muli %get3A_367, %mul3A_369 : vector<16xi32>
      %get3A_371 = arith.constant 0 : i32
      %get3A_372 = arith.index_cast %get3A_371 : i32 to index
      %get3A_373 = arith.index_cast %scan3A_285 : i32 to index
      %get3A_374 = arith.constant 48 : index
      %get3A_375 = tpu.vector_load %arg8[%get3A_372, %get3A_373, %get3A_374] {strides = array<i32>} : memref<2x32x64xi32, #tpu.memory_space<vmem>>, vector<1x1x16xi32>,
      %get3A_376 = vector.shape_cast %get3A_375 : vector<1x1x16xi32> to vector<16xi32>
      %add3A_377 = arith.addi %mul3A_370, %get3A_376 : vector<16xi32>
      %mul3A_378 = arith.constant 64 : i32
      %mul3A_379 = arith.muli %scan3A_285, %mul3A_378 : i32
      %add3A_380 = arith.constant 48 : i32
      %add3A_381 = arith.addi %mul3A_379, %add3A_380 : i32
      %swap3A_382 = arith.constant 0 : i32
      %swap3A_383 = arith.index_cast %swap3A_382 : i32 to index
      %swap3A_384 = arith.index_cast %add3A_381 : i32 to index
      %swap3A_385 = tpu.vector_load %arg9[%swap3A_383, %swap3A_384] {strides = array<i32>} : memref<2x2048xi32, #tpu.memory_space<vmem>>, vector<1x16xi32>,
      %swap3A_386 = vector.shape_cast %swap3A_385 : vector<1x16xi32> to vector<16xi32>
      %swap3A_387 = vector.shape_cast %add3A_377 : vector<16xi32> to vector<1x16xi32>
      tpu.vector_store %arg9[%swap3A_383, %swap3A_384], %swap3A_387 {strides = array<i32>} : memref<2x2048xi32, #tpu.memory_space<vmem>>, vector<1x16xi32>,
    }
    %scan3A_176 = arith.constant 32 : i32
    %dma_start3A_177 = arith.constant 0 : i32
    %dma_start3A_178 = arith.constant 0 : i32
    %dma_start3A_179 = arith.constant 0 : i32
    %dma_start3A_180 = arith.constant 0 : i32
    %dma_start3A_181 = tpu.memref_slice %arg10[%dma_start3A_178, %dma_start3A_179, %dma_start3A_180] : memref<2x2048x16xf32, #tpu.memory_space<vmem>> -> memref<1x2048x16xf32, #tpu.memory_space<vmem>>
    %dma_start3A_182 = tpu.memref_squeeze %dma_start3A_181 : memref<1x2048x16xf32, #tpu.memory_space<vmem>> -> memref<2048x16xf32, #tpu.memory_space<vmem>>
    %dma_start3A_183 = arith.constant 0 : i32
    %dma_start3A_184 = tpu.memref_slice %arg9[%dma_start3A_177, %dma_start3A_183] : memref<2x2048xi32, #tpu.memory_space<vmem>> -> memref<1x2048xi32, #tpu.memory_space<vmem>>
    %dma_start3A_185 = tpu.memref_squeeze %dma_start3A_184 : memref<1x2048xi32, #tpu.memory_space<vmem>> -> memref<2048xi32, #tpu.memory_space<vmem>>
    %dma_start3A_186 = arith.constant 0 : i32
    %dma_start3A_187 = arith.constant 0 : i32
    %dma_start3A_188 = tpu.memref_slice %arg2[%dma_start3A_186, %dma_start3A_187] : memref<320000x16xf32, #tpu.memory_space<hbm>> -> memref<320000x16xf32, #tpu.memory_space<hbm>>
    tpu.enqueue_indirect_dma source(%dma_start3A_188 : memref<320000x16xf32, #tpu.memory_space<hbm>>) target(%dma_start3A_182 : memref<2048x16xf32, #tpu.memory_space<vmem>>) offsets(%dma_start3A_185 : memref<2048xi32, #tpu.memory_space<vmem>>) semaphore(%arg12 : memref<!tpu.dma_semaphore, #tpu.memory_space<semaphore_mem>>)
    %mul3A_189 = arith.constant 6 : i32
    %mul3A_190 = arith.muli %add3A, %mul3A_189 : i32
    %add3A_191 = arith.constant 3 : i32
    %add3A_192 = arith.addi %mul3A_190, %add3A_191 : i32
    %mul3A_193 = arith.constant 64 : i32
    %mul3A_194 = arith.muli %add3A_192, %mul3A_193 : i32
    "tpu.region"() ({
      %run_scoped3A_285 = tpu.sem_alloc : memref<!tpu.dma_semaphore, #tpu.memory_space<semaphore_mem>>
      %dma_start3A_286 = arith.constant 0 : i32
      %dma_start3A_287 = tpu.memref_slice %arg5[%mul3A_194, %dma_start3A_286] : memref<12288x16xf32, #tpu.memory_space<hbm>> -> memref<64x16xf32, #tpu.memory_space<hbm>>
      %dma_start3A_288 = arith.constant 0 : i32
      %dma_start3A_289 = tpu.memref_slice %arg5[%mul3A_194, %dma_start3A_288] : memref<12288x16xf32, #tpu.memory_space<hbm>> -> memref<64x16xf32, #tpu.memory_space<hbm>>
      tpu.enqueue_dma source(%dma_start3A_289 : memref<64x16xf32, #tpu.memory_space<hbm>>) target(%arg11 : memref<64x16xf32, #tpu.memory_space<vmem>>) target_semaphore(%run_scoped3A_285 : memref<!tpu.dma_semaphore, #tpu.memory_space<semaphore_mem>>)
      %dma_wait3A_290 = arith.constant 0 : i32
      %dma_wait3A_291 = tpu.memref_slice %arg5[%mul3A_194, %dma_wait3A_290] : memref<12288x16xf32, #tpu.memory_space<hbm>> -> memref<64x16xf32, #tpu.memory_space<hbm>>
      %dma_wait3A_292 = arith.constant 0 : i32
      %dma_wait3A_293 = tpu.memref_slice %arg5[%mul3A_194, %dma_wait3A_292] : memref<12288x16xf32, #tpu.memory_space<hbm>> -> memref<64x16xf32, #tpu.memory_space<hbm>>
      tpu.wait_dma2 semaphore(%run_scoped3A_285 : memref<!tpu.dma_semaphore, #tpu.memory_space<semaphore_mem>>) src(%dma_wait3A_293 : memref<64x16xf32, #tpu.memory_space<hbm>>) dst(%arg11 : memref<64x16xf32, #tpu.memory_space<vmem>>)
      tpu.yield
    }) : () -> ()
    %dma_wait3A_195 = arith.constant 1 : i32
    %dma_wait3A_196 = arith.constant 1 : i32
    %dma_wait3A_197 = arith.constant 0 : i32
    %dma_wait3A_198 = arith.constant 0 : i32
    %dma_wait3A_199 = tpu.memref_slice %arg10[%dma_wait3A_196, %dma_wait3A_197, %dma_wait3A_198] : memref<2x2048x16xf32, #tpu.memory_space<vmem>> -> memref<1x2048x16xf32, #tpu.memory_space<vmem>>
    %dma_wait3A_200 = tpu.memref_squeeze %dma_wait3A_199 : memref<1x2048x16xf32, #tpu.memory_space<vmem>> -> memref<2048x16xf32, #tpu.memory_space<vmem>>
    %dma_wait3A_201 = arith.constant 0 : i32
    %dma_wait3A_202 = tpu.memref_slice %arg9[%dma_wait3A_195, %dma_wait3A_201] : memref<2x2048xi32, #tpu.memory_space<vmem>> -> memref<1x2048xi32, #tpu.memory_space<vmem>>
    %dma_wait3A_203 = tpu.memref_squeeze %dma_wait3A_202 : memref<1x2048xi32, #tpu.memory_space<vmem>> -> memref<2048xi32, #tpu.memory_space<vmem>>
    %dma_wait3A_204 = arith.constant 0 : i32
    %dma_wait3A_205 = arith.constant 0 : i32
    %dma_wait3A_206 = tpu.memref_slice %arg2[%dma_wait3A_204, %dma_wait3A_205] : memref<320000x16xf32, #tpu.memory_space<hbm>> -> memref<320000x16xf32, #tpu.memory_space<hbm>>
    tpu.wait_indirect_dma semaphore(%arg13 : memref<!tpu.dma_semaphore, #tpu.memory_space<semaphore_mem>>) src(%dma_wait3A_206 : memref<320000x16xf32, #tpu.memory_space<hbm>>) dst(%dma_wait3A_200 : memref<2048x16xf32, #tpu.memory_space<vmem>>)
    %scan3A_207 = arith.constant 0 : i32
    %scan3A_208 = arith.constant 0 : i32
    %scan3A_209 = arith.constant 64 : i32
    %scan3A_210 = arith.addi %scan3A_208, %scan3A_209 : i32
    %scan3A_211 = arith.constant 1 : i32
    scf.for %scan3A_285 = %scan3A_208 to %scan3A_210 step %scan3A_211  : i32 {
      %add3A_286 = arith.constant 0 : i32
      %add3A_287 = arith.addi %add3A_286, %scan3A_285 : i32
      %get3A = arith.constant 1 : i32
      %get3A_288 = arith.index_cast %get3A : i32 to index
      %get3A_289 = arith.index_cast %add3A_287 : i32 to index
      %get3A_290 = arith.constant 0 : index
      %get3A_291 = tpu.vector_load %arg10[%get3A_288, %get3A_289, %get3A_290] {strides = array<i32>} : memref<2x2048x16xf32, #tpu.memory_space<vmem>>, vector<1x1x16xf32>,
      %get3A_292 = vector.shape_cast %get3A_291 : vector<1x1x16xf32> to vector<16xf32>
      %add3A_293 = arith.constant 256 : i32
      %add3A_294 = arith.addi %add3A_293, %scan3A_285 : i32
      %get3A_295 = arith.constant 1 : i32
      %get3A_296 = arith.index_cast %get3A_295 : i32 to index
      %get3A_297 = arith.index_cast %add3A_294 : i32 to index
      %get3A_298 = arith.constant 0 : index
      %get3A_299 = tpu.vector_load %arg10[%get3A_296, %get3A_297, %get3A_298] {strides = array<i32>} : memref<2x2048x16xf32, #tpu.memory_space<vmem>>, vector<1x1x16xf32>,
      %get3A_300 = vector.shape_cast %get3A_299 : vector<1x1x16xf32> to vector<16xf32>
      %add3A_301 = arith.addf %get3A_292, %get3A_300 : vector<16xf32>
      %add3A_302 = arith.constant 512 : i32
      %add3A_303 = arith.addi %add3A_302, %scan3A_285 : i32
      %get3A_304 = arith.constant 1 : i32
      %get3A_305 = arith.index_cast %get3A_304 : i32 to index
      %get3A_306 = arith.index_cast %add3A_303 : i32 to index
      %get3A_307 = arith.constant 0 : index
      %get3A_308 = tpu.vector_load %arg10[%get3A_305, %get3A_306, %get3A_307] {strides = array<i32>} : memref<2x2048x16xf32, #tpu.memory_space<vmem>>, vector<1x1x16xf32>,
      %get3A_309 = vector.shape_cast %get3A_308 : vector<1x1x16xf32> to vector<16xf32>
      %add3A_310 = arith.addf %add3A_301, %get3A_309 : vector<16xf32>
      %add3A_311 = arith.constant 768 : i32
      %add3A_312 = arith.addi %add3A_311, %scan3A_285 : i32
      %get3A_313 = arith.constant 1 : i32
      %get3A_314 = arith.index_cast %get3A_313 : i32 to index
      %get3A_315 = arith.index_cast %add3A_312 : i32 to index
      %get3A_316 = arith.constant 0 : index
      %get3A_317 = tpu.vector_load %arg10[%get3A_314, %get3A_315, %get3A_316] {strides = array<i32>} : memref<2x2048x16xf32, #tpu.memory_space<vmem>>, vector<1x1x16xf32>,
      %get3A_318 = vector.shape_cast %get3A_317 : vector<1x1x16xf32> to vector<16xf32>
      %add3A_319 = arith.addf %add3A_310, %get3A_318 : vector<16xf32>
      %add3A_320 = arith.constant 1024 : i32
      %add3A_321 = arith.addi %add3A_320, %scan3A_285 : i32
      %get3A_322 = arith.constant 1 : i32
      %get3A_323 = arith.index_cast %get3A_322 : i32 to index
      %get3A_324 = arith.index_cast %add3A_321 : i32 to index
      %get3A_325 = arith.constant 0 : index
      %get3A_326 = tpu.vector_load %arg10[%get3A_323, %get3A_324, %get3A_325] {strides = array<i32>} : memref<2x2048x16xf32, #tpu.memory_space<vmem>>, vector<1x1x16xf32>,
      %get3A_327 = vector.shape_cast %get3A_326 : vector<1x1x16xf32> to vector<16xf32>
      %add3A_328 = arith.addf %add3A_319, %get3A_327 : vector<16xf32>
      %add3A_329 = arith.constant 1280 : i32
      %add3A_330 = arith.addi %add3A_329, %scan3A_285 : i32
      %get3A_331 = arith.constant 1 : i32
      %get3A_332 = arith.index_cast %get3A_331 : i32 to index
      %get3A_333 = arith.index_cast %add3A_330 : i32 to index
      %get3A_334 = arith.constant 0 : index
      %get3A_335 = tpu.vector_load %arg10[%get3A_332, %get3A_333, %get3A_334] {strides = array<i32>} : memref<2x2048x16xf32, #tpu.memory_space<vmem>>, vector<1x1x16xf32>,
      %get3A_336 = vector.shape_cast %get3A_335 : vector<1x1x16xf32> to vector<16xf32>
      %add3A_337 = arith.addf %add3A_328, %get3A_336 : vector<16xf32>
      %add3A_338 = arith.constant 1536 : i32
      %add3A_339 = arith.addi %add3A_338, %scan3A_285 : i32
      %get3A_340 = arith.constant 1 : i32
      %get3A_341 = arith.index_cast %get3A_340 : i32 to index
      %get3A_342 = arith.index_cast %add3A_339 : i32 to index
      %get3A_343 = arith.constant 0 : index
      %get3A_344 = tpu.vector_load %arg10[%get3A_341, %get3A_342, %get3A_343] {strides = array<i32>} : memref<2x2048x16xf32, #tpu.memory_space<vmem>>, vector<1x1x16xf32>,
      %get3A_345 = vector.shape_cast %get3A_344 : vector<1x1x16xf32> to vector<16xf32>
      %add3A_346 = arith.addf %add3A_337, %get3A_345 : vector<16xf32>
      %add3A_347 = arith.constant 1792 : i32
      %add3A_348 = arith.addi %add3A_347, %scan3A_285 : i32
      %get3A_349 = arith.constant 1 : i32
      %get3A_350 = arith.index_cast %get3A_349 : i32 to index
      %get3A_351 = arith.index_cast %add3A_348 : i32 to index
      %get3A_352 = arith.constant 0 : index
      %get3A_353 = tpu.vector_load %arg10[%get3A_350, %get3A_351, %get3A_352] {strides = array<i32>} : memref<2x2048x16xf32, #tpu.memory_space<vmem>>, vector<1x1x16xf32>,
      %get3A_354 = vector.shape_cast %get3A_353 : vector<1x1x16xf32> to vector<16xf32>
      %add3A_355 = arith.addf %add3A_346, %get3A_354 : vector<16xf32>
      %add3A_356 = arith.constant 64 : i32
      %add3A_357 = arith.addi %add3A_356, %scan3A_285 : i32
      %get3A_358 = arith.constant 1 : i32
      %get3A_359 = arith.index_cast %get3A_358 : i32 to index
      %get3A_360 = arith.index_cast %add3A_357 : i32 to index
      %get3A_361 = arith.constant 0 : index
      %get3A_362 = tpu.vector_load %arg10[%get3A_359, %get3A_360, %get3A_361] {strides = array<i32>} : memref<2x2048x16xf32, #tpu.memory_space<vmem>>, vector<1x1x16xf32>,
      %get3A_363 = vector.shape_cast %get3A_362 : vector<1x1x16xf32> to vector<16xf32>
      %add3A_364 = arith.constant 320 : i32
      %add3A_365 = arith.addi %add3A_364, %scan3A_285 : i32
      %get3A_366 = arith.constant 1 : i32
      %get3A_367 = arith.index_cast %get3A_366 : i32 to index
      %get3A_368 = arith.index_cast %add3A_365 : i32 to index
      %get3A_369 = arith.constant 0 : index
      %get3A_370 = tpu.vector_load %arg10[%get3A_367, %get3A_368, %get3A_369] {strides = array<i32>} : memref<2x2048x16xf32, #tpu.memory_space<vmem>>, vector<1x1x16xf32>,
      %get3A_371 = vector.shape_cast %get3A_370 : vector<1x1x16xf32> to vector<16xf32>
      %add3A_372 = arith.addf %get3A_363, %get3A_371 : vector<16xf32>
      %add3A_373 = arith.constant 576 : i32
      %add3A_374 = arith.addi %add3A_373, %scan3A_285 : i32
      %get3A_375 = arith.constant 1 : i32
      %get3A_376 = arith.index_cast %get3A_375 : i32 to index
      %get3A_377 = arith.index_cast %add3A_374 : i32 to index
      %get3A_378 = arith.constant 0 : index
      %get3A_379 = tpu.vector_load %arg10[%get3A_376, %get3A_377, %get3A_378] {strides = array<i32>} : memref<2x2048x16xf32, #tpu.memory_space<vmem>>, vector<1x1x16xf32>,
      %get3A_380 = vector.shape_cast %get3A_379 : vector<1x1x16xf32> to vector<16xf32>
      %add3A_381 = arith.addf %add3A_372, %get3A_380 : vector<16xf32>
      %add3A_382 = arith.constant 832 : i32
      %add3A_383 = arith.addi %add3A_382, %scan3A_285 : i32
      %get3A_384 = arith.constant 1 : i32
      %get3A_385 = arith.index_cast %get3A_384 : i32 to index
      %get3A_386 = arith.index_cast %add3A_383 : i32 to index
      %get3A_387 = arith.constant 0 : index
      %get3A_388 = tpu.vector_load %arg10[%get3A_385, %get3A_386, %get3A_387] {strides = array<i32>} : memref<2x2048x16xf32, #tpu.memory_space<vmem>>, vector<1x1x16xf32>,
      %get3A_389 = vector.shape_cast %get3A_388 : vector<1x1x16xf32> to vector<16xf32>
      %add3A_390 = arith.addf %add3A_381, %get3A_389 : vector<16xf32>
      %add3A_391 = arith.constant 1088 : i32
      %add3A_392 = arith.addi %add3A_391, %scan3A_285 : i32
      %get3A_393 = arith.constant 1 : i32
      %get3A_394 = arith.index_cast %get3A_393 : i32 to index
      %get3A_395 = arith.index_cast %add3A_392 : i32 to index
      %get3A_396 = arith.constant 0 : index
      %get3A_397 = tpu.vector_load %arg10[%get3A_394, %get3A_395, %get3A_396] {strides = array<i32>} : memref<2x2048x16xf32, #tpu.memory_space<vmem>>, vector<1x1x16xf32>,
      %get3A_398 = vector.shape_cast %get3A_397 : vector<1x1x16xf32> to vector<16xf32>
      %add3A_399 = arith.addf %add3A_390, %get3A_398 : vector<16xf32>
      %add3A_400 = arith.constant 1344 : i32
      %add3A_401 = arith.addi %add3A_400, %scan3A_285 : i32
      %get3A_402 = arith.constant 1 : i32
      %get3A_403 = arith.index_cast %get3A_402 : i32 to index
      %get3A_404 = arith.index_cast %add3A_401 : i32 to index
      %get3A_405 = arith.constant 0 : index
      %get3A_406 = tpu.vector_load %arg10[%get3A_403, %get3A_404, %get3A_405] {strides = array<i32>} : memref<2x2048x16xf32, #tpu.memory_space<vmem>>, vector<1x1x16xf32>,
      %get3A_407 = vector.shape_cast %get3A_406 : vector<1x1x16xf32> to vector<16xf32>
      %add3A_408 = arith.addf %add3A_399, %get3A_407 : vector<16xf32>
      %add3A_409 = arith.constant 1600 : i32
      %add3A_410 = arith.addi %add3A_409, %scan3A_285 : i32
      %get3A_411 = arith.constant 1 : i32
      %get3A_412 = arith.index_cast %get3A_411 : i32 to index
      %get3A_413 = arith.index_cast %add3A_410 : i32 to index
      %get3A_414 = arith.constant 0 : index
      %get3A_415 = tpu.vector_load %arg10[%get3A_412, %get3A_413, %get3A_414] {strides = array<i32>} : memref<2x2048x16xf32, #tpu.memory_space<vmem>>, vector<1x1x16xf32>,
      %get3A_416 = vector.shape_cast %get3A_415 : vector<1x1x16xf32> to vector<16xf32>
      %add3A_417 = arith.addf %add3A_408, %get3A_416 : vector<16xf32>
      %add3A_418 = arith.constant 1856 : i32
      %add3A_419 = arith.addi %add3A_418, %scan3A_285 : i32
      %get3A_420 = arith.constant 1 : i32
      %get3A_421 = arith.index_cast %get3A_420 : i32 to index
      %get3A_422 = arith.index_cast %add3A_419 : i32 to index
      %get3A_423 = arith.constant 0 : index
      %get3A_424 = tpu.vector_load %arg10[%get3A_421, %get3A_422, %get3A_423] {strides = array<i32>} : memref<2x2048x16xf32, #tpu.memory_space<vmem>>, vector<1x1x16xf32>,
      %get3A_425 = vector.shape_cast %get3A_424 : vector<1x1x16xf32> to vector<16xf32>
      %add3A_426 = arith.addf %add3A_417, %get3A_425 : vector<16xf32>
      %add3A_427 = arith.constant 128 : i32
      %add3A_428 = arith.addi %add3A_427, %scan3A_285 : i32
      %get3A_429 = arith.constant 1 : i32
      %get3A_430 = arith.index_cast %get3A_429 : i32 to index
      %get3A_431 = arith.index_cast %add3A_428 : i32 to index
      %get3A_432 = arith.constant 0 : index
      %get3A_433 = tpu.vector_load %arg10[%get3A_430, %get3A_431, %get3A_432] {strides = array<i32>} : memref<2x2048x16xf32, #tpu.memory_space<vmem>>, vector<1x1x16xf32>,
      %get3A_434 = vector.shape_cast %get3A_433 : vector<1x1x16xf32> to vector<16xf32>
      %add3A_435 = arith.constant 384 : i32
      %add3A_436 = arith.addi %add3A_435, %scan3A_285 : i32
      %get3A_437 = arith.constant 1 : i32
      %get3A_438 = arith.index_cast %get3A_437 : i32 to index
      %get3A_439 = arith.index_cast %add3A_436 : i32 to index
      %get3A_440 = arith.constant 0 : index
      %get3A_441 = tpu.vector_load %arg10[%get3A_438, %get3A_439, %get3A_440] {strides = array<i32>} : memref<2x2048x16xf32, #tpu.memory_space<vmem>>, vector<1x1x16xf32>,
      %get3A_442 = vector.shape_cast %get3A_441 : vector<1x1x16xf32> to vector<16xf32>
      %add3A_443 = arith.addf %get3A_434, %get3A_442 : vector<16xf32>
      %add3A_444 = arith.constant 640 : i32
      %add3A_445 = arith.addi %add3A_444, %scan3A_285 : i32
      %get3A_446 = arith.constant 1 : i32
      %get3A_447 = arith.index_cast %get3A_446 : i32 to index
      %get3A_448 = arith.index_cast %add3A_445 : i32 to index
      %get3A_449 = arith.constant 0 : index
      %get3A_450 = tpu.vector_load %arg10[%get3A_447, %get3A_448, %get3A_449] {strides = array<i32>} : memref<2x2048x16xf32, #tpu.memory_space<vmem>>, vector<1x1x16xf32>,
      %get3A_451 = vector.shape_cast %get3A_450 : vector<1x1x16xf32> to vector<16xf32>
      %add3A_452 = arith.addf %add3A_443, %get3A_451 : vector<16xf32>
      %add3A_453 = arith.constant 896 : i32
      %add3A_454 = arith.addi %add3A_453, %scan3A_285 : i32
      %get3A_455 = arith.constant 1 : i32
      %get3A_456 = arith.index_cast %get3A_455 : i32 to index
      %get3A_457 = arith.index_cast %add3A_454 : i32 to index
      %get3A_458 = arith.constant 0 : index
      %get3A_459 = tpu.vector_load %arg10[%get3A_456, %get3A_457, %get3A_458] {strides = array<i32>} : memref<2x2048x16xf32, #tpu.memory_space<vmem>>, vector<1x1x16xf32>,
      %get3A_460 = vector.shape_cast %get3A_459 : vector<1x1x16xf32> to vector<16xf32>
      %add3A_461 = arith.addf %add3A_452, %get3A_460 : vector<16xf32>
      %add3A_462 = arith.constant 1152 : i32
      %add3A_463 = arith.addi %add3A_462, %scan3A_285 : i32
      %get3A_464 = arith.constant 1 : i32
      %get3A_465 = arith.index_cast %get3A_464 : i32 to index
      %get3A_466 = arith.index_cast %add3A_463 : i32 to index
      %get3A_467 = arith.constant 0 : index
      %get3A_468 = tpu.vector_load %arg10[%get3A_465, %get3A_466, %get3A_467] {strides = array<i32>} : memref<2x2048x16xf32, #tpu.memory_space<vmem>>, vector<1x1x16xf32>,
      %get3A_469 = vector.shape_cast %get3A_468 : vector<1x1x16xf32> to vector<16xf32>
      %add3A_470 = arith.addf %add3A_461, %get3A_469 : vector<16xf32>
      %add3A_471 = arith.constant 1408 : i32
      %add3A_472 = arith.addi %add3A_471, %scan3A_285 : i32
      %get3A_473 = arith.constant 1 : i32
      %get3A_474 = arith.index_cast %get3A_473 : i32 to index
      %get3A_475 = arith.index_cast %add3A_472 : i32 to index
      %get3A_476 = arith.constant 0 : index
      %get3A_477 = tpu.vector_load %arg10[%get3A_474, %get3A_475, %get3A_476] {strides = array<i32>} : memref<2x2048x16xf32, #tpu.memory_space<vmem>>, vector<1x1x16xf32>,
      %get3A_478 = vector.shape_cast %get3A_477 : vector<1x1x16xf32> to vector<16xf32>
      %add3A_479 = arith.addf %add3A_470, %get3A_478 : vector<16xf32>
      %add3A_480 = arith.constant 1664 : i32
      %add3A_481 = arith.addi %add3A_480, %scan3A_285 : i32
      %get3A_482 = arith.constant 1 : i32
      %get3A_483 = arith.index_cast %get3A_482 : i32 to index
      %get3A_484 = arith.index_cast %add3A_481 : i32 to index
      %get3A_485 = arith.constant 0 : index
      %get3A_486 = tpu.vector_load %arg10[%get3A_483, %get3A_484, %get3A_485] {strides = array<i32>} : memref<2x2048x16xf32, #tpu.memory_space<vmem>>, vector<1x1x16xf32>,
      %get3A_487 = vector.shape_cast %get3A_486 : vector<1x1x16xf32> to vector<16xf32>
      %add3A_488 = arith.addf %add3A_479, %get3A_487 : vector<16xf32>
      %add3A_489 = arith.constant 1920 : i32
      %add3A_490 = arith.addi %add3A_489, %scan3A_285 : i32
      %get3A_491 = arith.constant 1 : i32
      %get3A_492 = arith.index_cast %get3A_491 : i32 to index
      %get3A_493 = arith.index_cast %add3A_490 : i32 to index
      %get3A_494 = arith.constant 0 : index
      %get3A_495 = tpu.vector_load %arg10[%get3A_492, %get3A_493, %get3A_494] {strides = array<i32>} : memref<2x2048x16xf32, #tpu.memory_space<vmem>>, vector<1x1x16xf32>,
      %get3A_496 = vector.shape_cast %get3A_495 : vector<1x1x16xf32> to vector<16xf32>
      %add3A_497 = arith.addf %add3A_488, %get3A_496 : vector<16xf32>
      %add3A_498 = arith.constant 192 : i32
      %add3A_499 = arith.addi %add3A_498, %scan3A_285 : i32
      %get3A_500 = arith.constant 1 : i32
      %get3A_501 = arith.index_cast %get3A_500 : i32 to index
      %get3A_502 = arith.index_cast %add3A_499 : i32 to index
      %get3A_503 = arith.constant 0 : index
      %get3A_504 = tpu.vector_load %arg10[%get3A_501, %get3A_502, %get3A_503] {strides = array<i32>} : memref<2x2048x16xf32, #tpu.memory_space<vmem>>, vector<1x1x16xf32>,
      %get3A_505 = vector.shape_cast %get3A_504 : vector<1x1x16xf32> to vector<16xf32>
      %add3A_506 = arith.constant 448 : i32
      %add3A_507 = arith.addi %add3A_506, %scan3A_285 : i32
      %get3A_508 = arith.constant 1 : i32
      %get3A_509 = arith.index_cast %get3A_508 : i32 to index
      %get3A_510 = arith.index_cast %add3A_507 : i32 to index
      %get3A_511 = arith.constant 0 : index
      %get3A_512 = tpu.vector_load %arg10[%get3A_509, %get3A_510, %get3A_511] {strides = array<i32>} : memref<2x2048x16xf32, #tpu.memory_space<vmem>>, vector<1x1x16xf32>,
      %get3A_513 = vector.shape_cast %get3A_512 : vector<1x1x16xf32> to vector<16xf32>
      %add3A_514 = arith.addf %get3A_505, %get3A_513 : vector<16xf32>
      %add3A_515 = arith.constant 704 : i32
      %add3A_516 = arith.addi %add3A_515, %scan3A_285 : i32
      %get3A_517 = arith.constant 1 : i32
      %get3A_518 = arith.index_cast %get3A_517 : i32 to index
      %get3A_519 = arith.index_cast %add3A_516 : i32 to index
      %get3A_520 = arith.constant 0 : index
      %get3A_521 = tpu.vector_load %arg10[%get3A_518, %get3A_519, %get3A_520] {strides = array<i32>} : memref<2x2048x16xf32, #tpu.memory_space<vmem>>, vector<1x1x16xf32>,
      %get3A_522 = vector.shape_cast %get3A_521 : vector<1x1x16xf32> to vector<16xf32>
      %add3A_523 = arith.addf %add3A_514, %get3A_522 : vector<16xf32>
      %add3A_524 = arith.constant 960 : i32
      %add3A_525 = arith.addi %add3A_524, %scan3A_285 : i32
      %get3A_526 = arith.constant 1 : i32
      %get3A_527 = arith.index_cast %get3A_526 : i32 to index
      %get3A_528 = arith.index_cast %add3A_525 : i32 to index
      %get3A_529 = arith.constant 0 : index
      %get3A_530 = tpu.vector_load %arg10[%get3A_527, %get3A_528, %get3A_529] {strides = array<i32>} : memref<2x2048x16xf32, #tpu.memory_space<vmem>>, vector<1x1x16xf32>,
      %get3A_531 = vector.shape_cast %get3A_530 : vector<1x1x16xf32> to vector<16xf32>
      %add3A_532 = arith.addf %add3A_523, %get3A_531 : vector<16xf32>
      %add3A_533 = arith.constant 1216 : i32
      %add3A_534 = arith.addi %add3A_533, %scan3A_285 : i32
      %get3A_535 = arith.constant 1 : i32
      %get3A_536 = arith.index_cast %get3A_535 : i32 to index
      %get3A_537 = arith.index_cast %add3A_534 : i32 to index
      %get3A_538 = arith.constant 0 : index
      %get3A_539 = tpu.vector_load %arg10[%get3A_536, %get3A_537, %get3A_538] {strides = array<i32>} : memref<2x2048x16xf32, #tpu.memory_space<vmem>>, vector<1x1x16xf32>,
      %get3A_540 = vector.shape_cast %get3A_539 : vector<1x1x16xf32> to vector<16xf32>
      %add3A_541 = arith.addf %add3A_532, %get3A_540 : vector<16xf32>
      %add3A_542 = arith.constant 1472 : i32
      %add3A_543 = arith.addi %add3A_542, %scan3A_285 : i32
      %get3A_544 = arith.constant 1 : i32
      %get3A_545 = arith.index_cast %get3A_544 : i32 to index
      %get3A_546 = arith.index_cast %add3A_543 : i32 to index
      %get3A_547 = arith.constant 0 : index
      %get3A_548 = tpu.vector_load %arg10[%get3A_545, %get3A_546, %get3A_547] {strides = array<i32>} : memref<2x2048x16xf32, #tpu.memory_space<vmem>>, vector<1x1x16xf32>,
      %get3A_549 = vector.shape_cast %get3A_548 : vector<1x1x16xf32> to vector<16xf32>
      %add3A_550 = arith.addf %add3A_541, %get3A_549 : vector<16xf32>
      %add3A_551 = arith.constant 1728 : i32
      %add3A_552 = arith.addi %add3A_551, %scan3A_285 : i32
      %get3A_553 = arith.constant 1 : i32
      %get3A_554 = arith.index_cast %get3A_553 : i32 to index
      %get3A_555 = arith.index_cast %add3A_552 : i32 to index
      %get3A_556 = arith.constant 0 : index
      %get3A_557 = tpu.vector_load %arg10[%get3A_554, %get3A_555, %get3A_556] {strides = array<i32>} : memref<2x2048x16xf32, #tpu.memory_space<vmem>>, vector<1x1x16xf32>,
      %get3A_558 = vector.shape_cast %get3A_557 : vector<1x1x16xf32> to vector<16xf32>
      %add3A_559 = arith.addf %add3A_550, %get3A_558 : vector<16xf32>
      %add3A_560 = arith.constant 1984 : i32
      %add3A_561 = arith.addi %add3A_560, %scan3A_285 : i32
      %get3A_562 = arith.constant 1 : i32
      %get3A_563 = arith.index_cast %get3A_562 : i32 to index
      %get3A_564 = arith.index_cast %add3A_561 : i32 to index
      %get3A_565 = arith.constant 0 : index
      %get3A_566 = tpu.vector_load %arg10[%get3A_563, %get3A_564, %get3A_565] {strides = array<i32>} : memref<2x2048x16xf32, #tpu.memory_space<vmem>>, vector<1x1x16xf32>,
      %get3A_567 = vector.shape_cast %get3A_566 : vector<1x1x16xf32> to vector<16xf32>
      %add3A_568 = arith.addf %add3A_559, %get3A_567 : vector<16xf32>
      %get3A_569 = arith.index_cast %scan3A_285 : i32 to index
      %get3A_570 = arith.constant 0 : index
      %get3A_571 = tpu.vector_load %arg11[%get3A_569, %get3A_570] {strides = array<i32>} : memref<64x16xf32, #tpu.memory_space<vmem>>, vector<1x16xf32>,
      %get3A_572 = vector.shape_cast %get3A_571 : vector<1x16xf32> to vector<16xf32>
      %add3A_573 = arith.addf %add3A_355, %add3A_426 : vector<16xf32>
      %add3A_574 = arith.addf %add3A_497, %add3A_568 : vector<16xf32>
      %add3A_575 = arith.addf %add3A_573, %add3A_574 : vector<16xf32>
      %sub3A = arith.subf %get3A_572, %add3A_575 : vector<16xf32>
      %swap3A = arith.index_cast %scan3A_285 : i32 to index
      %swap3A_576 = arith.constant 0 : index
      %swap3A_577 = tpu.vector_load %arg11[%swap3A, %swap3A_576] {strides = array<i32>} : memref<64x16xf32, #tpu.memory_space<vmem>>, vector<1x16xf32>,
      %swap3A_578 = vector.shape_cast %swap3A_577 : vector<1x16xf32> to vector<16xf32>
      %swap3A_579 = vector.shape_cast %sub3A : vector<16xf32> to vector<1x16xf32>
      tpu.vector_store %arg11[%swap3A, %swap3A_576], %swap3A_579 {strides = array<i32>} : memref<64x16xf32, #tpu.memory_space<vmem>>, vector<1x16xf32>,
    }
    %scan3A_212 = arith.constant 64 : i32
    "tpu.region"() ({
      %run_scoped3A_285 = tpu.sem_alloc : memref<!tpu.dma_semaphore, #tpu.memory_space<semaphore_mem>>
      %dma_start3A_286 = arith.constant 0 : i32
      %dma_start3A_287 = tpu.memref_slice %arg6[%mul3A_194, %dma_start3A_286] : memref<12288x16xf32, #tpu.memory_space<hbm>> -> memref<64x16xf32, #tpu.memory_space<hbm>>
      %dma_start3A_288 = arith.constant 0 : i32
      %dma_start3A_289 = tpu.memref_slice %arg6[%mul3A_194, %dma_start3A_288] : memref<12288x16xf32, #tpu.memory_space<hbm>> -> memref<64x16xf32, #tpu.memory_space<hbm>>
      tpu.enqueue_dma source(%arg11 : memref<64x16xf32, #tpu.memory_space<vmem>>) target(%dma_start3A_289 : memref<64x16xf32, #tpu.memory_space<hbm>>) target_semaphore(%run_scoped3A_285 : memref<!tpu.dma_semaphore, #tpu.memory_space<semaphore_mem>>)
      %dma_wait3A_290 = arith.constant 0 : i32
      %dma_wait3A_291 = tpu.memref_slice %arg6[%mul3A_194, %dma_wait3A_290] : memref<12288x16xf32, #tpu.memory_space<hbm>> -> memref<64x16xf32, #tpu.memory_space<hbm>>
      %dma_wait3A_292 = arith.constant 0 : i32
      %dma_wait3A_293 = tpu.memref_slice %arg6[%mul3A_194, %dma_wait3A_292] : memref<12288x16xf32, #tpu.memory_space<hbm>> -> memref<64x16xf32, #tpu.memory_space<hbm>>
      tpu.wait_dma2 semaphore(%run_scoped3A_285 : memref<!tpu.dma_semaphore, #tpu.memory_space<semaphore_mem>>) src(%arg11 : memref<64x16xf32, #tpu.memory_space<vmem>>) dst(%dma_wait3A_293 : memref<64x16xf32, #tpu.memory_space<hbm>>)
      tpu.yield
    }) : () -> ()
    %mul3A_213 = arith.constant 6 : i32
    %mul3A_214 = arith.muli %add3A, %mul3A_213 : i32
    %add3A_215 = arith.constant 5 : i32
    %add3A_216 = arith.addi %mul3A_214, %add3A_215 : i32
    %run_scoped3A_217 = arith.constant 1 : i32
    "tpu.region"() ({
      %run_scoped3A_285 = tpu.sem_alloc : memref<!tpu.dma_semaphore, #tpu.memory_space<semaphore_mem>>
      %dma_start3A_286 = arith.constant 0 : i32
      %dma_start3A_287 = arith.constant 0 : i32
      %dma_start3A_288 = tpu.memref_slice %arg7[%run_scoped3A_217, %dma_start3A_286, %dma_start3A_287] : memref<2x32x64xi32, #tpu.memory_space<vmem>> -> memref<1x32x64xi32, #tpu.memory_space<vmem>>
      %dma_start3A_289 = tpu.memref_squeeze %dma_start3A_288 : memref<1x32x64xi32, #tpu.memory_space<vmem>> -> memref<32x64xi32, #tpu.memory_space<vmem>>
      %dma_start3A_290 = arith.constant 0 : i32
      %dma_start3A_291 = arith.constant 0 : i32
      %dma_start3A_292 = tpu.memref_slice %arg3[%add3A_216, %dma_start3A_290, %dma_start3A_291] : memref<192x32x64xi32, #tpu.memory_space<hbm>> -> memref<1x32x64xi32, #tpu.memory_space<hbm>>
      %dma_start3A_293 = tpu.memref_squeeze %dma_start3A_292 : memref<1x32x64xi32, #tpu.memory_space<hbm>> -> memref<32x64xi32, #tpu.memory_space<hbm>>
      %dma_start3A_294 = arith.constant 0 : i32
      %dma_start3A_295 = arith.constant 0 : i32
      %dma_start3A_296 = tpu.memref_slice %arg7[%run_scoped3A_217, %dma_start3A_294, %dma_start3A_295] : memref<2x32x64xi32, #tpu.memory_space<vmem>> -> memref<1x32x64xi32, #tpu.memory_space<vmem>>
      %dma_start3A_297 = tpu.memref_squeeze %dma_start3A_296 : memref<1x32x64xi32, #tpu.memory_space<vmem>> -> memref<32x64xi32, #tpu.memory_space<vmem>>
      %dma_start3A_298 = arith.constant 0 : i32
      %dma_start3A_299 = arith.constant 0 : i32
      %dma_start3A_300 = tpu.memref_slice %arg3[%add3A_216, %dma_start3A_298, %dma_start3A_299] : memref<192x32x64xi32, #tpu.memory_space<hbm>> -> memref<1x32x64xi32, #tpu.memory_space<hbm>>
      %dma_start3A_301 = tpu.memref_squeeze %dma_start3A_300 : memref<1x32x64xi32, #tpu.memory_space<hbm>> -> memref<32x64xi32, #tpu.memory_space<hbm>>
      tpu.enqueue_dma source(%dma_start3A_301 : memref<32x64xi32, #tpu.memory_space<hbm>>) target(%dma_start3A_297 : memref<32x64xi32, #tpu.memory_space<vmem>>) target_semaphore(%run_scoped3A_285 : memref<!tpu.dma_semaphore, #tpu.memory_space<semaphore_mem>>)
      %dma_wait3A_302 = arith.constant 0 : i32
      %dma_wait3A_303 = arith.constant 0 : i32
      %dma_wait3A_304 = tpu.memref_slice %arg7[%run_scoped3A_217, %dma_wait3A_302, %dma_wait3A_303] : memref<2x32x64xi32, #tpu.memory_space<vmem>> -> memref<1x32x64xi32, #tpu.memory_space<vmem>>
      %dma_wait3A_305 = tpu.memref_squeeze %dma_wait3A_304 : memref<1x32x64xi32, #tpu.memory_space<vmem>> -> memref<32x64xi32, #tpu.memory_space<vmem>>
      %dma_wait3A_306 = arith.constant 0 : i32
      %dma_wait3A_307 = arith.constant 0 : i32
      %dma_wait3A_308 = tpu.memref_slice %arg3[%add3A_216, %dma_wait3A_306, %dma_wait3A_307] : memref<192x32x64xi32, #tpu.memory_space<hbm>> -> memref<1x32x64xi32, #tpu.memory_space<hbm>>
      %dma_wait3A_309 = tpu.memref_squeeze %dma_wait3A_308 : memref<1x32x64xi32, #tpu.memory_space<hbm>> -> memref<32x64xi32, #tpu.memory_space<hbm>>
      %dma_wait3A_310 = arith.constant 0 : i32
      %dma_wait3A_311 = arith.constant 0 : i32
      %dma_wait3A_312 = tpu.memref_slice %arg7[%run_scoped3A_217, %dma_wait3A_310, %dma_wait3A_311] : memref<2x32x64xi32, #tpu.memory_space<vmem>> -> memref<1x32x64xi32, #tpu.memory_space<vmem>>
      %dma_wait3A_313 = tpu.memref_squeeze %dma_wait3A_312 : memref<1x32x64xi32, #tpu.memory_space<vmem>> -> memref<32x64xi32, #tpu.memory_space<vmem>>
      %dma_wait3A_314 = arith.constant 0 : i32
      %dma_wait3A_315 = arith.constant 0 : i32
      %dma_wait3A_316 = tpu.memref_slice %arg3[%add3A_216, %dma_wait3A_314, %dma_wait3A_315] : memref<192x32x64xi32, #tpu.memory_space<hbm>> -> memref<1x32x64xi32, #tpu.memory_space<hbm>>
      %dma_wait3A_317 = tpu.memref_squeeze %dma_wait3A_316 : memref<1x32x64xi32, #tpu.memory_space<hbm>> -> memref<32x64xi32, #tpu.memory_space<hbm>>
      tpu.wait_dma2 semaphore(%run_scoped3A_285 : memref<!tpu.dma_semaphore, #tpu.memory_space<semaphore_mem>>) src(%dma_wait3A_317 : memref<32x64xi32, #tpu.memory_space<hbm>>) dst(%dma_wait3A_313 : memref<32x64xi32, #tpu.memory_space<vmem>>)
      tpu.yield
    }) : () -> ()
    %run_scoped3A_218 = arith.constant 1 : i32
    "tpu.region"() ({
      %run_scoped3A_285 = tpu.sem_alloc : memref<!tpu.dma_semaphore, #tpu.memory_space<semaphore_mem>>
      %dma_start3A_286 = arith.constant 0 : i32
      %dma_start3A_287 = arith.constant 0 : i32
      %dma_start3A_288 = tpu.memref_slice %arg8[%run_scoped3A_218, %dma_start3A_286, %dma_start3A_287] : memref<2x32x64xi32, #tpu.memory_space<vmem>> -> memref<1x32x64xi32, #tpu.memory_space<vmem>>
      %dma_start3A_289 = tpu.memref_squeeze %dma_start3A_288 : memref<1x32x64xi32, #tpu.memory_space<vmem>> -> memref<32x64xi32, #tpu.memory_space<vmem>>
      %dma_start3A_290 = arith.constant 0 : i32
      %dma_start3A_291 = arith.constant 0 : i32
      %dma_start3A_292 = tpu.memref_slice %arg4[%add3A_216, %dma_start3A_290, %dma_start3A_291] : memref<192x32x64xi32, #tpu.memory_space<hbm>> -> memref<1x32x64xi32, #tpu.memory_space<hbm>>
      %dma_start3A_293 = tpu.memref_squeeze %dma_start3A_292 : memref<1x32x64xi32, #tpu.memory_space<hbm>> -> memref<32x64xi32, #tpu.memory_space<hbm>>
      %dma_start3A_294 = arith.constant 0 : i32
      %dma_start3A_295 = arith.constant 0 : i32
      %dma_start3A_296 = tpu.memref_slice %arg8[%run_scoped3A_218, %dma_start3A_294, %dma_start3A_295] : memref<2x32x64xi32, #tpu.memory_space<vmem>> -> memref<1x32x64xi32, #tpu.memory_space<vmem>>
      %dma_start3A_297 = tpu.memref_squeeze %dma_start3A_296 : memref<1x32x64xi32, #tpu.memory_space<vmem>> -> memref<32x64xi32, #tpu.memory_space<vmem>>
      %dma_start3A_298 = arith.constant 0 : i32
      %dma_start3A_299 = arith.constant 0 : i32
      %dma_start3A_300 = tpu.memref_slice %arg4[%add3A_216, %dma_start3A_298, %dma_start3A_299] : memref<192x32x64xi32, #tpu.memory_space<hbm>> -> memref<1x32x64xi32, #tpu.memory_space<hbm>>
      %dma_start3A_301 = tpu.memref_squeeze %dma_start3A_300 : memref<1x32x64xi32, #tpu.memory_space<hbm>> -> memref<32x64xi32, #tpu.memory_space<hbm>>
      tpu.enqueue_dma source(%dma_start3A_301 : memref<32x64xi32, #tpu.memory_space<hbm>>) target(%dma_start3A_297 : memref<32x64xi32, #tpu.memory_space<vmem>>) target_semaphore(%run_scoped3A_285 : memref<!tpu.dma_semaphore, #tpu.memory_space<semaphore_mem>>)
      %dma_wait3A_302 = arith.constant 0 : i32
      %dma_wait3A_303 = arith.constant 0 : i32
      %dma_wait3A_304 = tpu.memref_slice %arg8[%run_scoped3A_218, %dma_wait3A_302, %dma_wait3A_303] : memref<2x32x64xi32, #tpu.memory_space<vmem>> -> memref<1x32x64xi32, #tpu.memory_space<vmem>>
      %dma_wait3A_305 = tpu.memref_squeeze %dma_wait3A_304 : memref<1x32x64xi32, #tpu.memory_space<vmem>> -> memref<32x64xi32, #tpu.memory_space<vmem>>
      %dma_wait3A_306 = arith.constant 0 : i32
      %dma_wait3A_307 = arith.constant 0 : i32
      %dma_wait3A_308 = tpu.memref_slice %arg4[%add3A_216, %dma_wait3A_306, %dma_wait3A_307] : memref<192x32x64xi32, #tpu.memory_space<hbm>> -> memref<1x32x64xi32, #tpu.memory_space<hbm>>
      %dma_wait3A_309 = tpu.memref_squeeze %dma_wait3A_308 : memref<1x32x64xi32, #tpu.memory_space<hbm>> -> memref<32x64xi32, #tpu.memory_space<hbm>>
      %dma_wait3A_310 = arith.constant 0 : i32
      %dma_wait3A_311 = arith.constant 0 : i32
      %dma_wait3A_312 = tpu.memref_slice %arg8[%run_scoped3A_218, %dma_wait3A_310, %dma_wait3A_311] : memref<2x32x64xi32, #tpu.memory_space<vmem>> -> memref<1x32x64xi32, #tpu.memory_space<vmem>>
      %dma_wait3A_313 = tpu.memref_squeeze %dma_wait3A_312 : memref<1x32x64xi32, #tpu.memory_space<vmem>> -> memref<32x64xi32, #tpu.memory_space<vmem>>
      %dma_wait3A_314 = arith.constant 0 : i32
      %dma_wait3A_315 = arith.constant 0 : i32
      %dma_wait3A_316 = tpu.memref_slice %arg4[%add3A_216, %dma_wait3A_314, %dma_wait3A_315] : memref<192x32x64xi32, #tpu.memory_space<hbm>> -> memref<1x32x64xi32, #tpu.memory_space<hbm>>
      %dma_wait3A_317 = tpu.memref_squeeze %dma_wait3A_316 : memref<1x32x64xi32, #tpu.memory_space<hbm>> -> memref<32x64xi32, #tpu.memory_space<hbm>>
      tpu.wait_dma2 semaphore(%run_scoped3A_285 : memref<!tpu.dma_semaphore, #tpu.memory_space<semaphore_mem>>) src(%dma_wait3A_317 : memref<32x64xi32, #tpu.memory_space<hbm>>) dst(%dma_wait3A_313 : memref<32x64xi32, #tpu.memory_space<vmem>>)
      tpu.yield
    }) : () -> ()
    %scan3A_219 = arith.constant 0 : i32
    %scan3A_220 = arith.constant 0 : i32
    %scan3A_221 = arith.constant 32 : i32
    %scan3A_222 = arith.addi %scan3A_220, %scan3A_221 : i32
    %scan3A_223 = arith.constant 1 : i32
    scf.for %scan3A_285 = %scan3A_220 to %scan3A_222 step %scan3A_223  : i32 {
      %get3A = arith.constant 1 : i32
      %get3A_286 = arith.index_cast %get3A : i32 to index
      %get3A_287 = arith.index_cast %scan3A_285 : i32 to index
      %get3A_288 = arith.constant 0 : index
      %get3A_289 = tpu.vector_load %arg7[%get3A_286, %get3A_287, %get3A_288] {strides = array<i32>} : memref<2x32x64xi32, #tpu.memory_space<vmem>>, vector<1x1x16xi32>,
      %get3A_290 = vector.shape_cast %get3A_289 : vector<1x1x16xi32> to vector<16xi32>
      %mul3A_291 = arith.constant 32 : i32
      %mul3A_292 = vector.broadcast %mul3A_291 : i32 to vector<16xi32>
      %mul3A_293 = arith.muli %get3A_290, %mul3A_292 : vector<16xi32>
      %get3A_294 = arith.constant 1 : i32
      %get3A_295 = arith.index_cast %get3A_294 : i32 to index
      %get3A_296 = arith.index_cast %scan3A_285 : i32 to index
      %get3A_297 = arith.constant 0 : index
      %get3A_298 = tpu.vector_load %arg8[%get3A_295, %get3A_296, %get3A_297] {strides = array<i32>} : memref<2x32x64xi32, #tpu.memory_space<vmem>>, vector<1x1x16xi32>,
      %get3A_299 = vector.shape_cast %get3A_298 : vector<1x1x16xi32> to vector<16xi32>
      %add3A_300 = arith.addi %mul3A_293, %get3A_299 : vector<16xi32>
      %mul3A_301 = arith.constant 64 : i32
      %mul3A_302 = arith.muli %scan3A_285, %mul3A_301 : i32
      %add3A_303 = arith.constant 0 : i32
      %add3A_304 = arith.addi %mul3A_302, %add3A_303 : i32
      %swap3A = arith.constant 1 : i32
      %swap3A_305 = arith.index_cast %swap3A : i32 to index
      %swap3A_306 = arith.index_cast %add3A_304 : i32 to index
      %swap3A_307 = tpu.vector_load %arg9[%swap3A_305, %swap3A_306] {strides = array<i32>} : memref<2x2048xi32, #tpu.memory_space<vmem>>, vector<1x16xi32>,
      %swap3A_308 = vector.shape_cast %swap3A_307 : vector<1x16xi32> to vector<16xi32>
      %swap3A_309 = vector.shape_cast %add3A_300 : vector<16xi32> to vector<1x16xi32>
      tpu.vector_store %arg9[%swap3A_305, %swap3A_306], %swap3A_309 {strides = array<i32>} : memref<2x2048xi32, #tpu.memory_space<vmem>>, vector<1x16xi32>,
      %get3A_310 = arith.constant 1 : i32
      %get3A_311 = arith.index_cast %get3A_310 : i32 to index
      %get3A_312 = arith.index_cast %scan3A_285 : i32 to index
      %get3A_313 = arith.constant 16 : index
      %get3A_314 = tpu.vector_load %arg7[%get3A_311, %get3A_312, %get3A_313] {strides = array<i32>} : memref<2x32x64xi32, #tpu.memory_space<vmem>>, vector<1x1x16xi32>,
      %get3A_315 = vector.shape_cast %get3A_314 : vector<1x1x16xi32> to vector<16xi32>
      %mul3A_316 = arith.constant 32 : i32
      %mul3A_317 = vector.broadcast %mul3A_316 : i32 to vector<16xi32>
      %mul3A_318 = arith.muli %get3A_315, %mul3A_317 : vector<16xi32>
      %get3A_319 = arith.constant 1 : i32
      %get3A_320 = arith.index_cast %get3A_319 : i32 to index
      %get3A_321 = arith.index_cast %scan3A_285 : i32 to index
      %get3A_322 = arith.constant 16 : index
      %get3A_323 = tpu.vector_load %arg8[%get3A_320, %get3A_321, %get3A_322] {strides = array<i32>} : memref<2x32x64xi32, #tpu.memory_space<vmem>>, vector<1x1x16xi32>,
      %get3A_324 = vector.shape_cast %get3A_323 : vector<1x1x16xi32> to vector<16xi32>
      %add3A_325 = arith.addi %mul3A_318, %get3A_324 : vector<16xi32>
      %mul3A_326 = arith.constant 64 : i32
      %mul3A_327 = arith.muli %scan3A_285, %mul3A_326 : i32
      %add3A_328 = arith.constant 16 : i32
      %add3A_329 = arith.addi %mul3A_327, %add3A_328 : i32
      %swap3A_330 = arith.constant 1 : i32
      %swap3A_331 = arith.index_cast %swap3A_330 : i32 to index
      %swap3A_332 = arith.index_cast %add3A_329 : i32 to index
      %swap3A_333 = tpu.vector_load %arg9[%swap3A_331, %swap3A_332] {strides = array<i32>} : memref<2x2048xi32, #tpu.memory_space<vmem>>, vector<1x16xi32>,
      %swap3A_334 = vector.shape_cast %swap3A_333 : vector<1x16xi32> to vector<16xi32>
      %swap3A_335 = vector.shape_cast %add3A_325 : vector<16xi32> to vector<1x16xi32>
      tpu.vector_store %arg9[%swap3A_331, %swap3A_332], %swap3A_335 {strides = array<i32>} : memref<2x2048xi32, #tpu.memory_space<vmem>>, vector<1x16xi32>,
      %get3A_336 = arith.constant 1 : i32
      %get3A_337 = arith.index_cast %get3A_336 : i32 to index
      %get3A_338 = arith.index_cast %scan3A_285 : i32 to index
      %get3A_339 = arith.constant 32 : index
      %get3A_340 = tpu.vector_load %arg7[%get3A_337, %get3A_338, %get3A_339] {strides = array<i32>} : memref<2x32x64xi32, #tpu.memory_space<vmem>>, vector<1x1x16xi32>,
      %get3A_341 = vector.shape_cast %get3A_340 : vector<1x1x16xi32> to vector<16xi32>
      %mul3A_342 = arith.constant 32 : i32
      %mul3A_343 = vector.broadcast %mul3A_342 : i32 to vector<16xi32>
      %mul3A_344 = arith.muli %get3A_341, %mul3A_343 : vector<16xi32>
      %get3A_345 = arith.constant 1 : i32
      %get3A_346 = arith.index_cast %get3A_345 : i32 to index
      %get3A_347 = arith.index_cast %scan3A_285 : i32 to index
      %get3A_348 = arith.constant 32 : index
      %get3A_349 = tpu.vector_load %arg8[%get3A_346, %get3A_347, %get3A_348] {strides = array<i32>} : memref<2x32x64xi32, #tpu.memory_space<vmem>>, vector<1x1x16xi32>,
      %get3A_350 = vector.shape_cast %get3A_349 : vector<1x1x16xi32> to vector<16xi32>
      %add3A_351 = arith.addi %mul3A_344, %get3A_350 : vector<16xi32>
      %mul3A_352 = arith.constant 64 : i32
      %mul3A_353 = arith.muli %scan3A_285, %mul3A_352 : i32
      %add3A_354 = arith.constant 32 : i32
      %add3A_355 = arith.addi %mul3A_353, %add3A_354 : i32
      %swap3A_356 = arith.constant 1 : i32
      %swap3A_357 = arith.index_cast %swap3A_356 : i32 to index
      %swap3A_358 = arith.index_cast %add3A_355 : i32 to index
      %swap3A_359 = tpu.vector_load %arg9[%swap3A_357, %swap3A_358] {strides = array<i32>} : memref<2x2048xi32, #tpu.memory_space<vmem>>, vector<1x16xi32>,
      %swap3A_360 = vector.shape_cast %swap3A_359 : vector<1x16xi32> to vector<16xi32>
      %swap3A_361 = vector.shape_cast %add3A_351 : vector<16xi32> to vector<1x16xi32>
      tpu.vector_store %arg9[%swap3A_357, %swap3A_358], %swap3A_361 {strides = array<i32>} : memref<2x2048xi32, #tpu.memory_space<vmem>>, vector<1x16xi32>,
      %get3A_362 = arith.constant 1 : i32
      %get3A_363 = arith.index_cast %get3A_362 : i32 to index
      %get3A_364 = arith.index_cast %scan3A_285 : i32 to index
      %get3A_365 = arith.constant 48 : index
      %get3A_366 = tpu.vector_load %arg7[%get3A_363, %get3A_364, %get3A_365] {strides = array<i32>} : memref<2x32x64xi32, #tpu.memory_space<vmem>>, vector<1x1x16xi32>,
      %get3A_367 = vector.shape_cast %get3A_366 : vector<1x1x16xi32> to vector<16xi32>
      %mul3A_368 = arith.constant 32 : i32
      %mul3A_369 = vector.broadcast %mul3A_368 : i32 to vector<16xi32>
      %mul3A_370 = arith.muli %get3A_367, %mul3A_369 : vector<16xi32>
      %get3A_371 = arith.constant 1 : i32
      %get3A_372 = arith.index_cast %get3A_371 : i32 to index
      %get3A_373 = arith.index_cast %scan3A_285 : i32 to index
      %get3A_374 = arith.constant 48 : index
      %get3A_375 = tpu.vector_load %arg8[%get3A_372, %get3A_373, %get3A_374] {strides = array<i32>} : memref<2x32x64xi32, #tpu.memory_space<vmem>>, vector<1x1x16xi32>,
      %get3A_376 = vector.shape_cast %get3A_375 : vector<1x1x16xi32> to vector<16xi32>
      %add3A_377 = arith.addi %mul3A_370, %get3A_376 : vector<16xi32>
      %mul3A_378 = arith.constant 64 : i32
      %mul3A_379 = arith.muli %scan3A_285, %mul3A_378 : i32
      %add3A_380 = arith.constant 48 : i32
      %add3A_381 = arith.addi %mul3A_379, %add3A_380 : i32
      %swap3A_382 = arith.constant 1 : i32
      %swap3A_383 = arith.index_cast %swap3A_382 : i32 to index
      %swap3A_384 = arith.index_cast %add3A_381 : i32 to index
      %swap3A_385 = tpu.vector_load %arg9[%swap3A_383, %swap3A_384] {strides = array<i32>} : memref<2x2048xi32, #tpu.memory_space<vmem>>, vector<1x16xi32>,
      %swap3A_386 = vector.shape_cast %swap3A_385 : vector<1x16xi32> to vector<16xi32>
      %swap3A_387 = vector.shape_cast %add3A_377 : vector<16xi32> to vector<1x16xi32>
      tpu.vector_store %arg9[%swap3A_383, %swap3A_384], %swap3A_387 {strides = array<i32>} : memref<2x2048xi32, #tpu.memory_space<vmem>>, vector<1x16xi32>,
    }
    %scan3A_224 = arith.constant 32 : i32
    %dma_start3A_225 = arith.constant 1 : i32
    %dma_start3A_226 = arith.constant 1 : i32
    %dma_start3A_227 = arith.constant 0 : i32
    %dma_start3A_228 = arith.constant 0 : i32
    %dma_start3A_229 = tpu.memref_slice %arg10[%dma_start3A_226, %dma_start3A_227, %dma_start3A_228] : memref<2x2048x16xf32, #tpu.memory_space<vmem>> -> memref<1x2048x16xf32, #tpu.memory_space<vmem>>
    %dma_start3A_230 = tpu.memref_squeeze %dma_start3A_229 : memref<1x2048x16xf32, #tpu.memory_space<vmem>> -> memref<2048x16xf32, #tpu.memory_space<vmem>>
    %dma_start3A_231 = arith.constant 0 : i32
    %dma_start3A_232 = tpu.memref_slice %arg9[%dma_start3A_225, %dma_start3A_231] : memref<2x2048xi32, #tpu.memory_space<vmem>> -> memref<1x2048xi32, #tpu.memory_space<vmem>>
    %dma_start3A_233 = tpu.memref_squeeze %dma_start3A_232 : memref<1x2048xi32, #tpu.memory_space<vmem>> -> memref<2048xi32, #tpu.memory_space<vmem>>
    %dma_start3A_234 = arith.constant 0 : i32
    %dma_start3A_235 = arith.constant 0 : i32
    %dma_start3A_236 = tpu.memref_slice %arg2[%dma_start3A_234, %dma_start3A_235] : memref<320000x16xf32, #tpu.memory_space<hbm>> -> memref<320000x16xf32, #tpu.memory_space<hbm>>
    tpu.enqueue_indirect_dma source(%dma_start3A_236 : memref<320000x16xf32, #tpu.memory_space<hbm>>) target(%dma_start3A_230 : memref<2048x16xf32, #tpu.memory_space<vmem>>) offsets(%dma_start3A_233 : memref<2048xi32, #tpu.memory_space<vmem>>) semaphore(%arg13 : memref<!tpu.dma_semaphore, #tpu.memory_space<semaphore_mem>>)
    %mul3A_237 = arith.constant 6 : i32
    %mul3A_238 = arith.muli %add3A, %mul3A_237 : i32
    %add3A_239 = arith.constant 4 : i32
    %add3A_240 = arith.addi %mul3A_238, %add3A_239 : i32
    %mul3A_241 = arith.constant 64 : i32
    %mul3A_242 = arith.muli %add3A_240, %mul3A_241 : i32
    "tpu.region"() ({
      %run_scoped3A_285 = tpu.sem_alloc : memref<!tpu.dma_semaphore, #tpu.memory_space<semaphore_mem>>
      %dma_start3A_286 = arith.constant 0 : i32
      %dma_start3A_287 = tpu.memref_slice %arg5[%mul3A_242, %dma_start3A_286] : memref<12288x16xf32, #tpu.memory_space<hbm>> -> memref<64x16xf32, #tpu.memory_space<hbm>>
      %dma_start3A_288 = arith.constant 0 : i32
      %dma_start3A_289 = tpu.memref_slice %arg5[%mul3A_242, %dma_start3A_288] : memref<12288x16xf32, #tpu.memory_space<hbm>> -> memref<64x16xf32, #tpu.memory_space<hbm>>
      tpu.enqueue_dma source(%dma_start3A_289 : memref<64x16xf32, #tpu.memory_space<hbm>>) target(%arg11 : memref<64x16xf32, #tpu.memory_space<vmem>>) target_semaphore(%run_scoped3A_285 : memref<!tpu.dma_semaphore, #tpu.memory_space<semaphore_mem>>)
      %dma_wait3A_290 = arith.constant 0 : i32
      %dma_wait3A_291 = tpu.memref_slice %arg5[%mul3A_242, %dma_wait3A_290] : memref<12288x16xf32, #tpu.memory_space<hbm>> -> memref<64x16xf32, #tpu.memory_space<hbm>>
      %dma_wait3A_292 = arith.constant 0 : i32
      %dma_wait3A_293 = tpu.memref_slice %arg5[%mul3A_242, %dma_wait3A_292] : memref<12288x16xf32, #tpu.memory_space<hbm>> -> memref<64x16xf32, #tpu.memory_space<hbm>>
      tpu.wait_dma2 semaphore(%run_scoped3A_285 : memref<!tpu.dma_semaphore, #tpu.memory_space<semaphore_mem>>) src(%dma_wait3A_293 : memref<64x16xf32, #tpu.memory_space<hbm>>) dst(%arg11 : memref<64x16xf32, #tpu.memory_space<vmem>>)
      tpu.yield
    }) : () -> ()
    %dma_wait3A_243 = arith.constant 0 : i32
    %dma_wait3A_244 = arith.constant 0 : i32
    %dma_wait3A_245 = arith.constant 0 : i32
    %dma_wait3A_246 = arith.constant 0 : i32
    %dma_wait3A_247 = tpu.memref_slice %arg10[%dma_wait3A_244, %dma_wait3A_245, %dma_wait3A_246] : memref<2x2048x16xf32, #tpu.memory_space<vmem>> -> memref<1x2048x16xf32, #tpu.memory_space<vmem>>
    %dma_wait3A_248 = tpu.memref_squeeze %dma_wait3A_247 : memref<1x2048x16xf32, #tpu.memory_space<vmem>> -> memref<2048x16xf32, #tpu.memory_space<vmem>>
    %dma_wait3A_249 = arith.constant 0 : i32
    %dma_wait3A_250 = tpu.memref_slice %arg9[%dma_wait3A_243, %dma_wait3A_249] : memref<2x2048xi32, #tpu.memory_space<vmem>> -> memref<1x2048xi32, #tpu.memory_space<vmem>>
    %dma_wait3A_251 = tpu.memref_squeeze %dma_wait3A_250 : memref<1x2048xi32, #tpu.memory_space<vmem>> -> memref<2048xi32, #tpu.memory_space<vmem>>
    %dma_wait3A_252 = arith.constant 0 : i32
    %dma_wait3A_253 = arith.constant 0 : i32
    %dma_wait3A_254 = tpu.memref_slice %arg2[%dma_wait3A_252, %dma_wait3A_253] : memref<320000x16xf32, #tpu.memory_space<hbm>> -> memref<320000x16xf32, #tpu.memory_space<hbm>>
    tpu.wait_indirect_dma semaphore(%arg12 : memref<!tpu.dma_semaphore, #tpu.memory_space<semaphore_mem>>) src(%dma_wait3A_254 : memref<320000x16xf32, #tpu.memory_space<hbm>>) dst(%dma_wait3A_248 : memref<2048x16xf32, #tpu.memory_space<vmem>>)
    %scan3A_255 = arith.constant 0 : i32
    %scan3A_256 = arith.constant 0 : i32
    %scan3A_257 = arith.constant 64 : i32
    %scan3A_258 = arith.addi %scan3A_256, %scan3A_257 : i32
    %scan3A_259 = arith.constant 1 : i32
    scf.for %scan3A_285 = %scan3A_256 to %scan3A_258 step %scan3A_259  : i32 {
      %add3A_286 = arith.constant 0 : i32
      %add3A_287 = arith.addi %add3A_286, %scan3A_285 : i32
      %get3A = arith.constant 0 : i32
      %get3A_288 = arith.index_cast %get3A : i32 to index
      %get3A_289 = arith.index_cast %add3A_287 : i32 to index
      %get3A_290 = arith.constant 0 : index
      %get3A_291 = tpu.vector_load %arg10[%get3A_288, %get3A_289, %get3A_290] {strides = array<i32>} : memref<2x2048x16xf32, #tpu.memory_space<vmem>>, vector<1x1x16xf32>,
      %get3A_292 = vector.shape_cast %get3A_291 : vector<1x1x16xf32> to vector<16xf32>
      %add3A_293 = arith.constant 256 : i32
      %add3A_294 = arith.addi %add3A_293, %scan3A_285 : i32
      %get3A_295 = arith.constant 0 : i32
      %get3A_296 = arith.index_cast %get3A_295 : i32 to index
      %get3A_297 = arith.index_cast %add3A_294 : i32 to index
      %get3A_298 = arith.constant 0 : index
      %get3A_299 = tpu.vector_load %arg10[%get3A_296, %get3A_297, %get3A_298] {strides = array<i32>} : memref<2x2048x16xf32, #tpu.memory_space<vmem>>, vector<1x1x16xf32>,
      %get3A_300 = vector.shape_cast %get3A_299 : vector<1x1x16xf32> to vector<16xf32>
      %add3A_301 = arith.addf %get3A_292, %get3A_300 : vector<16xf32>
      %add3A_302 = arith.constant 512 : i32
      %add3A_303 = arith.addi %add3A_302, %scan3A_285 : i32
      %get3A_304 = arith.constant 0 : i32
      %get3A_305 = arith.index_cast %get3A_304 : i32 to index
      %get3A_306 = arith.index_cast %add3A_303 : i32 to index
      %get3A_307 = arith.constant 0 : index
      %get3A_308 = tpu.vector_load %arg10[%get3A_305, %get3A_306, %get3A_307] {strides = array<i32>} : memref<2x2048x16xf32, #tpu.memory_space<vmem>>, vector<1x1x16xf32>,
      %get3A_309 = vector.shape_cast %get3A_308 : vector<1x1x16xf32> to vector<16xf32>
      %add3A_310 = arith.addf %add3A_301, %get3A_309 : vector<16xf32>
      %add3A_311 = arith.constant 768 : i32
      %add3A_312 = arith.addi %add3A_311, %scan3A_285 : i32
      %get3A_313 = arith.constant 0 : i32
      %get3A_314 = arith.index_cast %get3A_313 : i32 to index
      %get3A_315 = arith.index_cast %add3A_312 : i32 to index
      %get3A_316 = arith.constant 0 : index
      %get3A_317 = tpu.vector_load %arg10[%get3A_314, %get3A_315, %get3A_316] {strides = array<i32>} : memref<2x2048x16xf32, #tpu.memory_space<vmem>>, vector<1x1x16xf32>,
      %get3A_318 = vector.shape_cast %get3A_317 : vector<1x1x16xf32> to vector<16xf32>
      %add3A_319 = arith.addf %add3A_310, %get3A_318 : vector<16xf32>
      %add3A_320 = arith.constant 1024 : i32
      %add3A_321 = arith.addi %add3A_320, %scan3A_285 : i32
      %get3A_322 = arith.constant 0 : i32
      %get3A_323 = arith.index_cast %get3A_322 : i32 to index
      %get3A_324 = arith.index_cast %add3A_321 : i32 to index
      %get3A_325 = arith.constant 0 : index
      %get3A_326 = tpu.vector_load %arg10[%get3A_323, %get3A_324, %get3A_325] {strides = array<i32>} : memref<2x2048x16xf32, #tpu.memory_space<vmem>>, vector<1x1x16xf32>,
      %get3A_327 = vector.shape_cast %get3A_326 : vector<1x1x16xf32> to vector<16xf32>
      %add3A_328 = arith.addf %add3A_319, %get3A_327 : vector<16xf32>
      %add3A_329 = arith.constant 1280 : i32
      %add3A_330 = arith.addi %add3A_329, %scan3A_285 : i32
      %get3A_331 = arith.constant 0 : i32
      %get3A_332 = arith.index_cast %get3A_331 : i32 to index
      %get3A_333 = arith.index_cast %add3A_330 : i32 to index
      %get3A_334 = arith.constant 0 : index
      %get3A_335 = tpu.vector_load %arg10[%get3A_332, %get3A_333, %get3A_334] {strides = array<i32>} : memref<2x2048x16xf32, #tpu.memory_space<vmem>>, vector<1x1x16xf32>,
      %get3A_336 = vector.shape_cast %get3A_335 : vector<1x1x16xf32> to vector<16xf32>
      %add3A_337 = arith.addf %add3A_328, %get3A_336 : vector<16xf32>
      %add3A_338 = arith.constant 1536 : i32
      %add3A_339 = arith.addi %add3A_338, %scan3A_285 : i32
      %get3A_340 = arith.constant 0 : i32
      %get3A_341 = arith.index_cast %get3A_340 : i32 to index
      %get3A_342 = arith.index_cast %add3A_339 : i32 to index
      %get3A_343 = arith.constant 0 : index
      %get3A_344 = tpu.vector_load %arg10[%get3A_341, %get3A_342, %get3A_343] {strides = array<i32>} : memref<2x2048x16xf32, #tpu.memory_space<vmem>>, vector<1x1x16xf32>,
      %get3A_345 = vector.shape_cast %get3A_344 : vector<1x1x16xf32> to vector<16xf32>
      %add3A_346 = arith.addf %add3A_337, %get3A_345 : vector<16xf32>
      %add3A_347 = arith.constant 1792 : i32
      %add3A_348 = arith.addi %add3A_347, %scan3A_285 : i32
      %get3A_349 = arith.constant 0 : i32
      %get3A_350 = arith.index_cast %get3A_349 : i32 to index
      %get3A_351 = arith.index_cast %add3A_348 : i32 to index
      %get3A_352 = arith.constant 0 : index
      %get3A_353 = tpu.vector_load %arg10[%get3A_350, %get3A_351, %get3A_352] {strides = array<i32>} : memref<2x2048x16xf32, #tpu.memory_space<vmem>>, vector<1x1x16xf32>,
      %get3A_354 = vector.shape_cast %get3A_353 : vector<1x1x16xf32> to vector<16xf32>
      %add3A_355 = arith.addf %add3A_346, %get3A_354 : vector<16xf32>
      %add3A_356 = arith.constant 64 : i32
      %add3A_357 = arith.addi %add3A_356, %scan3A_285 : i32
      %get3A_358 = arith.constant 0 : i32
      %get3A_359 = arith.index_cast %get3A_358 : i32 to index
      %get3A_360 = arith.index_cast %add3A_357 : i32 to index
      %get3A_361 = arith.constant 0 : index
      %get3A_362 = tpu.vector_load %arg10[%get3A_359, %get3A_360, %get3A_361] {strides = array<i32>} : memref<2x2048x16xf32, #tpu.memory_space<vmem>>, vector<1x1x16xf32>,
      %get3A_363 = vector.shape_cast %get3A_362 : vector<1x1x16xf32> to vector<16xf32>
      %add3A_364 = arith.constant 320 : i32
      %add3A_365 = arith.addi %add3A_364, %scan3A_285 : i32
      %get3A_366 = arith.constant 0 : i32
      %get3A_367 = arith.index_cast %get3A_366 : i32 to index
      %get3A_368 = arith.index_cast %add3A_365 : i32 to index
      %get3A_369 = arith.constant 0 : index
      %get3A_370 = tpu.vector_load %arg10[%get3A_367, %get3A_368, %get3A_369] {strides = array<i32>} : memref<2x2048x16xf32, #tpu.memory_space<vmem>>, vector<1x1x16xf32>,
      %get3A_371 = vector.shape_cast %get3A_370 : vector<1x1x16xf32> to vector<16xf32>
      %add3A_372 = arith.addf %get3A_363, %get3A_371 : vector<16xf32>
      %add3A_373 = arith.constant 576 : i32
      %add3A_374 = arith.addi %add3A_373, %scan3A_285 : i32
      %get3A_375 = arith.constant 0 : i32
      %get3A_376 = arith.index_cast %get3A_375 : i32 to index
      %get3A_377 = arith.index_cast %add3A_374 : i32 to index
      %get3A_378 = arith.constant 0 : index
      %get3A_379 = tpu.vector_load %arg10[%get3A_376, %get3A_377, %get3A_378] {strides = array<i32>} : memref<2x2048x16xf32, #tpu.memory_space<vmem>>, vector<1x1x16xf32>,
      %get3A_380 = vector.shape_cast %get3A_379 : vector<1x1x16xf32> to vector<16xf32>
      %add3A_381 = arith.addf %add3A_372, %get3A_380 : vector<16xf32>
      %add3A_382 = arith.constant 832 : i32
      %add3A_383 = arith.addi %add3A_382, %scan3A_285 : i32
      %get3A_384 = arith.constant 0 : i32
      %get3A_385 = arith.index_cast %get3A_384 : i32 to index
      %get3A_386 = arith.index_cast %add3A_383 : i32 to index
      %get3A_387 = arith.constant 0 : index
      %get3A_388 = tpu.vector_load %arg10[%get3A_385, %get3A_386, %get3A_387] {strides = array<i32>} : memref<2x2048x16xf32, #tpu.memory_space<vmem>>, vector<1x1x16xf32>,
      %get3A_389 = vector.shape_cast %get3A_388 : vector<1x1x16xf32> to vector<16xf32>
      %add3A_390 = arith.addf %add3A_381, %get3A_389 : vector<16xf32>
      %add3A_391 = arith.constant 1088 : i32
      %add3A_392 = arith.addi %add3A_391, %scan3A_285 : i32
      %get3A_393 = arith.constant 0 : i32
      %get3A_394 = arith.index_cast %get3A_393 : i32 to index
      %get3A_395 = arith.index_cast %add3A_392 : i32 to index
      %get3A_396 = arith.constant 0 : index
      %get3A_397 = tpu.vector_load %arg10[%get3A_394, %get3A_395, %get3A_396] {strides = array<i32>} : memref<2x2048x16xf32, #tpu.memory_space<vmem>>, vector<1x1x16xf32>,
      %get3A_398 = vector.shape_cast %get3A_397 : vector<1x1x16xf32> to vector<16xf32>
      %add3A_399 = arith.addf %add3A_390, %get3A_398 : vector<16xf32>
      %add3A_400 = arith.constant 1344 : i32
      %add3A_401 = arith.addi %add3A_400, %scan3A_285 : i32
      %get3A_402 = arith.constant 0 : i32
      %get3A_403 = arith.index_cast %get3A_402 : i32 to index
      %get3A_404 = arith.index_cast %add3A_401 : i32 to index
      %get3A_405 = arith.constant 0 : index
      %get3A_406 = tpu.vector_load %arg10[%get3A_403, %get3A_404, %get3A_405] {strides = array<i32>} : memref<2x2048x16xf32, #tpu.memory_space<vmem>>, vector<1x1x16xf32>,
      %get3A_407 = vector.shape_cast %get3A_406 : vector<1x1x16xf32> to vector<16xf32>
      %add3A_408 = arith.addf %add3A_399, %get3A_407 : vector<16xf32>
      %add3A_409 = arith.constant 1600 : i32
      %add3A_410 = arith.addi %add3A_409, %scan3A_285 : i32
      %get3A_411 = arith.constant 0 : i32
      %get3A_412 = arith.index_cast %get3A_411 : i32 to index
      %get3A_413 = arith.index_cast %add3A_410 : i32 to index
      %get3A_414 = arith.constant 0 : index
      %get3A_415 = tpu.vector_load %arg10[%get3A_412, %get3A_413, %get3A_414] {strides = array<i32>} : memref<2x2048x16xf32, #tpu.memory_space<vmem>>, vector<1x1x16xf32>,
      %get3A_416 = vector.shape_cast %get3A_415 : vector<1x1x16xf32> to vector<16xf32>
      %add3A_417 = arith.addf %add3A_408, %get3A_416 : vector<16xf32>
      %add3A_418 = arith.constant 1856 : i32
      %add3A_419 = arith.addi %add3A_418, %scan3A_285 : i32
      %get3A_420 = arith.constant 0 : i32
      %get3A_421 = arith.index_cast %get3A_420 : i32 to index
      %get3A_422 = arith.index_cast %add3A_419 : i32 to index
      %get3A_423 = arith.constant 0 : index
      %get3A_424 = tpu.vector_load %arg10[%get3A_421, %get3A_422, %get3A_423] {strides = array<i32>} : memref<2x2048x16xf32, #tpu.memory_space<vmem>>, vector<1x1x16xf32>,
      %get3A_425 = vector.shape_cast %get3A_424 : vector<1x1x16xf32> to vector<16xf32>
      %add3A_426 = arith.addf %add3A_417, %get3A_425 : vector<16xf32>
      %add3A_427 = arith.constant 128 : i32
      %add3A_428 = arith.addi %add3A_427, %scan3A_285 : i32
      %get3A_429 = arith.constant 0 : i32
      %get3A_430 = arith.index_cast %get3A_429 : i32 to index
      %get3A_431 = arith.index_cast %add3A_428 : i32 to index
      %get3A_432 = arith.constant 0 : index
      %get3A_433 = tpu.vector_load %arg10[%get3A_430, %get3A_431, %get3A_432] {strides = array<i32>} : memref<2x2048x16xf32, #tpu.memory_space<vmem>>, vector<1x1x16xf32>,
      %get3A_434 = vector.shape_cast %get3A_433 : vector<1x1x16xf32> to vector<16xf32>
      %add3A_435 = arith.constant 384 : i32
      %add3A_436 = arith.addi %add3A_435, %scan3A_285 : i32
      %get3A_437 = arith.constant 0 : i32
      %get3A_438 = arith.index_cast %get3A_437 : i32 to index
      %get3A_439 = arith.index_cast %add3A_436 : i32 to index
      %get3A_440 = arith.constant 0 : index
      %get3A_441 = tpu.vector_load %arg10[%get3A_438, %get3A_439, %get3A_440] {strides = array<i32>} : memref<2x2048x16xf32, #tpu.memory_space<vmem>>, vector<1x1x16xf32>,
      %get3A_442 = vector.shape_cast %get3A_441 : vector<1x1x16xf32> to vector<16xf32>
      %add3A_443 = arith.addf %get3A_434, %get3A_442 : vector<16xf32>
      %add3A_444 = arith.constant 640 : i32
      %add3A_445 = arith.addi %add3A_444, %scan3A_285 : i32
      %get3A_446 = arith.constant 0 : i32
      %get3A_447 = arith.index_cast %get3A_446 : i32 to index
      %get3A_448 = arith.index_cast %add3A_445 : i32 to index
      %get3A_449 = arith.constant 0 : index
      %get3A_450 = tpu.vector_load %arg10[%get3A_447, %get3A_448, %get3A_449] {strides = array<i32>} : memref<2x2048x16xf32, #tpu.memory_space<vmem>>, vector<1x1x16xf32>,
      %get3A_451 = vector.shape_cast %get3A_450 : vector<1x1x16xf32> to vector<16xf32>
      %add3A_452 = arith.addf %add3A_443, %get3A_451 : vector<16xf32>
      %add3A_453 = arith.constant 896 : i32
      %add3A_454 = arith.addi %add3A_453, %scan3A_285 : i32
      %get3A_455 = arith.constant 0 : i32
      %get3A_456 = arith.index_cast %get3A_455 : i32 to index
      %get3A_457 = arith.index_cast %add3A_454 : i32 to index
      %get3A_458 = arith.constant 0 : index
      %get3A_459 = tpu.vector_load %arg10[%get3A_456, %get3A_457, %get3A_458] {strides = array<i32>} : memref<2x2048x16xf32, #tpu.memory_space<vmem>>, vector<1x1x16xf32>,
      %get3A_460 = vector.shape_cast %get3A_459 : vector<1x1x16xf32> to vector<16xf32>
      %add3A_461 = arith.addf %add3A_452, %get3A_460 : vector<16xf32>
      %add3A_462 = arith.constant 1152 : i32
      %add3A_463 = arith.addi %add3A_462, %scan3A_285 : i32
      %get3A_464 = arith.constant 0 : i32
      %get3A_465 = arith.index_cast %get3A_464 : i32 to index
      %get3A_466 = arith.index_cast %add3A_463 : i32 to index
      %get3A_467 = arith.constant 0 : index
      %get3A_468 = tpu.vector_load %arg10[%get3A_465, %get3A_466, %get3A_467] {strides = array<i32>} : memref<2x2048x16xf32, #tpu.memory_space<vmem>>, vector<1x1x16xf32>,
      %get3A_469 = vector.shape_cast %get3A_468 : vector<1x1x16xf32> to vector<16xf32>
      %add3A_470 = arith.addf %add3A_461, %get3A_469 : vector<16xf32>
      %add3A_471 = arith.constant 1408 : i32
      %add3A_472 = arith.addi %add3A_471, %scan3A_285 : i32
      %get3A_473 = arith.constant 0 : i32
      %get3A_474 = arith.index_cast %get3A_473 : i32 to index
      %get3A_475 = arith.index_cast %add3A_472 : i32 to index
      %get3A_476 = arith.constant 0 : index
      %get3A_477 = tpu.vector_load %arg10[%get3A_474, %get3A_475, %get3A_476] {strides = array<i32>} : memref<2x2048x16xf32, #tpu.memory_space<vmem>>, vector<1x1x16xf32>,
      %get3A_478 = vector.shape_cast %get3A_477 : vector<1x1x16xf32> to vector<16xf32>
      %add3A_479 = arith.addf %add3A_470, %get3A_478 : vector<16xf32>
      %add3A_480 = arith.constant 1664 : i32
      %add3A_481 = arith.addi %add3A_480, %scan3A_285 : i32
      %get3A_482 = arith.constant 0 : i32
      %get3A_483 = arith.index_cast %get3A_482 : i32 to index
      %get3A_484 = arith.index_cast %add3A_481 : i32 to index
      %get3A_485 = arith.constant 0 : index
      %get3A_486 = tpu.vector_load %arg10[%get3A_483, %get3A_484, %get3A_485] {strides = array<i32>} : memref<2x2048x16xf32, #tpu.memory_space<vmem>>, vector<1x1x16xf32>,
      %get3A_487 = vector.shape_cast %get3A_486 : vector<1x1x16xf32> to vector<16xf32>
      %add3A_488 = arith.addf %add3A_479, %get3A_487 : vector<16xf32>
      %add3A_489 = arith.constant 1920 : i32
      %add3A_490 = arith.addi %add3A_489, %scan3A_285 : i32
      %get3A_491 = arith.constant 0 : i32
      %get3A_492 = arith.index_cast %get3A_491 : i32 to index
      %get3A_493 = arith.index_cast %add3A_490 : i32 to index
      %get3A_494 = arith.constant 0 : index
      %get3A_495 = tpu.vector_load %arg10[%get3A_492, %get3A_493, %get3A_494] {strides = array<i32>} : memref<2x2048x16xf32, #tpu.memory_space<vmem>>, vector<1x1x16xf32>,
      %get3A_496 = vector.shape_cast %get3A_495 : vector<1x1x16xf32> to vector<16xf32>
      %add3A_497 = arith.addf %add3A_488, %get3A_496 : vector<16xf32>
      %add3A_498 = arith.constant 192 : i32
      %add3A_499 = arith.addi %add3A_498, %scan3A_285 : i32
      %get3A_500 = arith.constant 0 : i32
      %get3A_501 = arith.index_cast %get3A_500 : i32 to index
      %get3A_502 = arith.index_cast %add3A_499 : i32 to index
      %get3A_503 = arith.constant 0 : index
      %get3A_504 = tpu.vector_load %arg10[%get3A_501, %get3A_502, %get3A_503] {strides = array<i32>} : memref<2x2048x16xf32, #tpu.memory_space<vmem>>, vector<1x1x16xf32>,
      %get3A_505 = vector.shape_cast %get3A_504 : vector<1x1x16xf32> to vector<16xf32>
      %add3A_506 = arith.constant 448 : i32
      %add3A_507 = arith.addi %add3A_506, %scan3A_285 : i32
      %get3A_508 = arith.constant 0 : i32
      %get3A_509 = arith.index_cast %get3A_508 : i32 to index
      %get3A_510 = arith.index_cast %add3A_507 : i32 to index
      %get3A_511 = arith.constant 0 : index
      %get3A_512 = tpu.vector_load %arg10[%get3A_509, %get3A_510, %get3A_511] {strides = array<i32>} : memref<2x2048x16xf32, #tpu.memory_space<vmem>>, vector<1x1x16xf32>,
      %get3A_513 = vector.shape_cast %get3A_512 : vector<1x1x16xf32> to vector<16xf32>
      %add3A_514 = arith.addf %get3A_505, %get3A_513 : vector<16xf32>
      %add3A_515 = arith.constant 704 : i32
      %add3A_516 = arith.addi %add3A_515, %scan3A_285 : i32
      %get3A_517 = arith.constant 0 : i32
      %get3A_518 = arith.index_cast %get3A_517 : i32 to index
      %get3A_519 = arith.index_cast %add3A_516 : i32 to index
      %get3A_520 = arith.constant 0 : index
      %get3A_521 = tpu.vector_load %arg10[%get3A_518, %get3A_519, %get3A_520] {strides = array<i32>} : memref<2x2048x16xf32, #tpu.memory_space<vmem>>, vector<1x1x16xf32>,
      %get3A_522 = vector.shape_cast %get3A_521 : vector<1x1x16xf32> to vector<16xf32>
      %add3A_523 = arith.addf %add3A_514, %get3A_522 : vector<16xf32>
      %add3A_524 = arith.constant 960 : i32
      %add3A_525 = arith.addi %add3A_524, %scan3A_285 : i32
      %get3A_526 = arith.constant 0 : i32
      %get3A_527 = arith.index_cast %get3A_526 : i32 to index
      %get3A_528 = arith.index_cast %add3A_525 : i32 to index
      %get3A_529 = arith.constant 0 : index
      %get3A_530 = tpu.vector_load %arg10[%get3A_527, %get3A_528, %get3A_529] {strides = array<i32>} : memref<2x2048x16xf32, #tpu.memory_space<vmem>>, vector<1x1x16xf32>,
      %get3A_531 = vector.shape_cast %get3A_530 : vector<1x1x16xf32> to vector<16xf32>
      %add3A_532 = arith.addf %add3A_523, %get3A_531 : vector<16xf32>
      %add3A_533 = arith.constant 1216 : i32
      %add3A_534 = arith.addi %add3A_533, %scan3A_285 : i32
      %get3A_535 = arith.constant 0 : i32
      %get3A_536 = arith.index_cast %get3A_535 : i32 to index
      %get3A_537 = arith.index_cast %add3A_534 : i32 to index
      %get3A_538 = arith.constant 0 : index
      %get3A_539 = tpu.vector_load %arg10[%get3A_536, %get3A_537, %get3A_538] {strides = array<i32>} : memref<2x2048x16xf32, #tpu.memory_space<vmem>>, vector<1x1x16xf32>,
      %get3A_540 = vector.shape_cast %get3A_539 : vector<1x1x16xf32> to vector<16xf32>
      %add3A_541 = arith.addf %add3A_532, %get3A_540 : vector<16xf32>
      %add3A_542 = arith.constant 1472 : i32
      %add3A_543 = arith.addi %add3A_542, %scan3A_285 : i32
      %get3A_544 = arith.constant 0 : i32
      %get3A_545 = arith.index_cast %get3A_544 : i32 to index
      %get3A_546 = arith.index_cast %add3A_543 : i32 to index
      %get3A_547 = arith.constant 0 : index
      %get3A_548 = tpu.vector_load %arg10[%get3A_545, %get3A_546, %get3A_547] {strides = array<i32>} : memref<2x2048x16xf32, #tpu.memory_space<vmem>>, vector<1x1x16xf32>,
      %get3A_549 = vector.shape_cast %get3A_548 : vector<1x1x16xf32> to vector<16xf32>
      %add3A_550 = arith.addf %add3A_541, %get3A_549 : vector<16xf32>
      %add3A_551 = arith.constant 1728 : i32
      %add3A_552 = arith.addi %add3A_551, %scan3A_285 : i32
      %get3A_553 = arith.constant 0 : i32
      %get3A_554 = arith.index_cast %get3A_553 : i32 to index
      %get3A_555 = arith.index_cast %add3A_552 : i32 to index
      %get3A_556 = arith.constant 0 : index
      %get3A_557 = tpu.vector_load %arg10[%get3A_554, %get3A_555, %get3A_556] {strides = array<i32>} : memref<2x2048x16xf32, #tpu.memory_space<vmem>>, vector<1x1x16xf32>,
      %get3A_558 = vector.shape_cast %get3A_557 : vector<1x1x16xf32> to vector<16xf32>
      %add3A_559 = arith.addf %add3A_550, %get3A_558 : vector<16xf32>
      %add3A_560 = arith.constant 1984 : i32
      %add3A_561 = arith.addi %add3A_560, %scan3A_285 : i32
      %get3A_562 = arith.constant 0 : i32
      %get3A_563 = arith.index_cast %get3A_562 : i32 to index
      %get3A_564 = arith.index_cast %add3A_561 : i32 to index
      %get3A_565 = arith.constant 0 : index
      %get3A_566 = tpu.vector_load %arg10[%get3A_563, %get3A_564, %get3A_565] {strides = array<i32>} : memref<2x2048x16xf32, #tpu.memory_space<vmem>>, vector<1x1x16xf32>,
      %get3A_567 = vector.shape_cast %get3A_566 : vector<1x1x16xf32> to vector<16xf32>
      %add3A_568 = arith.addf %add3A_559, %get3A_567 : vector<16xf32>
      %get3A_569 = arith.index_cast %scan3A_285 : i32 to index
      %get3A_570 = arith.constant 0 : index
      %get3A_571 = tpu.vector_load %arg11[%get3A_569, %get3A_570] {strides = array<i32>} : memref<64x16xf32, #tpu.memory_space<vmem>>, vector<1x16xf32>,
      %get3A_572 = vector.shape_cast %get3A_571 : vector<1x16xf32> to vector<16xf32>
      %add3A_573 = arith.addf %add3A_355, %add3A_426 : vector<16xf32>
      %add3A_574 = arith.addf %add3A_497, %add3A_568 : vector<16xf32>
      %add3A_575 = arith.addf %add3A_573, %add3A_574 : vector<16xf32>
      %sub3A = arith.subf %get3A_572, %add3A_575 : vector<16xf32>
      %swap3A = arith.index_cast %scan3A_285 : i32 to index
      %swap3A_576 = arith.constant 0 : index
      %swap3A_577 = tpu.vector_load %arg11[%swap3A, %swap3A_576] {strides = array<i32>} : memref<64x16xf32, #tpu.memory_space<vmem>>, vector<1x16xf32>,
      %swap3A_578 = vector.shape_cast %swap3A_577 : vector<1x16xf32> to vector<16xf32>
      %swap3A_579 = vector.shape_cast %sub3A : vector<16xf32> to vector<1x16xf32>
      tpu.vector_store %arg11[%swap3A, %swap3A_576], %swap3A_579 {strides = array<i32>} : memref<64x16xf32, #tpu.memory_space<vmem>>, vector<1x16xf32>,
    }
    %scan3A_260 = arith.constant 64 : i32
    "tpu.region"() ({
      %run_scoped3A_285 = tpu.sem_alloc : memref<!tpu.dma_semaphore, #tpu.memory_space<semaphore_mem>>
      %dma_start3A_286 = arith.constant 0 : i32
      %dma_start3A_287 = tpu.memref_slice %arg6[%mul3A_242, %dma_start3A_286] : memref<12288x16xf32, #tpu.memory_space<hbm>> -> memref<64x16xf32, #tpu.memory_space<hbm>>
      %dma_start3A_288 = arith.constant 0 : i32
      %dma_start3A_289 = tpu.memref_slice %arg6[%mul3A_242, %dma_start3A_288] : memref<12288x16xf32, #tpu.memory_space<hbm>> -> memref<64x16xf32, #tpu.memory_space<hbm>>
      tpu.enqueue_dma source(%arg11 : memref<64x16xf32, #tpu.memory_space<vmem>>) target(%dma_start3A_289 : memref<64x16xf32, #tpu.memory_space<hbm>>) target_semaphore(%run_scoped3A_285 : memref<!tpu.dma_semaphore, #tpu.memory_space<semaphore_mem>>)
      %dma_wait3A_290 = arith.constant 0 : i32
      %dma_wait3A_291 = tpu.memref_slice %arg6[%mul3A_242, %dma_wait3A_290] : memref<12288x16xf32, #tpu.memory_space<hbm>> -> memref<64x16xf32, #tpu.memory_space<hbm>>
      %dma_wait3A_292 = arith.constant 0 : i32
      %dma_wait3A_293 = tpu.memref_slice %arg6[%mul3A_242, %dma_wait3A_292] : memref<12288x16xf32, #tpu.memory_space<hbm>> -> memref<64x16xf32, #tpu.memory_space<hbm>>
      tpu.wait_dma2 semaphore(%run_scoped3A_285 : memref<!tpu.dma_semaphore, #tpu.memory_space<semaphore_mem>>) src(%arg11 : memref<64x16xf32, #tpu.memory_space<vmem>>) dst(%dma_wait3A_293 : memref<64x16xf32, #tpu.memory_space<hbm>>)
      tpu.yield
    }) : () -> ()
    %mul3A_261 = arith.constant 6 : i32
    %mul3A_262 = arith.muli %add3A, %mul3A_261 : i32
    %add3A_263 = arith.constant 5 : i32
    %add3A_264 = arith.addi %mul3A_262, %add3A_263 : i32
    %mul3A_265 = arith.constant 64 : i32
    %mul3A_266 = arith.muli %add3A_264, %mul3A_265 : i32
    "tpu.region"() ({
      %run_scoped3A_285 = tpu.sem_alloc : memref<!tpu.dma_semaphore, #tpu.memory_space<semaphore_mem>>
      %dma_start3A_286 = arith.constant 0 : i32
      %dma_start3A_287 = tpu.memref_slice %arg5[%mul3A_266, %dma_start3A_286] : memref<12288x16xf32, #tpu.memory_space<hbm>> -> memref<64x16xf32, #tpu.memory_space<hbm>>
      %dma_start3A_288 = arith.constant 0 : i32
      %dma_start3A_289 = tpu.memref_slice %arg5[%mul3A_266, %dma_start3A_288] : memref<12288x16xf32, #tpu.memory_space<hbm>> -> memref<64x16xf32, #tpu.memory_space<hbm>>
      tpu.enqueue_dma source(%dma_start3A_289 : memref<64x16xf32, #tpu.memory_space<hbm>>) target(%arg11 : memref<64x16xf32, #tpu.memory_space<vmem>>) target_semaphore(%run_scoped3A_285 : memref<!tpu.dma_semaphore, #tpu.memory_space<semaphore_mem>>)
      %dma_wait3A_290 = arith.constant 0 : i32
      %dma_wait3A_291 = tpu.memref_slice %arg5[%mul3A_266, %dma_wait3A_290] : memref<12288x16xf32, #tpu.memory_space<hbm>> -> memref<64x16xf32, #tpu.memory_space<hbm>>
      %dma_wait3A_292 = arith.constant 0 : i32
      %dma_wait3A_293 = tpu.memref_slice %arg5[%mul3A_266, %dma_wait3A_292] : memref<12288x16xf32, #tpu.memory_space<hbm>> -> memref<64x16xf32, #tpu.memory_space<hbm>>
      tpu.wait_dma2 semaphore(%run_scoped3A_285 : memref<!tpu.dma_semaphore, #tpu.memory_space<semaphore_mem>>) src(%dma_wait3A_293 : memref<64x16xf32, #tpu.memory_space<hbm>>) dst(%arg11 : memref<64x16xf32, #tpu.memory_space<vmem>>)
      tpu.yield
    }) : () -> ()
    %dma_wait3A_267 = arith.constant 1 : i32
    %dma_wait3A_268 = arith.constant 1 : i32
    %dma_wait3A_269 = arith.constant 0 : i32
    %dma_wait3A_270 = arith.constant 0 : i32
    %dma_wait3A_271 = tpu.memref_slice %arg10[%dma_wait3A_268, %dma_wait3A_269, %dma_wait3A_270] : memref<2x2048x16xf32, #tpu.memory_space<vmem>> -> memref<1x2048x16xf32, #tpu.memory_space<vmem>>
    %dma_wait3A_272 = tpu.memref_squeeze %dma_wait3A_271 : memref<1x2048x16xf32, #tpu.memory_space<vmem>> -> memref<2048x16xf32, #tpu.memory_space<vmem>>
    %dma_wait3A_273 = arith.constant 0 : i32
    %dma_wait3A_274 = tpu.memref_slice %arg9[%dma_wait3A_267, %dma_wait3A_273] : memref<2x2048xi32, #tpu.memory_space<vmem>> -> memref<1x2048xi32, #tpu.memory_space<vmem>>
    %dma_wait3A_275 = tpu.memref_squeeze %dma_wait3A_274 : memref<1x2048xi32, #tpu.memory_space<vmem>> -> memref<2048xi32, #tpu.memory_space<vmem>>
    %dma_wait3A_276 = arith.constant 0 : i32
    %dma_wait3A_277 = arith.constant 0 : i32
    %dma_wait3A_278 = tpu.memref_slice %arg2[%dma_wait3A_276, %dma_wait3A_277] : memref<320000x16xf32, #tpu.memory_space<hbm>> -> memref<320000x16xf32, #tpu.memory_space<hbm>>
    tpu.wait_indirect_dma semaphore(%arg13 : memref<!tpu.dma_semaphore, #tpu.memory_space<semaphore_mem>>) src(%dma_wait3A_278 : memref<320000x16xf32, #tpu.memory_space<hbm>>) dst(%dma_wait3A_272 : memref<2048x16xf32, #tpu.memory_space<vmem>>)
    %scan3A_279 = arith.constant 0 : i32
    %scan3A_280 = arith.constant 0 : i32
    %scan3A_281 = arith.constant 64 : i32
    %scan3A_282 = arith.addi %scan3A_280, %scan3A_281 : i32
    %scan3A_283 = arith.constant 1 : i32
    scf.for %scan3A_285 = %scan3A_280 to %scan3A_282 step %scan3A_283  : i32 {
      %add3A_286 = arith.constant 0 : i32
      %add3A_287 = arith.addi %add3A_286, %scan3A_285 : i32
      %get3A = arith.constant 1 : i32
      %get3A_288 = arith.index_cast %get3A : i32 to index
      %get3A_289 = arith.index_cast %add3A_287 : i32 to index
      %get3A_290 = arith.constant 0 : index
      %get3A_291 = tpu.vector_load %arg10[%get3A_288, %get3A_289, %get3A_290] {strides = array<i32>} : memref<2x2048x16xf32, #tpu.memory_space<vmem>>, vector<1x1x16xf32>,
      %get3A_292 = vector.shape_cast %get3A_291 : vector<1x1x16xf32> to vector<16xf32>
      %add3A_293 = arith.constant 256 : i32
      %add3A_294 = arith.addi %add3A_293, %scan3A_285 : i32
      %get3A_295 = arith.constant 1 : i32
      %get3A_296 = arith.index_cast %get3A_295 : i32 to index
      %get3A_297 = arith.index_cast %add3A_294 : i32 to index
      %get3A_298 = arith.constant 0 : index
      %get3A_299 = tpu.vector_load %arg10[%get3A_296, %get3A_297, %get3A_298] {strides = array<i32>} : memref<2x2048x16xf32, #tpu.memory_space<vmem>>, vector<1x1x16xf32>,
      %get3A_300 = vector.shape_cast %get3A_299 : vector<1x1x16xf32> to vector<16xf32>
      %add3A_301 = arith.addf %get3A_292, %get3A_300 : vector<16xf32>
      %add3A_302 = arith.constant 512 : i32
      %add3A_303 = arith.addi %add3A_302, %scan3A_285 : i32
      %get3A_304 = arith.constant 1 : i32
      %get3A_305 = arith.index_cast %get3A_304 : i32 to index
      %get3A_306 = arith.index_cast %add3A_303 : i32 to index
      %get3A_307 = arith.constant 0 : index
      %get3A_308 = tpu.vector_load %arg10[%get3A_305, %get3A_306, %get3A_307] {strides = array<i32>} : memref<2x2048x16xf32, #tpu.memory_space<vmem>>, vector<1x1x16xf32>,
      %get3A_309 = vector.shape_cast %get3A_308 : vector<1x1x16xf32> to vector<16xf32>
      %add3A_310 = arith.addf %add3A_301, %get3A_309 : vector<16xf32>
      %add3A_311 = arith.constant 768 : i32
      %add3A_312 = arith.addi %add3A_311, %scan3A_285 : i32
      %get3A_313 = arith.constant 1 : i32
      %get3A_314 = arith.index_cast %get3A_313 : i32 to index
      %get3A_315 = arith.index_cast %add3A_312 : i32 to index
      %get3A_316 = arith.constant 0 : index
      %get3A_317 = tpu.vector_load %arg10[%get3A_314, %get3A_315, %get3A_316] {strides = array<i32>} : memref<2x2048x16xf32, #tpu.memory_space<vmem>>, vector<1x1x16xf32>,
      %get3A_318 = vector.shape_cast %get3A_317 : vector<1x1x16xf32> to vector<16xf32>
      %add3A_319 = arith.addf %add3A_310, %get3A_318 : vector<16xf32>
      %add3A_320 = arith.constant 1024 : i32
      %add3A_321 = arith.addi %add3A_320, %scan3A_285 : i32
      %get3A_322 = arith.constant 1 : i32
      %get3A_323 = arith.index_cast %get3A_322 : i32 to index
      %get3A_324 = arith.index_cast %add3A_321 : i32 to index
      %get3A_325 = arith.constant 0 : index
      %get3A_326 = tpu.vector_load %arg10[%get3A_323, %get3A_324, %get3A_325] {strides = array<i32>} : memref<2x2048x16xf32, #tpu.memory_space<vmem>>, vector<1x1x16xf32>,
      %get3A_327 = vector.shape_cast %get3A_326 : vector<1x1x16xf32> to vector<16xf32>
      %add3A_328 = arith.addf %add3A_319, %get3A_327 : vector<16xf32>
      %add3A_329 = arith.constant 1280 : i32
      %add3A_330 = arith.addi %add3A_329, %scan3A_285 : i32
      %get3A_331 = arith.constant 1 : i32
      %get3A_332 = arith.index_cast %get3A_331 : i32 to index
      %get3A_333 = arith.index_cast %add3A_330 : i32 to index
      %get3A_334 = arith.constant 0 : index
      %get3A_335 = tpu.vector_load %arg10[%get3A_332, %get3A_333, %get3A_334] {strides = array<i32>} : memref<2x2048x16xf32, #tpu.memory_space<vmem>>, vector<1x1x16xf32>,
      %get3A_336 = vector.shape_cast %get3A_335 : vector<1x1x16xf32> to vector<16xf32>
      %add3A_337 = arith.addf %add3A_328, %get3A_336 : vector<16xf32>
      %add3A_338 = arith.constant 1536 : i32
      %add3A_339 = arith.addi %add3A_338, %scan3A_285 : i32
      %get3A_340 = arith.constant 1 : i32
      %get3A_341 = arith.index_cast %get3A_340 : i32 to index
      %get3A_342 = arith.index_cast %add3A_339 : i32 to index
      %get3A_343 = arith.constant 0 : index
      %get3A_344 = tpu.vector_load %arg10[%get3A_341, %get3A_342, %get3A_343] {strides = array<i32>} : memref<2x2048x16xf32, #tpu.memory_space<vmem>>, vector<1x1x16xf32>,
      %get3A_345 = vector.shape_cast %get3A_344 : vector<1x1x16xf32> to vector<16xf32>
      %add3A_346 = arith.addf %add3A_337, %get3A_345 : vector<16xf32>
      %add3A_347 = arith.constant 1792 : i32
      %add3A_348 = arith.addi %add3A_347, %scan3A_285 : i32
      %get3A_349 = arith.constant 1 : i32
      %get3A_350 = arith.index_cast %get3A_349 : i32 to index
      %get3A_351 = arith.index_cast %add3A_348 : i32 to index
      %get3A_352 = arith.constant 0 : index
      %get3A_353 = tpu.vector_load %arg10[%get3A_350, %get3A_351, %get3A_352] {strides = array<i32>} : memref<2x2048x16xf32, #tpu.memory_space<vmem>>, vector<1x1x16xf32>,
      %get3A_354 = vector.shape_cast %get3A_353 : vector<1x1x16xf32> to vector<16xf32>
      %add3A_355 = arith.addf %add3A_346, %get3A_354 : vector<16xf32>
      %add3A_356 = arith.constant 64 : i32
      %add3A_357 = arith.addi %add3A_356, %scan3A_285 : i32
      %get3A_358 = arith.constant 1 : i32
      %get3A_359 = arith.index_cast %get3A_358 : i32 to index
      %get3A_360 = arith.index_cast %add3A_357 : i32 to index
      %get3A_361 = arith.constant 0 : index
      %get3A_362 = tpu.vector_load %arg10[%get3A_359, %get3A_360, %get3A_361] {strides = array<i32>} : memref<2x2048x16xf32, #tpu.memory_space<vmem>>, vector<1x1x16xf32>,
      %get3A_363 = vector.shape_cast %get3A_362 : vector<1x1x16xf32> to vector<16xf32>
      %add3A_364 = arith.constant 320 : i32
      %add3A_365 = arith.addi %add3A_364, %scan3A_285 : i32
      %get3A_366 = arith.constant 1 : i32
      %get3A_367 = arith.index_cast %get3A_366 : i32 to index
      %get3A_368 = arith.index_cast %add3A_365 : i32 to index
      %get3A_369 = arith.constant 0 : index
      %get3A_370 = tpu.vector_load %arg10[%get3A_367, %get3A_368, %get3A_369] {strides = array<i32>} : memref<2x2048x16xf32, #tpu.memory_space<vmem>>, vector<1x1x16xf32>,
      %get3A_371 = vector.shape_cast %get3A_370 : vector<1x1x16xf32> to vector<16xf32>
      %add3A_372 = arith.addf %get3A_363, %get3A_371 : vector<16xf32>
      %add3A_373 = arith.constant 576 : i32
      %add3A_374 = arith.addi %add3A_373, %scan3A_285 : i32
      %get3A_375 = arith.constant 1 : i32
      %get3A_376 = arith.index_cast %get3A_375 : i32 to index
      %get3A_377 = arith.index_cast %add3A_374 : i32 to index
      %get3A_378 = arith.constant 0 : index
      %get3A_379 = tpu.vector_load %arg10[%get3A_376, %get3A_377, %get3A_378] {strides = array<i32>} : memref<2x2048x16xf32, #tpu.memory_space<vmem>>, vector<1x1x16xf32>,
      %get3A_380 = vector.shape_cast %get3A_379 : vector<1x1x16xf32> to vector<16xf32>
      %add3A_381 = arith.addf %add3A_372, %get3A_380 : vector<16xf32>
      %add3A_382 = arith.constant 832 : i32
      %add3A_383 = arith.addi %add3A_382, %scan3A_285 : i32
      %get3A_384 = arith.constant 1 : i32
      %get3A_385 = arith.index_cast %get3A_384 : i32 to index
      %get3A_386 = arith.index_cast %add3A_383 : i32 to index
      %get3A_387 = arith.constant 0 : index
      %get3A_388 = tpu.vector_load %arg10[%get3A_385, %get3A_386, %get3A_387] {strides = array<i32>} : memref<2x2048x16xf32, #tpu.memory_space<vmem>>, vector<1x1x16xf32>,
      %get3A_389 = vector.shape_cast %get3A_388 : vector<1x1x16xf32> to vector<16xf32>
      %add3A_390 = arith.addf %add3A_381, %get3A_389 : vector<16xf32>
      %add3A_391 = arith.constant 1088 : i32
      %add3A_392 = arith.addi %add3A_391, %scan3A_285 : i32
      %get3A_393 = arith.constant 1 : i32
      %get3A_394 = arith.index_cast %get3A_393 : i32 to index
      %get3A_395 = arith.index_cast %add3A_392 : i32 to index
      %get3A_396 = arith.constant 0 : index
      %get3A_397 = tpu.vector_load %arg10[%get3A_394, %get3A_395, %get3A_396] {strides = array<i32>} : memref<2x2048x16xf32, #tpu.memory_space<vmem>>, vector<1x1x16xf32>,
      %get3A_398 = vector.shape_cast %get3A_397 : vector<1x1x16xf32> to vector<16xf32>
      %add3A_399 = arith.addf %add3A_390, %get3A_398 : vector<16xf32>
      %add3A_400 = arith.constant 1344 : i32
      %add3A_401 = arith.addi %add3A_400, %scan3A_285 : i32
      %get3A_402 = arith.constant 1 : i32
      %get3A_403 = arith.index_cast %get3A_402 : i32 to index
      %get3A_404 = arith.index_cast %add3A_401 : i32 to index
      %get3A_405 = arith.constant 0 : index
      %get3A_406 = tpu.vector_load %arg10[%get3A_403, %get3A_404, %get3A_405] {strides = array<i32>} : memref<2x2048x16xf32, #tpu.memory_space<vmem>>, vector<1x1x16xf32>,
      %get3A_407 = vector.shape_cast %get3A_406 : vector<1x1x16xf32> to vector<16xf32>
      %add3A_408 = arith.addf %add3A_399, %get3A_407 : vector<16xf32>
      %add3A_409 = arith.constant 1600 : i32
      %add3A_410 = arith.addi %add3A_409, %scan3A_285 : i32
      %get3A_411 = arith.constant 1 : i32
      %get3A_412 = arith.index_cast %get3A_411 : i32 to index
      %get3A_413 = arith.index_cast %add3A_410 : i32 to index
      %get3A_414 = arith.constant 0 : index
      %get3A_415 = tpu.vector_load %arg10[%get3A_412, %get3A_413, %get3A_414] {strides = array<i32>} : memref<2x2048x16xf32, #tpu.memory_space<vmem>>, vector<1x1x16xf32>,
      %get3A_416 = vector.shape_cast %get3A_415 : vector<1x1x16xf32> to vector<16xf32>
      %add3A_417 = arith.addf %add3A_408, %get3A_416 : vector<16xf32>
      %add3A_418 = arith.constant 1856 : i32
      %add3A_419 = arith.addi %add3A_418, %scan3A_285 : i32
      %get3A_420 = arith.constant 1 : i32
      %get3A_421 = arith.index_cast %get3A_420 : i32 to index
      %get3A_422 = arith.index_cast %add3A_419 : i32 to index
      %get3A_423 = arith.constant 0 : index
      %get3A_424 = tpu.vector_load %arg10[%get3A_421, %get3A_422, %get3A_423] {strides = array<i32>} : memref<2x2048x16xf32, #tpu.memory_space<vmem>>, vector<1x1x16xf32>,
      %get3A_425 = vector.shape_cast %get3A_424 : vector<1x1x16xf32> to vector<16xf32>
      %add3A_426 = arith.addf %add3A_417, %get3A_425 : vector<16xf32>
      %add3A_427 = arith.constant 128 : i32
      %add3A_428 = arith.addi %add3A_427, %scan3A_285 : i32
      %get3A_429 = arith.constant 1 : i32
      %get3A_430 = arith.index_cast %get3A_429 : i32 to index
      %get3A_431 = arith.index_cast %add3A_428 : i32 to index
      %get3A_432 = arith.constant 0 : index
      %get3A_433 = tpu.vector_load %arg10[%get3A_430, %get3A_431, %get3A_432] {strides = array<i32>} : memref<2x2048x16xf32, #tpu.memory_space<vmem>>, vector<1x1x16xf32>,
      %get3A_434 = vector.shape_cast %get3A_433 : vector<1x1x16xf32> to vector<16xf32>
      %add3A_435 = arith.constant 384 : i32
      %add3A_436 = arith.addi %add3A_435, %scan3A_285 : i32
      %get3A_437 = arith.constant 1 : i32
      %get3A_438 = arith.index_cast %get3A_437 : i32 to index
      %get3A_439 = arith.index_cast %add3A_436 : i32 to index
      %get3A_440 = arith.constant 0 : index
      %get3A_441 = tpu.vector_load %arg10[%get3A_438, %get3A_439, %get3A_440] {strides = array<i32>} : memref<2x2048x16xf32, #tpu.memory_space<vmem>>, vector<1x1x16xf32>,
      %get3A_442 = vector.shape_cast %get3A_441 : vector<1x1x16xf32> to vector<16xf32>
      %add3A_443 = arith.addf %get3A_434, %get3A_442 : vector<16xf32>
      %add3A_444 = arith.constant 640 : i32
      %add3A_445 = arith.addi %add3A_444, %scan3A_285 : i32
      %get3A_446 = arith.constant 1 : i32
      %get3A_447 = arith.index_cast %get3A_446 : i32 to index
      %get3A_448 = arith.index_cast %add3A_445 : i32 to index
      %get3A_449 = arith.constant 0 : index
      %get3A_450 = tpu.vector_load %arg10[%get3A_447, %get3A_448, %get3A_449] {strides = array<i32>} : memref<2x2048x16xf32, #tpu.memory_space<vmem>>, vector<1x1x16xf32>,
      %get3A_451 = vector.shape_cast %get3A_450 : vector<1x1x16xf32> to vector<16xf32>
      %add3A_452 = arith.addf %add3A_443, %get3A_451 : vector<16xf32>
      %add3A_453 = arith.constant 896 : i32
      %add3A_454 = arith.addi %add3A_453, %scan3A_285 : i32
      %get3A_455 = arith.constant 1 : i32
      %get3A_456 = arith.index_cast %get3A_455 : i32 to index
      %get3A_457 = arith.index_cast %add3A_454 : i32 to index
      %get3A_458 = arith.constant 0 : index
      %get3A_459 = tpu.vector_load %arg10[%get3A_456, %get3A_457, %get3A_458] {strides = array<i32>} : memref<2x2048x16xf32, #tpu.memory_space<vmem>>, vector<1x1x16xf32>,
      %get3A_460 = vector.shape_cast %get3A_459 : vector<1x1x16xf32> to vector<16xf32>
      %add3A_461 = arith.addf %add3A_452, %get3A_460 : vector<16xf32>
      %add3A_462 = arith.constant 1152 : i32
      %add3A_463 = arith.addi %add3A_462, %scan3A_285 : i32
      %get3A_464 = arith.constant 1 : i32
      %get3A_465 = arith.index_cast %get3A_464 : i32 to index
      %get3A_466 = arith.index_cast %add3A_463 : i32 to index
      %get3A_467 = arith.constant 0 : index
      %get3A_468 = tpu.vector_load %arg10[%get3A_465, %get3A_466, %get3A_467] {strides = array<i32>} : memref<2x2048x16xf32, #tpu.memory_space<vmem>>, vector<1x1x16xf32>,
      %get3A_469 = vector.shape_cast %get3A_468 : vector<1x1x16xf32> to vector<16xf32>
      %add3A_470 = arith.addf %add3A_461, %get3A_469 : vector<16xf32>
      %add3A_471 = arith.constant 1408 : i32
      %add3A_472 = arith.addi %add3A_471, %scan3A_285 : i32
      %get3A_473 = arith.constant 1 : i32
      %get3A_474 = arith.index_cast %get3A_473 : i32 to index
      %get3A_475 = arith.index_cast %add3A_472 : i32 to index
      %get3A_476 = arith.constant 0 : index
      %get3A_477 = tpu.vector_load %arg10[%get3A_474, %get3A_475, %get3A_476] {strides = array<i32>} : memref<2x2048x16xf32, #tpu.memory_space<vmem>>, vector<1x1x16xf32>,
      %get3A_478 = vector.shape_cast %get3A_477 : vector<1x1x16xf32> to vector<16xf32>
      %add3A_479 = arith.addf %add3A_470, %get3A_478 : vector<16xf32>
      %add3A_480 = arith.constant 1664 : i32
      %add3A_481 = arith.addi %add3A_480, %scan3A_285 : i32
      %get3A_482 = arith.constant 1 : i32
      %get3A_483 = arith.index_cast %get3A_482 : i32 to index
      %get3A_484 = arith.index_cast %add3A_481 : i32 to index
      %get3A_485 = arith.constant 0 : index
      %get3A_486 = tpu.vector_load %arg10[%get3A_483, %get3A_484, %get3A_485] {strides = array<i32>} : memref<2x2048x16xf32, #tpu.memory_space<vmem>>, vector<1x1x16xf32>,
      %get3A_487 = vector.shape_cast %get3A_486 : vector<1x1x16xf32> to vector<16xf32>
      %add3A_488 = arith.addf %add3A_479, %get3A_487 : vector<16xf32>
      %add3A_489 = arith.constant 1920 : i32
      %add3A_490 = arith.addi %add3A_489, %scan3A_285 : i32
      %get3A_491 = arith.constant 1 : i32
      %get3A_492 = arith.index_cast %get3A_491 : i32 to index
      %get3A_493 = arith.index_cast %add3A_490 : i32 to index
      %get3A_494 = arith.constant 0 : index
      %get3A_495 = tpu.vector_load %arg10[%get3A_492, %get3A_493, %get3A_494] {strides = array<i32>} : memref<2x2048x16xf32, #tpu.memory_space<vmem>>, vector<1x1x16xf32>,
      %get3A_496 = vector.shape_cast %get3A_495 : vector<1x1x16xf32> to vector<16xf32>
      %add3A_497 = arith.addf %add3A_488, %get3A_496 : vector<16xf32>
      %add3A_498 = arith.constant 192 : i32
      %add3A_499 = arith.addi %add3A_498, %scan3A_285 : i32
      %get3A_500 = arith.constant 1 : i32
      %get3A_501 = arith.index_cast %get3A_500 : i32 to index
      %get3A_502 = arith.index_cast %add3A_499 : i32 to index
      %get3A_503 = arith.constant 0 : index
      %get3A_504 = tpu.vector_load %arg10[%get3A_501, %get3A_502, %get3A_503] {strides = array<i32>} : memref<2x2048x16xf32, #tpu.memory_space<vmem>>, vector<1x1x16xf32>,
      %get3A_505 = vector.shape_cast %get3A_504 : vector<1x1x16xf32> to vector<16xf32>
      %add3A_506 = arith.constant 448 : i32
      %add3A_507 = arith.addi %add3A_506, %scan3A_285 : i32
      %get3A_508 = arith.constant 1 : i32
      %get3A_509 = arith.index_cast %get3A_508 : i32 to index
      %get3A_510 = arith.index_cast %add3A_507 : i32 to index
      %get3A_511 = arith.constant 0 : index
      %get3A_512 = tpu.vector_load %arg10[%get3A_509, %get3A_510, %get3A_511] {strides = array<i32>} : memref<2x2048x16xf32, #tpu.memory_space<vmem>>, vector<1x1x16xf32>,
      %get3A_513 = vector.shape_cast %get3A_512 : vector<1x1x16xf32> to vector<16xf32>
      %add3A_514 = arith.addf %get3A_505, %get3A_513 : vector<16xf32>
      %add3A_515 = arith.constant 704 : i32
      %add3A_516 = arith.addi %add3A_515, %scan3A_285 : i32
      %get3A_517 = arith.constant 1 : i32
      %get3A_518 = arith.index_cast %get3A_517 : i32 to index
      %get3A_519 = arith.index_cast %add3A_516 : i32 to index
      %get3A_520 = arith.constant 0 : index
      %get3A_521 = tpu.vector_load %arg10[%get3A_518, %get3A_519, %get3A_520] {strides = array<i32>} : memref<2x2048x16xf32, #tpu.memory_space<vmem>>, vector<1x1x16xf32>,
      %get3A_522 = vector.shape_cast %get3A_521 : vector<1x1x16xf32> to vector<16xf32>
      %add3A_523 = arith.addf %add3A_514, %get3A_522 : vector<16xf32>
      %add3A_524 = arith.constant 960 : i32
      %add3A_525 = arith.addi %add3A_524, %scan3A_285 : i32
      %get3A_526 = arith.constant 1 : i32
      %get3A_527 = arith.index_cast %get3A_526 : i32 to index
      %get3A_528 = arith.index_cast %add3A_525 : i32 to index
      %get3A_529 = arith.constant 0 : index
      %get3A_530 = tpu.vector_load %arg10[%get3A_527, %get3A_528, %get3A_529] {strides = array<i32>} : memref<2x2048x16xf32, #tpu.memory_space<vmem>>, vector<1x1x16xf32>,
      %get3A_531 = vector.shape_cast %get3A_530 : vector<1x1x16xf32> to vector<16xf32>
      %add3A_532 = arith.addf %add3A_523, %get3A_531 : vector<16xf32>
      %add3A_533 = arith.constant 1216 : i32
      %add3A_534 = arith.addi %add3A_533, %scan3A_285 : i32
      %get3A_535 = arith.constant 1 : i32
      %get3A_536 = arith.index_cast %get3A_535 : i32 to index
      %get3A_537 = arith.index_cast %add3A_534 : i32 to index
      %get3A_538 = arith.constant 0 : index
      %get3A_539 = tpu.vector_load %arg10[%get3A_536, %get3A_537, %get3A_538] {strides = array<i32>} : memref<2x2048x16xf32, #tpu.memory_space<vmem>>, vector<1x1x16xf32>,
      %get3A_540 = vector.shape_cast %get3A_539 : vector<1x1x16xf32> to vector<16xf32>
      %add3A_541 = arith.addf %add3A_532, %get3A_540 : vector<16xf32>
      %add3A_542 = arith.constant 1472 : i32
      %add3A_543 = arith.addi %add3A_542, %scan3A_285 : i32
      %get3A_544 = arith.constant 1 : i32
      %get3A_545 = arith.index_cast %get3A_544 : i32 to index
      %get3A_546 = arith.index_cast %add3A_543 : i32 to index
      %get3A_547 = arith.constant 0 : index
      %get3A_548 = tpu.vector_load %arg10[%get3A_545, %get3A_546, %get3A_547] {strides = array<i32>} : memref<2x2048x16xf32, #tpu.memory_space<vmem>>, vector<1x1x16xf32>,
      %get3A_549 = vector.shape_cast %get3A_548 : vector<1x1x16xf32> to vector<16xf32>
      %add3A_550 = arith.addf %add3A_541, %get3A_549 : vector<16xf32>
      %add3A_551 = arith.constant 1728 : i32
      %add3A_552 = arith.addi %add3A_551, %scan3A_285 : i32
      %get3A_553 = arith.constant 1 : i32
      %get3A_554 = arith.index_cast %get3A_553 : i32 to index
      %get3A_555 = arith.index_cast %add3A_552 : i32 to index
      %get3A_556 = arith.constant 0 : index
      %get3A_557 = tpu.vector_load %arg10[%get3A_554, %get3A_555, %get3A_556] {strides = array<i32>} : memref<2x2048x16xf32, #tpu.memory_space<vmem>>, vector<1x1x16xf32>,
      %get3A_558 = vector.shape_cast %get3A_557 : vector<1x1x16xf32> to vector<16xf32>
      %add3A_559 = arith.addf %add3A_550, %get3A_558 : vector<16xf32>
      %add3A_560 = arith.constant 1984 : i32
      %add3A_561 = arith.addi %add3A_560, %scan3A_285 : i32
      %get3A_562 = arith.constant 1 : i32
      %get3A_563 = arith.index_cast %get3A_562 : i32 to index
      %get3A_564 = arith.index_cast %add3A_561 : i32 to index
      %get3A_565 = arith.constant 0 : index
      %get3A_566 = tpu.vector_load %arg10[%get3A_563, %get3A_564, %get3A_565] {strides = array<i32>} : memref<2x2048x16xf32, #tpu.memory_space<vmem>>, vector<1x1x16xf32>,
      %get3A_567 = vector.shape_cast %get3A_566 : vector<1x1x16xf32> to vector<16xf32>
      %add3A_568 = arith.addf %add3A_559, %get3A_567 : vector<16xf32>
      %get3A_569 = arith.index_cast %scan3A_285 : i32 to index
      %get3A_570 = arith.constant 0 : index
      %get3A_571 = tpu.vector_load %arg11[%get3A_569, %get3A_570] {strides = array<i32>} : memref<64x16xf32, #tpu.memory_space<vmem>>, vector<1x16xf32>,
      %get3A_572 = vector.shape_cast %get3A_571 : vector<1x16xf32> to vector<16xf32>
      %add3A_573 = arith.addf %add3A_355, %add3A_426 : vector<16xf32>
      %add3A_574 = arith.addf %add3A_497, %add3A_568 : vector<16xf32>
      %add3A_575 = arith.addf %add3A_573, %add3A_574 : vector<16xf32>
      %sub3A = arith.subf %get3A_572, %add3A_575 : vector<16xf32>
      %swap3A = arith.index_cast %scan3A_285 : i32 to index
      %swap3A_576 = arith.constant 0 : index
      %swap3A_577 = tpu.vector_load %arg11[%swap3A, %swap3A_576] {strides = array<i32>} : memref<64x16xf32, #tpu.memory_space<vmem>>, vector<1x16xf32>,
      %swap3A_578 = vector.shape_cast %swap3A_577 : vector<1x16xf32> to vector<16xf32>
      %swap3A_579 = vector.shape_cast %sub3A : vector<16xf32> to vector<1x16xf32>
      tpu.vector_store %arg11[%swap3A, %swap3A_576], %swap3A_579 {strides = array<i32>} : memref<64x16xf32, #tpu.memory_space<vmem>>, vector<1x16xf32>,
    }
    %scan3A_284 = arith.constant 64 : i32
    "tpu.region"() ({
      %run_scoped3A_285 = tpu.sem_alloc : memref<!tpu.dma_semaphore, #tpu.memory_space<semaphore_mem>>
      %dma_start3A_286 = arith.constant 0 : i32
      %dma_start3A_287 = tpu.memref_slice %arg6[%mul3A_266, %dma_start3A_286] : memref<12288x16xf32, #tpu.memory_space<hbm>> -> memref<64x16xf32, #tpu.memory_space<hbm>>
      %dma_start3A_288 = arith.constant 0 : i32
      %dma_start3A_289 = tpu.memref_slice %arg6[%mul3A_266, %dma_start3A_288] : memref<12288x16xf32, #tpu.memory_space<hbm>> -> memref<64x16xf32, #tpu.memory_space<hbm>>
      tpu.enqueue_dma source(%arg11 : memref<64x16xf32, #tpu.memory_space<vmem>>) target(%dma_start3A_289 : memref<64x16xf32, #tpu.memory_space<hbm>>) target_semaphore(%run_scoped3A_285 : memref<!tpu.dma_semaphore, #tpu.memory_space<semaphore_mem>>)
      %dma_wait3A_290 = arith.constant 0 : i32
      %dma_wait3A_291 = tpu.memref_slice %arg6[%mul3A_266, %dma_wait3A_290] : memref<12288x16xf32, #tpu.memory_space<hbm>> -> memref<64x16xf32, #tpu.memory_space<hbm>>
      %dma_wait3A_292 = arith.constant 0 : i32
      %dma_wait3A_293 = tpu.memref_slice %arg6[%mul3A_266, %dma_wait3A_292] : memref<12288x16xf32, #tpu.memory_space<hbm>> -> memref<64x16xf32, #tpu.memory_space<hbm>>
      tpu.wait_dma2 semaphore(%run_scoped3A_285 : memref<!tpu.dma_semaphore, #tpu.memory_space<semaphore_mem>>) src(%arg11 : memref<64x16xf32, #tpu.memory_space<vmem>>) dst(%dma_wait3A_293 : memref<64x16xf32, #tpu.memory_space<hbm>>)
      tpu.yield
    }) : () -> ()
    return
  }
}

module attributes {stable_mosaic.version = 14 : i64} {
  func.func @_tc_body(%arg0: i32, %arg1: memref<200x32x3xf32, #tpu.memory_space<vmem>>, %arg2: memref<3x128xf32, #tpu.memory_space<vmem>>, %arg3: memref<1x128xf32, #tpu.memory_space<vmem>>, %arg4: memref<128x128xf32, #tpu.memory_space<vmem>>, %arg5: memref<1x128xf32, #tpu.memory_space<vmem>>, %arg6: memref<1x128xf32, #tpu.memory_space<vmem>>, %arg7: memref<1x1xf32, #tpu.memory_space<vmem>>, %arg8: memref<800x128xf32, #tpu.memory_space<vmem>>, %arg9: memref<200x16xf32, #tpu.memory_space<vmem>>) attributes {dimension_semantics = [#tpu.dimension_semantics<arbitrary>], iteration_bounds = array<i64: 50>, scalar_prefetch = 0 : i64, scratch_operands = 0 : i64, tpu.core_type = #tpu.core_type<tc>, window_params = [{transform_indices = @transform_0, window_bounds = array<i64: 200, 32, 3>}, {pipeline_mode = #tpu.pipeline_mode<synchronous>, transform_indices = @transform_1, window_bounds = array<i64: 3, 128>}, {pipeline_mode = #tpu.pipeline_mode<synchronous>, transform_indices = @transform_2, window_bounds = array<i64: 1, 128>}, {pipeline_mode = #tpu.pipeline_mode<synchronous>, transform_indices = @transform_3, window_bounds = array<i64: 128, 128>}, {pipeline_mode = #tpu.pipeline_mode<synchronous>, transform_indices = @transform_4, window_bounds = array<i64: 1, 128>}, {pipeline_mode = #tpu.pipeline_mode<synchronous>, transform_indices = @transform_5, window_bounds = array<i64: 1, 128>}, {pipeline_mode = #tpu.pipeline_mode<synchronous>, transform_indices = @transform_6, window_bounds = array<i64: 1, 1>}, {transform_indices = @transform_7, window_bounds = array<i64: 800, 128>}, {transform_indices = @transform_8, window_bounds = array<i64: 200, 16>}]} {
    %get3A = arith.constant 0 : index
    %get3A_0 = arith.constant 0 : index
    %get3A_1 = arith.constant 0 : index
    %get3A_2 = vector.load %arg1[%get3A, %get3A_0, %get3A_1] : memref<200x32x3xf32, #tpu.memory_space<vmem>>, vector<200x32x3xf32>
    %reshape3A = vector.shape_cast %get3A_2 : vector<200x32x3xf32> to vector<6400x3xf32>
    %get3A_3 = arith.constant 0 : index
    %get3A_4 = arith.constant 0 : index
    %get3A_5 = vector.load %arg2[%get3A_3, %get3A_4] : memref<3x128xf32, #tpu.memory_space<vmem>>, vector<3x128xf32>
    %dot_general3A = arith.constant dense<0.000000e+00> : vector<6400x128xf32>
    %dot_general3A_6 = tpu.matmul %reshape3A, %get3A_5, %dot_general3A {dimension_numbers = #tpu.dot_dimension_numbers<[1], [0], [0], [1], [0, 0, 1, 1], [], []>, transpose_lhs_hint = false} : vector<6400x3xf32>, vector<3x128xf32>, vector<6400x128xf32> -> vector<6400x128xf32>
    %get3A_7 = arith.constant 0 : index
    %get3A_8 = arith.constant 0 : index
    %get3A_9 = vector.load %arg3[%get3A_7, %get3A_8] : memref<1x128xf32, #tpu.memory_space<vmem>>, vector<1x128xf32>
    %add3A = vector.broadcast %get3A_9 : vector<1x128xf32> to vector<6400x128xf32>
    %add3A_10 = arith.addf %dot_general3A_6, %add3A : vector<6400x128xf32>
    %max3A = arith.constant 0.000000e+00 : f32
    %max3A_11 = vector.broadcast %max3A : f32 to vector<6400x128xf32>
    %max3A_12 = arith.maximumf %add3A_10, %max3A_11 : vector<6400x128xf32>
    %reshape3A_13 = vector.shape_cast %max3A_12 : vector<6400x128xf32> to vector<200x32x128xf32>
    %reduce_sum3A = arith.constant dense<0.000000e+00> : vector<200x128xf32>
    %reduce_sum3A_14 = vector.multi_reduction <add>, %reshape3A_13, %reduce_sum3A [1] : vector<200x32x128xf32> to vector<200x128xf32>
    %get3A_15 = arith.constant 0 : index
    %get3A_16 = arith.constant 0 : index
    %get3A_17 = vector.load %arg4[%get3A_15, %get3A_16] : memref<128x128xf32, #tpu.memory_space<vmem>>, vector<128x128xf32>
    %dot_general3A_18 = arith.constant dense<0.000000e+00> : vector<200x128xf32>
    %dot_general3A_19 = tpu.matmul %reduce_sum3A_14, %get3A_17, %dot_general3A_18 {dimension_numbers = #tpu.dot_dimension_numbers<[1], [0], [0], [1], [0, 0, 1, 1], [], []>, transpose_lhs_hint = false} : vector<200x128xf32>, vector<128x128xf32>, vector<200x128xf32> -> vector<200x128xf32>
    %get3A_20 = arith.constant 0 : index
    %get3A_21 = arith.constant 0 : index
    %get3A_22 = vector.load %arg5[%get3A_20, %get3A_21] : memref<1x128xf32, #tpu.memory_space<vmem>>, vector<1x128xf32>
    %add3A_23 = vector.broadcast %get3A_22 : vector<1x128xf32> to vector<200x128xf32>
    %add3A_24 = arith.addf %dot_general3A_19, %add3A_23 : vector<200x128xf32>
    %max3A_25 = arith.constant 0.000000e+00 : f32
    %max3A_26 = vector.broadcast %max3A_25 : f32 to vector<200x128xf32>
    %max3A_27 = arith.maximumf %add3A_24, %max3A_26 : vector<200x128xf32>
    %get3A_28 = arith.constant 0 : index
    %get3A_29 = arith.constant 0 : index
    %get3A_30 = vector.load %arg6[%get3A_28, %get3A_29] : memref<1x128xf32, #tpu.memory_space<vmem>>, vector<1x128xf32>
    %mul3A = vector.broadcast %get3A_30 : vector<1x128xf32> to vector<200x128xf32>
    %mul3A_31 = arith.mulf %max3A_27, %mul3A : vector<200x128xf32>
    %reduce_sum3A_32 = vector.shape_cast %mul3A_31 : vector<200x128xf32> to vector<1x200x128xf32>
    %reduce_sum3A_33 = arith.constant dense<0.000000e+00> : vector<1xf32>
    %reduce_sum3A_34 = vector.multi_reduction <add>, %reduce_sum3A_32, %reduce_sum3A_33 [1, 2] : vector<1x200x128xf32> to vector<1xf32>
    %reduce_sum3A_35 = vector.shape_cast %reduce_sum3A_34 : vector<1xf32> to vector<1x1x1xf32>
    %reduce_sum3A_36 = vector.extract %reduce_sum3A_35[0, 0, 0] : f32 from vector<1x1x1xf32>
    %gt3A = arith.constant 0.000000e+00 : f32
    %gt3A_37 = vector.broadcast %gt3A : f32 to vector<200x128xf32>
    %gt3A_38 = arith.cmpf ogt, %max3A_27, %gt3A_37 : vector<200x128xf32>
    %jit3A = arith.constant 0.000000e+00 : f32
    %broadcast_in_dim3A = vector.shape_cast %get3A_30 : vector<1x128xf32> to vector<1x128xf32>
    %broadcast_in_dim3A_39 = vector.broadcast %broadcast_in_dim3A : vector<1x128xf32> to vector<200x128xf32>
    %broadcast_in_dim3A_40 = vector.broadcast %jit3A : f32 to vector<200x128xf32>
    %select_n3A = arith.select %gt3A_38, %broadcast_in_dim3A_39, %broadcast_in_dim3A_40 : vector<200x128xi1>, vector<200x128xf32>
    %get3A_41 = arith.constant 0 : index
    %get3A_42 = arith.constant 0 : index
    %get3A_43 = vector.load %arg4[%get3A_41, %get3A_42] : memref<128x128xf32, #tpu.memory_space<vmem>>, vector<128x128xf32>
    %dot_general3A_44 = arith.constant dense<0.000000e+00> : vector<200x128xf32>
    %dot_general3A_45 = tpu.matmul %select_n3A, %get3A_43, %dot_general3A_44 {dimension_numbers = #tpu.dot_dimension_numbers<[1], [1], [0], [0], [0, 0, 1, 0], [], []>, transpose_lhs_hint = false} : vector<200x128xf32>, vector<128x128xf32>, vector<200x128xf32> -> vector<200x128xf32>
    %broadcast_in_dim3A_46 = vector.shape_cast %dot_general3A_45 : vector<200x128xf32> to vector<200x1x128xf32>
    %broadcast_in_dim3A_47 = vector.shape_cast %broadcast_in_dim3A_46 : vector<200x1x128xf32> to vector<200x1x128xf32>
    %broadcast_in_dim3A_48 = vector.broadcast %broadcast_in_dim3A_47 : vector<200x1x128xf32> to vector<200x32x128xf32>
    %reshape3A_49 = vector.shape_cast %broadcast_in_dim3A_48 : vector<200x32x128xf32> to vector<6400x128xf32>
    %gt3A_50 = arith.constant 0.000000e+00 : f32
    %gt3A_51 = vector.broadcast %gt3A_50 : f32 to vector<6400x128xf32>
    %gt3A_52 = arith.cmpf ogt, %max3A_12, %gt3A_51 : vector<6400x128xf32>
    %jit3A_53 = arith.constant 0.000000e+00 : f32
    %broadcast_in_dim3A_54 = vector.broadcast %jit3A_53 : f32 to vector<6400x128xf32>
    %select_n3A_55 = arith.select %gt3A_52, %reshape3A_49, %broadcast_in_dim3A_54 : vector<6400x128xi1>, vector<6400x128xf32>
    %reshape3A_56 = vector.shape_cast %select_n3A_55 : vector<6400x128xf32> to vector<800x8x128xf32>
    %broadcast_in_dim3A_57 = arith.constant 0.000000e+00 : f32
    %broadcast_in_dim3A_58 = vector.broadcast %broadcast_in_dim3A_57 : f32 to vector<800x13xf32>
    %broadcast_in_dim3A_59 = arith.constant 0.000000e+00 : f32
    %broadcast_in_dim3A_60 = vector.broadcast %broadcast_in_dim3A_59 : f32 to vector<200x16xf32>
    %slice3A = vector.extract_strided_slice %reshape3A_56 {offsets = [0, 0, 0], sizes = [800, 1, 128], strides = [1, 1, 1]} : vector<800x8x128xf32> to vector<800x1x128xf32>
    %squeeze3A = vector.shape_cast %slice3A : vector<800x1x128xf32> to vector<800x128xf32>
    %dot_general3A_61 = arith.constant dense<0.000000e+00> : vector<800x3xf32>
    %dot_general3A_62 = tpu.matmul %squeeze3A, %get3A_5, %dot_general3A_61 {dimension_numbers = #tpu.dot_dimension_numbers<[1], [1], [0], [0], [0, 0, 1, 0], [], []>, transpose_lhs_hint = false} : vector<800x128xf32>, vector<3x128xf32>, vector<800x3xf32> -> vector<800x3xf32>
    %concatenate3A = tpu.concatenate %dot_general3A_62, %broadcast_in_dim3A_58 in 1 : vector<800x3xf32>, vector<800x13xf32> -> vector<800x16xf32>
    %reshape3A_63 = vector.shape_cast %concatenate3A : vector<800x16xf32> to vector<200x4x16xf32>
    %reduce_sum3A_64 = arith.constant dense<0.000000e+00> : vector<200x16xf32>
    %reduce_sum3A_65 = vector.multi_reduction <add>, %reshape3A_63, %reduce_sum3A_64 [1] : vector<200x4x16xf32> to vector<200x16xf32>
    %add3A_66 = arith.addf %broadcast_in_dim3A_60, %reduce_sum3A_65 : vector<200x16xf32>
    %slice3A_67 = vector.extract_strided_slice %reshape3A_56 {offsets = [0, 1, 0], sizes = [800, 1, 128], strides = [1, 1, 1]} : vector<800x8x128xf32> to vector<800x1x128xf32>
    %squeeze3A_68 = vector.shape_cast %slice3A_67 : vector<800x1x128xf32> to vector<800x128xf32>
    %dot_general3A_69 = arith.constant dense<0.000000e+00> : vector<800x3xf32>
    %dot_general3A_70 = tpu.matmul %squeeze3A_68, %get3A_5, %dot_general3A_69 {dimension_numbers = #tpu.dot_dimension_numbers<[1], [1], [0], [0], [0, 0, 1, 0], [], []>, transpose_lhs_hint = false} : vector<800x128xf32>, vector<3x128xf32>, vector<800x3xf32> -> vector<800x3xf32>
    %concatenate3A_71 = tpu.concatenate %dot_general3A_70, %broadcast_in_dim3A_58 in 1 : vector<800x3xf32>, vector<800x13xf32> -> vector<800x16xf32>
    %reshape3A_72 = vector.shape_cast %concatenate3A_71 : vector<800x16xf32> to vector<200x4x16xf32>
    %reduce_sum3A_73 = arith.constant dense<0.000000e+00> : vector<200x16xf32>
    %reduce_sum3A_74 = vector.multi_reduction <add>, %reshape3A_72, %reduce_sum3A_73 [1] : vector<200x4x16xf32> to vector<200x16xf32>
    %add3A_75 = arith.addf %add3A_66, %reduce_sum3A_74 : vector<200x16xf32>
    %slice3A_76 = vector.extract_strided_slice %reshape3A_56 {offsets = [0, 2, 0], sizes = [800, 1, 128], strides = [1, 1, 1]} : vector<800x8x128xf32> to vector<800x1x128xf32>
    %squeeze3A_77 = vector.shape_cast %slice3A_76 : vector<800x1x128xf32> to vector<800x128xf32>
    %dot_general3A_78 = arith.constant dense<0.000000e+00> : vector<800x3xf32>
    %dot_general3A_79 = tpu.matmul %squeeze3A_77, %get3A_5, %dot_general3A_78 {dimension_numbers = #tpu.dot_dimension_numbers<[1], [1], [0], [0], [0, 0, 1, 0], [], []>, transpose_lhs_hint = false} : vector<800x128xf32>, vector<3x128xf32>, vector<800x3xf32> -> vector<800x3xf32>
    %concatenate3A_80 = tpu.concatenate %dot_general3A_79, %broadcast_in_dim3A_58 in 1 : vector<800x3xf32>, vector<800x13xf32> -> vector<800x16xf32>
    %reshape3A_81 = vector.shape_cast %concatenate3A_80 : vector<800x16xf32> to vector<200x4x16xf32>
    %reduce_sum3A_82 = arith.constant dense<0.000000e+00> : vector<200x16xf32>
    %reduce_sum3A_83 = vector.multi_reduction <add>, %reshape3A_81, %reduce_sum3A_82 [1] : vector<200x4x16xf32> to vector<200x16xf32>
    %add3A_84 = arith.addf %add3A_75, %reduce_sum3A_83 : vector<200x16xf32>
    %slice3A_85 = vector.extract_strided_slice %reshape3A_56 {offsets = [0, 3, 0], sizes = [800, 1, 128], strides = [1, 1, 1]} : vector<800x8x128xf32> to vector<800x1x128xf32>
    %squeeze3A_86 = vector.shape_cast %slice3A_85 : vector<800x1x128xf32> to vector<800x128xf32>
    %dot_general3A_87 = arith.constant dense<0.000000e+00> : vector<800x3xf32>
    %dot_general3A_88 = tpu.matmul %squeeze3A_86, %get3A_5, %dot_general3A_87 {dimension_numbers = #tpu.dot_dimension_numbers<[1], [1], [0], [0], [0, 0, 1, 0], [], []>, transpose_lhs_hint = false} : vector<800x128xf32>, vector<3x128xf32>, vector<800x3xf32> -> vector<800x3xf32>
    %concatenate3A_89 = tpu.concatenate %dot_general3A_88, %broadcast_in_dim3A_58 in 1 : vector<800x3xf32>, vector<800x13xf32> -> vector<800x16xf32>
    %reshape3A_90 = vector.shape_cast %concatenate3A_89 : vector<800x16xf32> to vector<200x4x16xf32>
    %reduce_sum3A_91 = arith.constant dense<0.000000e+00> : vector<200x16xf32>
    %reduce_sum3A_92 = vector.multi_reduction <add>, %reshape3A_90, %reduce_sum3A_91 [1] : vector<200x4x16xf32> to vector<200x16xf32>
    %add3A_93 = arith.addf %add3A_84, %reduce_sum3A_92 : vector<200x16xf32>
    %slice3A_94 = vector.extract_strided_slice %reshape3A_56 {offsets = [0, 4, 0], sizes = [800, 1, 128], strides = [1, 1, 1]} : vector<800x8x128xf32> to vector<800x1x128xf32>
    %squeeze3A_95 = vector.shape_cast %slice3A_94 : vector<800x1x128xf32> to vector<800x128xf32>
    %dot_general3A_96 = arith.constant dense<0.000000e+00> : vector<800x3xf32>
    %dot_general3A_97 = tpu.matmul %squeeze3A_95, %get3A_5, %dot_general3A_96 {dimension_numbers = #tpu.dot_dimension_numbers<[1], [1], [0], [0], [0, 0, 1, 0], [], []>, transpose_lhs_hint = false} : vector<800x128xf32>, vector<3x128xf32>, vector<800x3xf32> -> vector<800x3xf32>
    %concatenate3A_98 = tpu.concatenate %dot_general3A_97, %broadcast_in_dim3A_58 in 1 : vector<800x3xf32>, vector<800x13xf32> -> vector<800x16xf32>
    %reshape3A_99 = vector.shape_cast %concatenate3A_98 : vector<800x16xf32> to vector<200x4x16xf32>
    %reduce_sum3A_100 = arith.constant dense<0.000000e+00> : vector<200x16xf32>
    %reduce_sum3A_101 = vector.multi_reduction <add>, %reshape3A_99, %reduce_sum3A_100 [1] : vector<200x4x16xf32> to vector<200x16xf32>
    %add3A_102 = arith.addf %add3A_93, %reduce_sum3A_101 : vector<200x16xf32>
    %slice3A_103 = vector.extract_strided_slice %reshape3A_56 {offsets = [0, 5, 0], sizes = [800, 1, 128], strides = [1, 1, 1]} : vector<800x8x128xf32> to vector<800x1x128xf32>
    %squeeze3A_104 = vector.shape_cast %slice3A_103 : vector<800x1x128xf32> to vector<800x128xf32>
    %dot_general3A_105 = arith.constant dense<0.000000e+00> : vector<800x3xf32>
    %dot_general3A_106 = tpu.matmul %squeeze3A_104, %get3A_5, %dot_general3A_105 {dimension_numbers = #tpu.dot_dimension_numbers<[1], [1], [0], [0], [0, 0, 1, 0], [], []>, transpose_lhs_hint = false} : vector<800x128xf32>, vector<3x128xf32>, vector<800x3xf32> -> vector<800x3xf32>
    %concatenate3A_107 = tpu.concatenate %dot_general3A_106, %broadcast_in_dim3A_58 in 1 : vector<800x3xf32>, vector<800x13xf32> -> vector<800x16xf32>
    %reshape3A_108 = vector.shape_cast %concatenate3A_107 : vector<800x16xf32> to vector<200x4x16xf32>
    %reduce_sum3A_109 = arith.constant dense<0.000000e+00> : vector<200x16xf32>
    %reduce_sum3A_110 = vector.multi_reduction <add>, %reshape3A_108, %reduce_sum3A_109 [1] : vector<200x4x16xf32> to vector<200x16xf32>
    %add3A_111 = arith.addf %add3A_102, %reduce_sum3A_110 : vector<200x16xf32>
    %slice3A_112 = vector.extract_strided_slice %reshape3A_56 {offsets = [0, 6, 0], sizes = [800, 1, 128], strides = [1, 1, 1]} : vector<800x8x128xf32> to vector<800x1x128xf32>
    %squeeze3A_113 = vector.shape_cast %slice3A_112 : vector<800x1x128xf32> to vector<800x128xf32>
    %dot_general3A_114 = arith.constant dense<0.000000e+00> : vector<800x3xf32>
    %dot_general3A_115 = tpu.matmul %squeeze3A_113, %get3A_5, %dot_general3A_114 {dimension_numbers = #tpu.dot_dimension_numbers<[1], [1], [0], [0], [0, 0, 1, 0], [], []>, transpose_lhs_hint = false} : vector<800x128xf32>, vector<3x128xf32>, vector<800x3xf32> -> vector<800x3xf32>
    %concatenate3A_116 = tpu.concatenate %dot_general3A_115, %broadcast_in_dim3A_58 in 1 : vector<800x3xf32>, vector<800x13xf32> -> vector<800x16xf32>
    %reshape3A_117 = vector.shape_cast %concatenate3A_116 : vector<800x16xf32> to vector<200x4x16xf32>
    %reduce_sum3A_118 = arith.constant dense<0.000000e+00> : vector<200x16xf32>
    %reduce_sum3A_119 = vector.multi_reduction <add>, %reshape3A_117, %reduce_sum3A_118 [1] : vector<200x4x16xf32> to vector<200x16xf32>
    %add3A_120 = arith.addf %add3A_111, %reduce_sum3A_119 : vector<200x16xf32>
    %slice3A_121 = vector.extract_strided_slice %reshape3A_56 {offsets = [0, 7, 0], sizes = [800, 1, 128], strides = [1, 1, 1]} : vector<800x8x128xf32> to vector<800x1x128xf32>
    %squeeze3A_122 = vector.shape_cast %slice3A_121 : vector<800x1x128xf32> to vector<800x128xf32>
    %dot_general3A_123 = arith.constant dense<0.000000e+00> : vector<800x3xf32>
    %dot_general3A_124 = tpu.matmul %squeeze3A_122, %get3A_5, %dot_general3A_123 {dimension_numbers = #tpu.dot_dimension_numbers<[1], [1], [0], [0], [0, 0, 1, 0], [], []>, transpose_lhs_hint = false} : vector<800x128xf32>, vector<3x128xf32>, vector<800x3xf32> -> vector<800x3xf32>
    %concatenate3A_125 = tpu.concatenate %dot_general3A_124, %broadcast_in_dim3A_58 in 1 : vector<800x3xf32>, vector<800x13xf32> -> vector<800x16xf32>
    %reshape3A_126 = vector.shape_cast %concatenate3A_125 : vector<800x16xf32> to vector<200x4x16xf32>
    %reduce_sum3A_127 = arith.constant dense<0.000000e+00> : vector<200x16xf32>
    %reduce_sum3A_128 = vector.multi_reduction <add>, %reshape3A_126, %reduce_sum3A_127 [1] : vector<200x4x16xf32> to vector<200x16xf32>
    %add3A_129 = arith.addf %add3A_120, %reduce_sum3A_128 : vector<200x16xf32>
    %concatenate3A_130 = tpu.concatenate %concatenate3A, %concatenate3A_71, %concatenate3A_80, %concatenate3A_89, %concatenate3A_98, %concatenate3A_107, %concatenate3A_116, %concatenate3A_125 in 1 : vector<800x16xf32>, vector<800x16xf32>, vector<800x16xf32>, vector<800x16xf32>, vector<800x16xf32>, vector<800x16xf32>, vector<800x16xf32>, vector<800x16xf32> -> vector<800x128xf32>
    %swap3A = arith.constant 0 : index
    %swap3A_131 = arith.constant 0 : index
    %swap3A_132 = vector.load %arg8[%swap3A, %swap3A_131] : memref<800x128xf32, #tpu.memory_space<vmem>>, vector<800x128xf32>
    tpu.vector_store %arg8[%swap3A, %swap3A_131], %concatenate3A_130 {strides = array<i32>} : memref<800x128xf32, #tpu.memory_space<vmem>>, vector<800x128xf32>,
    %swap3A_133 = arith.constant 0 : index
    %swap3A_134 = arith.constant 0 : index
    %swap3A_135 = vector.load %arg9[%swap3A_133, %swap3A_134] : memref<200x16xf32, #tpu.memory_space<vmem>>, vector<200x16xf32>
    tpu.vector_store %arg9[%swap3A_133, %swap3A_134], %add3A_129 {strides = array<i32>} : memref<200x16xf32, #tpu.memory_space<vmem>>, vector<200x16xf32>,
    %eq3A = arith.constant 0 : i32
    %eq3A_136 = arith.cmpi eq, %arg0, %eq3A : i32
    %convert_element_type3A = arith.extui %eq3A_136 : i1 to i32
    %cond3A = arith.constant 0 : i32
    %cond3A_137 = arith.cmpi ne, %convert_element_type3A, %cond3A : i32
    scf.if %cond3A_137 {
      %broadcast_in_dim3A_146 = arith.constant 0.000000e+00 : f32
      %broadcast_in_dim3A_147 = vector.broadcast %broadcast_in_dim3A_146 : f32 to vector<1x1xf32>
      %swap3A_148 = arith.constant 0 : index
      %swap3A_149 = arith.constant 0 : index
      %swap3A_150 = vector.load %arg7[%swap3A_148, %swap3A_149] : memref<1x1xf32, #tpu.memory_space<vmem>>, vector<1x1xf32>
      tpu.vector_store %arg7[%swap3A_148, %swap3A_149], %broadcast_in_dim3A_147 {strides = array<i32>} : memref<1x1xf32, #tpu.memory_space<vmem>>, vector<1x1xf32>,
    } else {
    }
    %get3A_138 = arith.constant 0 : index
    %get3A_139 = arith.constant 0 : index
    %get3A_140 = vector.load %arg7[%get3A_138, %get3A_139] : memref<1x1xf32, #tpu.memory_space<vmem>>, vector<1x1xf32>
    %add3A_141 = vector.broadcast %reduce_sum3A_36 : f32 to vector<1x1xf32>
    %add3A_142 = arith.addf %get3A_140, %add3A_141 : vector<1x1xf32>
    %swap3A_143 = arith.constant 0 : index
    %swap3A_144 = arith.constant 0 : index
    %swap3A_145 = vector.load %arg7[%swap3A_143, %swap3A_144] : memref<1x1xf32, #tpu.memory_space<vmem>>, vector<1x1xf32>
    tpu.vector_store %arg7[%swap3A_143, %swap3A_144], %add3A_142 {strides = array<i32>} : memref<1x1xf32, #tpu.memory_space<vmem>>, vector<1x1xf32>,
    return
  }
  func.func @transform_0(%arg0: i32) -> (i32, i32, i32) {
    %c0_i32 = arith.constant 0 : i32
    %c0_i32_0 = arith.constant 0 : i32
    %c0_i32_1 = arith.constant 0 : i32
    return %arg0, %c0_i32, %c0_i32_0 : i32, i32, i32
  }
  func.func @transform_1(%arg0: i32) -> (i32, i32) {
    %c0_i32 = arith.constant 0 : i32
    %c0_i32_0 = arith.constant 0 : i32
    %c0_i32_1 = arith.constant 0 : i32
    return %c0_i32, %c0_i32_0 : i32, i32
  }
  func.func @transform_2(%arg0: i32) -> (i32, i32) {
    %c0_i32 = arith.constant 0 : i32
    %c0_i32_0 = arith.constant 0 : i32
    %c0_i32_1 = arith.constant 0 : i32
    return %c0_i32, %c0_i32_0 : i32, i32
  }
  func.func @transform_3(%arg0: i32) -> (i32, i32) {
    %c0_i32 = arith.constant 0 : i32
    %c0_i32_0 = arith.constant 0 : i32
    %c0_i32_1 = arith.constant 0 : i32
    return %c0_i32, %c0_i32_0 : i32, i32
  }
  func.func @transform_4(%arg0: i32) -> (i32, i32) {
    %c0_i32 = arith.constant 0 : i32
    %c0_i32_0 = arith.constant 0 : i32
    %c0_i32_1 = arith.constant 0 : i32
    return %c0_i32, %c0_i32_0 : i32, i32
  }
  func.func @transform_5(%arg0: i32) -> (i32, i32) {
    %c0_i32 = arith.constant 0 : i32
    %c0_i32_0 = arith.constant 0 : i32
    %c0_i32_1 = arith.constant 0 : i32
    return %c0_i32, %c0_i32_0 : i32, i32
  }
  func.func @transform_6(%arg0: i32) -> (i32, i32) {
    %c0_i32 = arith.constant 0 : i32
    %c0_i32_0 = arith.constant 0 : i32
    %c0_i32_1 = arith.constant 0 : i32
    return %c0_i32, %c0_i32_0 : i32, i32
  }
  func.func @transform_7(%arg0: i32) -> (i32, i32) {
    %c0_i32 = arith.constant 0 : i32
    %c0_i32_0 = arith.constant 0 : i32
    return %arg0, %c0_i32 : i32, i32
  }
  func.func @transform_8(%arg0: i32) -> (i32, i32) {
    %c0_i32 = arith.constant 0 : i32
    %c0_i32_0 = arith.constant 0 : i32
    return %arg0, %c0_i32 : i32, i32
  }
}

</mosaic_0001>

<sc_bundles>
// kernel: kernel.4.cloned.1.call-start
scs
__scs_entry_jumppad:
0x0: {  	(pc) =	sbr.rel $0x88, $3  }
0x1: {  	(tag) =	ssettag $0x0;
	lr =	simm.s32 $0x1  }
0x2: {  	[smem:$0x3F99] =	sst lr;
	_ =	strace $0xD0000000  }
0x3: {  	_ = 	snop  }
0x4: {  	_ = 	snop  }
0x5: {  	_ = 	snop  }
0x6: {  	_ = 	snop  }
0x7: {  	_ = 	snop  }
__scs_overlays_trampoline_lowered:
0x8: {  	[smem:$0x3FA8] =	sst s0  }
0x9: {  	[smem:$0x3FA9] =	sst s1  }
0xa: {  	[smem:$0x3FAA] =	sst s2  }
0xb: {  	[smem:$0x3FAB] =	sst s3  }
0xc: {  	[smem:$0x3FAC] =	sst s4  }
0xd: {  	[smem:$0x3FAD] =	sst s5  }
0xe: {  	[smem:$0x3FAE] =	sst s6  }
0xf: {  	[smem:$0x3FAF] =	sst s7  }
0x10: {  	[smem:$0x3FB0] =	sst s8  }
0x11: {  	[smem:$0x3FB1] =	sst s9;
	s0 =	simm.s32 @!p0 $0x0  }
0x12: {  	s1 =	sld [smem:$0x3F97];
	s0 =	simm.s32 @p0 $0x1  }
0x13: {  	[smem:$0x3FB2] =	sst s0;
	s0 =	simm.s32 @!p1 $0x0  }
0x14: {  	s2 =	sld [smem:$0x3F96];
	s0 =	simm.s32 @p1 $0x1  }
0x15: {  	[smem:$0x3FB3] =	sst s0;
	s0 =	simm.s32 @!p2 $0x0  }
0x16: {  	s3 =	sld [smem:$0x3FDB];
	s0 =	simm.s32 @p2 $0x1  }
0x17: {  	s4 =	simm.s32 $0x1BF5;
	[smem:$0x3FB5] =	sst s0  }
0x18: {  	s0 =	sld [smem:$0x3F98];
	_ =	swait.ge [sflag:s4], $0x0  }
0x19: {  	s7 =	sld [smem:$0x3F99]  }
0x1a: {  	s8 =	sadd.s32 $0xFFFFE003, lr  }
0x1b: {  	s9 =	sadd.s32 $0xFFFFFEF7, lr;
	s5 =	simm.s32 $0xFFFFFFFF;
	p2 =	slt.u32 s8, $0xFFFFF086  }
0x1c: {  	p1 =	slt.u32 s9, $0xF7A;
	s5 =	simm.s32 @!p2 $0x0  }
0x1d: {  	s5 =	simm.s32 @p1 $0x1;
	p0 =	seq.s32 s7, s2  }
0x1e: {  	s7 =	smul.u32 @!p0 $0xF7A, s2;
	p2 =	seq.s32 @!p0 s5, $0x0  }
0x1f: {  	s9 =	smul.u32 $0xF7A, s1;
	s8 =	simm.s32 @!p0 $0x1BF5;
	p2 =	por !p2, p0  }
0x20: {  	[sflag:s8] =	ssyncset.s32 @!p0 $0xFFFFF086;
	s6 =	sadd.s32 @!p0 s3, s7;
	s7 =	simm.s32 @!p0 $0x108  }
0x21: {  	s3 =	sadd.s32 s3, s9;
	s6 =	sadd.s32 @!p0 $0x88, s6;
	s7 =	simm.s32 @p2 $0x1082  }
0x22: {  	[simem:s7], [sflag:s8] =	dma.local @!p0 [hbm:s6], $0xF7A  }
0x23: {  	s9 =	sor.u32 $0xD0000000, s2;
	s6 =	simm.s32 $0x108;
	_ =	swait.ge @!p0 [sflag:s8], $0x0  }
0x24: {  	s3 =	sadd.s32 $0x88, s3;
	s6 =	simm.s32 @!p1 $0x1082;
	[sflag:s4] =	ssyncset.s32 $0xFFFFF086  }
0x25: {  	[simem:s6], [sflag:s4] =	dma.local [hbm:s3], $0xF7A  }
0x26: {  	[smem:$0x3F99] =	sst s1;
	(tag) =	ssettag s2;
	_ =	strace s9  }
0x27: {  	s1 =	sld [smem:$0x3FA9]  }
0x28: {  	s2 =	sld [smem:$0x3FAA]  }
0x29: {  	s4 =	sld [smem:$0x3FAC]  }
0x2a: {  	p0 =	seq.s32 s5, $0x0;
	s5 =	sld [smem:$0x3FAD]  }
0x2b: {  	s6 =	sld [smem:$0x3FAE]  }
0x2c: {  	s7 =	sld [smem:$0x3FAF]  }
0x2d: {  	s3 =	simm.s32 $0x108;
	s8 =	sld [smem:$0x3FB0]  }
0x2e: {  	s3 =	simm.s32 @!p0 $0x1082;
	s9 =	sld [smem:$0x3FB1]  }
0x2f: {  	lr =	sadd.s32 s0, s3;
	s0 =	sld [smem:$0x3FA8]  }
0x30: {  	s3 =	sld [smem:$0x3FAB]  }
0x31: {  	[smem:$0x3FB4] =	sst s10  }
0x32: {  	s10 =	sld [smem:$0x3FB2];
	_ =	sdelay $0x3  }
0x33: {  	p0 =	seq.s32 s10, $0x1;
	s10 =	sld [smem:$0x3FB4];
	_ =	sdelay $0x3  }
0x34: {  	[smem:$0x3FB4] =	sst s10  }
0x35: {  	s10 =	sld [smem:$0x3FB3];
	_ =	sdelay $0x3  }
0x36: {  	p1 =	seq.s32 s10, $0x1;
	s10 =	sld [smem:$0x3FB4];
	_ =	sdelay $0x3  }
0x37: {  	[smem:$0x3FB4] =	sst s10  }
0x38: {  	s10 =	sld [smem:$0x3FB5]  }
0x39: {  	_ = 	snop;
	(pc) =	sbr.ind lr, $3  }
0x3a: {  	_ = 	snop  }
0x3b: {  	_ = 	snop  }
0x3c: {  	p2 =	seq.s32 s10, $0x1;
	s10 =	sld [smem:$0x3FB4]  }
0x3d: {  	_ =	shalt  }
0x3e: {  	_ =	shalt  }
0x3f: {  	_ =	shalt  }
0x40: {  	_ =	shalt  }
0x41: {  	_ =	shalt  }
0x42: {  	_ =	shalt  }
0x43: {  	_ =	shalt  }
0x44: {  	_ =	shalt  }
0x45: {  	_ =	shalt  }
0x46: {  	_ =	shalt  }
0x47: {  	_ =	shalt  }
0x48: {  	_ =	shalt  }
0x49: {  	_ =	shalt  }
0x4a: {  	_ =	shalt  }
0x4b: {  	_ =	shalt  }
0x4c: {  	_ =	shalt  }
0x4d: {  	_ =	shalt  }
0x4e: {  	_ =	shalt  }
0x4f: {  	_ =	shalt  }
0x50: {  	_ =	shalt  }
0x51: {  	_ =	shalt  }
0x52: {  	_ =	shalt  }
0x53: {  	_ =	shalt  }
0x54: {  	_ =	shalt  }
0x55: {  	_ =	shalt  }
0x56: {  	_ =	shalt  }
0x57: {  	_ =	shalt  }
0x58: {  	_ =	shalt  }
0x59: {  	_ =	shalt  }
0x5a: {  	_ =	shalt  }
0x5b: {  	_ =	shalt  }
0x5c: {  	_ =	shalt  }
0x5d: {  	_ =	shalt  }
0x5e: {  	_ =	shalt  }
0x5f: {  	_ =	shalt  }
0x60: {  	_ =	shalt  }
0x61: {  	_ =	shalt  }
0x62: {  	_ =	shalt  }
0x63: {  	_ =	shalt  }
0x64: {  	_ =	shalt  }
0x65: {  	_ =	shalt  }
0x66: {  	_ =	shalt  }
0x67: {  	_ =	shalt  }
0x68: {  	_ =	shalt  }
0x69: {  	_ =	shalt  }
0x6a: {  	_ =	shalt  }
0x6b: {  	_ =	shalt  }
0x6c: {  	_ =	shalt  }
0x6d: {  	_ =	shalt  }
0x6e: {  	_ =	shalt  }
0x6f: {  	_ =	shalt  }
0x70: {  	_ =	shalt  }
0x71: {  	_ =	shalt  }
0x72: {  	_ =	shalt  }
0x73: {  	_ =	shalt  }
0x74: {  	_ =	shalt  }
0x75: {  	_ =	shalt  }
0x76: {  	_ =	shalt  }
0x77: {  	_ =	shalt  }
0x78: {  	_ =	shalt  }
0x79: {  	_ =	shalt  }
0x7a: {  	_ =	shalt  }
0x7b: {  	_ =	shalt  }
0x7c: {  	_ =	shalt  }
0x7d: {  	_ =	shalt  }
0x7e: {  	_ =	shalt  }
0x7f: {  	_ =	shalt  }
0x80: {  	_ =	shalt  }
0x81: {  	_ =	shalt  }
0x82: {  	_ =	shalt  }
0x83: {  	_ =	shalt  }
0x84: {  	_ =	shalt  }
0x85: {  	_ =	shalt  }
0x86: {  	_ =	shalt  }
0x87: {  	_ =	shalt  }
.Lfunc_end0:
.L_simem_size_0:
called_computation_lowered:
.L_overlay_start_0:
0x88: {  	s2 =	sld [smem:$0x3FD9]  }
0x89: {  	s3 =	sld [smem:$0x3FFE];
	_ =	sdelay $0x1  }
0x8a: {  	s1 =	srdreg.scid  }
0x8b: {  	s0 =	sand.u32 $0x1, s1  }
0x8c: {  	s16 =	sshll.u32 s0, $0xA;
	s2 =	sadd.s32 s3, s2  }
0x8d: {  	s2 =	sadd.s32 s2, s16  }
0x8e: {  	[smem:$0x3FC0] =	sst s2  }
0x8f: {  	_ = 	snop  }
0x90: {  	(tm) =	ssettm $0x1  }
0x91: {  	s17 =	sld [smem:$0x3FFB];
	_ =	sdelay $0x3  }
0x92: {  	_ =	strace s17  }
0x93: {  	s2 =	sld [smem:$0x3FFC];
	_ =	sdelay $0x3  }
0x94: {  	_ =	strace s2  }
0x95: {  	s2 =	sld [smem:$0x3FFD];
	_ =	sdelay $0x3  }
0x96: {  	_ =	strace s2  }
0x97: {  	_ =	strace $0x8FFFFFFF  }
0x98: {  	s18 =	sld [smem:$0x3FDB];
	_ =	sdelay $0x1  }
0x99: {  	s19 =	simm.s32 $_scs_section_size  }
0x9a: {  	s4 =	simm.s32 $_size__tile_overlayer_lowered;
	s5 =	simm.s32 $_tile_overlayer_lowered  }
0x9b: {  	s22 =	simm.s32 $0x1BFF;
	s21 =	sshll.u32 s5, $0x1;
	s2 =	sadd.s32 s19, s18  }
0x9c: {  	s6 =	simm.s32 $0x0;
	s20 =	sshll.u32 s4, $0x1;
	s4 =	sadd.s32 s21, s2  }
0x9d: {  	[timem:s6], [sflag:s22] =	dma.local [hbm:s4], s20  }
0x9e: {  	_ =	swait.ge [sflag:s22], s20  }
0x9f: {  	s3 =	ssub.s32 $0x0, s20;
	[sflag:s22] =	ssyncset.done $0x0  }
0xa0: {  	[sflag:s22] =	ssyncadd.s32 s3;
	_ =	sdelay $0x1  }
0xa1: {  	s23 =	simm.s32 $0x1B8B  }
0xa2: {  	_ =	swait.ge [sflag:s23], $0x1  }
0xa3: {  	[sflag:s23] =	ssyncset.done $0x0  }
0xa4: {  	s25 =	simm.s32 $0x1B8E;
	s24 =	sld [smem:$0x3FFE];
	[sflag:s23] =	ssyncadd.s32 $0xFFFFFFFF  }
0xa5: {  	s26 =	simm.s32 $execute0_lowered;
	[smem:$0x3FD2] =	sst s25  }
0xa6: {  	s4 =	sshll.u32 s26, $0x1;
	_ =	strace $0x80000046;
	[dreg:$0x1] =	wrdreg $0xFFFFFFFF  }
0xa7: {  	s28 =	simm.s32 $_size_execute0_lowered;
	s2 =	sadd.s32 s2, s4;
	[dreg:$0x0] =	wrdreg $0x0  }
0xa8: {  	s4 =	sshll.u32 s28, $0x1;
	[dreg:$0x2] =	wrdreg s2  }
0xa9: {  	[dreg:$0x3] =	wrdreg s4  }
0xaa: {  	[dreg:$0x4] =	wrdreg $0xC0  }
0xab: {  	_ =	task [dreg:s6], $0x5FFFF  }
0xac: {  	[dreg:$0x1] =	wrdreg $0xFFFFFFFF  }
0xad: {  	[dreg:$0x0] =	wrdreg $0x60  }
0xae: {  	[dreg:$0x2] =	wrdreg s24  }
0xaf: {  	[dreg:$0x3] =	wrdreg $0x9  }
0xb0: {  	_ =	task.clear_ibuf [dreg:s6], $0x4FFFF;
	_ =	strace $0x90000046  }
0xb1: {  	s29 =	simm.s32 $0x9;
	_ =	strace $0x80000048  }
0xb2: {  	_ =	swait.ge [sflag:s29], $0x1  }
0xb3: {  	[sflag:s29] =	ssyncadd.s32 $0xFFFFFFFF  }
0xb4: {  	_ =	strace $0x90000048  }
0xb5: {  	_ =	sfence  }
0xb6: {  	s30 =	sld [smem:$0x0];
	_ =	sdelay $0x2  }
0xb7: {  	s31 =	sshll.u32 s1, $0xD;
	s1 =	sshrl.u32 s1, $0x2  }
0xb8: {  	s3 =	sand.u32 $0x4000, s31;
	s1 =	sadd.s32 s1, s30  }
0xb9: {  	s0 =	sor.u32 s3, s0;
	s1 =	sshll.u32 s1, $0x11  }
0xba: {  	s0 =	sor.u32 s1, s0  }
0xbb: {  	s0 =	sadd.s32 $0x8F2B, s0  }
0xbc: {  	[sflag:s0] =	ssyncadd.remote.s32 $0x1  }
0xbd: {  	_ =	sfence.sel $0xFFFF  }
0xbe: {  	[dreg:$0x0] =	wrdreg $0xFFFFFFFF;
	(pc) =	sbr.abs _section_cstart, $3  }
0xbf: {  	[dreg:$0x1] =	wrdreg $0xFFFFFFFF  }
0xc0: {  	_ =	task.clear_ibuf [dreg:s6], $0x2FFFF;
	_ =	strace $0x9FFFFFFF  }
0xc1: {  	(tm) =	ssettm $0x7FFFFFFF  }
tec
execute0_lowered:
.L_overlay_start_1:
0x0: {  	(tag) =	ssettag $0x1  }
0x1: {  	s0 =	srdreg.scid;
	s1 =	stileid.u32  }
0x2: {  	s3 =	rddreg [dreg:$0x0];
	s30 =	simm.s32 $0x3;
	s31 =	simm.s32 $0x1000  }
0x3: {  	s0 =	sand.u32 $0x1, s0;
	s2 =	sshll.u32 s1, $0x1;
	s1 =	simm.s32 $0x0  }
0x4: {  	s4 =	sadd.s32 $0x13400, s3;
	s6 =	sadd.s32 $0x7400, s3;
	s8 =	sadd.s32 $0x1400, s3  }
0x5: {  	s9 =	sadd.s32 $0x1F400, s3;
	s28 =	sadd.s32 $0x4E3400, s3;
	s2 =	sor.u32 s0, s2  }
0x6: {  	s3 =	simm.s32 $0x1800;
	s0 =	ssub.s32 $0x2, s0;
	s7 =	smul.u32 $0x600, s2  }
0x7: {  	[smem:$0x7FF] =	sst s1;
	s5 =	smul.u32 $0x6, s2;
	s10 =	sshrl.u32 s0, $0x1  }
0x8: {  	s2 =	smul.u32 $0x300, s2;
	s0 =	ssub.s32 s0, s10;
	s16 =	sadd.s32 s4, s7  }
0x9: {  	s17 =	sor.u32 $0x1, s5;
	s7 =	sadd.s32 s6, s7;
	s19 =	sadd.s32 $0x2, s5  }
0xa: {  	s23 =	sadd.s32 s8, s2;
	s2 =	sadd.s32 s9, s2;
	[dreg:$0x2] =	wrdreg s16  }
0xb: {  	s26 =	sadd.s32 $0x3, s5;
	s12 =	sadd.s32 $0x4, s5;
	[dreg:$0x3] =	wrdreg s7  }
0xc: {  	s5 =	sadd.s32 $0x5, s5;
	s29 =	smax.u32 s0, $0x1;
	[dreg:$0x6] =	wrdreg s23  }
0xd: {  	s0 =	simm.s32 $0x2000;
	s18 =	sshll.u32 s17, $0x8;
	[dreg:$0x7] =	wrdreg s2  }
0xe: {  	s24 =	sshll.u32 s19, $0x8;
	s10 =	sshll.u32 s17, $0x7;
	s20 =	sshll.u32 s26, $0x8  }
0xf: {  	s21 =	sshll.u32 s12, $0x8;
	s23 =	sshll.u32 s5, $0x8;
	s11 =	sadd.s32 s4, s18  }
0x10: {  	s7 =	sadd.s32 s6, s18;
	s25 =	sadd.s32 s4, s24;
	[dreg:$0x4] =	wrdreg s11  }
0x11: {  	s2 =	sadd.s32 s6, s24;
	s13 =	sadd.s32 s4, s20;
	[dreg:$0x5] =	wrdreg s7  }
0x12: {  	s22 =	sadd.s32 s4, s21;
	s14 =	sadd.s32 s4, s23;
	[dreg:$0x8] =	wrdreg s25  }
0x13: {  	s15 =	sadd.s32 s6, s23;
	s16 =	sadd.s32 s8, s10;
	[dreg:$0x9] =	wrdreg s2  }
0x14: {  	s17 =	sadd.s32 s9, s10;
	s24 =	sshll.u32 s19, $0x7;
	[dreg:$0xa] =	wrdreg s13  }
0x15: {  	s4 =	simm.s32 $0x2800;
	s11 =	sadd.s32 s6, s20;
	[dreg:$0xc] =	wrdreg s22  }
0x16: {  	s13 =	sadd.s32 s6, s21;
	s18 =	sadd.s32 s8, s24;
	s19 =	sadd.s32 s9, s24  }
0x17: {  	s2 =	sshll.u32 s26, $0x7;
	s25 =	sshll.u32 s12, $0x7;
	s26 =	sshll.u32 s5, $0x7  }
0x18: {  	s22 =	simm.s32 $0x800;
	s5 =	simm.s32 $0xB000;
	s6 =	simm.s32 $0x13000  }
0x19: {  	s7 =	simm.s32 $0x1;
	[dreg:$0xb] =	wrdreg s11;
	s20 =	sadd.s32 s8, s2  }
0x1a: {  	s21 =	sadd.s32 s9, s2;
	s23 =	sadd.s32 s8, s25;
	s24 =	sadd.s32 s9, s25  }
0x1b: {  	s25 =	sadd.s32 s8, s26;
	s26 =	sadd.s32 s9, s26;
	s2 =	simm.s32 $0x3000  }
0x1c: {  	s8 =	simm.s32 $0x2;
	s9 =	simm.s32 $0x0;
	_ =	strace $0x80000047  }
.LBB2_1:
0x1d: {  	s10 =	rddreg [dreg:$0x2]  }
0x1e: {  	[tilespmem:s1], [sflag:$0x3] =	stream.linear.gather [hbm4b:s10+s1], $0x800, $0x38;
	[tilespmem:$0x13400] =	vst v63  }
0x1f: {  	_ =	swait.ge [sflag:s30], $0x800  }
0x20: {  	[sflag:s30] =	ssyncset.done $0x0  }
0x21: {  	s12 =	rddreg [dreg:$0x3];
	[sflag:s30] =	ssyncadd.s32 $0xFFFFF800  }
0x22: {  	[tilespmem:s31], [sflag:$0x3] =	stream.linear.gather [hbm4b:s12+s1], $0x800, $0x38;
	[tilespmem:$0x13400] =	vst v63  }
0x23: {  	_ =	swait.ge [sflag:s30], $0x800  }
0x24: {  	[sflag:s30] =	ssyncset.done $0x0  }
0x25: {  	s10 =	simm.s32 $0x0;
	[sflag:s30] =	ssyncadd.s32 $0xFFFFF800  }
0x26: {  	v2 =	vld [tilespmem:s10+$0x30]  }
0x27: {  	v3 =	vld [tilespmem:s10+$0x1030]  }
0x28: {  	v5 =	vld [tilespmem:s10+$0x0]  }
0x29: {  	v1 =	vld [tilespmem:s10+$0x10]  }
0x2a: {  	v0 =	vld [tilespmem:s10+$0x20]  }
0x2b: {  	v4 =	vld [tilespmem:s10+$0x1000];
	v6 =	vshll.u32 v2, $0x5  }
0x2c: {  	v2 =	vld [tilespmem:s10+$0x1010];
	v6 =	vadd.s32 v3, v6  }
0x2d: {  	s11 =	simm.s32 $0x40;
	s12 =	simm.s32 $0x200;
	v5 =	vshll.u32 v5, $0x5;
	v3 =	vld [tilespmem:s10+$0x1020];
	[tilespmem:s10+$0x2030] =	vst v6  }
.LBB2_2:
0x2e: {  	p0 =	sne.s32 s12, $0x1F00;
	v6 =	vld [tilespmem:s11+$0x30];
	v7 =	vshll.u32 v1, $0x5  }
0x2f: {  	v8 =	vld [tilespmem:s11+$0x1030];
	v9 =	vshll.u32 v0, $0x5  }
0x30: {  	v10 =	vld [tilespmem:s11+$0x0];
	v0 =	vadd.s32 v4, v5  }
.Ltmp0:
0x31: {  	v1 =	vld [tilespmem:s11+$0x10];
	[tilespmem:s10+$0x2000] =	vst v0;
	v2 =	vadd.s32 v2, v7;
	(pc) =	sbr.rel @p0 .LBB2_2-.Ltmp0, $4  }
0x32: {  	v0 =	vld [tilespmem:s11+$0x20];
	[tilespmem:s10+$0x2010] =	vst v2;
	v2 =	vadd.s32 v3, v9  }
0x33: {  	v4 =	vld [tilespmem:s11+$0x1000];
	v3 =	vshll.u32 v6, $0x5;
	[tilespmem:s10+$0x2020] =	vst v2;
	s10 =	smov.u32 s11  }
0x34: {  	v2 =	vld [tilespmem:s10+$0x1010];
	v6 =	vadd.s32 v8, v3  }
0x35: {  	s11 =	sshra.s32 s12, $0x2;
	s12 =	sadd.s32 $0x100, s12;
	v5 =	vshll.u32 v10, $0x5;
	v3 =	vld [tilespmem:s10+$0x1020];
	[tilespmem:s10+$0x2030] =	vst v6  }
0x36: {  	v6 =	vld [tilespmem:s11+$0x30]  }
0x37: {  	v7 =	vld [tilespmem:s11+$0x1030]  }
0x38: {  	v8 =	vld [tilespmem:s11+$0x0];
	v1 =	vshll.u32 v1, $0x5;
	v4 =	vadd.s32 v4, v5  }
0x39: {  	v0 =	vshll.u32 v0, $0x5;
	v5 =	vld [tilespmem:s11+$0x10];
	[tilespmem:s10+$0x2000] =	vst v4;
	v1 =	vadd.s32 v2, v1  }
0x3a: {  	v2 =	vld [tilespmem:s11+$0x20];
	[tilespmem:s10+$0x2010] =	vst v1;
	v0 =	vadd.s32 v3, v0  }
0x3b: {  	v1 =	vld [tilespmem:s11+$0x1000];
	[tilespmem:s10+$0x2020] =	vst v0  }
0x3c: {  	v0 =	vld [tilespmem:s11+$0x1010]  }
0x3d: {  	v3 =	vld [tilespmem:s11+$0x1020]  }
0x3e: {  	v4 =	vshll.u32 v6, $0x5  }
0x3f: {  	v6 =	vshll.u32 v8, $0x5;
	v4 =	vadd.s32 v7, v4  }
0x40: {  	[tilespmem:s11+$0x2030] =	vst v4;
	v4 =	vshll.u32 v5, $0x5;
	v1 =	vadd.s32 v1, v6  }
0x41: {  	v2 =	vshll.u32 v2, $0x5;
	[tilespmem:s11+$0x2000] =	vst v1;
	v0 =	vadd.s32 v0, v4  }
0x42: {  	[tilespmem:s11+$0x2010] =	vst v0;
	v0 =	vadd.s32 v3, v2  }
0x43: {  	[tilespmem:s11+$0x2020] =	vst v0  }
0x44: {  	[tilespmem:s2], [sflag:$0x1] =	stream.indirect.gather [hbm4b:s28+s22], $0x10, s0, s22, $0xb8;
	[tilespmem:$0x13400] =	vst v63  }
0x45: {  	s12 =	rddreg [dreg:$0x4];
	s10 =	simm.s32 $0x0  }
0x46: {  	[tilespmem:s22], [sflag:$0x3] =	stream.linear.gather [hbm4b:s12+s10], $0x800, $0x38;
	[tilespmem:$0x13400] =	vst v63  }
0x47: {  	_ =	swait.ge [sflag:s30], $0x800  }
0x48: {  	[sflag:s30] =	ssyncset.done $0x0  }
0x49: {  	s12 =	rddreg [dreg:$0x5];
	[sflag:s30] =	ssyncadd.s32 $0xFFFFF800  }
0x4a: {  	[tilespmem:s3], [sflag:$0x3] =	stream.linear.gather [hbm4b:s12+s10], $0x800, $0x38;
	[tilespmem:$0x13400] =	vst v63  }
0x4b: {  	_ =	swait.ge [sflag:s30], $0x800  }
0x4c: {  	[sflag:s30] =	ssyncset.done $0x0  }
0x4d: {  	s10 =	simm.s32 $0x0;
	[sflag:s30] =	ssyncadd.s32 $0xFFFFF800  }
0x4e: {  	v2 =	vld [tilespmem:s10+$0x830]  }
0x4f: {  	v3 =	vld [tilespmem:s10+$0x1830]  }
0x50: {  	v5 =	vld [tilespmem:s10+$0x800]  }
0x51: {  	v1 =	vld [tilespmem:s10+$0x810]  }
0x52: {  	v0 =	vld [tilespmem:s10+$0x820]  }
0x53: {  	v4 =	vld [tilespmem:s10+$0x1800];
	v6 =	vshll.u32 v2, $0x5  }
0x54: {  	v2 =	vld [tilespmem:s10+$0x1810];
	v6 =	vadd.s32 v3, v6  }
0x55: {  	s11 =	simm.s32 $0x40;
	s12 =	simm.s32 $0x200;
	v5 =	vshll.u32 v5, $0x5;
	v3 =	vld [tilespmem:s10+$0x1820];
	[tilespmem:s10+$0x2830] =	vst v6  }
.LBB2_4:
0x56: {  	p0 =	sne.s32 s12, $0x1F00;
	v6 =	vld [tilespmem:s11+$0x830];
	v7 =	vshll.u32 v1, $0x5  }
0x57: {  	v8 =	vld [tilespmem:s11+$0x1830];
	v9 =	vshll.u32 v0, $0x5  }
0x58: {  	v10 =	vld [tilespmem:s11+$0x800];
	v0 =	vadd.s32 v4, v5  }
.Ltmp1:
0x59: {  	v1 =	vld [tilespmem:s11+$0x810];
	[tilespmem:s10+$0x2800] =	vst v0;
	v2 =	vadd.s32 v2, v7;
	(pc) =	sbr.rel @p0 .LBB2_4-.Ltmp1, $4  }
0x5a: {  	v0 =	vld [tilespmem:s11+$0x820];
	[tilespmem:s10+$0x2810] =	vst v2;
	v2 =	vadd.s32 v3, v9  }
0x5b: {  	v4 =	vld [tilespmem:s11+$0x1800];
	v3 =	vshll.u32 v6, $0x5;
	[tilespmem:s10+$0x2820] =	vst v2;
	s10 =	smov.u32 s11  }
0x5c: {  	v2 =	vld [tilespmem:s10+$0x1810];
	v6 =	vadd.s32 v8, v3  }
0x5d: {  	s11 =	sshra.s32 s12, $0x2;
	s12 =	sadd.s32 $0x100, s12;
	v5 =	vshll.u32 v10, $0x5;
	v3 =	vld [tilespmem:s10+$0x1820];
	[tilespmem:s10+$0x2830] =	vst v6  }
0x5e: {  	v6 =	vld [tilespmem:s11+$0x830]  }
0x5f: {  	v7 =	vld [tilespmem:s11+$0x1830]  }
0x60: {  	v8 =	vld [tilespmem:s11+$0x800];
	v1 =	vshll.u32 v1, $0x5;
	v4 =	vadd.s32 v4, v5  }
0x61: {  	v0 =	vshll.u32 v0, $0x5;
	v5 =	vld [tilespmem:s11+$0x810];
	[tilespmem:s10+$0x2800] =	vst v4;
	v1 =	vadd.s32 v2, v1  }
0x62: {  	v2 =	vld [tilespmem:s11+$0x820];
	[tilespmem:s10+$0x2810] =	vst v1;
	v0 =	vadd.s32 v3, v0  }
0x63: {  	v1 =	vld [tilespmem:s11+$0x1800];
	[tilespmem:s10+$0x2820] =	vst v0  }
0x64: {  	v0 =	vld [tilespmem:s11+$0x1810]  }
0x65: {  	v3 =	vld [tilespmem:s11+$0x1820]  }
0x66: {  	v4 =	vshll.u32 v6, $0x5  }
0x67: {  	v6 =	vshll.u32 v8, $0x5;
	v4 =	vadd.s32 v7, v4  }
0x68: {  	[tilespmem:s11+$0x2830] =	vst v4;
	v4 =	vshll.u32 v5, $0x5;
	v1 =	vadd.s32 v1, v6  }
0x69: {  	v2 =	vshll.u32 v2, $0x5;
	[tilespmem:s11+$0x2800] =	vst v1;
	v0 =	vadd.s32 v0, v4  }
0x6a: {  	[tilespmem:s11+$0x2810] =	vst v0;
	v0 =	vadd.s32 v3, v2  }
0x6b: {  	[tilespmem:s11+$0x2820] =	vst v0  }
0x6c: {  	[tilespmem:s5], [sflag:$0x2] =	stream.indirect.gather [hbm4b:s28+s22], $0x10, s4, s22, $0xb8;
	[tilespmem:$0x13400] =	vst v63  }
0x6d: {  	s12 =	rddreg [dreg:$0x6];
	s11 =	simm.s32 $0x0  }
0x6e: {  	[tilespmem:s6], [sflag:$0x3] =	stream.linear.gather [hbm4b:s12+s11], $0x400, $0x38;
	[tilespmem:$0x13400] =	vst v63  }
0x6f: {  	_ =	swait.ge [sflag:s30], $0x400  }
0x70: {  	[sflag:s30] =	ssyncset.done $0x0  }
0x71: {  	[sflag:s30] =	ssyncadd.s32 $0xFFFFFC00  }
0x72: {  	_ =	swait.ge [sflag:s7], $0x8000  }
0x73: {  	[sflag:s7] =	ssyncset.done $0x0  }
0x74: {  	s10 =	simm.s32 $0x0;
	[sflag:s7] =	ssyncadd.s32 $0xFFFF8000  }
0x75: {  	v0 =	vld [tilespmem:s10+$0xA000]  }
0x76: {  	v2 =	vld [tilespmem:s10+$0xA400]  }
0x77: {  	v1 =	vld [tilespmem:s10+$0x9000]  }
0x78: {  	v3 =	vld [tilespmem:s10+$0x9400]  }
0x79: {  	v4 =	vld [tilespmem:s10+$0x8000]  }
0x7a: {  	v5 =	vld [tilespmem:s10+$0x8400]  }
0x7b: {  	v6 =	vld [tilespmem:s10+$0x7000]  }
0x7c: {  	v7 =	vld [tilespmem:s10+$0x7400]  }
0x7d: {  	v8 =	vld [tilespmem:s10+$0x6000]  }
0x7e: {  	v9 =	vld [tilespmem:s10+$0x6400]  }
0x7f: {  	v10 =	vld [tilespmem:s10+$0x5000]  }
0x80: {  	v11 =	vld [tilespmem:s10+$0x5400]  }
0x81: {  	v12 =	vld [tilespmem:s10+$0x3000]  }
0x82: {  	v13 =	vld [tilespmem:s10+$0x4000]  }
0x83: {  	v14 =	vld [tilespmem:s10+$0x3400]  }
0x84: {  	v16 =	vld [tilespmem:s10+$0x4400]  }
0x85: {  	v15 =	vld [tilespmem:s10+$0x3800]  }
0x86: {  	v18 =	vld [tilespmem:s10+$0x4800]  }
0x87: {  	s11 =	simm.s32 $0x40;
	v17 =	vld [tilespmem:s10+$0x3C00]  }
.LBB2_6:
0x88: {  	p0 =	sne.s32 s11, $0xFC0;
	v19 =	vld [tilespmem:s10+$0x4C00]  }
0x89: {  	v20 =	vld [tilespmem:s10+$0x5800]  }
0x8a: {  	v21 =	vld [tilespmem:s10+$0x5C00]  }
0x8b: {  	v22 =	vld [tilespmem:s10+$0x6800]  }
0x8c: {  	v12 =	vadd.f32 v13, v12;
	v13 =	vadd.f32 v16, v14;
	v14 =	vld [tilespmem:s10+$0x6C00]  }
0x8d: {  	v15 =	vadd.f32 v18, v15;
	v16 =	vld [tilespmem:s10+$0x7800];
	v17 =	vadd.f32 v19, v17  }
0x8e: {  	v10 =	vadd.f32 v10, v12;
	v11 =	vadd.f32 v11, v13;
	v12 =	vld [tilespmem:s10+$0x7C00]  }
0x8f: {  	v13 =	vadd.f32 v20, v15;
	v15 =	vld [tilespmem:s10+$0x8800];
	v17 =	vadd.f32 v21, v17  }
0x90: {  	v8 =	vadd.f32 v8, v10;
	v9 =	vadd.f32 v9, v11;
	v10 =	vld [tilespmem:s10+$0x8C00]  }
0x91: {  	v11 =	vadd.f32 v22, v13;
	v13 =	vld [tilespmem:s10+$0x9800];
	v14 =	vadd.f32 v14, v17  }
0x92: {  	v6 =	vadd.f32 v6, v8;
	v7 =	vadd.f32 v7, v9;
	v8 =	vld [tilespmem:s10+$0x9C00]  }
0x93: {  	v9 =	vadd.f32 v16, v11;
	v11 =	vld [tilespmem:s10+$0xA800];
	v12 =	vadd.f32 v12, v14  }
0x94: {  	s12 =	sshra.s32 s11, $0x2;
	v4 =	vadd.f32 v4, v6;
	v5 =	vadd.f32 v5, v7;
	v6 =	vld [tilespmem:s10+$0xAC00]  }
0x95: {  	v9 =	vadd.f32 v15, v9;
	v7 =	vld [tilespmem:s12+$0xA000];
	v10 =	vadd.f32 v10, v12  }
0x96: {  	v4 =	vadd.f32 v1, v4;
	v5 =	vadd.f32 v3, v5;
	v12 =	vld [tilespmem:s12+$0xA400]  }
0x97: {  	v9 =	vadd.f32 v13, v9;
	v1 =	vld [tilespmem:s12+$0x9000];
	v8 =	vadd.f32 v8, v10  }
0x98: {  	v13 =	vadd.f32 v2, v5;
	v10 =	vadd.f32 v0, v4;
	v3 =	vld [tilespmem:s12+$0x9400]  }
0x99: {  	v9 =	vadd.f32 v11, v9;
	v4 =	vld [tilespmem:s12+$0x8000];
	v6 =	vadd.f32 v6, v8  }
0x9a: {  	v11 =	vld [tilespmem:s10+$0x13000];
	v0 =	vmov v7  }
0x9b: {  	v8 =	vadd.f32 v13, v10;
	v5 =	vld [tilespmem:s12+$0x8400];
	v9 =	vadd.f32 v6, v9;
	v2 =	vmov v12  }
0x9c: {  	v6 =	vld [tilespmem:s12+$0x7000]  }
0x9d: {  	v7 =	vld [tilespmem:s12+$0x7400];
	v10 =	vadd.f32 v9, v8  }
0x9e: {  	v8 =	vld [tilespmem:s12+$0x6000]  }
0x9f: {  	v9 =	vld [tilespmem:s12+$0x6400];
	v12 =	vsub.f32 v11, v10  }
0xa0: {  	v10 =	vld [tilespmem:s12+$0x5000]  }
0xa1: {  	v11 =	vld [tilespmem:s12+$0x5400];
	[tilespmem:s10+$0x13000] =	vst v12;
	s10 =	smov.u32 s12  }
0xa2: {  	v12 =	vld [tilespmem:s10+$0x3000]  }
0xa3: {  	v13 =	vld [tilespmem:s10+$0x4000]  }
.Ltmp2:
0xa4: {  	v14 =	vld [tilespmem:s10+$0x3400];
	(pc) =	sbr.rel @p0 .LBB2_6-.Ltmp2, $4  }
0xa5: {  	v16 =	vld [tilespmem:s10+$0x4400]  }
0xa6: {  	v15 =	vld [tilespmem:s10+$0x3800]  }
0xa7: {  	v18 =	vld [tilespmem:s10+$0x4800]  }
0xa8: {  	s11 =	sadd.s32 $0x40, s11;
	v17 =	vld [tilespmem:s10+$0x3C00]  }
0xa9: {  	v19 =	vld [tilespmem:s10+$0x4C00]  }
0xaa: {  	v20 =	vld [tilespmem:s10+$0x5800]  }
0xab: {  	v21 =	vld [tilespmem:s10+$0x5C00]  }
0xac: {  	v22 =	vld [tilespmem:s10+$0x6800]  }
0xad: {  	v12 =	vadd.f32 v13, v12;
	v52 =	vld [tilespmem:s10+$0x6C00];
	v51 =	vadd.f32 v16, v14  }
0xae: {  	v53 =	vld [tilespmem:s10+$0x7800];
	v15 =	vadd.f32 v18, v15;
	v17 =	vadd.f32 v19, v17  }
0xaf: {  	v54 =	vld [tilespmem:s10+$0x7C00];
	v10 =	vadd.f32 v10, v12;
	v11 =	vadd.f32 v11, v51  }
0xb0: {  	v56 =	vld [tilespmem:s10+$0x8800];
	v55 =	vadd.f32 v20, v15;
	v17 =	vadd.f32 v21, v17  }
0xb1: {  	v57 =	vld [tilespmem:s10+$0x8C00];
	v8 =	vadd.f32 v8, v10;
	v9 =	vadd.f32 v9, v11  }
0xb2: {  	v59 =	vld [tilespmem:s10+$0x9800];
	v58 =	vadd.f32 v22, v55;
	v14 =	vadd.f32 v52, v17  }
0xb3: {  	v60 =	vld [tilespmem:s10+$0x9C00];
	v6 =	vadd.f32 v6, v8;
	v7 =	vadd.f32 v7, v9  }
0xb4: {  	v62 =	vld [tilespmem:s10+$0xA800];
	v61 =	vadd.f32 v53, v58;
	v12 =	vadd.f32 v54, v14  }
0xb5: {  	v4 =	vadd.f32 v4, v6;
	v6 =	vld [tilespmem:s10+$0xAC00];
	v5 =	vadd.f32 v5, v7  }
0xb6: {  	v7 =	vadd.f32 v56, v61;
	v63 =	vadd.f32 v57, v12  }
0xb7: {  	v1 =	vadd.f32 v1, v4;
	v3 =	vadd.f32 v3, v5  }
0xb8: {  	v4 =	vadd.f32 v59, v7;
	v5 =	vadd.f32 v60, v63  }
0xb9: {  	v0 =	vadd.f32 v0, v1;
	v1 =	vadd.f32 v2, v3  }
0xba: {  	v2 =	vadd.f32 v62, v4;
	v3 =	vadd.f32 v6, v5  }
0xbb: {  	v4 =	vld [tilespmem:s10+$0x13000]  }
0xbc: {  	v0 =	vadd.f32 v1, v0;
	v1 =	vadd.f32 v3, v2;
	_ =	sdelay $0x1  }
0xbd: {  	v0 =	vadd.f32 v1, v0;
	_ =	sdelay $0x1  }
0xbe: {  	v0 =	vsub.f32 v4, v0;
	_ =	sdelay $0x1  }
0xbf: {  	s11 =	rddreg [dreg:$0x7];
	[tilespmem:s10+$0x13000] =	vst v0;
	s10 =	simm.s32 $0x0  }
0xc0: {  	[hbm4b:s11+s10] =	stream.linear.scatter [tilespmem:s6], [sflag:$0x3], $0x400, $0x38;
	[tilespmem:$0x13400] =	vst v63  }
0xc1: {  	_ =	swait.ge [sflag:s30], $0x400  }
0xc2: {  	[sflag:s30] =	ssyncset.done $0x0  }
0xc3: {  	s12 =	rddreg [dreg:$0x8];
	[sflag:s30] =	ssyncadd.s32 $0xFFFFFC00  }
0xc4: {  	[tilespmem:s10], [sflag:$0x3] =	stream.linear.gather [hbm4b:s12+s10], $0x800, $0x38;
	[tilespmem:$0x13400] =	vst v63  }
0xc5: {  	_ =	swait.ge [sflag:s30], $0x800  }
0xc6: {  	[sflag:s30] =	ssyncset.done $0x0  }
0xc7: {  	s12 =	rddreg [dreg:$0x9];
	[sflag:s30] =	ssyncadd.s32 $0xFFFFF800  }
0xc8: {  	[tilespmem:s31], [sflag:$0x3] =	stream.linear.gather [hbm4b:s12+s10], $0x800, $0x38;
	[tilespmem:$0x13400] =	vst v63  }
0xc9: {  	_ =	swait.ge [sflag:s30], $0x800  }
0xca: {  	[sflag:s30] =	ssyncset.done $0x0  }
0xcb: {  	s10 =	simm.s32 $0x0;
	[sflag:s30] =	ssyncadd.s32 $0xFFFFF800  }
0xcc: {  	v2 =	vld [tilespmem:s10+$0x30]  }
0xcd: {  	v3 =	vld [tilespmem:s10+$0x1030]  }
0xce: {  	v5 =	vld [tilespmem:s10+$0x0]  }
0xcf: {  	v1 =	vld [tilespmem:s10+$0x10]  }
0xd0: {  	v0 =	vld [tilespmem:s10+$0x20]  }
0xd1: {  	v4 =	vld [tilespmem:s10+$0x1000];
	v6 =	vshll.u32 v2, $0x5  }
0xd2: {  	v2 =	vld [tilespmem:s10+$0x1010];
	v6 =	vadd.s32 v3, v6  }
0xd3: {  	s11 =	simm.s32 $0x40;
	s12 =	simm.s32 $0x200;
	v5 =	vshll.u32 v5, $0x5;
	v3 =	vld [tilespmem:s10+$0x1020];
	[tilespmem:s10+$0x2030] =	vst v6  }
.LBB2_8:
0xd4: {  	p0 =	sne.s32 s12, $0x1F00;
	v6 =	vld [tilespmem:s11+$0x30];
	v7 =	vshll.u32 v1, $0x5  }
0xd5: {  	v8 =	vld [tilespmem:s11+$0x1030];
	v9 =	vshll.u32 v0, $0x5  }
0xd6: {  	v10 =	vld [tilespmem:s11+$0x0];
	v0 =	vadd.s32 v4, v5  }
.Ltmp3:
0xd7: {  	v1 =	vld [tilespmem:s11+$0x10];
	[tilespmem:s10+$0x2000] =	vst v0;
	v2 =	vadd.s32 v2, v7;
	(pc) =	sbr.rel @p0 .LBB2_8-.Ltmp3, $4  }
0xd8: {  	v0 =	vld [tilespmem:s11+$0x20];
	[tilespmem:s10+$0x2010] =	vst v2;
	v2 =	vadd.s32 v3, v9  }
0xd9: {  	v4 =	vld [tilespmem:s11+$0x1000];
	v3 =	vshll.u32 v6, $0x5;
	[tilespmem:s10+$0x2020] =	vst v2;
	s10 =	smov.u32 s11  }
0xda: {  	v2 =	vld [tilespmem:s10+$0x1010];
	v6 =	vadd.s32 v8, v3  }
0xdb: {  	s11 =	sshra.s32 s12, $0x2;
	s12 =	sadd.s32 $0x100, s12;
	v5 =	vshll.u32 v10, $0x5;
	v3 =	vld [tilespmem:s10+$0x1020];
	[tilespmem:s10+$0x2030] =	vst v6  }
0xdc: {  	v6 =	vld [tilespmem:s11+$0x30]  }
0xdd: {  	v7 =	vld [tilespmem:s11+$0x1030]  }
0xde: {  	v8 =	vld [tilespmem:s11+$0x0];
	v1 =	vshll.u32 v1, $0x5;
	v4 =	vadd.s32 v4, v5  }
0xdf: {  	v0 =	vshll.u32 v0, $0x5;
	v5 =	vld [tilespmem:s11+$0x10];
	[tilespmem:s10+$0x2000] =	vst v4;
	v1 =	vadd.s32 v2, v1  }
0xe0: {  	v2 =	vld [tilespmem:s11+$0x20];
	[tilespmem:s10+$0x2010] =	vst v1;
	v0 =	vadd.s32 v3, v0  }
0xe1: {  	v1 =	vld [tilespmem:s11+$0x1000];
	[tilespmem:s10+$0x2020] =	vst v0  }
0xe2: {  	v0 =	vld [tilespmem:s11+$0x1010]  }
0xe3: {  	v3 =	vld [tilespmem:s11+$0x1020]  }
0xe4: {  	v4 =	vshll.u32 v6, $0x5  }
0xe5: {  	v6 =	vshll.u32 v8, $0x5;
	v4 =	vadd.s32 v7, v4  }
0xe6: {  	[tilespmem:s11+$0x2030] =	vst v4;
	v4 =	vshll.u32 v5, $0x5;
	v1 =	vadd.s32 v1, v6  }
0xe7: {  	v2 =	vshll.u32 v2, $0x5;
	[tilespmem:s11+$0x2000] =	vst v1;
	v0 =	vadd.s32 v0, v4  }
0xe8: {  	[tilespmem:s11+$0x2010] =	vst v0;
	v0 =	vadd.s32 v3, v2  }
0xe9: {  	[tilespmem:s11+$0x2020] =	vst v0  }
0xea: {  	[tilespmem:s2], [sflag:$0x1] =	stream.indirect.gather [hbm4b:s28+s22], $0x10, s0, s22, $0xb8;
	[tilespmem:$0x13400] =	vst v63  }
0xeb: {  	s12 =	simm.s32 $0x0  }
0xec: {  	[tilespmem:s6], [sflag:$0x3] =	stream.linear.gather [hbm4b:s16+s12], $0x400, $0x38;
	[tilespmem:$0x13400] =	vst v63  }
0xed: {  	_ =	swait.ge [sflag:s30], $0x400  }
0xee: {  	[sflag:s30] =	ssyncset.done $0x0  }
0xef: {  	[sflag:s30] =	ssyncadd.s32 $0xFFFFFC00  }
0xf0: {  	_ =	swait.ge [sflag:s8], $0x8000  }
0xf1: {  	[sflag:s8] =	ssyncset.done $0x0  }
0xf2: {  	s10 =	simm.s32 $0x0;
	[sflag:s8] =	ssyncadd.s32 $0xFFFF8000  }
0xf3: {  	v0 =	vld [tilespmem:s10+$0x12000]  }
0xf4: {  	v2 =	vld [tilespmem:s10+$0x12400]  }
0xf5: {  	v1 =	vld [tilespmem:s10+$0x11000]  }
0xf6: {  	v3 =	vld [tilespmem:s10+$0x11400]  }
0xf7: {  	v4 =	vld [tilespmem:s10+$0x10000]  }
0xf8: {  	v5 =	vld [tilespmem:s10+$0x10400]  }
0xf9: {  	v6 =	vld [tilespmem:s10+$0xF000]  }
0xfa: {  	v7 =	vld [tilespmem:s10+$0xF400]  }
0xfb: {  	v8 =	vld [tilespmem:s10+$0xE000]  }
0xfc: {  	v9 =	vld [tilespmem:s10+$0xE400]  }
0xfd: {  	v10 =	vld [tilespmem:s10+$0xD000]  }
0xfe: {  	v11 =	vld [tilespmem:s10+$0xD400]  }
0xff: {  	v12 =	vld [tilespmem:s10+$0xB000]  }
0x100: {  	v13 =	vld [tilespmem:s10+$0xC000]  }
0x101: {  	v14 =	vld [tilespmem:s10+$0xB400]  }
0x102: {  	v16 =	vld [tilespmem:s10+$0xC400]  }
0x103: {  	v15 =	vld [tilespmem:s10+$0xB800]  }
0x104: {  	v18 =	vld [tilespmem:s10+$0xC800]  }
0x105: {  	s11 =	simm.s32 $0x40;
	v17 =	vld [tilespmem:s10+$0xBC00]  }
.LBB2_10:
0x106: {  	p0 =	sne.s32 s11, $0xFC0;
	v19 =	vld [tilespmem:s10+$0xCC00]  }
0x107: {  	v20 =	vld [tilespmem:s10+$0xD800]  }
0x108: {  	v21 =	vld [tilespmem:s10+$0xDC00]  }
0x109: {  	v22 =	vld [tilespmem:s10+$0xE800]  }
0x10a: {  	v12 =	vadd.f32 v13, v12;
	v13 =	vadd.f32 v16, v14;
	v14 =	vld [tilespmem:s10+$0xEC00]  }
0x10b: {  	v15 =	vadd.f32 v18, v15;
	v16 =	vld [tilespmem:s10+$0xF800];
	v17 =	vadd.f32 v19, v17  }
0x10c: {  	v10 =	vadd.f32 v10, v12;
	v11 =	vadd.f32 v11, v13;
	v12 =	vld [tilespmem:s10+$0xFC00]  }
0x10d: {  	v13 =	vadd.f32 v20, v15;
	v15 =	vld [tilespmem:s10+$0x10800];
	v17 =	vadd.f32 v21, v17  }
0x10e: {  	v8 =	vadd.f32 v8, v10;
	v9 =	vadd.f32 v9, v11;
	v10 =	vld [tilespmem:s10+$0x10C00]  }
0x10f: {  	v11 =	vadd.f32 v22, v13;
	v13 =	vld [tilespmem:s10+$0x11800];
	v14 =	vadd.f32 v14, v17  }
0x110: {  	v6 =	vadd.f32 v6, v8;
	v7 =	vadd.f32 v7, v9;
	v8 =	vld [tilespmem:s10+$0x11C00]  }
0x111: {  	v9 =	vadd.f32 v16, v11;
	v11 =	vld [tilespmem:s10+$0x12800];
	v12 =	vadd.f32 v12, v14  }
0x112: {  	s12 =	sshra.s32 s11, $0x2;
	v4 =	vadd.f32 v4, v6;
	v5 =	vadd.f32 v5, v7;
	v6 =	vld [tilespmem:s10+$0x12C00]  }
0x113: {  	v9 =	vadd.f32 v15, v9;
	v7 =	vld [tilespmem:s12+$0x12000];
	v10 =	vadd.f32 v10, v12  }
0x114: {  	v4 =	vadd.f32 v1, v4;
	v5 =	vadd.f32 v3, v5;
	v12 =	vld [tilespmem:s12+$0x12400]  }
0x115: {  	v9 =	vadd.f32 v13, v9;
	v1 =	vld [tilespmem:s12+$0x11000];
	v8 =	vadd.f32 v8, v10  }
0x116: {  	v13 =	vadd.f32 v2, v5;
	v10 =	vadd.f32 v0, v4;
	v3 =	vld [tilespmem:s12+$0x11400]  }
0x117: {  	v9 =	vadd.f32 v11, v9;
	v4 =	vld [tilespmem:s12+$0x10000];
	v6 =	vadd.f32 v6, v8  }
0x118: {  	v11 =	vld [tilespmem:s10+$0x13000];
	v0 =	vmov v7  }
0x119: {  	v8 =	vadd.f32 v13, v10;
	v5 =	vld [tilespmem:s12+$0x10400];
	v9 =	vadd.f32 v6, v9;
	v2 =	vmov v12  }
0x11a: {  	v6 =	vld [tilespmem:s12+$0xF000]  }
0x11b: {  	v7 =	vld [tilespmem:s12+$0xF400];
	v10 =	vadd.f32 v9, v8  }
0x11c: {  	v8 =	vld [tilespmem:s12+$0xE000]  }
0x11d: {  	v9 =	vld [tilespmem:s12+$0xE400];
	v12 =	vsub.f32 v11, v10  }
0x11e: {  	v10 =	vld [tilespmem:s12+$0xD000]  }
0x11f: {  	v11 =	vld [tilespmem:s12+$0xD400];
	[tilespmem:s10+$0x13000] =	vst v12;
	s10 =	smov.u32 s12  }
0x120: {  	v12 =	vld [tilespmem:s10+$0xB000]  }
0x121: {  	v13 =	vld [tilespmem:s10+$0xC000]  }
.Ltmp4:
0x122: {  	v14 =	vld [tilespmem:s10+$0xB400];
	(pc) =	sbr.rel @p0 .LBB2_10-.Ltmp4, $4  }
0x123: {  	v16 =	vld [tilespmem:s10+$0xC400]  }
0x124: {  	v15 =	vld [tilespmem:s10+$0xB800]  }
0x125: {  	v18 =	vld [tilespmem:s10+$0xC800]  }
0x126: {  	s11 =	sadd.s32 $0x40, s11;
	v17 =	vld [tilespmem:s10+$0xBC00]  }
0x127: {  	v19 =	vld [tilespmem:s10+$0xCC00]  }
0x128: {  	v20 =	vld [tilespmem:s10+$0xD800]  }
0x129: {  	v21 =	vld [tilespmem:s10+$0xDC00]  }
0x12a: {  	v22 =	vld [tilespmem:s10+$0xE800]  }
0x12b: {  	v12 =	vadd.f32 v13, v12;
	v52 =	vld [tilespmem:s10+$0xEC00];
	v51 =	vadd.f32 v16, v14  }
0x12c: {  	v53 =	vld [tilespmem:s10+$0xF800];
	v15 =	vadd.f32 v18, v15;
	v17 =	vadd.f32 v19, v17  }
0x12d: {  	v54 =	vld [tilespmem:s10+$0xFC00];
	v10 =	vadd.f32 v10, v12;
	v11 =	vadd.f32 v11, v51  }
0x12e: {  	v56 =	vld [tilespmem:s10+$0x10800];
	v55 =	vadd.f32 v20, v15;
	v17 =	vadd.f32 v21, v17  }
0x12f: {  	v57 =	vld [tilespmem:s10+$0x10C00];
	v8 =	vadd.f32 v8, v10;
	v9 =	vadd.f32 v9, v11  }
0x130: {  	v59 =	vld [tilespmem:s10+$0x11800];
	v58 =	vadd.f32 v22, v55;
	v14 =	vadd.f32 v52, v17  }
0x131: {  	v60 =	vld [tilespmem:s10+$0x11C00];
	v6 =	vadd.f32 v6, v8;
	v7 =	vadd.f32 v7, v9  }
0x132: {  	v62 =	vld [tilespmem:s10+$0x12800];
	v61 =	vadd.f32 v53, v58;
	v12 =	vadd.f32 v54, v14  }
0x133: {  	v4 =	vadd.f32 v4, v6;
	v6 =	vld [tilespmem:s10+$0x12C00];
	v5 =	vadd.f32 v5, v7  }
0x134: {  	v7 =	vadd.f32 v56, v61;
	v63 =	vadd.f32 v57, v12  }
0x135: {  	v1 =	vadd.f32 v1, v4;
	v3 =	vadd.f32 v3, v5  }
0x136: {  	v4 =	vadd.f32 v59, v7;
	v5 =	vadd.f32 v60, v63  }
0x137: {  	v0 =	vadd.f32 v0, v1;
	v1 =	vadd.f32 v2, v3  }
0x138: {  	v2 =	vadd.f32 v62, v4;
	v3 =	vadd.f32 v6, v5  }
0x139: {  	v4 =	vld [tilespmem:s10+$0x13000]  }
0x13a: {  	v0 =	vadd.f32 v1, v0;
	v1 =	vadd.f32 v3, v2;
	_ =	sdelay $0x1  }
0x13b: {  	v0 =	vadd.f32 v1, v0;
	_ =	sdelay $0x1  }
0x13c: {  	v0 =	vsub.f32 v4, v0;
	_ =	sdelay $0x1  }
0x13d: {  	[tilespmem:s10+$0x13000] =	vst v0;
	s10 =	simm.s32 $0x0  }
0x13e: {  	[hbm4b:s17+s10] =	stream.linear.scatter [tilespmem:s6], [sflag:$0x3], $0x400, $0x38;
	[tilespmem:$0x13400] =	vst v63  }
0x13f: {  	_ =	swait.ge [sflag:s30], $0x400  }
0x140: {  	[sflag:s30] =	ssyncset.done $0x0  }
0x141: {  	s11 =	rddreg [dreg:$0xa];
	[sflag:s30] =	ssyncadd.s32 $0xFFFFFC00  }
0x142: {  	[tilespmem:s22], [sflag:$0x3] =	stream.linear.gather [hbm4b:s11+s10], $0x800, $0x38;
	[tilespmem:$0x13400] =	vst v63  }
0x143: {  	_ =	swait.ge [sflag:s30], $0x800  }
0x144: {  	[sflag:s30] =	ssyncset.done $0x0  }
0x145: {  	s12 =	rddreg [dreg:$0xb];
	[sflag:s30] =	ssyncadd.s32 $0xFFFFF800  }
0x146: {  	[tilespmem:s3], [sflag:$0x3] =	stream.linear.gather [hbm4b:s12+s10], $0x800, $0x38;
	[tilespmem:$0x13400] =	vst v63  }
0x147: {  	_ =	swait.ge [sflag:s30], $0x800  }
0x148: {  	[sflag:s30] =	ssyncset.done $0x0  }
0x149: {  	s10 =	simm.s32 $0x0;
	[sflag:s30] =	ssyncadd.s32 $0xFFFFF800  }
0x14a: {  	v2 =	vld [tilespmem:s10+$0x830]  }
0x14b: {  	v3 =	vld [tilespmem:s10+$0x1830]  }
0x14c: {  	v5 =	vld [tilespmem:s10+$0x800]  }
0x14d: {  	v1 =	vld [tilespmem:s10+$0x810]  }
0x14e: {  	v0 =	vld [tilespmem:s10+$0x820]  }
0x14f: {  	v4 =	vld [tilespmem:s10+$0x1800];
	v6 =	vshll.u32 v2, $0x5  }
0x150: {  	v2 =	vld [tilespmem:s10+$0x1810];
	v6 =	vadd.s32 v3, v6  }
0x151: {  	s11 =	simm.s32 $0x40;
	s12 =	simm.s32 $0x200;
	v5 =	vshll.u32 v5, $0x5;
	v3 =	vld [tilespmem:s10+$0x1820];
	[tilespmem:s10+$0x2830] =	vst v6  }
.LBB2_12:
0x152: {  	p0 =	sne.s32 s12, $0x1F00;
	v6 =	vld [tilespmem:s11+$0x830];
	v7 =	vshll.u32 v1, $0x5  }
0x153: {  	v8 =	vld [tilespmem:s11+$0x1830];
	v9 =	vshll.u32 v0, $0x5  }
0x154: {  	v10 =	vld [tilespmem:s11+$0x800];
	v0 =	vadd.s32 v4, v5  }
.Ltmp5:
0x155: {  	v1 =	vld [tilespmem:s11+$0x810];
	[tilespmem:s10+$0x2800] =	vst v0;
	v2 =	vadd.s32 v2, v7;
	(pc) =	sbr.rel @p0 .LBB2_12-.Ltmp5, $4  }
0x156: {  	v0 =	vld [tilespmem:s11+$0x820];
	[tilespmem:s10+$0x2810] =	vst v2;
	v2 =	vadd.s32 v3, v9  }
0x157: {  	v4 =	vld [tilespmem:s11+$0x1800];
	v3 =	vshll.u32 v6, $0x5;
	[tilespmem:s10+$0x2820] =	vst v2;
	s10 =	smov.u32 s11  }
0x158: {  	v2 =	vld [tilespmem:s10+$0x1810];
	v6 =	vadd.s32 v8, v3  }
0x159: {  	s11 =	sshra.s32 s12, $0x2;
	s12 =	sadd.s32 $0x100, s12;
	v5 =	vshll.u32 v10, $0x5;
	v3 =	vld [tilespmem:s10+$0x1820];
	[tilespmem:s10+$0x2830] =	vst v6  }
0x15a: {  	v6 =	vld [tilespmem:s11+$0x830]  }
0x15b: {  	v7 =	vld [tilespmem:s11+$0x1830]  }
0x15c: {  	v8 =	vld [tilespmem:s11+$0x800];
	v1 =	vshll.u32 v1, $0x5;
	v4 =	vadd.s32 v4, v5  }
0x15d: {  	v0 =	vshll.u32 v0, $0x5;
	v5 =	vld [tilespmem:s11+$0x810];
	[tilespmem:s10+$0x2800] =	vst v4;
	v1 =	vadd.s32 v2, v1  }
0x15e: {  	v2 =	vld [tilespmem:s11+$0x820];
	[tilespmem:s10+$0x2810] =	vst v1;
	v0 =	vadd.s32 v3, v0  }
0x15f: {  	v1 =	vld [tilespmem:s11+$0x1800];
	[tilespmem:s10+$0x2820] =	vst v0  }
0x160: {  	v0 =	vld [tilespmem:s11+$0x1810]  }
0x161: {  	v3 =	vld [tilespmem:s11+$0x1820]  }
0x162: {  	v4 =	vshll.u32 v6, $0x5  }
0x163: {  	v6 =	vshll.u32 v8, $0x5;
	v4 =	vadd.s32 v7, v4  }
0x164: {  	[tilespmem:s11+$0x2830] =	vst v4;
	v4 =	vshll.u32 v5, $0x5;
	v1 =	vadd.s32 v1, v6  }
0x165: {  	v2 =	vshll.u32 v2, $0x5;
	[tilespmem:s11+$0x2800] =	vst v1;
	v0 =	vadd.s32 v0, v4  }
0x166: {  	[tilespmem:s11+$0x2810] =	vst v0;
	v0 =	vadd.s32 v3, v2  }
0x167: {  	[tilespmem:s11+$0x2820] =	vst v0  }
0x168: {  	[tilespmem:s5], [sflag:$0x2] =	stream.indirect.gather [hbm4b:s28+s22], $0x10, s4, s22, $0xb8;
	[tilespmem:$0x13400] =	vst v63  }
0x169: {  	s12 =	simm.s32 $0x0  }
0x16a: {  	[tilespmem:s6], [sflag:$0x3] =	stream.linear.gather [hbm4b:s18+s12], $0x400, $0x38;
	[tilespmem:$0x13400] =	vst v63  }
0x16b: {  	_ =	swait.ge [sflag:s30], $0x400  }
0x16c: {  	[sflag:s30] =	ssyncset.done $0x0  }
0x16d: {  	[sflag:s30] =	ssyncadd.s32 $0xFFFFFC00  }
0x16e: {  	_ =	swait.ge [sflag:s7], $0x8000  }
0x16f: {  	[sflag:s7] =	ssyncset.done $0x0  }
0x170: {  	s10 =	simm.s32 $0x0;
	[sflag:s7] =	ssyncadd.s32 $0xFFFF8000  }
0x171: {  	v0 =	vld [tilespmem:s10+$0xA000]  }
0x172: {  	v2 =	vld [tilespmem:s10+$0xA400]  }
0x173: {  	v1 =	vld [tilespmem:s10+$0x9000]  }
0x174: {  	v3 =	vld [tilespmem:s10+$0x9400]  }
0x175: {  	v4 =	vld [tilespmem:s10+$0x8000]  }
0x176: {  	v5 =	vld [tilespmem:s10+$0x8400]  }
0x177: {  	v6 =	vld [tilespmem:s10+$0x7000]  }
0x178: {  	v7 =	vld [tilespmem:s10+$0x7400]  }
0x179: {  	v8 =	vld [tilespmem:s10+$0x6000]  }
0x17a: {  	v9 =	vld [tilespmem:s10+$0x6400]  }
0x17b: {  	v10 =	vld [tilespmem:s10+$0x5000]  }
0x17c: {  	v11 =	vld [tilespmem:s10+$0x5400]  }
0x17d: {  	v12 =	vld [tilespmem:s10+$0x3000]  }
0x17e: {  	v13 =	vld [tilespmem:s10+$0x4000]  }
0x17f: {  	v14 =	vld [tilespmem:s10+$0x3400]  }
0x180: {  	v16 =	vld [tilespmem:s10+$0x4400]  }
0x181: {  	v15 =	vld [tilespmem:s10+$0x3800]  }
0x182: {  	v18 =	vld [tilespmem:s10+$0x4800]  }
0x183: {  	s11 =	simm.s32 $0x40;
	v17 =	vld [tilespmem:s10+$0x3C00]  }
.LBB2_14:
0x184: {  	p0 =	sne.s32 s11, $0xFC0;
	v19 =	vld [tilespmem:s10+$0x4C00]  }
0x185: {  	v20 =	vld [tilespmem:s10+$0x5800]  }
0x186: {  	v21 =	vld [tilespmem:s10+$0x5C00]  }
0x187: {  	v22 =	vld [tilespmem:s10+$0x6800]  }
0x188: {  	v12 =	vadd.f32 v13, v12;
	v13 =	vadd.f32 v16, v14;
	v14 =	vld [tilespmem:s10+$0x6C00]  }
0x189: {  	v15 =	vadd.f32 v18, v15;
	v16 =	vld [tilespmem:s10+$0x7800];
	v17 =	vadd.f32 v19, v17  }
0x18a: {  	v10 =	vadd.f32 v10, v12;
	v11 =	vadd.f32 v11, v13;
	v12 =	vld [tilespmem:s10+$0x7C00]  }
0x18b: {  	v13 =	vadd.f32 v20, v15;
	v15 =	vld [tilespmem:s10+$0x8800];
	v17 =	vadd.f32 v21, v17  }
0x18c: {  	v8 =	vadd.f32 v8, v10;
	v9 =	vadd.f32 v9, v11;
	v10 =	vld [tilespmem:s10+$0x8C00]  }
0x18d: {  	v11 =	vadd.f32 v22, v13;
	v13 =	vld [tilespmem:s10+$0x9800];
	v14 =	vadd.f32 v14, v17  }
0x18e: {  	v6 =	vadd.f32 v6, v8;
	v7 =	vadd.f32 v7, v9;
	v8 =	vld [tilespmem:s10+$0x9C00]  }
0x18f: {  	v9 =	vadd.f32 v16, v11;
	v11 =	vld [tilespmem:s10+$0xA800];
	v12 =	vadd.f32 v12, v14  }
0x190: {  	s12 =	sshra.s32 s11, $0x2;
	v4 =	vadd.f32 v4, v6;
	v5 =	vadd.f32 v5, v7;
	v6 =	vld [tilespmem:s10+$0xAC00]  }
0x191: {  	v9 =	vadd.f32 v15, v9;
	v7 =	vld [tilespmem:s12+$0xA000];
	v10 =	vadd.f32 v10, v12  }
0x192: {  	v4 =	vadd.f32 v1, v4;
	v5 =	vadd.f32 v3, v5;
	v12 =	vld [tilespmem:s12+$0xA400]  }
0x193: {  	v9 =	vadd.f32 v13, v9;
	v1 =	vld [tilespmem:s12+$0x9000];
	v8 =	vadd.f32 v8, v10  }
0x194: {  	v13 =	vadd.f32 v2, v5;
	v10 =	vadd.f32 v0, v4;
	v3 =	vld [tilespmem:s12+$0x9400]  }
0x195: {  	v9 =	vadd.f32 v11, v9;
	v4 =	vld [tilespmem:s12+$0x8000];
	v6 =	vadd.f32 v6, v8  }
0x196: {  	v11 =	vld [tilespmem:s10+$0x13000];
	v0 =	vmov v7  }
0x197: {  	v8 =	vadd.f32 v13, v10;
	v5 =	vld [tilespmem:s12+$0x8400];
	v9 =	vadd.f32 v6, v9;
	v2 =	vmov v12  }
0x198: {  	v6 =	vld [tilespmem:s12+$0x7000]  }
0x199: {  	v7 =	vld [tilespmem:s12+$0x7400];
	v10 =	vadd.f32 v9, v8  }
0x19a: {  	v8 =	vld [tilespmem:s12+$0x6000]  }
0x19b: {  	v9 =	vld [tilespmem:s12+$0x6400];
	v12 =	vsub.f32 v11, v10  }
0x19c: {  	v10 =	vld [tilespmem:s12+$0x5000]  }
0x19d: {  	v11 =	vld [tilespmem:s12+$0x5400];
	[tilespmem:s10+$0x13000] =	vst v12;
	s10 =	smov.u32 s12  }
0x19e: {  	v12 =	vld [tilespmem:s10+$0x3000]  }
0x19f: {  	v13 =	vld [tilespmem:s10+$0x4000]  }
.Ltmp6:
0x1a0: {  	v14 =	vld [tilespmem:s10+$0x3400];
	(pc) =	sbr.rel @p0 .LBB2_14-.Ltmp6, $4  }
0x1a1: {  	v16 =	vld [tilespmem:s10+$0x4400]  }
0x1a2: {  	v15 =	vld [tilespmem:s10+$0x3800]  }
0x1a3: {  	v18 =	vld [tilespmem:s10+$0x4800]  }
0x1a4: {  	s11 =	sadd.s32 $0x40, s11;
	v17 =	vld [tilespmem:s10+$0x3C00]  }
0x1a5: {  	v19 =	vld [tilespmem:s10+$0x4C00]  }
0x1a6: {  	v20 =	vld [tilespmem:s10+$0x5800]  }
0x1a7: {  	v21 =	vld [tilespmem:s10+$0x5C00]  }
0x1a8: {  	v22 =	vld [tilespmem:s10+$0x6800]  }
0x1a9: {  	v12 =	vadd.f32 v13, v12;
	v52 =	vld [tilespmem:s10+$0x6C00];
	v51 =	vadd.f32 v16, v14  }
0x1aa: {  	v53 =	vld [tilespmem:s10+$0x7800];
	v15 =	vadd.f32 v18, v15;
	v17 =	vadd.f32 v19, v17  }
0x1ab: {  	v54 =	vld [tilespmem:s10+$0x7C00];
	v10 =	vadd.f32 v10, v12;
	v11 =	vadd.f32 v11, v51  }
0x1ac: {  	v56 =	vld [tilespmem:s10+$0x8800];
	v55 =	vadd.f32 v20, v15;
	v17 =	vadd.f32 v21, v17  }
0x1ad: {  	v57 =	vld [tilespmem:s10+$0x8C00];
	v8 =	vadd.f32 v8, v10;
	v9 =	vadd.f32 v9, v11  }
0x1ae: {  	v59 =	vld [tilespmem:s10+$0x9800];
	v58 =	vadd.f32 v22, v55;
	v14 =	vadd.f32 v52, v17  }
0x1af: {  	v60 =	vld [tilespmem:s10+$0x9C00];
	v6 =	vadd.f32 v6, v8;
	v7 =	vadd.f32 v7, v9  }
0x1b0: {  	v62 =	vld [tilespmem:s10+$0xA800];
	v61 =	vadd.f32 v53, v58;
	v12 =	vadd.f32 v54, v14  }
0x1b1: {  	v4 =	vadd.f32 v4, v6;
	v6 =	vld [tilespmem:s10+$0xAC00];
	v5 =	vadd.f32 v5, v7  }
0x1b2: {  	v7 =	vadd.f32 v56, v61;
	v63 =	vadd.f32 v57, v12  }
0x1b3: {  	v1 =	vadd.f32 v1, v4;
	v3 =	vadd.f32 v3, v5  }
0x1b4: {  	v4 =	vadd.f32 v59, v7;
	v5 =	vadd.f32 v60, v63  }
0x1b5: {  	v0 =	vadd.f32 v0, v1;
	v1 =	vadd.f32 v2, v3  }
0x1b6: {  	v2 =	vadd.f32 v62, v4;
	v3 =	vadd.f32 v6, v5  }
0x1b7: {  	v4 =	vld [tilespmem:s10+$0x13000]  }
0x1b8: {  	v0 =	vadd.f32 v1, v0;
	v1 =	vadd.f32 v3, v2;
	_ =	sdelay $0x1  }
0x1b9: {  	v0 =	vadd.f32 v1, v0;
	_ =	sdelay $0x1  }
0x1ba: {  	v0 =	vsub.f32 v4, v0;
	_ =	sdelay $0x1  }
0x1bb: {  	s12 =	simm.s32 $0x0;
	[tilespmem:s10+$0x13000] =	vst v0  }
0x1bc: {  	[hbm4b:s19+s12] =	stream.linear.scatter [tilespmem:s6], [sflag:$0x3], $0x400, $0x38;
	[tilespmem:$0x13400] =	vst v63  }
0x1bd: {  	_ =	swait.ge [sflag:s30], $0x400  }
0x1be: {  	[sflag:s30] =	ssyncset.done $0x0  }
0x1bf: {  	s11 =	rddreg [dreg:$0xc];
	[sflag:s30] =	ssyncadd.s32 $0xFFFFFC00  }
0x1c0: {  	[tilespmem:s12], [sflag:$0x3] =	stream.linear.gather [hbm4b:s11+s12], $0x800, $0x38;
	[tilespmem:$0x13400] =	vst v63  }
0x1c1: {  	_ =	swait.ge [sflag:s30], $0x800  }
0x1c2: {  	[sflag:s30] =	ssyncset.done $0x0  }
0x1c3: {  	[sflag:s30] =	ssyncadd.s32 $0xFFFFF800  }
0x1c4: {  	[tilespmem:s31], [sflag:$0x3] =	stream.linear.gather [hbm4b:s13+s12], $0x800, $0x38;
	[tilespmem:$0x13400] =	vst v63  }
0x1c5: {  	_ =	swait.ge [sflag:s30], $0x800  }
0x1c6: {  	[sflag:s30] =	ssyncset.done $0x0  }
0x1c7: {  	s10 =	simm.s32 $0x0;
	[sflag:s30] =	ssyncadd.s32 $0xFFFFF800  }
0x1c8: {  	v2 =	vld [tilespmem:s10+$0x30]  }
0x1c9: {  	v3 =	vld [tilespmem:s10+$0x1030]  }
0x1ca: {  	v5 =	vld [tilespmem:s10+$0x0]  }
0x1cb: {  	v1 =	vld [tilespmem:s10+$0x10]  }
0x1cc: {  	v0 =	vld [tilespmem:s10+$0x20]  }
0x1cd: {  	v4 =	vld [tilespmem:s10+$0x1000];
	v6 =	vshll.u32 v2, $0x5  }
0x1ce: {  	v2 =	vld [tilespmem:s10+$0x1010];
	v6 =	vadd.s32 v3, v6  }
0x1cf: {  	s11 =	simm.s32 $0x40;
	s12 =	simm.s32 $0x200;
	v5 =	vshll.u32 v5, $0x5;
	v3 =	vld [tilespmem:s10+$0x1020];
	[tilespmem:s10+$0x2030] =	vst v6  }
.LBB2_16:
0x1d0: {  	p0 =	sne.s32 s12, $0x1F00;
	v6 =	vld [tilespmem:s11+$0x30];
	v7 =	vshll.u32 v1, $0x5  }
0x1d1: {  	v8 =	vld [tilespmem:s11+$0x1030];
	v9 =	vshll.u32 v0, $0x5  }
0x1d2: {  	v10 =	vld [tilespmem:s11+$0x0];
	v0 =	vadd.s32 v4, v5  }
.Ltmp7:
0x1d3: {  	v1 =	vld [tilespmem:s11+$0x10];
	[tilespmem:s10+$0x2000] =	vst v0;
	v2 =	vadd.s32 v2, v7;
	(pc) =	sbr.rel @p0 .LBB2_16-.Ltmp7, $4  }
0x1d4: {  	v0 =	vld [tilespmem:s11+$0x20];
	[tilespmem:s10+$0x2010] =	vst v2;
	v2 =	vadd.s32 v3, v9  }
0x1d5: {  	v4 =	vld [tilespmem:s11+$0x1000];
	v3 =	vshll.u32 v6, $0x5;
	[tilespmem:s10+$0x2020] =	vst v2;
	s10 =	smov.u32 s11  }
0x1d6: {  	v2 =	vld [tilespmem:s10+$0x1010];
	v6 =	vadd.s32 v8, v3  }
0x1d7: {  	s11 =	sshra.s32 s12, $0x2;
	s12 =	sadd.s32 $0x100, s12;
	v5 =	vshll.u32 v10, $0x5;
	v3 =	vld [tilespmem:s10+$0x1020];
	[tilespmem:s10+$0x2030] =	vst v6  }
0x1d8: {  	v6 =	vld [tilespmem:s11+$0x30]  }
0x1d9: {  	v7 =	vld [tilespmem:s11+$0x1030]  }
0x1da: {  	v8 =	vld [tilespmem:s11+$0x0];
	v1 =	vshll.u32 v1, $0x5;
	v4 =	vadd.s32 v4, v5  }
0x1db: {  	v0 =	vshll.u32 v0, $0x5;
	v5 =	vld [tilespmem:s11+$0x10];
	[tilespmem:s10+$0x2000] =	vst v4;
	v1 =	vadd.s32 v2, v1  }
0x1dc: {  	v2 =	vld [tilespmem:s11+$0x20];
	[tilespmem:s10+$0x2010] =	vst v1;
	v0 =	vadd.s32 v3, v0  }
0x1dd: {  	v1 =	vld [tilespmem:s11+$0x1000];
	[tilespmem:s10+$0x2020] =	vst v0  }
0x1de: {  	v0 =	vld [tilespmem:s11+$0x1010]  }
0x1df: {  	v3 =	vld [tilespmem:s11+$0x1020]  }
0x1e0: {  	v4 =	vshll.u32 v6, $0x5  }
0x1e1: {  	v6 =	vshll.u32 v8, $0x5;
	v4 =	vadd.s32 v7, v4  }
0x1e2: {  	[tilespmem:s11+$0x2030] =	vst v4;
	v4 =	vshll.u32 v5, $0x5;
	v1 =	vadd.s32 v1, v6  }
0x1e3: {  	v2 =	vshll.u32 v2, $0x5;
	[tilespmem:s11+$0x2000] =	vst v1;
	v0 =	vadd.s32 v0, v4  }
0x1e4: {  	[tilespmem:s11+$0x2010] =	vst v0;
	v0 =	vadd.s32 v3, v2  }
0x1e5: {  	[tilespmem:s11+$0x2020] =	vst v0  }
0x1e6: {  	[tilespmem:s2], [sflag:$0x1] =	stream.indirect.gather [hbm4b:s28+s22], $0x10, s0, s22, $0xb8;
	[tilespmem:$0x13400] =	vst v63  }
0x1e7: {  	s12 =	simm.s32 $0x0  }
0x1e8: {  	[tilespmem:s6], [sflag:$0x3] =	stream.linear.gather [hbm4b:s20+s12], $0x400, $0x38;
	[tilespmem:$0x13400] =	vst v63  }
0x1e9: {  	_ =	swait.ge [sflag:s30], $0x400  }
0x1ea: {  	[sflag:s30] =	ssyncset.done $0x0  }
0x1eb: {  	[sflag:s30] =	ssyncadd.s32 $0xFFFFFC00  }
0x1ec: {  	_ =	swait.ge [sflag:s8], $0x8000  }
0x1ed: {  	[sflag:s8] =	ssyncset.done $0x0  }
0x1ee: {  	s10 =	simm.s32 $0x0;
	[sflag:s8] =	ssyncadd.s32 $0xFFFF8000  }
0x1ef: {  	v0 =	vld [tilespmem:s10+$0x12000]  }
0x1f0: {  	v2 =	vld [tilespmem:s10+$0x12400]  }
0x1f1: {  	v1 =	vld [tilespmem:s10+$0x11000]  }
0x1f2: {  	v3 =	vld [tilespmem:s10+$0x11400]  }
0x1f3: {  	v4 =	vld [tilespmem:s10+$0x10000]  }
0x1f4: {  	v5 =	vld [tilespmem:s10+$0x10400]  }
0x1f5: {  	v6 =	vld [tilespmem:s10+$0xF000]  }
0x1f6: {  	v7 =	vld [tilespmem:s10+$0xF400]  }
0x1f7: {  	v8 =	vld [tilespmem:s10+$0xE000]  }
0x1f8: {  	v9 =	vld [tilespmem:s10+$0xE400]  }
0x1f9: {  	v10 =	vld [tilespmem:s10+$0xD000]  }
0x1fa: {  	v11 =	vld [tilespmem:s10+$0xD400]  }
0x1fb: {  	v12 =	vld [tilespmem:s10+$0xB000]  }
0x1fc: {  	v13 =	vld [tilespmem:s10+$0xC000]  }
0x1fd: {  	v14 =	vld [tilespmem:s10+$0xB400]  }
0x1fe: {  	v16 =	vld [tilespmem:s10+$0xC400]  }
0x1ff: {  	v15 =	vld [tilespmem:s10+$0xB800]  }
0x200: {  	v18 =	vld [tilespmem:s10+$0xC800]  }
0x201: {  	s11 =	simm.s32 $0x40;
	v17 =	vld [tilespmem:s10+$0xBC00]  }
.LBB2_18:
0x202: {  	p0 =	sne.s32 s11, $0xFC0;
	v19 =	vld [tilespmem:s10+$0xCC00]  }
0x203: {  	v20 =	vld [tilespmem:s10+$0xD800]  }
0x204: {  	v21 =	vld [tilespmem:s10+$0xDC00]  }
0x205: {  	v22 =	vld [tilespmem:s10+$0xE800]  }
0x206: {  	v12 =	vadd.f32 v13, v12;
	v13 =	vadd.f32 v16, v14;
	v14 =	vld [tilespmem:s10+$0xEC00]  }
0x207: {  	v15 =	vadd.f32 v18, v15;
	v16 =	vld [tilespmem:s10+$0xF800];
	v17 =	vadd.f32 v19, v17  }
0x208: {  	v10 =	vadd.f32 v10, v12;
	v11 =	vadd.f32 v11, v13;
	v12 =	vld [tilespmem:s10+$0xFC00]  }
0x209: {  	v13 =	vadd.f32 v20, v15;
	v15 =	vld [tilespmem:s10+$0x10800];
	v17 =	vadd.f32 v21, v17  }
0x20a: {  	v8 =	vadd.f32 v8, v10;
	v9 =	vadd.f32 v9, v11;
	v10 =	vld [tilespmem:s10+$0x10C00]  }
0x20b: {  	v11 =	vadd.f32 v22, v13;
	v13 =	vld [tilespmem:s10+$0x11800];
	v14 =	vadd.f32 v14, v17  }
0x20c: {  	v6 =	vadd.f32 v6, v8;
	v7 =	vadd.f32 v7, v9;
	v8 =	vld [tilespmem:s10+$0x11C00]  }
0x20d: {  	v9 =	vadd.f32 v16, v11;
	v11 =	vld [tilespmem:s10+$0x12800];
	v12 =	vadd.f32 v12, v14  }
0x20e: {  	s12 =	sshra.s32 s11, $0x2;
	v4 =	vadd.f32 v4, v6;
	v5 =	vadd.f32 v5, v7;
	v6 =	vld [tilespmem:s10+$0x12C00]  }
0x20f: {  	v9 =	vadd.f32 v15, v9;
	v7 =	vld [tilespmem:s12+$0x12000];
	v10 =	vadd.f32 v10, v12  }
0x210: {  	v4 =	vadd.f32 v1, v4;
	v5 =	vadd.f32 v3, v5;
	v12 =	vld [tilespmem:s12+$0x12400]  }
0x211: {  	v9 =	vadd.f32 v13, v9;
	v1 =	vld [tilespmem:s12+$0x11000];
	v8 =	vadd.f32 v8, v10  }
0x212: {  	v13 =	vadd.f32 v2, v5;
	v10 =	vadd.f32 v0, v4;
	v3 =	vld [tilespmem:s12+$0x11400]  }
0x213: {  	v9 =	vadd.f32 v11, v9;
	v4 =	vld [tilespmem:s12+$0x10000];
	v6 =	vadd.f32 v6, v8  }
0x214: {  	v11 =	vld [tilespmem:s10+$0x13000];
	v0 =	vmov v7  }
0x215: {  	v8 =	vadd.f32 v13, v10;
	v5 =	vld [tilespmem:s12+$0x10400];
	v9 =	vadd.f32 v6, v9;
	v2 =	vmov v12  }
0x216: {  	v6 =	vld [tilespmem:s12+$0xF000]  }
0x217: {  	v7 =	vld [tilespmem:s12+$0xF400];
	v10 =	vadd.f32 v9, v8  }
0x218: {  	v8 =	vld [tilespmem:s12+$0xE000]  }
0x219: {  	v9 =	vld [tilespmem:s12+$0xE400];
	v12 =	vsub.f32 v11, v10  }
0x21a: {  	v10 =	vld [tilespmem:s12+$0xD000]  }
0x21b: {  	v11 =	vld [tilespmem:s12+$0xD400];
	[tilespmem:s10+$0x13000] =	vst v12;
	s10 =	smov.u32 s12  }
0x21c: {  	v12 =	vld [tilespmem:s10+$0xB000]  }
0x21d: {  	v13 =	vld [tilespmem:s10+$0xC000]  }
.Ltmp8:
0x21e: {  	v14 =	vld [tilespmem:s10+$0xB400];
	(pc) =	sbr.rel @p0 .LBB2_18-.Ltmp8, $4  }
0x21f: {  	v16 =	vld [tilespmem:s10+$0xC400]  }
0x220: {  	v15 =	vld [tilespmem:s10+$0xB800]  }
0x221: {  	v18 =	vld [tilespmem:s10+$0xC800]  }
0x222: {  	s11 =	sadd.s32 $0x40, s11;
	v17 =	vld [tilespmem:s10+$0xBC00]  }
0x223: {  	v19 =	vld [tilespmem:s10+$0xCC00]  }
0x224: {  	v20 =	vld [tilespmem:s10+$0xD800]  }
0x225: {  	v21 =	vld [tilespmem:s10+$0xDC00]  }
0x226: {  	v22 =	vld [tilespmem:s10+$0xE800]  }
0x227: {  	v12 =	vadd.f32 v13, v12;
	v52 =	vld [tilespmem:s10+$0xEC00];
	v51 =	vadd.f32 v16, v14  }
0x228: {  	v53 =	vld [tilespmem:s10+$0xF800];
	v15 =	vadd.f32 v18, v15;
	v17 =	vadd.f32 v19, v17  }
0x229: {  	v54 =	vld [tilespmem:s10+$0xFC00];
	v10 =	vadd.f32 v10, v12;
	v11 =	vadd.f32 v11, v51  }
0x22a: {  	v56 =	vld [tilespmem:s10+$0x10800];
	v55 =	vadd.f32 v20, v15;
	v17 =	vadd.f32 v21, v17  }
0x22b: {  	v57 =	vld [tilespmem:s10+$0x10C00];
	v8 =	vadd.f32 v8, v10;
	v9 =	vadd.f32 v9, v11  }
0x22c: {  	v59 =	vld [tilespmem:s10+$0x11800];
	v58 =	vadd.f32 v22, v55;
	v14 =	vadd.f32 v52, v17  }
0x22d: {  	v60 =	vld [tilespmem:s10+$0x11C00];
	v6 =	vadd.f32 v6, v8;
	v7 =	vadd.f32 v7, v9  }
0x22e: {  	v62 =	vld [tilespmem:s10+$0x12800];
	v61 =	vadd.f32 v53, v58;
	v12 =	vadd.f32 v54, v14  }
0x22f: {  	v4 =	vadd.f32 v4, v6;
	v6 =	vld [tilespmem:s10+$0x12C00];
	v5 =	vadd.f32 v5, v7  }
0x230: {  	v7 =	vadd.f32 v56, v61;
	v63 =	vadd.f32 v57, v12  }
0x231: {  	v1 =	vadd.f32 v1, v4;
	v3 =	vadd.f32 v3, v5  }
0x232: {  	v4 =	vadd.f32 v59, v7;
	v5 =	vadd.f32 v60, v63  }
0x233: {  	v0 =	vadd.f32 v0, v1;
	v1 =	vadd.f32 v2, v3  }
0x234: {  	v2 =	vadd.f32 v62, v4;
	v3 =	vadd.f32 v6, v5  }
0x235: {  	v4 =	vld [tilespmem:s10+$0x13000]  }
0x236: {  	v0 =	vadd.f32 v1, v0;
	v1 =	vadd.f32 v3, v2;
	_ =	sdelay $0x1  }
0x237: {  	v0 =	vadd.f32 v1, v0;
	_ =	sdelay $0x1  }
0x238: {  	v0 =	vsub.f32 v4, v0;
	_ =	sdelay $0x1  }
0x239: {  	s12 =	simm.s32 $0x0;
	[tilespmem:s10+$0x13000] =	vst v0  }
0x23a: {  	[hbm4b:s21+s12] =	stream.linear.scatter [tilespmem:s6], [sflag:$0x3], $0x400, $0x38;
	[tilespmem:$0x13400] =	vst v63  }
0x23b: {  	_ =	swait.ge [sflag:s30], $0x400  }
0x23c: {  	[sflag:s30] =	ssyncset.done $0x0  }
0x23d: {  	[sflag:s30] =	ssyncadd.s32 $0xFFFFFC00  }
0x23e: {  	[tilespmem:s22], [sflag:$0x3] =	stream.linear.gather [hbm4b:s14+s12], $0x800, $0x38;
	[tilespmem:$0x13400] =	vst v63  }
0x23f: {  	_ =	swait.ge [sflag:s30], $0x800  }
0x240: {  	[sflag:s30] =	ssyncset.done $0x0  }
0x241: {  	[sflag:s30] =	ssyncadd.s32 $0xFFFFF800  }
0x242: {  	[tilespmem:s3], [sflag:$0x3] =	stream.linear.gather [hbm4b:s15+s12], $0x800, $0x38;
	[tilespmem:$0x13400] =	vst v63  }
0x243: {  	_ =	swait.ge [sflag:s30], $0x800  }
0x244: {  	[sflag:s30] =	ssyncset.done $0x0  }
0x245: {  	s10 =	simm.s32 $0x0;
	[sflag:s30] =	ssyncadd.s32 $0xFFFFF800  }
0x246: {  	v2 =	vld [tilespmem:s10+$0x830]  }
0x247: {  	v3 =	vld [tilespmem:s10+$0x1830]  }
0x248: {  	v5 =	vld [tilespmem:s10+$0x800]  }
0x249: {  	v1 =	vld [tilespmem:s10+$0x810]  }
0x24a: {  	v0 =	vld [tilespmem:s10+$0x820]  }
0x24b: {  	v4 =	vld [tilespmem:s10+$0x1800];
	v6 =	vshll.u32 v2, $0x5  }
0x24c: {  	v2 =	vld [tilespmem:s10+$0x1810];
	v6 =	vadd.s32 v3, v6  }
0x24d: {  	s11 =	simm.s32 $0x40;
	s12 =	simm.s32 $0x200;
	v5 =	vshll.u32 v5, $0x5;
	v3 =	vld [tilespmem:s10+$0x1820];
	[tilespmem:s10+$0x2830] =	vst v6  }
.LBB2_20:
0x24e: {  	p0 =	sne.s32 s12, $0x1F00;
	v6 =	vld [tilespmem:s11+$0x830];
	v7 =	vshll.u32 v1, $0x5  }
0x24f: {  	v8 =	vld [tilespmem:s11+$0x1830];
	v9 =	vshll.u32 v0, $0x5  }
0x250: {  	v10 =	vld [tilespmem:s11+$0x800];
	v0 =	vadd.s32 v4, v5  }
.Ltmp9:
0x251: {  	v1 =	vld [tilespmem:s11+$0x810];
	[tilespmem:s10+$0x2800] =	vst v0;
	v2 =	vadd.s32 v2, v7;
	(pc) =	sbr.rel @p0 .LBB2_20-.Ltmp9, $4  }
0x252: {  	v0 =	vld [tilespmem:s11+$0x820];
	[tilespmem:s10+$0x2810] =	vst v2;
	v2 =	vadd.s32 v3, v9  }
0x253: {  	v4 =	vld [tilespmem:s11+$0x1800];
	v3 =	vshll.u32 v6, $0x5;
	[tilespmem:s10+$0x2820] =	vst v2;
	s10 =	smov.u32 s11  }
0x254: {  	v2 =	vld [tilespmem:s10+$0x1810];
	v6 =	vadd.s32 v8, v3  }
0x255: {  	s11 =	sshra.s32 s12, $0x2;
	s12 =	sadd.s32 $0x100, s12;
	v5 =	vshll.u32 v10, $0x5;
	v3 =	vld [tilespmem:s10+$0x1820];
	[tilespmem:s10+$0x2830] =	vst v6  }
0x256: {  	v6 =	vld [tilespmem:s11+$0x830]  }
0x257: {  	v7 =	vld [tilespmem:s11+$0x1830]  }
0x258: {  	v8 =	vld [tilespmem:s11+$0x800];
	v1 =	vshll.u32 v1, $0x5;
	v4 =	vadd.s32 v4, v5  }
0x259: {  	v0 =	vshll.u32 v0, $0x5;
	v5 =	vld [tilespmem:s11+$0x810];
	[tilespmem:s10+$0x2800] =	vst v4;
	v1 =	vadd.s32 v2, v1  }
0x25a: {  	v2 =	vld [tilespmem:s11+$0x820];
	[tilespmem:s10+$0x2810] =	vst v1;
	v0 =	vadd.s32 v3, v0  }
0x25b: {  	v1 =	vld [tilespmem:s11+$0x1800];
	[tilespmem:s10+$0x2820] =	vst v0  }
0x25c: {  	v0 =	vld [tilespmem:s11+$0x1810]  }
0x25d: {  	v3 =	vld [tilespmem:s11+$0x1820]  }
0x25e: {  	v4 =	vshll.u32 v6, $0x5  }
0x25f: {  	v6 =	vshll.u32 v8, $0x5;
	v4 =	vadd.s32 v7, v4  }
0x260: {  	[tilespmem:s11+$0x2830] =	vst v4;
	v4 =	vshll.u32 v5, $0x5;
	v1 =	vadd.s32 v1, v6  }
0x261: {  	v2 =	vshll.u32 v2, $0x5;
	[tilespmem:s11+$0x2800] =	vst v1;
	v0 =	vadd.s32 v0, v4  }
0x262: {  	[tilespmem:s11+$0x2810] =	vst v0;
	v0 =	vadd.s32 v3, v2  }
0x263: {  	[tilespmem:s11+$0x2820] =	vst v0  }
0x264: {  	[tilespmem:s5], [sflag:$0x2] =	stream.indirect.gather [hbm4b:s28+s22], $0x10, s4, s22, $0xb8;
	[tilespmem:$0x13400] =	vst v63  }
0x265: {  	s12 =	simm.s32 $0x0  }
0x266: {  	[tilespmem:s6], [sflag:$0x3] =	stream.linear.gather [hbm4b:s23+s12], $0x400, $0x38;
	[tilespmem:$0x13400] =	vst v63  }
0x267: {  	_ =	swait.ge [sflag:s30], $0x400  }
0x268: {  	[sflag:s30] =	ssyncset.done $0x0  }
0x269: {  	[sflag:s30] =	ssyncadd.s32 $0xFFFFFC00  }
0x26a: {  	_ =	swait.ge [sflag:s7], $0x8000  }
0x26b: {  	[sflag:s7] =	ssyncset.done $0x0  }
0x26c: {  	s10 =	simm.s32 $0x0;
	[sflag:s7] =	ssyncadd.s32 $0xFFFF8000  }
0x26d: {  	v0 =	vld [tilespmem:s10+$0xA000]  }
0x26e: {  	v2 =	vld [tilespmem:s10+$0xA400]  }
0x26f: {  	v1 =	vld [tilespmem:s10+$0x9000]  }
0x270: {  	v3 =	vld [tilespmem:s10+$0x9400]  }
0x271: {  	v4 =	vld [tilespmem:s10+$0x8000]  }
0x272: {  	v5 =	vld [tilespmem:s10+$0x8400]  }
0x273: {  	v6 =	vld [tilespmem:s10+$0x7000]  }
0x274: {  	v7 =	vld [tilespmem:s10+$0x7400]  }
0x275: {  	v8 =	vld [tilespmem:s10+$0x6000]  }
0x276: {  	v9 =	vld [tilespmem:s10+$0x6400]  }
0x277: {  	v10 =	vld [tilespmem:s10+$0x5000]  }
0x278: {  	v11 =	vld [tilespmem:s10+$0x5400]  }
0x279: {  	v12 =	vld [tilespmem:s10+$0x3000]  }
0x27a: {  	v13 =	vld [tilespmem:s10+$0x4000]  }
0x27b: {  	v14 =	vld [tilespmem:s10+$0x3400]  }
0x27c: {  	v16 =	vld [tilespmem:s10+$0x4400]  }
0x27d: {  	v15 =	vld [tilespmem:s10+$0x3800]  }
0x27e: {  	v18 =	vld [tilespmem:s10+$0x4800]  }
0x27f: {  	s11 =	simm.s32 $0x40;
	v17 =	vld [tilespmem:s10+$0x3C00]  }
.LBB2_22:
0x280: {  	p0 =	sne.s32 s11, $0xFC0;
	v19 =	vld [tilespmem:s10+$0x4C00]  }
0x281: {  	v20 =	vld [tilespmem:s10+$0x5800]  }
0x282: {  	v21 =	vld [tilespmem:s10+$0x5C00]  }
0x283: {  	v22 =	vld [tilespmem:s10+$0x6800]  }
0x284: {  	v12 =	vadd.f32 v13, v12;
	v13 =	vadd.f32 v16, v14;
	v14 =	vld [tilespmem:s10+$0x6C00]  }
0x285: {  	v15 =	vadd.f32 v18, v15;
	v16 =	vld [tilespmem:s10+$0x7800];
	v17 =	vadd.f32 v19, v17  }
0x286: {  	v10 =	vadd.f32 v10, v12;
	v11 =	vadd.f32 v11, v13;
	v12 =	vld [tilespmem:s10+$0x7C00]  }
0x287: {  	v13 =	vadd.f32 v20, v15;
	v15 =	vld [tilespmem:s10+$0x8800];
	v17 =	vadd.f32 v21, v17  }
0x288: {  	v8 =	vadd.f32 v8, v10;
	v9 =	vadd.f32 v9, v11;
	v10 =	vld [tilespmem:s10+$0x8C00]  }
0x289: {  	v11 =	vadd.f32 v22, v13;
	v13 =	vld [tilespmem:s10+$0x9800];
	v14 =	vadd.f32 v14, v17  }
0x28a: {  	v6 =	vadd.f32 v6, v8;
	v7 =	vadd.f32 v7, v9;
	v8 =	vld [tilespmem:s10+$0x9C00]  }
0x28b: {  	v9 =	vadd.f32 v16, v11;
	v11 =	vld [tilespmem:s10+$0xA800];
	v12 =	vadd.f32 v12, v14  }
0x28c: {  	s12 =	sshra.s32 s11, $0x2;
	v4 =	vadd.f32 v4, v6;
	v5 =	vadd.f32 v5, v7;
	v6 =	vld [tilespmem:s10+$0xAC00]  }
0x28d: {  	v9 =	vadd.f32 v15, v9;
	v7 =	vld [tilespmem:s12+$0xA000];
	v10 =	vadd.f32 v10, v12  }
0x28e: {  	v4 =	vadd.f32 v1, v4;
	v5 =	vadd.f32 v3, v5;
	v12 =	vld [tilespmem:s12+$0xA400]  }
0x28f: {  	v9 =	vadd.f32 v13, v9;
	v1 =	vld [tilespmem:s12+$0x9000];
	v8 =	vadd.f32 v8, v10  }
0x290: {  	v13 =	vadd.f32 v2, v5;
	v10 =	vadd.f32 v0, v4;
	v3 =	vld [tilespmem:s12+$0x9400]  }
0x291: {  	v9 =	vadd.f32 v11, v9;
	v4 =	vld [tilespmem:s12+$0x8000];
	v6 =	vadd.f32 v6, v8  }
0x292: {  	v11 =	vld [tilespmem:s10+$0x13000];
	v0 =	vmov v7  }
0x293: {  	v8 =	vadd.f32 v13, v10;
	v5 =	vld [tilespmem:s12+$0x8400];
	v9 =	vadd.f32 v6, v9;
	v2 =	vmov v12  }
0x294: {  	v6 =	vld [tilespmem:s12+$0x7000]  }
0x295: {  	v7 =	vld [tilespmem:s12+$0x7400];
	v10 =	vadd.f32 v9, v8  }
0x296: {  	v8 =	vld [tilespmem:s12+$0x6000]  }
0x297: {  	v9 =	vld [tilespmem:s12+$0x6400];
	v12 =	vsub.f32 v11, v10  }
0x298: {  	v10 =	vld [tilespmem:s12+$0x5000]  }
0x299: {  	v11 =	vld [tilespmem:s12+$0x5400];
	[tilespmem:s10+$0x13000] =	vst v12;
	s10 =	smov.u32 s12  }
0x29a: {  	v12 =	vld [tilespmem:s10+$0x3000]  }
0x29b: {  	v13 =	vld [tilespmem:s10+$0x4000]  }
.Ltmp10:
0x29c: {  	v14 =	vld [tilespmem:s10+$0x3400];
	(pc) =	sbr.rel @p0 .LBB2_22-.Ltmp10, $4  }
0x29d: {  	v16 =	vld [tilespmem:s10+$0x4400]  }
0x29e: {  	v15 =	vld [tilespmem:s10+$0x3800]  }
0x29f: {  	v18 =	vld [tilespmem:s10+$0x4800]  }
0x2a0: {  	s11 =	sadd.s32 $0x40, s11;
	v17 =	vld [tilespmem:s10+$0x3C00]  }
0x2a1: {  	v19 =	vld [tilespmem:s10+$0x4C00]  }
0x2a2: {  	v20 =	vld [tilespmem:s10+$0x5800]  }
0x2a3: {  	v21 =	vld [tilespmem:s10+$0x5C00];
	v12 =	vadd.f32 v13, v12  }
0x2a4: {  	v22 =	vld [tilespmem:s10+$0x6800]  }
0x2a5: {  	v13 =	vadd.f32 v16, v14;
	v14 =	vld [tilespmem:s10+$0x6C00];
	v10 =	vadd.f32 v10, v12  }
0x2a6: {  	v16 =	vld [tilespmem:s10+$0x7800];
	v15 =	vadd.f32 v18, v15;
	v17 =	vadd.f32 v19, v17  }
0x2a7: {  	v12 =	vld [tilespmem:s10+$0x7C00];
	v11 =	vadd.f32 v11, v13;
	v8 =	vadd.f32 v8, v10  }
0x2a8: {  	v10 =	vld [tilespmem:s10+$0x8C00];
	v13 =	vadd.f32 v20, v15;
	v17 =	vadd.f32 v21, v17  }
0x2a9: {  	v15 =	vld [tilespmem:s10+$0x8800];
	v9 =	vadd.f32 v9, v11;
	v6 =	vadd.f32 v6, v8  }
0x2aa: {  	v8 =	vld [tilespmem:s10+$0x9C00];
	v11 =	vadd.f32 v22, v13;
	v14 =	vadd.f32 v14, v17  }
0x2ab: {  	v13 =	vld [tilespmem:s10+$0x9800];
	v7 =	vadd.f32 v7, v9;
	v4 =	vadd.f32 v4, v6  }
0x2ac: {  	v6 =	vld [tilespmem:s10+$0xAC00];
	v9 =	vadd.f32 v16, v11;
	v12 =	vadd.f32 v12, v14  }
0x2ad: {  	v11 =	vld [tilespmem:s10+$0xA800];
	v5 =	vadd.f32 v5, v7  }
0x2ae: {  	v7 =	vadd.f32 v15, v9;
	v9 =	vadd.f32 v10, v12  }
0x2af: {  	v1 =	vadd.f32 v1, v4;
	v3 =	vadd.f32 v3, v5  }
0x2b0: {  	v4 =	vadd.f32 v13, v7;
	v5 =	vadd.f32 v8, v9  }
0x2b1: {  	v0 =	vadd.f32 v0, v1;
	v1 =	vadd.f32 v2, v3  }
0x2b2: {  	v2 =	vadd.f32 v11, v4;
	v3 =	vadd.f32 v6, v5  }
0x2b3: {  	v4 =	vld [tilespmem:s10+$0x13000]  }
0x2b4: {  	v0 =	vadd.f32 v1, v0;
	v1 =	vadd.f32 v3, v2;
	_ =	sdelay $0x1  }
0x2b5: {  	v0 =	vadd.f32 v1, v0;
	_ =	sdelay $0x1  }
0x2b6: {  	v0 =	vsub.f32 v4, v0;
	_ =	sdelay $0x1  }
0x2b7: {  	s12 =	simm.s32 $0x0;
	[tilespmem:s10+$0x13000] =	vst v0  }
0x2b8: {  	[hbm4b:s24+s12] =	stream.linear.scatter [tilespmem:s6], [sflag:$0x3], $0x400, $0x38;
	[tilespmem:$0x13400] =	vst v63  }
0x2b9: {  	_ =	swait.ge [sflag:s30], $0x400  }
0x2ba: {  	[sflag:s30] =	ssyncset.done $0x0  }
0x2bb: {  	[sflag:s30] =	ssyncadd.s32 $0xFFFFFC00  }
0x2bc: {  	[tilespmem:s6], [sflag:$0x3] =	stream.linear.gather [hbm4b:s25+s12], $0x400, $0x38;
	[tilespmem:$0x13400] =	vst v63  }
0x2bd: {  	_ =	swait.ge [sflag:s30], $0x400  }
0x2be: {  	[sflag:s30] =	ssyncset.done $0x0  }
0x2bf: {  	[sflag:s30] =	ssyncadd.s32 $0xFFFFFC00  }
0x2c0: {  	_ =	swait.ge [sflag:s8], $0x8000  }
0x2c1: {  	[sflag:s8] =	ssyncset.done $0x0  }
0x2c2: {  	s10 =	simm.s32 $0x0;
	[sflag:s8] =	ssyncadd.s32 $0xFFFF8000  }
0x2c3: {  	v0 =	vld [tilespmem:s10+$0x12000]  }
0x2c4: {  	v2 =	vld [tilespmem:s10+$0x12400]  }
0x2c5: {  	v1 =	vld [tilespmem:s10+$0x11000]  }
0x2c6: {  	v3 =	vld [tilespmem:s10+$0x11400]  }
0x2c7: {  	v4 =	vld [tilespmem:s10+$0x10000]  }
0x2c8: {  	v5 =	vld [tilespmem:s10+$0x10400]  }
0x2c9: {  	v6 =	vld [tilespmem:s10+$0xF000]  }
0x2ca: {  	v7 =	vld [tilespmem:s10+$0xF400]  }
0x2cb: {  	v8 =	vld [tilespmem:s10+$0xE000]  }
0x2cc: {  	v9 =	vld [tilespmem:s10+$0xE400]  }
0x2cd: {  	v10 =	vld [tilespmem:s10+$0xD000]  }
0x2ce: {  	v11 =	vld [tilespmem:s10+$0xD400]  }
0x2cf: {  	v12 =	vld [tilespmem:s10+$0xB000]  }
0x2d0: {  	v13 =	vld [tilespmem:s10+$0xC000]  }
0x2d1: {  	v14 =	vld [tilespmem:s10+$0xB400]  }
0x2d2: {  	v16 =	vld [tilespmem:s10+$0xC400]  }
0x2d3: {  	v15 =	vld [tilespmem:s10+$0xB800]  }
0x2d4: {  	v18 =	vld [tilespmem:s10+$0xC800]  }
0x2d5: {  	s11 =	simm.s32 $0x40;
	v17 =	vld [tilespmem:s10+$0xBC00]  }
.LBB2_24:
0x2d6: {  	p0 =	sne.s32 s11, $0xFC0;
	v19 =	vld [tilespmem:s10+$0xCC00]  }
0x2d7: {  	v20 =	vld [tilespmem:s10+$0xD800]  }
0x2d8: {  	v21 =	vld [tilespmem:s10+$0xDC00]  }
0x2d9: {  	v22 =	vld [tilespmem:s10+$0xE800]  }
0x2da: {  	v12 =	vadd.f32 v13, v12;
	v13 =	vadd.f32 v16, v14;
	v14 =	vld [tilespmem:s10+$0xEC00]  }
0x2db: {  	v15 =	vadd.f32 v18, v15;
	v16 =	vld [tilespmem:s10+$0xF800];
	v17 =	vadd.f32 v19, v17  }
0x2dc: {  	v10 =	vadd.f32 v10, v12;
	v11 =	vadd.f32 v11, v13;
	v12 =	vld [tilespmem:s10+$0xFC00]  }
0x2dd: {  	v13 =	vadd.f32 v20, v15;
	v15 =	vld [tilespmem:s10+$0x10800];
	v17 =	vadd.f32 v21, v17  }
0x2de: {  	v8 =	vadd.f32 v8, v10;
	v9 =	vadd.f32 v9, v11;
	v10 =	vld [tilespmem:s10+$0x10C00]  }
0x2df: {  	v11 =	vadd.f32 v22, v13;
	v13 =	vld [tilespmem:s10+$0x11800];
	v14 =	vadd.f32 v14, v17  }
0x2e0: {  	v6 =	vadd.f32 v6, v8;
	v7 =	vadd.f32 v7, v9;
	v8 =	vld [tilespmem:s10+$0x11C00]  }
0x2e1: {  	v9 =	vadd.f32 v16, v11;
	v11 =	vld [tilespmem:s10+$0x12800];
	v12 =	vadd.f32 v12, v14  }
0x2e2: {  	s12 =	sshra.s32 s11, $0x2;
	v4 =	vadd.f32 v4, v6;
	v5 =	vadd.f32 v5, v7;
	v6 =	vld [tilespmem:s10+$0x12C00]  }
0x2e3: {  	v9 =	vadd.f32 v15, v9;
	v7 =	vld [tilespmem:s12+$0x12000];
	v10 =	vadd.f32 v10, v12  }
0x2e4: {  	v4 =	vadd.f32 v1, v4;
	v5 =	vadd.f32 v3, v5;
	v12 =	vld [tilespmem:s12+$0x12400]  }
0x2e5: {  	v9 =	vadd.f32 v13, v9;
	v1 =	vld [tilespmem:s12+$0x11000];
	v8 =	vadd.f32 v8, v10  }
0x2e6: {  	v13 =	vadd.f32 v2, v5;
	v10 =	vadd.f32 v0, v4;
	v3 =	vld [tilespmem:s12+$0x11400]  }
0x2e7: {  	v9 =	vadd.f32 v11, v9;
	v4 =	vld [tilespmem:s12+$0x10000];
	v6 =	vadd.f32 v6, v8  }
0x2e8: {  	v11 =	vld [tilespmem:s10+$0x13000];
	v0 =	vmov v7  }
0x2e9: {  	v8 =	vadd.f32 v13, v10;
	v5 =	vld [tilespmem:s12+$0x10400];
	v9 =	vadd.f32 v6, v9;
	v2 =	vmov v12  }
0x2ea: {  	v6 =	vld [tilespmem:s12+$0xF000]  }
0x2eb: {  	v7 =	vld [tilespmem:s12+$0xF400];
	v10 =	vadd.f32 v9, v8  }
0x2ec: {  	v8 =	vld [tilespmem:s12+$0xE000]  }
0x2ed: {  	v9 =	vld [tilespmem:s12+$0xE400];
	v12 =	vsub.f32 v11, v10  }
0x2ee: {  	v10 =	vld [tilespmem:s12+$0xD000]  }
0x2ef: {  	v11 =	vld [tilespmem:s12+$0xD400];
	[tilespmem:s10+$0x13000] =	vst v12;
	s10 =	smov.u32 s12  }
0x2f0: {  	v12 =	vld [tilespmem:s10+$0xB000]  }
0x2f1: {  	v13 =	vld [tilespmem:s10+$0xC000]  }
.Ltmp11:
0x2f2: {  	v14 =	vld [tilespmem:s10+$0xB400];
	(pc) =	sbr.rel @p0 .LBB2_24-.Ltmp11, $4  }
0x2f3: {  	v16 =	vld [tilespmem:s10+$0xC400]  }
0x2f4: {  	v15 =	vld [tilespmem:s10+$0xB800]  }
0x2f5: {  	v18 =	vld [tilespmem:s10+$0xC800]  }
0x2f6: {  	s11 =	sadd.s32 $0x40, s11;
	v17 =	vld [tilespmem:s10+$0xBC00]  }
0x2f7: {  	v19 =	vld [tilespmem:s10+$0xCC00]  }
0x2f8: {  	v20 =	vld [tilespmem:s10+$0xD800]  }
0x2f9: {  	v21 =	vld [tilespmem:s10+$0xDC00]  }
0x2fa: {  	v22 =	vld [tilespmem:s10+$0xE800]  }
0x2fb: {  	v12 =	vadd.f32 v13, v12;
	v43 =	vld [tilespmem:s10+$0xEC00];
	v42 =	vadd.f32 v16, v14  }
0x2fc: {  	v44 =	vld [tilespmem:s10+$0xF800];
	v15 =	vadd.f32 v18, v15;
	v17 =	vadd.f32 v19, v17  }
0x2fd: {  	v45 =	vld [tilespmem:s10+$0xFC00];
	v10 =	vadd.f32 v10, v12;
	v11 =	vadd.f32 v11, v42  }
0x2fe: {  	v47 =	vld [tilespmem:s10+$0x10800];
	v46 =	vadd.f32 v20, v15;
	v17 =	vadd.f32 v21, v17  }
0x2ff: {  	v48 =	vld [tilespmem:s10+$0x10C00];
	v8 =	vadd.f32 v8, v10;
	v9 =	vadd.f32 v9, v11  }
0x300: {  	v50 =	vld [tilespmem:s10+$0x11800];
	v49 =	vadd.f32 v22, v46;
	v14 =	vadd.f32 v43, v17  }
0x301: {  	v51 =	vld [tilespmem:s10+$0x11C00];
	v6 =	vadd.f32 v6, v8;
	v7 =	vadd.f32 v7, v9  }
0x302: {  	v53 =	vld [tilespmem:s10+$0x12800];
	v52 =	vadd.f32 v44, v49;
	v12 =	vadd.f32 v45, v14  }
0x303: {  	v54 =	vld [tilespmem:s10+$0x12C00];
	v4 =	vadd.f32 v4, v6;
	v5 =	vadd.f32 v5, v7  }
0x304: {  	v55 =	vadd.f32 v47, v52;
	v56 =	vadd.f32 v48, v12  }
0x305: {  	v1 =	vadd.f32 v1, v4;
	v3 =	vadd.f32 v3, v5  }
0x306: {  	v57 =	vadd.f32 v50, v55;
	v58 =	vadd.f32 v51, v56  }
0x307: {  	v0 =	vadd.f32 v0, v1;
	v59 =	vadd.f32 v2, v3  }
0x308: {  	v60 =	vadd.f32 v53, v57;
	v61 =	vadd.f32 v54, v58  }
0x309: {  	v62 =	vld [tilespmem:s10+$0x13000]  }
0x30a: {  	v0 =	vadd.f32 v59, v0;
	v63 =	vadd.f32 v61, v60;
	_ =	sdelay $0x1  }
0x30b: {  	v0 =	vadd.f32 v63, v0;
	_ =	sdelay $0x1  }
0x30c: {  	s9 =	sadd.s32 $0x1, s9;
	v0 =	vsub.f32 v62, v0  }
0x30d: {  	p0 =	sne.s32 s9, s29  }
.Ltmp12:
0x30e: {  	[tilespmem:s10+$0x13000] =	vst v0;
	(pc) =	sbr.rel @p0 .LBB2_1-.Ltmp12, $4  }
0x30f: {  	[hbm4b:s26+s1] =	stream.linear.scatter [tilespmem:s6], [sflag:$0x3], $0x400, $0x38;
	[tilespmem:$0x13400] =	vst v63  }
0x310: {  	_ =	swait.ge [sflag:s30], $0x400  }
0x311: {  	[sflag:s30] =	ssyncset.done $0x0  }
0x312: {  	[sflag:s30] =	ssyncadd.s32 $0xFFFFFC00  }
0x313: {  	_ =	sfence.sel $0x180000  }
0x314: {  	[bflag:$0x0] =	sbarrier.arrive $0xFFFF  }
0x315: {  	_ =	strace $0x90000047  }
0x316: {  	s0 =	stileid.u32;
	[bflag:$0x2] =	sbarrier.arrive $0xFFFF  }
0x317: {  	p0 =	sne.s32 s0, $0x0;
	s0 =	rddreg [dreg:$0x1]  }
0x318: {  	s0 =	sadd.s32 @!p0 $0x100000, s0  }
0x319: {  	[sflag:s0] =	ssyncadd.tile.s32 @!p0 $0x1;
	_ =	shalt  }
.Lfunc_end2:
_tile_overlayer_lowered:
.L_overlay_start_2:
0x31a: {  	(tag) =	ssettag $0x2  }
0x31b: {  	s0 =	rddreg [dreg:$0x0];
	s2 =	stileid.u32  }
0x31c: {  	s1 =	rddreg [dreg:$0x1];
	p0 =	sne.s32 s2, $0x0  }
0x31d: {  	s3 =	rddreg [dreg:$0x2];
	[bflag:$0x3] =	sbarrier.arrive $0xFFFF;
	s2 =	simm.s32 @!p0 $0x1C03  }
0x31e: {  	[timem:s3], [sflag:s2] =	dma.local @!p0 [hbm:s0], s1  }
0x31f: {  	s0 =	simm.s32 @!p0 $0x3  }
0x320: {  	_ =	swait.ge @!p0 [sflag:s0], s1  }
0x321: {  	s1 =	ssub.s32 @!p0 $0x0, s1;
	[sflag:s0] =	ssyncset.done @!p0 $0x0  }
0x322: {  	[sflag:s0] =	ssyncadd.s32 @!p0 s1  }
0x323: {  	[bflag:$0x3] =	sbarrier.arrive $0xFFFF  }
0x324: {  	_ =	shalt  }

</sc_bundles>
